<compile_context>
chip_gen: v7x
topology: tpu7x:2x2x1
jax: 0.10.2.dev20260603
libtpu: 0.0.44.dev20260713+nightly
codegen_flags: <defaults>
</compile_context>

<pallas_src>
import functools

import jax
import jax.numpy as jnp
from jax import lax
from jax.experimental import pallas as pl
from jax.experimental.pallas import tpu as pltpu
from jax.experimental.pallas import tpu_sc as plsc

EMB = 64
NUM_CORES = 2
NUM_SUBCORES = 16
NW = NUM_CORES * NUM_SUBCORES
LANES = 16
BLK = 128
CHUNK = 512
NBLK = CHUNK // BLK


def _make_gather(B, L):
    total = B * L
    per_w = total // NW
    n_chunk = per_w // CHUNK
    mesh = plsc.VectorSubcoreMesh(
        core_axis_name="c", subcore_axis_name="s",
        num_cores=NUM_CORES, num_subcores=NUM_SUBCORES)

    @functools.partial(
        pl.kernel,
        out_type=jax.ShapeDtypeStruct((L, EMB // 8, B // BLK, 8, BLK),
                                      jnp.float32),
        mesh=mesh,
        scratch_types=[
            [pltpu.VMEM((CHUNK,), jnp.int32) for _ in range(2)],
            [pltpu.VMEM((CHUNK, EMB), jnp.float32) for _ in range(2)],
            [pltpu.VMEM((EMB // 8, 8, BLK + 1), jnp.float32)
             for _ in range(2)],
            pltpu.SemaphoreType.DMA,
            pltpu.SemaphoreType.DMA,
            pltpu.SemaphoreType.DMA,
        ],
        compiler_params=pltpu.CompilerParams(
            use_tc_tiling_on_sc=False, needs_layout_passes=False),
    )
    def gather(ids_hbm, table_hbm, out_hbm, idx_v, rows_v, blk_v,
               idx_sem, gat_sem, out_sem):
        wid = lax.axis_index("s") * NUM_CORES + lax.axis_index("c")
        base = wid * per_w
        iota = lax.iota(jnp.int32, LANES)

        for s in range(2):
            pltpu.async_copy(
                ids_hbm.at[pl.ds(base + s * CHUNK, CHUNK)], idx_v[s], idx_sem)
        pltpu.make_async_copy(
            ids_hbm.at[pl.ds(base, CHUNK)], idx_v[0], idx_sem).wait()
        pltpu.async_copy(table_hbm.at[idx_v[0]], rows_v[0], gat_sem)

        d0s = [(jnp.arange(LANES, dtype=jnp.int32) + q * LANES) // 8
               for q in range(EMB // LANES)]
        d1s = [(jnp.arange(LANES, dtype=jnp.int32) + q * LANES) % 8
               for q in range(EMB // LANES)]

        def transpose_block(s, tb, k):
            def tbody(rr, c2):
                r0 = rr * 8
                vs = []
                for ri in range(8):
                    row = k * BLK + r0 + ri
                    for q in range(EMB // LANES):
                        vs.append(rows_v[s][row, pl.ds(q * LANES, LANES)])
                for ri in range(8):
                    d2 = jnp.full((LANES,), ri, jnp.int32) + r0
                    for q in range(EMB // LANES):
                        plsc.store_scatter(
                            blk_v[tb], [d0s[q], d1s[q], d2],
                            vs[ri * (EMB // LANES) + q])
                return c2

            lax.fori_loop(0, BLK // 8, tbody, 0)

        def body(g, carry):
            for s in range(2):
                i = 2 * g + s
                off = base + i * CHUNK
                pltpu.make_async_copy(
                    table_hbm.at[idx_v[s]], rows_v[s], gat_sem).wait()
                @pl.when(i + 2 < n_chunk)
                def _():
                    pltpu.async_copy(
                        ids_hbm.at[pl.ds(off + 2 * CHUNK, CHUNK)],
                        idx_v[s], idx_sem)
                @pl.when(i + 1 < n_chunk)
                def _():
                    pltpu.make_async_copy(
                        ids_hbm.at[pl.ds(base, CHUNK)], idx_v[1 - s],
                        idx_sem).wait()
                    pltpu.async_copy(
                        table_hbm.at[idx_v[1 - s]], rows_v[1 - s], gat_sem)

                l = lax.div(off, B)
                c0 = lax.div(lax.rem(off, B), BLK)
                for k in range(NBLK):
                    tb = k % 2
                    if k >= 2:
                        pltpu.make_async_copy(
                            blk_v[tb].at[:, :, pl.ds(0, BLK)],
                            out_hbm.at[0, :, 0, :, :], out_sem).wait()
                    else:
                        @pl.when(i > 0)
                        def _():
                            pltpu.make_async_copy(
                                blk_v[tb].at[:, :, pl.ds(0, BLK)],
                                out_hbm.at[0, :, 0, :, :], out_sem).wait()
                    transpose_block(s, tb, k)
                    pltpu.async_copy(
                        blk_v[tb].at[:, :, pl.ds(0, BLK)],
                        out_hbm.at[l, :, c0 + k, :, :], out_sem)
            return carry

        lax.fori_loop(0, n_chunk // 2, body, 0)

        for s in range(2):
            pltpu.make_async_copy(
                blk_v[s].at[:, :, pl.ds(0, BLK)],
                out_hbm.at[0, :, 0, :, :], out_sem).wait()

    return gather


def kernel(token_ids, table):
    b, l = token_ids.shape
    ids_t = token_ids.T.reshape(-1)
    out5 = _make_gather(b, l)(ids_t, table)
    return out5.transpose(2, 4, 0, 1, 3).reshape(b, l, EMB)

# --- scband reference (transcript-rebuilt; emitter-appended) ---
"""Pipeline reference for scband-basic-embedder-19378892439604 (READ-ONLY COPY).

The authoritative reference and input builder live on the scoring server;
editing this copy changes nothing except your own understanding.
"""

import jax, jax.numpy as jnp
import numpy as np

NUM_EMBEDDINGS = 100000
EMBEDDING_DIM = 64
PADDING_IDX = 0
BATCH = 4096
SEQ_LEN = 200


def setup_inputs(seed: int = 0) -> dict:
    key = jax.random.key(seed)
    k1, k2 = jax.random.split(key)
    token_ids = jax.random.randint(k1, (BATCH, SEQ_LEN), 0, NUM_EMBEDDINGS, dtype=jnp.int64 if jax.config.jax_enable_x64 else jnp.int32)
    # nn.Embedding default init: N(0,1); padding_idx row zeroed
    table = jax.random.normal(k2, (NUM_EMBEDDINGS, EMBEDDING_DIM), dtype=jnp.float32)
    table = table.at[PADDING_IDX].set(0.0)
    return {"token_ids": token_ids, "table": table}


def reference(token_ids, table):
    # BasicEmbedder.forward: inputs are already dense/padded here, so it is
    # a plain embedding lookup: (B, L) -> (B, L, E)
    embs = jnp.take(table, token_ids, axis=0)
    return embs

if __name__ == "__main__":
    import jax
    _d = setup_inputs()
    print(jax.jit(kernel)(*tuple(_d.values())))

</pallas_src>

<mosaic_0001>
#map = affine_map<(d0, d1) -> (0)>
#map1 = affine_map<(d0, d1) -> (0, 0)>
#map2 = affine_map<(d0, d1) -> (0, 0, 0, 0, 0)>
module attributes {stable_mosaic.version = 14 : i64} {
  func.func @gather(%arg0: i32, %arg1: i32, %arg2: memref<819200xi32, #tpu.memory_space<hbm>>, %arg3: memref<100000x64xf32, #tpu.memory_space<hbm>>, %arg4: memref<200x8x32x8x128xf32, #tpu.memory_space<hbm>>, %arg5: memref<512xi32, #tpu.memory_space<vmem>>, %arg6: memref<512xi32, #tpu.memory_space<vmem>>, %arg7: memref<512x64xf32, #tpu.memory_space<vmem>>, %arg8: memref<512x64xf32, #tpu.memory_space<vmem>>, %arg9: memref<8x8x129xf32, #tpu.memory_space<vmem>>, %arg10: memref<8x8x129xf32, #tpu.memory_space<vmem>>, %arg11: memref<!tpu.dma_semaphore, #tpu.memory_space<semaphore_mem>>, %arg12: memref<!tpu.dma_semaphore, #tpu.memory_space<semaphore_mem>>, %arg13: memref<!tpu.dma_semaphore, #tpu.memory_space<semaphore_mem>>) attributes {dimension_semantics = [#tpu.dimension_semantics<core_parallel>, #tpu.dimension_semantics<subcore_parallel>], iteration_bounds = array<i64: 2, 16>, scalar_prefetch = 0 : i64, scratch_operands = 9 : i64, tpu.core_type = #tpu.core_type<sc_vector_subcore>, window_params = [{transform_indices = #map}, {transform_indices = #map1}, {transform_indices = #map2}]} {
    %mul3A = arith.constant 2 : i32
    %mul3A_0 = arith.muli %arg1, %mul3A : i32
    %add3A = arith.addi %mul3A_0, %arg0 : i32
    %mul3A_1 = arith.constant 25600 : i32
    %mul3A_2 = arith.muli %add3A, %mul3A_1 : i32
    %iota3A = tpu.iota {dimensions = array<i32: 0>} : vector<16xi32>
    %add3A_3 = arith.constant 0 : i32
    %add3A_4 = arith.addi %mul3A_2, %add3A_3 : i32
    %dma_start3A = tpu.memref_slice %arg2[%add3A_4] : memref<819200xi32, #tpu.memory_space<hbm>> -> memref<512xi32, #tpu.memory_space<hbm>>
    %dma_start3A_5 = tpu.memref_slice %arg2[%add3A_4] : memref<819200xi32, #tpu.memory_space<hbm>> -> memref<512xi32, #tpu.memory_space<hbm>>
    tpu.enqueue_dma source(%dma_start3A_5 : memref<512xi32, #tpu.memory_space<hbm>>) target(%arg5 : memref<512xi32, #tpu.memory_space<vmem>>) target_semaphore(%arg11 : memref<!tpu.dma_semaphore, #tpu.memory_space<semaphore_mem>>)
    %add3A_6 = arith.constant 512 : i32
    %add3A_7 = arith.addi %mul3A_2, %add3A_6 : i32
    %dma_start3A_8 = tpu.memref_slice %arg2[%add3A_7] : memref<819200xi32, #tpu.memory_space<hbm>> -> memref<512xi32, #tpu.memory_space<hbm>>
    %dma_start3A_9 = tpu.memref_slice %arg2[%add3A_7] : memref<819200xi32, #tpu.memory_space<hbm>> -> memref<512xi32, #tpu.memory_space<hbm>>
    tpu.enqueue_dma source(%dma_start3A_9 : memref<512xi32, #tpu.memory_space<hbm>>) target(%arg6 : memref<512xi32, #tpu.memory_space<vmem>>) target_semaphore(%arg11 : memref<!tpu.dma_semaphore, #tpu.memory_space<semaphore_mem>>)
    %dma_wait3A = tpu.memref_slice %arg2[%mul3A_2] : memref<819200xi32, #tpu.memory_space<hbm>> -> memref<512xi32, #tpu.memory_space<hbm>>
    %dma_wait3A_10 = tpu.memref_slice %arg2[%mul3A_2] : memref<819200xi32, #tpu.memory_space<hbm>> -> memref<512xi32, #tpu.memory_space<hbm>>
    tpu.wait_dma2 semaphore(%arg11 : memref<!tpu.dma_semaphore, #tpu.memory_space<semaphore_mem>>) src(%dma_wait3A_10 : memref<512xi32, #tpu.memory_space<hbm>>) dst(%arg5 : memref<512xi32, #tpu.memory_space<vmem>>)
    %dma_start3A_11 = arith.constant 0 : i32
    %dma_start3A_12 = arith.constant 0 : i32
    %dma_start3A_13 = tpu.memref_slice %arg3[%dma_start3A_11, %dma_start3A_12] : memref<100000x64xf32, #tpu.memory_space<hbm>> -> memref<100000x64xf32, #tpu.memory_space<hbm>>
    tpu.enqueue_indirect_dma source(%dma_start3A_13 : memref<100000x64xf32, #tpu.memory_space<hbm>>) target(%arg7 : memref<512x64xf32, #tpu.memory_space<vmem>>) offsets(%arg5 : memref<512xi32, #tpu.memory_space<vmem>>) semaphore(%arg12 : memref<!tpu.dma_semaphore, #tpu.memory_space<semaphore_mem>>)
    %iota3A_14 = tpu.iota {dimensions = array<i32: 0>} : vector<16xi32>
    %add3A_15 = arith.constant 0 : i32
    %add3A_16 = vector.broadcast %add3A_15 : i32 to vector<16xi32>
    %add3A_17 = arith.addi %iota3A_14, %add3A_16 : vector<16xi32>
    %jit3A = arith.constant 8 : i32
    %div3A = vector.broadcast %jit3A : i32 to vector<16xi32>
    %div3A_18 = arith.divsi %add3A_17, %div3A : vector<16xi32>
    %sign3A = arith.constant 0 : i32
    %sign3A_19 = vector.broadcast %sign3A : i32 to vector<16xi32>
    %sign3A_20 = arith.cmpi sgt, %add3A_17, %sign3A_19 : vector<16xi32>
    %sign3A_21 = arith.extui %sign3A_20 : vector<16xi1> to vector<16xi32>
    %sign3A_22 = arith.constant 0 : i32
    %sign3A_23 = vector.broadcast %sign3A_22 : i32 to vector<16xi32>
    %sign3A_24 = arith.cmpi slt, %add3A_17, %sign3A_23 : vector<16xi32>
    %sign3A_25 = arith.extui %sign3A_24 : vector<16xi1> to vector<16xi32>
    %sign3A_26 = arith.subi %sign3A_21, %sign3A_25 : vector<16xi32>
    %sign3A_27 = arith.constant 0 : i32
    %sign3A_28 = arith.cmpi sgt, %jit3A, %sign3A_27 : i32
    %sign3A_29 = arith.extui %sign3A_28 : i1 to i32
    %sign3A_30 = arith.constant 0 : i32
    %sign3A_31 = arith.cmpi slt, %jit3A, %sign3A_30 : i32
    %sign3A_32 = arith.extui %sign3A_31 : i1 to i32
    %sign3A_33 = arith.subi %sign3A_29, %sign3A_32 : i32
    %ne3A = vector.broadcast %sign3A_33 : i32 to vector<16xi32>
    %ne3A_34 = arith.cmpi ne, %sign3A_26, %ne3A : vector<16xi32>
    %rem3A = vector.broadcast %jit3A : i32 to vector<16xi32>
    %rem3A_35 = arith.remsi %add3A_17, %rem3A : vector<16xi32>
    %ne3A_36 = arith.constant 0 : i32
    %ne3A_37 = vector.broadcast %ne3A_36 : i32 to vector<16xi32>
    %ne3A_38 = arith.cmpi ne, %rem3A_35, %ne3A_37 : vector<16xi32>
    %and3A = arith.andi %ne3A_34, %ne3A_38 : vector<16xi1>
    %sub3A = arith.constant 1 : i32
    %sub3A_39 = vector.broadcast %sub3A : i32 to vector<16xi32>
    %sub3A_40 = arith.subi %div3A_18, %sub3A_39 : vector<16xi32>
    %select_n3A = arith.select %and3A, %sub3A_40, %div3A_18 : vector<16xi1>, vector<16xi32>
    %iota3A_41 = tpu.iota {dimensions = array<i32: 0>} : vector<16xi32>
    %add3A_42 = arith.constant 16 : i32
    %add3A_43 = vector.broadcast %add3A_42 : i32 to vector<16xi32>
    %add3A_44 = arith.addi %iota3A_41, %add3A_43 : vector<16xi32>
    %jit3A_45 = arith.constant 8 : i32
    %div3A_46 = vector.broadcast %jit3A_45 : i32 to vector<16xi32>
    %div3A_47 = arith.divsi %add3A_44, %div3A_46 : vector<16xi32>
    %sign3A_48 = arith.constant 0 : i32
    %sign3A_49 = vector.broadcast %sign3A_48 : i32 to vector<16xi32>
    %sign3A_50 = arith.cmpi sgt, %add3A_44, %sign3A_49 : vector<16xi32>
    %sign3A_51 = arith.extui %sign3A_50 : vector<16xi1> to vector<16xi32>
    %sign3A_52 = arith.constant 0 : i32
    %sign3A_53 = vector.broadcast %sign3A_52 : i32 to vector<16xi32>
    %sign3A_54 = arith.cmpi slt, %add3A_44, %sign3A_53 : vector<16xi32>
    %sign3A_55 = arith.extui %sign3A_54 : vector<16xi1> to vector<16xi32>
    %sign3A_56 = arith.subi %sign3A_51, %sign3A_55 : vector<16xi32>
    %sign3A_57 = arith.constant 0 : i32
    %sign3A_58 = arith.cmpi sgt, %jit3A_45, %sign3A_57 : i32
    %sign3A_59 = arith.extui %sign3A_58 : i1 to i32
    %sign3A_60 = arith.constant 0 : i32
    %sign3A_61 = arith.cmpi slt, %jit3A_45, %sign3A_60 : i32
    %sign3A_62 = arith.extui %sign3A_61 : i1 to i32
    %sign3A_63 = arith.subi %sign3A_59, %sign3A_62 : i32
    %ne3A_64 = vector.broadcast %sign3A_63 : i32 to vector<16xi32>
    %ne3A_65 = arith.cmpi ne, %sign3A_56, %ne3A_64 : vector<16xi32>
    %rem3A_66 = vector.broadcast %jit3A_45 : i32 to vector<16xi32>
    %rem3A_67 = arith.remsi %add3A_44, %rem3A_66 : vector<16xi32>
    %ne3A_68 = arith.constant 0 : i32
    %ne3A_69 = vector.broadcast %ne3A_68 : i32 to vector<16xi32>
    %ne3A_70 = arith.cmpi ne, %rem3A_67, %ne3A_69 : vector<16xi32>
    %and3A_71 = arith.andi %ne3A_65, %ne3A_70 : vector<16xi1>
    %sub3A_72 = arith.constant 1 : i32
    %sub3A_73 = vector.broadcast %sub3A_72 : i32 to vector<16xi32>
    %sub3A_74 = arith.subi %div3A_47, %sub3A_73 : vector<16xi32>
    %select_n3A_75 = arith.select %and3A_71, %sub3A_74, %div3A_47 : vector<16xi1>, vector<16xi32>
    %iota3A_76 = tpu.iota {dimensions = array<i32: 0>} : vector<16xi32>
    %add3A_77 = arith.constant 32 : i32
    %add3A_78 = vector.broadcast %add3A_77 : i32 to vector<16xi32>
    %add3A_79 = arith.addi %iota3A_76, %add3A_78 : vector<16xi32>
    %jit3A_80 = arith.constant 8 : i32
    %div3A_81 = vector.broadcast %jit3A_80 : i32 to vector<16xi32>
    %div3A_82 = arith.divsi %add3A_79, %div3A_81 : vector<16xi32>
    %sign3A_83 = arith.constant 0 : i32
    %sign3A_84 = vector.broadcast %sign3A_83 : i32 to vector<16xi32>
    %sign3A_85 = arith.cmpi sgt, %add3A_79, %sign3A_84 : vector<16xi32>
    %sign3A_86 = arith.extui %sign3A_85 : vector<16xi1> to vector<16xi32>
    %sign3A_87 = arith.constant 0 : i32
    %sign3A_88 = vector.broadcast %sign3A_87 : i32 to vector<16xi32>
    %sign3A_89 = arith.cmpi slt, %add3A_79, %sign3A_88 : vector<16xi32>
    %sign3A_90 = arith.extui %sign3A_89 : vector<16xi1> to vector<16xi32>
    %sign3A_91 = arith.subi %sign3A_86, %sign3A_90 : vector<16xi32>
    %sign3A_92 = arith.constant 0 : i32
    %sign3A_93 = arith.cmpi sgt, %jit3A_80, %sign3A_92 : i32
    %sign3A_94 = arith.extui %sign3A_93 : i1 to i32
    %sign3A_95 = arith.constant 0 : i32
    %sign3A_96 = arith.cmpi slt, %jit3A_80, %sign3A_95 : i32
    %sign3A_97 = arith.extui %sign3A_96 : i1 to i32
    %sign3A_98 = arith.subi %sign3A_94, %sign3A_97 : i32
    %ne3A_99 = vector.broadcast %sign3A_98 : i32 to vector<16xi32>
    %ne3A_100 = arith.cmpi ne, %sign3A_91, %ne3A_99 : vector<16xi32>
    %rem3A_101 = vector.broadcast %jit3A_80 : i32 to vector<16xi32>
    %rem3A_102 = arith.remsi %add3A_79, %rem3A_101 : vector<16xi32>
    %ne3A_103 = arith.constant 0 : i32
    %ne3A_104 = vector.broadcast %ne3A_103 : i32 to vector<16xi32>
    %ne3A_105 = arith.cmpi ne, %rem3A_102, %ne3A_104 : vector<16xi32>
    %and3A_106 = arith.andi %ne3A_100, %ne3A_105 : vector<16xi1>
    %sub3A_107 = arith.constant 1 : i32
    %sub3A_108 = vector.broadcast %sub3A_107 : i32 to vector<16xi32>
    %sub3A_109 = arith.subi %div3A_82, %sub3A_108 : vector<16xi32>
    %select_n3A_110 = arith.select %and3A_106, %sub3A_109, %div3A_82 : vector<16xi1>, vector<16xi32>
    %iota3A_111 = tpu.iota {dimensions = array<i32: 0>} : vector<16xi32>
    %add3A_112 = arith.constant 48 : i32
    %add3A_113 = vector.broadcast %add3A_112 : i32 to vector<16xi32>
    %add3A_114 = arith.addi %iota3A_111, %add3A_113 : vector<16xi32>
    %jit3A_115 = arith.constant 8 : i32
    %div3A_116 = vector.broadcast %jit3A_115 : i32 to vector<16xi32>
    %div3A_117 = arith.divsi %add3A_114, %div3A_116 : vector<16xi32>
    %sign3A_118 = arith.constant 0 : i32
    %sign3A_119 = vector.broadcast %sign3A_118 : i32 to vector<16xi32>
    %sign3A_120 = arith.cmpi sgt, %add3A_114, %sign3A_119 : vector<16xi32>
    %sign3A_121 = arith.extui %sign3A_120 : vector<16xi1> to vector<16xi32>
    %sign3A_122 = arith.constant 0 : i32
    %sign3A_123 = vector.broadcast %sign3A_122 : i32 to vector<16xi32>
    %sign3A_124 = arith.cmpi slt, %add3A_114, %sign3A_123 : vector<16xi32>
    %sign3A_125 = arith.extui %sign3A_124 : vector<16xi1> to vector<16xi32>
    %sign3A_126 = arith.subi %sign3A_121, %sign3A_125 : vector<16xi32>
    %sign3A_127 = arith.constant 0 : i32
    %sign3A_128 = arith.cmpi sgt, %jit3A_115, %sign3A_127 : i32
    %sign3A_129 = arith.extui %sign3A_128 : i1 to i32
    %sign3A_130 = arith.constant 0 : i32
    %sign3A_131 = arith.cmpi slt, %jit3A_115, %sign3A_130 : i32
    %sign3A_132 = arith.extui %sign3A_131 : i1 to i32
    %sign3A_133 = arith.subi %sign3A_129, %sign3A_132 : i32
    %ne3A_134 = vector.broadcast %sign3A_133 : i32 to vector<16xi32>
    %ne3A_135 = arith.cmpi ne, %sign3A_126, %ne3A_134 : vector<16xi32>
    %rem3A_136 = vector.broadcast %jit3A_115 : i32 to vector<16xi32>
    %rem3A_137 = arith.remsi %add3A_114, %rem3A_136 : vector<16xi32>
    %ne3A_138 = arith.constant 0 : i32
    %ne3A_139 = vector.broadcast %ne3A_138 : i32 to vector<16xi32>
    %ne3A_140 = arith.cmpi ne, %rem3A_137, %ne3A_139 : vector<16xi32>
    %and3A_141 = arith.andi %ne3A_135, %ne3A_140 : vector<16xi1>
    %sub3A_142 = arith.constant 1 : i32
    %sub3A_143 = vector.broadcast %sub3A_142 : i32 to vector<16xi32>
    %sub3A_144 = arith.subi %div3A_117, %sub3A_143 : vector<16xi32>
    %select_n3A_145 = arith.select %and3A_141, %sub3A_144, %div3A_117 : vector<16xi1>, vector<16xi32>
    %iota3A_146 = tpu.iota {dimensions = array<i32: 0>} : vector<16xi32>
    %add3A_147 = arith.constant 0 : i32
    %add3A_148 = vector.broadcast %add3A_147 : i32 to vector<16xi32>
    %add3A_149 = arith.addi %iota3A_146, %add3A_148 : vector<16xi32>
    %jit3A_150 = arith.constant 8 : i32
    %eq3A = arith.constant 0 : i32
    %eq3A_151 = arith.cmpi eq, %jit3A_150, %eq3A : i32
    %jit3A_152 = arith.constant 1 : i32
    %select_n3A_153 = arith.select %eq3A_151, %jit3A_152, %jit3A_150 : i32
    %rem3A_154 = vector.broadcast %select_n3A_153 : i32 to vector<16xi32>
    %rem3A_155 = arith.remsi %add3A_149, %rem3A_154 : vector<16xi32>
    %ne3A_156 = arith.constant 0 : i32
    %ne3A_157 = vector.broadcast %ne3A_156 : i32 to vector<16xi32>
    %ne3A_158 = arith.cmpi ne, %rem3A_155, %ne3A_157 : vector<16xi32>
    %lt3A = arith.constant 0 : i32
    %lt3A_159 = vector.broadcast %lt3A : i32 to vector<16xi32>
    %lt3A_160 = arith.cmpi slt, %rem3A_155, %lt3A_159 : vector<16xi32>
    %lt3A_161 = arith.constant 0 : i32
    %lt3A_162 = arith.cmpi slt, %select_n3A_153, %lt3A_161 : i32
    %ne3A_163 = vector.broadcast %lt3A_162 : i1 to vector<16xi1>
    %ne3A_164 = vector.broadcast %ne3A_163 : vector<16xi1> to vector<16xi1>
    %ne3A_165 = arith.xori %lt3A_160, %ne3A_164 : vector<16xi1>
    %and3A_166 = arith.andi %ne3A_165, %ne3A_158 : vector<16xi1>
    %add3A_167 = vector.broadcast %select_n3A_153 : i32 to vector<16xi32>
    %add3A_168 = arith.addi %rem3A_155, %add3A_167 : vector<16xi32>
    %select_n3A_169 = arith.select %and3A_166, %add3A_168, %rem3A_155 : vector<16xi1>, vector<16xi32>
    %iota3A_170 = tpu.iota {dimensions = array<i32: 0>} : vector<16xi32>
    %add3A_171 = arith.constant 16 : i32
    %add3A_172 = vector.broadcast %add3A_171 : i32 to vector<16xi32>
    %add3A_173 = arith.addi %iota3A_170, %add3A_172 : vector<16xi32>
    %jit3A_174 = arith.constant 8 : i32
    %eq3A_175 = arith.constant 0 : i32
    %eq3A_176 = arith.cmpi eq, %jit3A_174, %eq3A_175 : i32
    %jit3A_177 = arith.constant 1 : i32
    %select_n3A_178 = arith.select %eq3A_176, %jit3A_177, %jit3A_174 : i32
    %rem3A_179 = vector.broadcast %select_n3A_178 : i32 to vector<16xi32>
    %rem3A_180 = arith.remsi %add3A_173, %rem3A_179 : vector<16xi32>
    %ne3A_181 = arith.constant 0 : i32
    %ne3A_182 = vector.broadcast %ne3A_181 : i32 to vector<16xi32>
    %ne3A_183 = arith.cmpi ne, %rem3A_180, %ne3A_182 : vector<16xi32>
    %lt3A_184 = arith.constant 0 : i32
    %lt3A_185 = vector.broadcast %lt3A_184 : i32 to vector<16xi32>
    %lt3A_186 = arith.cmpi slt, %rem3A_180, %lt3A_185 : vector<16xi32>
    %lt3A_187 = arith.constant 0 : i32
    %lt3A_188 = arith.cmpi slt, %select_n3A_178, %lt3A_187 : i32
    %ne3A_189 = vector.broadcast %lt3A_188 : i1 to vector<16xi1>
    %ne3A_190 = vector.broadcast %ne3A_189 : vector<16xi1> to vector<16xi1>
    %ne3A_191 = arith.xori %lt3A_186, %ne3A_190 : vector<16xi1>
    %and3A_192 = arith.andi %ne3A_191, %ne3A_183 : vector<16xi1>
    %add3A_193 = vector.broadcast %select_n3A_178 : i32 to vector<16xi32>
    %add3A_194 = arith.addi %rem3A_180, %add3A_193 : vector<16xi32>
    %select_n3A_195 = arith.select %and3A_192, %add3A_194, %rem3A_180 : vector<16xi1>, vector<16xi32>
    %iota3A_196 = tpu.iota {dimensions = array<i32: 0>} : vector<16xi32>
    %add3A_197 = arith.constant 32 : i32
    %add3A_198 = vector.broadcast %add3A_197 : i32 to vector<16xi32>
    %add3A_199 = arith.addi %iota3A_196, %add3A_198 : vector<16xi32>
    %jit3A_200 = arith.constant 8 : i32
    %eq3A_201 = arith.constant 0 : i32
    %eq3A_202 = arith.cmpi eq, %jit3A_200, %eq3A_201 : i32
    %jit3A_203 = arith.constant 1 : i32
    %select_n3A_204 = arith.select %eq3A_202, %jit3A_203, %jit3A_200 : i32
    %rem3A_205 = vector.broadcast %select_n3A_204 : i32 to vector<16xi32>
    %rem3A_206 = arith.remsi %add3A_199, %rem3A_205 : vector<16xi32>
    %ne3A_207 = arith.constant 0 : i32
    %ne3A_208 = vector.broadcast %ne3A_207 : i32 to vector<16xi32>
    %ne3A_209 = arith.cmpi ne, %rem3A_206, %ne3A_208 : vector<16xi32>
    %lt3A_210 = arith.constant 0 : i32
    %lt3A_211 = vector.broadcast %lt3A_210 : i32 to vector<16xi32>
    %lt3A_212 = arith.cmpi slt, %rem3A_206, %lt3A_211 : vector<16xi32>
    %lt3A_213 = arith.constant 0 : i32
    %lt3A_214 = arith.cmpi slt, %select_n3A_204, %lt3A_213 : i32
    %ne3A_215 = vector.broadcast %lt3A_214 : i1 to vector<16xi1>
    %ne3A_216 = vector.broadcast %ne3A_215 : vector<16xi1> to vector<16xi1>
    %ne3A_217 = arith.xori %lt3A_212, %ne3A_216 : vector<16xi1>
    %and3A_218 = arith.andi %ne3A_217, %ne3A_209 : vector<16xi1>
    %add3A_219 = vector.broadcast %select_n3A_204 : i32 to vector<16xi32>
    %add3A_220 = arith.addi %rem3A_206, %add3A_219 : vector<16xi32>
    %select_n3A_221 = arith.select %and3A_218, %add3A_220, %rem3A_206 : vector<16xi1>, vector<16xi32>
    %iota3A_222 = tpu.iota {dimensions = array<i32: 0>} : vector<16xi32>
    %add3A_223 = arith.constant 48 : i32
    %add3A_224 = vector.broadcast %add3A_223 : i32 to vector<16xi32>
    %add3A_225 = arith.addi %iota3A_222, %add3A_224 : vector<16xi32>
    %jit3A_226 = arith.constant 8 : i32
    %eq3A_227 = arith.constant 0 : i32
    %eq3A_228 = arith.cmpi eq, %jit3A_226, %eq3A_227 : i32
    %jit3A_229 = arith.constant 1 : i32
    %select_n3A_230 = arith.select %eq3A_228, %jit3A_229, %jit3A_226 : i32
    %rem3A_231 = vector.broadcast %select_n3A_230 : i32 to vector<16xi32>
    %rem3A_232 = arith.remsi %add3A_225, %rem3A_231 : vector<16xi32>
    %ne3A_233 = arith.constant 0 : i32
    %ne3A_234 = vector.broadcast %ne3A_233 : i32 to vector<16xi32>
    %ne3A_235 = arith.cmpi ne, %rem3A_232, %ne3A_234 : vector<16xi32>
    %lt3A_236 = arith.constant 0 : i32
    %lt3A_237 = vector.broadcast %lt3A_236 : i32 to vector<16xi32>
    %lt3A_238 = arith.cmpi slt, %rem3A_232, %lt3A_237 : vector<16xi32>
    %lt3A_239 = arith.constant 0 : i32
    %lt3A_240 = arith.cmpi slt, %select_n3A_230, %lt3A_239 : i32
    %ne3A_241 = vector.broadcast %lt3A_240 : i1 to vector<16xi1>
    %ne3A_242 = vector.broadcast %ne3A_241 : vector<16xi1> to vector<16xi1>
    %ne3A_243 = arith.xori %lt3A_238, %ne3A_242 : vector<16xi1>
    %and3A_244 = arith.andi %ne3A_243, %ne3A_235 : vector<16xi1>
    %add3A_245 = vector.broadcast %select_n3A_230 : i32 to vector<16xi32>
    %add3A_246 = arith.addi %rem3A_232, %add3A_245 : vector<16xi32>
    %select_n3A_247 = arith.select %and3A_244, %add3A_246, %rem3A_232 : vector<16xi1>, vector<16xi32>
    %scan3A = arith.constant 0 : i32
    %scan3A_248 = arith.constant 0 : i32
    %scan3A_249 = arith.constant 25 : i32
    %scan3A_250 = arith.addi %scan3A_248, %scan3A_249 : i32
    %scan3A_251 = arith.constant 1 : i32
    scf.for %scan3A_293 = %scan3A_248 to %scan3A_250 step %scan3A_251  : i32 {
      %mul3A_294 = arith.constant 2 : i32
      %mul3A_295 = arith.muli %mul3A_294, %scan3A_293 : i32
      %add3A_296 = arith.constant 0 : i32
      %add3A_297 = arith.addi %mul3A_295, %add3A_296 : i32
      %mul3A_298 = arith.constant 512 : i32
      %mul3A_299 = arith.muli %add3A_297, %mul3A_298 : i32
      %add3A_300 = arith.addi %mul3A_2, %mul3A_299 : i32
      %dma_wait3A_301 = arith.constant 0 : i32
      %dma_wait3A_302 = arith.constant 0 : i32
      %dma_wait3A_303 = tpu.memref_slice %arg3[%dma_wait3A_301, %dma_wait3A_302] : memref<100000x64xf32, #tpu.memory_space<hbm>> -> memref<100000x64xf32, #tpu.memory_space<hbm>>
      tpu.wait_indirect_dma semaphore(%arg12 : memref<!tpu.dma_semaphore, #tpu.memory_space<semaphore_mem>>) src(%dma_wait3A_303 : memref<100000x64xf32, #tpu.memory_space<hbm>>) dst(%arg7 : memref<512x64xf32, #tpu.memory_space<vmem>>)
      %add3A_304 = arith.constant 2 : i32
      %add3A_305 = arith.addi %add3A_297, %add3A_304 : i32
      %lt3A_306 = arith.constant 50 : i32
      %lt3A_307 = arith.cmpi slt, %add3A_305, %lt3A_306 : i32
      %convert_element_type3A = arith.extui %lt3A_307 : i1 to i32
      %cond3A = arith.constant 0 : i32
      %cond3A_308 = arith.cmpi ne, %convert_element_type3A, %cond3A : i32
      scf.if %cond3A_308 {
        %add3A_659 = arith.constant 1024 : i32
        %add3A_660 = arith.addi %add3A_300, %add3A_659 : i32
        %dma_start3A_661 = tpu.memref_slice %arg2[%add3A_660] : memref<819200xi32, #tpu.memory_space<hbm>> -> memref<512xi32, #tpu.memory_space<hbm>>
        %dma_start3A_662 = tpu.memref_slice %arg2[%add3A_660] : memref<819200xi32, #tpu.memory_space<hbm>> -> memref<512xi32, #tpu.memory_space<hbm>>
        tpu.enqueue_dma source(%dma_start3A_662 : memref<512xi32, #tpu.memory_space<hbm>>) target(%arg5 : memref<512xi32, #tpu.memory_space<vmem>>) target_semaphore(%arg11 : memref<!tpu.dma_semaphore, #tpu.memory_space<semaphore_mem>>)
      } else {
      }
      %add3A_309 = arith.constant 1 : i32
      %add3A_310 = arith.addi %add3A_297, %add3A_309 : i32
      %lt3A_311 = arith.constant 50 : i32
      %lt3A_312 = arith.cmpi slt, %add3A_310, %lt3A_311 : i32
      %convert_element_type3A_313 = arith.extui %lt3A_312 : i1 to i32
      %cond3A_314 = arith.constant 0 : i32
      %cond3A_315 = arith.cmpi ne, %convert_element_type3A_313, %cond3A_314 : i32
      scf.if %cond3A_315 {
        %dma_wait3A_659 = tpu.memref_slice %arg2[%mul3A_2] : memref<819200xi32, #tpu.memory_space<hbm>> -> memref<512xi32, #tpu.memory_space<hbm>>
        %dma_wait3A_660 = tpu.memref_slice %arg2[%mul3A_2] : memref<819200xi32, #tpu.memory_space<hbm>> -> memref<512xi32, #tpu.memory_space<hbm>>
        tpu.wait_dma2 semaphore(%arg11 : memref<!tpu.dma_semaphore, #tpu.memory_space<semaphore_mem>>) src(%dma_wait3A_660 : memref<512xi32, #tpu.memory_space<hbm>>) dst(%arg6 : memref<512xi32, #tpu.memory_space<vmem>>)
        %dma_start3A_661 = arith.constant 0 : i32
        %dma_start3A_662 = arith.constant 0 : i32
        %dma_start3A_663 = tpu.memref_slice %arg3[%dma_start3A_661, %dma_start3A_662] : memref<100000x64xf32, #tpu.memory_space<hbm>> -> memref<100000x64xf32, #tpu.memory_space<hbm>>
        tpu.enqueue_indirect_dma source(%dma_start3A_663 : memref<100000x64xf32, #tpu.memory_space<hbm>>) target(%arg8 : memref<512x64xf32, #tpu.memory_space<vmem>>) offsets(%arg6 : memref<512xi32, #tpu.memory_space<vmem>>) semaphore(%arg12 : memref<!tpu.dma_semaphore, #tpu.memory_space<semaphore_mem>>)
      } else {
      }
      %div3A_316 = arith.constant 4096 : i32
      %div3A_317 = arith.divsi %add3A_300, %div3A_316 : i32
      %rem3A_318 = arith.constant 4096 : i32
      %rem3A_319 = arith.remsi %add3A_300, %rem3A_318 : i32
      %div3A_320 = arith.constant 128 : i32
      %div3A_321 = arith.divsi %rem3A_319, %div3A_320 : i32
      %gt3A = arith.constant 0 : i32
      %gt3A_322 = arith.cmpi sgt, %add3A_297, %gt3A : i32
      %convert_element_type3A_323 = arith.extui %gt3A_322 : i1 to i32
      %cond3A_324 = arith.constant 0 : i32
      %cond3A_325 = arith.cmpi ne, %convert_element_type3A_323, %cond3A_324 : i32
      scf.if %cond3A_325 {
        %dma_wait3A_659 = arith.constant 0 : i32
        %dma_wait3A_660 = arith.constant 0 : i32
        %dma_wait3A_661 = arith.constant 0 : i32
        %dma_wait3A_662 = arith.constant 0 : i32
        %dma_wait3A_663 = arith.constant 0 : i32
        %dma_wait3A_664 = tpu.memref_slice %arg9[%dma_wait3A_661, %dma_wait3A_662, %dma_wait3A_663] : memref<8x8x129xf32, #tpu.memory_space<vmem>> -> memref<8x8x128xf32, #tpu.memory_space<vmem>>
        %dma_wait3A_665 = arith.constant 0 : i32
        %dma_wait3A_666 = arith.constant 0 : i32
        %dma_wait3A_667 = arith.constant 0 : i32
        %dma_wait3A_668 = tpu.memref_slice %arg4[%dma_wait3A_659, %dma_wait3A_665, %dma_wait3A_660, %dma_wait3A_666, %dma_wait3A_667] : memref<200x8x32x8x128xf32, #tpu.memory_space<hbm>> -> memref<1x8x1x8x128xf32, #tpu.memory_space<hbm>>
        %dma_wait3A_669 = tpu.memref_squeeze %dma_wait3A_668 : memref<1x8x1x8x128xf32, #tpu.memory_space<hbm>> -> memref<8x8x128xf32, #tpu.memory_space<hbm>>
        %dma_wait3A_670 = arith.constant 0 : i32
        %dma_wait3A_671 = arith.constant 0 : i32
        %dma_wait3A_672 = arith.constant 0 : i32
        %dma_wait3A_673 = tpu.memref_slice %arg4[%dma_wait3A_659, %dma_wait3A_670, %dma_wait3A_660, %dma_wait3A_671, %dma_wait3A_672] : memref<200x8x32x8x128xf32, #tpu.memory_space<hbm>> -> memref<1x8x1x8x128xf32, #tpu.memory_space<hbm>>
        %dma_wait3A_674 = tpu.memref_squeeze %dma_wait3A_673 : memref<1x8x1x8x128xf32, #tpu.memory_space<hbm>> -> memref<8x8x128xf32, #tpu.memory_space<hbm>>
        %dma_wait3A_675 = arith.constant 0 : i32
        %dma_wait3A_676 = arith.constant 0 : i32
        %dma_wait3A_677 = arith.constant 0 : i32
        %dma_wait3A_678 = tpu.memref_slice %arg9[%dma_wait3A_675, %dma_wait3A_676, %dma_wait3A_677] : memref<8x8x129xf32, #tpu.memory_space<vmem>> -> memref<8x8x128xf32, #tpu.memory_space<vmem>>
        tpu.wait_dma2 semaphore(%arg13 : memref<!tpu.dma_semaphore, #tpu.memory_space<semaphore_mem>>) src(%dma_wait3A_678 : memref<8x8x128xf32, #tpu.memory_space<vmem>>) dst(%dma_wait3A_674 : memref<8x8x128xf32, #tpu.memory_space<hbm>>)
      } else {
      }
      %scan3A_326 = arith.constant 0 : i32
      %scan3A_327 = arith.constant 0 : i32
      %scan3A_328 = arith.constant 16 : i32
      %scan3A_329 = arith.addi %scan3A_327, %scan3A_328 : i32
      %scan3A_330 = arith.constant 1 : i32
      scf.for %scan3A_659 = %scan3A_327 to %scan3A_329 step %scan3A_330  : i32 {
        %mul3A_660 = arith.constant 8 : i32
        %mul3A_661 = arith.muli %scan3A_659, %mul3A_660 : i32
        %add3A_662 = arith.constant 0 : i32
        %add3A_663 = arith.addi %add3A_662, %mul3A_661 : i32
        %add3A_664 = arith.constant 0 : i32
        %add3A_665 = arith.addi %add3A_663, %add3A_664 : i32
        %get3A = arith.index_cast %add3A_665 : i32 to index
        %get3A_666 = arith.constant 0 : index
        %get3A_667 = tpu.vector_load %arg7[%get3A, %get3A_666] {strides = array<i32>} : memref<512x64xf32, #tpu.memory_space<vmem>>, vector<16xf32>,
        %get3A_668 = arith.index_cast %add3A_665 : i32 to index
        %get3A_669 = arith.constant 16 : index
        %get3A_670 = tpu.vector_load %arg7[%get3A_668, %get3A_669] {strides = array<i32>} : memref<512x64xf32, #tpu.memory_space<vmem>>, vector<16xf32>,
        %get3A_671 = arith.index_cast %add3A_665 : i32 to index
        %get3A_672 = arith.constant 32 : index
        %get3A_673 = tpu.vector_load %arg7[%get3A_671, %get3A_672] {strides = array<i32>} : memref<512x64xf32, #tpu.memory_space<vmem>>, vector<16xf32>,
        %get3A_674 = arith.index_cast %add3A_665 : i32 to index
        %get3A_675 = arith.constant 48 : index
        %get3A_676 = tpu.vector_load %arg7[%get3A_674, %get3A_675] {strides = array<i32>} : memref<512x64xf32, #tpu.memory_space<vmem>>, vector<16xf32>,
        %add3A_677 = arith.constant 0 : i32
        %add3A_678 = arith.addi %add3A_677, %mul3A_661 : i32
        %add3A_679 = arith.constant 1 : i32
        %add3A_680 = arith.addi %add3A_678, %add3A_679 : i32
        %get3A_681 = arith.index_cast %add3A_680 : i32 to index
        %get3A_682 = arith.constant 0 : index
        %get3A_683 = tpu.vector_load %arg7[%get3A_681, %get3A_682] {strides = array<i32>} : memref<512x64xf32, #tpu.memory_space<vmem>>, vector<16xf32>,
        %get3A_684 = arith.index_cast %add3A_680 : i32 to index
        %get3A_685 = arith.constant 16 : index
        %get3A_686 = tpu.vector_load %arg7[%get3A_684, %get3A_685] {strides = array<i32>} : memref<512x64xf32, #tpu.memory_space<vmem>>, vector<16xf32>,
        %get3A_687 = arith.index_cast %add3A_680 : i32 to index
        %get3A_688 = arith.constant 32 : index
        %get3A_689 = tpu.vector_load %arg7[%get3A_687, %get3A_688] {strides = array<i32>} : memref<512x64xf32, #tpu.memory_space<vmem>>, vector<16xf32>,
        %get3A_690 = arith.index_cast %add3A_680 : i32 to index
        %get3A_691 = arith.constant 48 : index
        %get3A_692 = tpu.vector_load %arg7[%get3A_690, %get3A_691] {strides = array<i32>} : memref<512x64xf32, #tpu.memory_space<vmem>>, vector<16xf32>,
        %add3A_693 = arith.constant 0 : i32
        %add3A_694 = arith.addi %add3A_693, %mul3A_661 : i32
        %add3A_695 = arith.constant 2 : i32
        %add3A_696 = arith.addi %add3A_694, %add3A_695 : i32
        %get3A_697 = arith.index_cast %add3A_696 : i32 to index
        %get3A_698 = arith.constant 0 : index
        %get3A_699 = tpu.vector_load %arg7[%get3A_697, %get3A_698] {strides = array<i32>} : memref<512x64xf32, #tpu.memory_space<vmem>>, vector<16xf32>,
        %get3A_700 = arith.index_cast %add3A_696 : i32 to index
        %get3A_701 = arith.constant 16 : index
        %get3A_702 = tpu.vector_load %arg7[%get3A_700, %get3A_701] {strides = array<i32>} : memref<512x64xf32, #tpu.memory_space<vmem>>, vector<16xf32>,
        %get3A_703 = arith.index_cast %add3A_696 : i32 to index
        %get3A_704 = arith.constant 32 : index
        %get3A_705 = tpu.vector_load %arg7[%get3A_703, %get3A_704] {strides = array<i32>} : memref<512x64xf32, #tpu.memory_space<vmem>>, vector<16xf32>,
        %get3A_706 = arith.index_cast %add3A_696 : i32 to index
        %get3A_707 = arith.constant 48 : index
        %get3A_708 = tpu.vector_load %arg7[%get3A_706, %get3A_707] {strides = array<i32>} : memref<512x64xf32, #tpu.memory_space<vmem>>, vector<16xf32>,
        %add3A_709 = arith.constant 0 : i32
        %add3A_710 = arith.addi %add3A_709, %mul3A_661 : i32
        %add3A_711 = arith.constant 3 : i32
        %add3A_712 = arith.addi %add3A_710, %add3A_711 : i32
        %get3A_713 = arith.index_cast %add3A_712 : i32 to index
        %get3A_714 = arith.constant 0 : index
        %get3A_715 = tpu.vector_load %arg7[%get3A_713, %get3A_714] {strides = array<i32>} : memref<512x64xf32, #tpu.memory_space<vmem>>, vector<16xf32>,
        %get3A_716 = arith.index_cast %add3A_712 : i32 to index
        %get3A_717 = arith.constant 16 : index
        %get3A_718 = tpu.vector_load %arg7[%get3A_716, %get3A_717] {strides = array<i32>} : memref<512x64xf32, #tpu.memory_space<vmem>>, vector<16xf32>,
        %get3A_719 = arith.index_cast %add3A_712 : i32 to index
        %get3A_720 = arith.constant 32 : index
        %get3A_721 = tpu.vector_load %arg7[%get3A_719, %get3A_720] {strides = array<i32>} : memref<512x64xf32, #tpu.memory_space<vmem>>, vector<16xf32>,
        %get3A_722 = arith.index_cast %add3A_712 : i32 to index
        %get3A_723 = arith.constant 48 : index
        %get3A_724 = tpu.vector_load %arg7[%get3A_722, %get3A_723] {strides = array<i32>} : memref<512x64xf32, #tpu.memory_space<vmem>>, vector<16xf32>,
        %add3A_725 = arith.constant 0 : i32
        %add3A_726 = arith.addi %add3A_725, %mul3A_661 : i32
        %add3A_727 = arith.constant 4 : i32
        %add3A_728 = arith.addi %add3A_726, %add3A_727 : i32
        %get3A_729 = arith.index_cast %add3A_728 : i32 to index
        %get3A_730 = arith.constant 0 : index
        %get3A_731 = tpu.vector_load %arg7[%get3A_729, %get3A_730] {strides = array<i32>} : memref<512x64xf32, #tpu.memory_space<vmem>>, vector<16xf32>,
        %get3A_732 = arith.index_cast %add3A_728 : i32 to index
        %get3A_733 = arith.constant 16 : index
        %get3A_734 = tpu.vector_load %arg7[%get3A_732, %get3A_733] {strides = array<i32>} : memref<512x64xf32, #tpu.memory_space<vmem>>, vector<16xf32>,
        %get3A_735 = arith.index_cast %add3A_728 : i32 to index
        %get3A_736 = arith.constant 32 : index
        %get3A_737 = tpu.vector_load %arg7[%get3A_735, %get3A_736] {strides = array<i32>} : memref<512x64xf32, #tpu.memory_space<vmem>>, vector<16xf32>,
        %get3A_738 = arith.index_cast %add3A_728 : i32 to index
        %get3A_739 = arith.constant 48 : index
        %get3A_740 = tpu.vector_load %arg7[%get3A_738, %get3A_739] {strides = array<i32>} : memref<512x64xf32, #tpu.memory_space<vmem>>, vector<16xf32>,
        %add3A_741 = arith.constant 0 : i32
        %add3A_742 = arith.addi %add3A_741, %mul3A_661 : i32
        %add3A_743 = arith.constant 5 : i32
        %add3A_744 = arith.addi %add3A_742, %add3A_743 : i32
        %get3A_745 = arith.index_cast %add3A_744 : i32 to index
        %get3A_746 = arith.constant 0 : index
        %get3A_747 = tpu.vector_load %arg7[%get3A_745, %get3A_746] {strides = array<i32>} : memref<512x64xf32, #tpu.memory_space<vmem>>, vector<16xf32>,
        %get3A_748 = arith.index_cast %add3A_744 : i32 to index
        %get3A_749 = arith.constant 16 : index
        %get3A_750 = tpu.vector_load %arg7[%get3A_748, %get3A_749] {strides = array<i32>} : memref<512x64xf32, #tpu.memory_space<vmem>>, vector<16xf32>,
        %get3A_751 = arith.index_cast %add3A_744 : i32 to index
        %get3A_752 = arith.constant 32 : index
        %get3A_753 = tpu.vector_load %arg7[%get3A_751, %get3A_752] {strides = array<i32>} : memref<512x64xf32, #tpu.memory_space<vmem>>, vector<16xf32>,
        %get3A_754 = arith.index_cast %add3A_744 : i32 to index
        %get3A_755 = arith.constant 48 : index
        %get3A_756 = tpu.vector_load %arg7[%get3A_754, %get3A_755] {strides = array<i32>} : memref<512x64xf32, #tpu.memory_space<vmem>>, vector<16xf32>,
        %add3A_757 = arith.constant 0 : i32
        %add3A_758 = arith.addi %add3A_757, %mul3A_661 : i32
        %add3A_759 = arith.constant 6 : i32
        %add3A_760 = arith.addi %add3A_758, %add3A_759 : i32
        %get3A_761 = arith.index_cast %add3A_760 : i32 to index
        %get3A_762 = arith.constant 0 : index
        %get3A_763 = tpu.vector_load %arg7[%get3A_761, %get3A_762] {strides = array<i32>} : memref<512x64xf32, #tpu.memory_space<vmem>>, vector<16xf32>,
        %get3A_764 = arith.index_cast %add3A_760 : i32 to index
        %get3A_765 = arith.constant 16 : index
        %get3A_766 = tpu.vector_load %arg7[%get3A_764, %get3A_765] {strides = array<i32>} : memref<512x64xf32, #tpu.memory_space<vmem>>, vector<16xf32>,
        %get3A_767 = arith.index_cast %add3A_760 : i32 to index
        %get3A_768 = arith.constant 32 : index
        %get3A_769 = tpu.vector_load %arg7[%get3A_767, %get3A_768] {strides = array<i32>} : memref<512x64xf32, #tpu.memory_space<vmem>>, vector<16xf32>,
        %get3A_770 = arith.index_cast %add3A_760 : i32 to index
        %get3A_771 = arith.constant 48 : index
        %get3A_772 = tpu.vector_load %arg7[%get3A_770, %get3A_771] {strides = array<i32>} : memref<512x64xf32, #tpu.memory_space<vmem>>, vector<16xf32>,
        %add3A_773 = arith.constant 0 : i32
        %add3A_774 = arith.addi %add3A_773, %mul3A_661 : i32
        %add3A_775 = arith.constant 7 : i32
        %add3A_776 = arith.addi %add3A_774, %add3A_775 : i32
        %get3A_777 = arith.index_cast %add3A_776 : i32 to index
        %get3A_778 = arith.constant 0 : index
        %get3A_779 = tpu.vector_load %arg7[%get3A_777, %get3A_778] {strides = array<i32>} : memref<512x64xf32, #tpu.memory_space<vmem>>, vector<16xf32>,
        %get3A_780 = arith.index_cast %add3A_776 : i32 to index
        %get3A_781 = arith.constant 16 : index
        %get3A_782 = tpu.vector_load %arg7[%get3A_780, %get3A_781] {strides = array<i32>} : memref<512x64xf32, #tpu.memory_space<vmem>>, vector<16xf32>,
        %get3A_783 = arith.index_cast %add3A_776 : i32 to index
        %get3A_784 = arith.constant 32 : index
        %get3A_785 = tpu.vector_load %arg7[%get3A_783, %get3A_784] {strides = array<i32>} : memref<512x64xf32, #tpu.memory_space<vmem>>, vector<16xf32>,
        %get3A_786 = arith.index_cast %add3A_776 : i32 to index
        %get3A_787 = arith.constant 48 : index
        %get3A_788 = tpu.vector_load %arg7[%get3A_786, %get3A_787] {strides = array<i32>} : memref<512x64xf32, #tpu.memory_space<vmem>>, vector<16xf32>,
        %broadcast_in_dim3A = arith.constant 0 : i32
        %broadcast_in_dim3A_789 = vector.broadcast %broadcast_in_dim3A : i32 to vector<16xi32>
        %add3A_790 = vector.broadcast %mul3A_661 : i32 to vector<16xi32>
        %add3A_791 = arith.addi %broadcast_in_dim3A_789, %add3A_790 : vector<16xi32>
        tpu.vector_store_idx %arg9[%select_n3A, %select_n3A_169, %add3A_791], %get3A_667 : memref<8x8x129xf32, #tpu.memory_space<vmem>>[vector<16xi32>, vector<16xi32>, vector<16xi32>], vector<16xf32>,
        tpu.vector_store_idx %arg9[%select_n3A_75, %select_n3A_195, %add3A_791], %get3A_670 : memref<8x8x129xf32, #tpu.memory_space<vmem>>[vector<16xi32>, vector<16xi32>, vector<16xi32>], vector<16xf32>,
        tpu.vector_store_idx %arg9[%select_n3A_110, %select_n3A_221, %add3A_791], %get3A_673 : memref<8x8x129xf32, #tpu.memory_space<vmem>>[vector<16xi32>, vector<16xi32>, vector<16xi32>], vector<16xf32>,
        tpu.vector_store_idx %arg9[%select_n3A_145, %select_n3A_247, %add3A_791], %get3A_676 : memref<8x8x129xf32, #tpu.memory_space<vmem>>[vector<16xi32>, vector<16xi32>, vector<16xi32>], vector<16xf32>,
        %broadcast_in_dim3A_792 = arith.constant 1 : i32
        %broadcast_in_dim3A_793 = vector.broadcast %broadcast_in_dim3A_792 : i32 to vector<16xi32>
        %add3A_794 = vector.broadcast %mul3A_661 : i32 to vector<16xi32>
        %add3A_795 = arith.addi %broadcast_in_dim3A_793, %add3A_794 : vector<16xi32>
        tpu.vector_store_idx %arg9[%select_n3A, %select_n3A_169, %add3A_795], %get3A_683 : memref<8x8x129xf32, #tpu.memory_space<vmem>>[vector<16xi32>, vector<16xi32>, vector<16xi32>], vector<16xf32>,
        tpu.vector_store_idx %arg9[%select_n3A_75, %select_n3A_195, %add3A_795], %get3A_686 : memref<8x8x129xf32, #tpu.memory_space<vmem>>[vector<16xi32>, vector<16xi32>, vector<16xi32>], vector<16xf32>,
        tpu.vector_store_idx %arg9[%select_n3A_110, %select_n3A_221, %add3A_795], %get3A_689 : memref<8x8x129xf32, #tpu.memory_space<vmem>>[vector<16xi32>, vector<16xi32>, vector<16xi32>], vector<16xf32>,
        tpu.vector_store_idx %arg9[%select_n3A_145, %select_n3A_247, %add3A_795], %get3A_692 : memref<8x8x129xf32, #tpu.memory_space<vmem>>[vector<16xi32>, vector<16xi32>, vector<16xi32>], vector<16xf32>,
        %broadcast_in_dim3A_796 = arith.constant 2 : i32
        %broadcast_in_dim3A_797 = vector.broadcast %broadcast_in_dim3A_796 : i32 to vector<16xi32>
        %add3A_798 = vector.broadcast %mul3A_661 : i32 to vector<16xi32>
        %add3A_799 = arith.addi %broadcast_in_dim3A_797, %add3A_798 : vector<16xi32>
        tpu.vector_store_idx %arg9[%select_n3A, %select_n3A_169, %add3A_799], %get3A_699 : memref<8x8x129xf32, #tpu.memory_space<vmem>>[vector<16xi32>, vector<16xi32>, vector<16xi32>], vector<16xf32>,
        tpu.vector_store_idx %arg9[%select_n3A_75, %select_n3A_195, %add3A_799], %get3A_702 : memref<8x8x129xf32, #tpu.memory_space<vmem>>[vector<16xi32>, vector<16xi32>, vector<16xi32>], vector<16xf32>,
        tpu.vector_store_idx %arg9[%select_n3A_110, %select_n3A_221, %add3A_799], %get3A_705 : memref<8x8x129xf32, #tpu.memory_space<vmem>>[vector<16xi32>, vector<16xi32>, vector<16xi32>], vector<16xf32>,
        tpu.vector_store_idx %arg9[%select_n3A_145, %select_n3A_247, %add3A_799], %get3A_708 : memref<8x8x129xf32, #tpu.memory_space<vmem>>[vector<16xi32>, vector<16xi32>, vector<16xi32>], vector<16xf32>,
        %broadcast_in_dim3A_800 = arith.constant 3 : i32
        %broadcast_in_dim3A_801 = vector.broadcast %broadcast_in_dim3A_800 : i32 to vector<16xi32>
        %add3A_802 = vector.broadcast %mul3A_661 : i32 to vector<16xi32>
        %add3A_803 = arith.addi %broadcast_in_dim3A_801, %add3A_802 : vector<16xi32>
        tpu.vector_store_idx %arg9[%select_n3A, %select_n3A_169, %add3A_803], %get3A_715 : memref<8x8x129xf32, #tpu.memory_space<vmem>>[vector<16xi32>, vector<16xi32>, vector<16xi32>], vector<16xf32>,
        tpu.vector_store_idx %arg9[%select_n3A_75, %select_n3A_195, %add3A_803], %get3A_718 : memref<8x8x129xf32, #tpu.memory_space<vmem>>[vector<16xi32>, vector<16xi32>, vector<16xi32>], vector<16xf32>,
        tpu.vector_store_idx %arg9[%select_n3A_110, %select_n3A_221, %add3A_803], %get3A_721 : memref<8x8x129xf32, #tpu.memory_space<vmem>>[vector<16xi32>, vector<16xi32>, vector<16xi32>], vector<16xf32>,
        tpu.vector_store_idx %arg9[%select_n3A_145, %select_n3A_247, %add3A_803], %get3A_724 : memref<8x8x129xf32, #tpu.memory_space<vmem>>[vector<16xi32>, vector<16xi32>, vector<16xi32>], vector<16xf32>,
        %broadcast_in_dim3A_804 = arith.constant 4 : i32
        %broadcast_in_dim3A_805 = vector.broadcast %broadcast_in_dim3A_804 : i32 to vector<16xi32>
        %add3A_806 = vector.broadcast %mul3A_661 : i32 to vector<16xi32>
        %add3A_807 = arith.addi %broadcast_in_dim3A_805, %add3A_806 : vector<16xi32>
        tpu.vector_store_idx %arg9[%select_n3A, %select_n3A_169, %add3A_807], %get3A_731 : memref<8x8x129xf32, #tpu.memory_space<vmem>>[vector<16xi32>, vector<16xi32>, vector<16xi32>], vector<16xf32>,
        tpu.vector_store_idx %arg9[%select_n3A_75, %select_n3A_195, %add3A_807], %get3A_734 : memref<8x8x129xf32, #tpu.memory_space<vmem>>[vector<16xi32>, vector<16xi32>, vector<16xi32>], vector<16xf32>,
        tpu.vector_store_idx %arg9[%select_n3A_110, %select_n3A_221, %add3A_807], %get3A_737 : memref<8x8x129xf32, #tpu.memory_space<vmem>>[vector<16xi32>, vector<16xi32>, vector<16xi32>], vector<16xf32>,
        tpu.vector_store_idx %arg9[%select_n3A_145, %select_n3A_247, %add3A_807], %get3A_740 : memref<8x8x129xf32, #tpu.memory_space<vmem>>[vector<16xi32>, vector<16xi32>, vector<16xi32>], vector<16xf32>,
        %broadcast_in_dim3A_808 = arith.constant 5 : i32
        %broadcast_in_dim3A_809 = vector.broadcast %broadcast_in_dim3A_808 : i32 to vector<16xi32>
        %add3A_810 = vector.broadcast %mul3A_661 : i32 to vector<16xi32>
        %add3A_811 = arith.addi %broadcast_in_dim3A_809, %add3A_810 : vector<16xi32>
        tpu.vector_store_idx %arg9[%select_n3A, %select_n3A_169, %add3A_811], %get3A_747 : memref<8x8x129xf32, #tpu.memory_space<vmem>>[vector<16xi32>, vector<16xi32>, vector<16xi32>], vector<16xf32>,
        tpu.vector_store_idx %arg9[%select_n3A_75, %select_n3A_195, %add3A_811], %get3A_750 : memref<8x8x129xf32, #tpu.memory_space<vmem>>[vector<16xi32>, vector<16xi32>, vector<16xi32>], vector<16xf32>,
        tpu.vector_store_idx %arg9[%select_n3A_110, %select_n3A_221, %add3A_811], %get3A_753 : memref<8x8x129xf32, #tpu.memory_space<vmem>>[vector<16xi32>, vector<16xi32>, vector<16xi32>], vector<16xf32>,
        tpu.vector_store_idx %arg9[%select_n3A_145, %select_n3A_247, %add3A_811], %get3A_756 : memref<8x8x129xf32, #tpu.memory_space<vmem>>[vector<16xi32>, vector<16xi32>, vector<16xi32>], vector<16xf32>,
        %broadcast_in_dim3A_812 = arith.constant 6 : i32
        %broadcast_in_dim3A_813 = vector.broadcast %broadcast_in_dim3A_812 : i32 to vector<16xi32>
        %add3A_814 = vector.broadcast %mul3A_661 : i32 to vector<16xi32>
        %add3A_815 = arith.addi %broadcast_in_dim3A_813, %add3A_814 : vector<16xi32>
        tpu.vector_store_idx %arg9[%select_n3A, %select_n3A_169, %add3A_815], %get3A_763 : memref<8x8x129xf32, #tpu.memory_space<vmem>>[vector<16xi32>, vector<16xi32>, vector<16xi32>], vector<16xf32>,
        tpu.vector_store_idx %arg9[%select_n3A_75, %select_n3A_195, %add3A_815], %get3A_766 : memref<8x8x129xf32, #tpu.memory_space<vmem>>[vector<16xi32>, vector<16xi32>, vector<16xi32>], vector<16xf32>,
        tpu.vector_store_idx %arg9[%select_n3A_110, %select_n3A_221, %add3A_815], %get3A_769 : memref<8x8x129xf32, #tpu.memory_space<vmem>>[vector<16xi32>, vector<16xi32>, vector<16xi32>], vector<16xf32>,
        tpu.vector_store_idx %arg9[%select_n3A_145, %select_n3A_247, %add3A_815], %get3A_772 : memref<8x8x129xf32, #tpu.memory_space<vmem>>[vector<16xi32>, vector<16xi32>, vector<16xi32>], vector<16xf32>,
        %broadcast_in_dim3A_816 = arith.constant 7 : i32
        %broadcast_in_dim3A_817 = vector.broadcast %broadcast_in_dim3A_816 : i32 to vector<16xi32>
        %add3A_818 = vector.broadcast %mul3A_661 : i32 to vector<16xi32>
        %add3A_819 = arith.addi %broadcast_in_dim3A_817, %add3A_818 : vector<16xi32>
        tpu.vector_store_idx %arg9[%select_n3A, %select_n3A_169, %add3A_819], %get3A_779 : memref<8x8x129xf32, #tpu.memory_space<vmem>>[vector<16xi32>, vector<16xi32>, vector<16xi32>], vector<16xf32>,
        tpu.vector_store_idx %arg9[%select_n3A_75, %select_n3A_195, %add3A_819], %get3A_782 : memref<8x8x129xf32, #tpu.memory_space<vmem>>[vector<16xi32>, vector<16xi32>, vector<16xi32>], vector<16xf32>,
        tpu.vector_store_idx %arg9[%select_n3A_110, %select_n3A_221, %add3A_819], %get3A_785 : memref<8x8x129xf32, #tpu.memory_space<vmem>>[vector<16xi32>, vector<16xi32>, vector<16xi32>], vector<16xf32>,
        tpu.vector_store_idx %arg9[%select_n3A_145, %select_n3A_247, %add3A_819], %get3A_788 : memref<8x8x129xf32, #tpu.memory_space<vmem>>[vector<16xi32>, vector<16xi32>, vector<16xi32>], vector<16xf32>,
      }
      %scan3A_331 = arith.constant 16 : i32
      %add3A_332 = arith.constant 0 : i32
      %add3A_333 = arith.addi %div3A_321, %add3A_332 : i32
      %dma_start3A_334 = arith.constant 0 : i32
      %dma_start3A_335 = arith.constant 0 : i32
      %dma_start3A_336 = arith.constant 0 : i32
      %dma_start3A_337 = tpu.memref_slice %arg9[%dma_start3A_334, %dma_start3A_335, %dma_start3A_336] : memref<8x8x129xf32, #tpu.memory_space<vmem>> -> memref<8x8x128xf32, #tpu.memory_space<vmem>>
      %dma_start3A_338 = arith.constant 0 : i32
      %dma_start3A_339 = arith.constant 0 : i32
      %dma_start3A_340 = arith.constant 0 : i32
      %dma_start3A_341 = tpu.memref_slice %arg4[%div3A_317, %dma_start3A_338, %add3A_333, %dma_start3A_339, %dma_start3A_340] : memref<200x8x32x8x128xf32, #tpu.memory_space<hbm>> -> memref<1x8x1x8x128xf32, #tpu.memory_space<hbm>>
      %dma_start3A_342 = tpu.memref_squeeze %dma_start3A_341 : memref<1x8x1x8x128xf32, #tpu.memory_space<hbm>> -> memref<8x8x128xf32, #tpu.memory_space<hbm>>
      %dma_start3A_343 = arith.constant 0 : i32
      %dma_start3A_344 = arith.constant 0 : i32
      %dma_start3A_345 = arith.constant 0 : i32
      %dma_start3A_346 = tpu.memref_slice %arg4[%div3A_317, %dma_start3A_343, %add3A_333, %dma_start3A_344, %dma_start3A_345] : memref<200x8x32x8x128xf32, #tpu.memory_space<hbm>> -> memref<1x8x1x8x128xf32, #tpu.memory_space<hbm>>
      %dma_start3A_347 = tpu.memref_squeeze %dma_start3A_346 : memref<1x8x1x8x128xf32, #tpu.memory_space<hbm>> -> memref<8x8x128xf32, #tpu.memory_space<hbm>>
      %dma_start3A_348 = arith.constant 0 : i32
      %dma_start3A_349 = arith.constant 0 : i32
      %dma_start3A_350 = arith.constant 0 : i32
      %dma_start3A_351 = tpu.memref_slice %arg9[%dma_start3A_348, %dma_start3A_349, %dma_start3A_350] : memref<8x8x129xf32, #tpu.memory_space<vmem>> -> memref<8x8x128xf32, #tpu.memory_space<vmem>>
      tpu.enqueue_dma source(%dma_start3A_351 : memref<8x8x128xf32, #tpu.memory_space<vmem>>) target(%dma_start3A_347 : memref<8x8x128xf32, #tpu.memory_space<hbm>>) target_semaphore(%arg13 : memref<!tpu.dma_semaphore, #tpu.memory_space<semaphore_mem>>)
      %gt3A_352 = arith.constant 0 : i32
      %gt3A_353 = arith.cmpi sgt, %add3A_297, %gt3A_352 : i32
      %convert_element_type3A_354 = arith.extui %gt3A_353 : i1 to i32
      %cond3A_355 = arith.constant 0 : i32
      %cond3A_356 = arith.cmpi ne, %convert_element_type3A_354, %cond3A_355 : i32
      scf.if %cond3A_356 {
        %dma_wait3A_659 = arith.constant 0 : i32
        %dma_wait3A_660 = arith.constant 0 : i32
        %dma_wait3A_661 = arith.constant 0 : i32
        %dma_wait3A_662 = arith.constant 0 : i32
        %dma_wait3A_663 = arith.constant 0 : i32
        %dma_wait3A_664 = tpu.memref_slice %arg10[%dma_wait3A_661, %dma_wait3A_662, %dma_wait3A_663] : memref<8x8x129xf32, #tpu.memory_space<vmem>> -> memref<8x8x128xf32, #tpu.memory_space<vmem>>
        %dma_wait3A_665 = arith.constant 0 : i32
        %dma_wait3A_666 = arith.constant 0 : i32
        %dma_wait3A_667 = arith.constant 0 : i32
        %dma_wait3A_668 = tpu.memref_slice %arg4[%dma_wait3A_659, %dma_wait3A_665, %dma_wait3A_660, %dma_wait3A_666, %dma_wait3A_667] : memref<200x8x32x8x128xf32, #tpu.memory_space<hbm>> -> memref<1x8x1x8x128xf32, #tpu.memory_space<hbm>>
        %dma_wait3A_669 = tpu.memref_squeeze %dma_wait3A_668 : memref<1x8x1x8x128xf32, #tpu.memory_space<hbm>> -> memref<8x8x128xf32, #tpu.memory_space<hbm>>
        %dma_wait3A_670 = arith.constant 0 : i32
        %dma_wait3A_671 = arith.constant 0 : i32
        %dma_wait3A_672 = arith.constant 0 : i32
        %dma_wait3A_673 = tpu.memref_slice %arg4[%dma_wait3A_659, %dma_wait3A_670, %dma_wait3A_660, %dma_wait3A_671, %dma_wait3A_672] : memref<200x8x32x8x128xf32, #tpu.memory_space<hbm>> -> memref<1x8x1x8x128xf32, #tpu.memory_space<hbm>>
        %dma_wait3A_674 = tpu.memref_squeeze %dma_wait3A_673 : memref<1x8x1x8x128xf32, #tpu.memory_space<hbm>> -> memref<8x8x128xf32, #tpu.memory_space<hbm>>
        %dma_wait3A_675 = arith.constant 0 : i32
        %dma_wait3A_676 = arith.constant 0 : i32
        %dma_wait3A_677 = arith.constant 0 : i32
        %dma_wait3A_678 = tpu.memref_slice %arg10[%dma_wait3A_675, %dma_wait3A_676, %dma_wait3A_677] : memref<8x8x129xf32, #tpu.memory_space<vmem>> -> memref<8x8x128xf32, #tpu.memory_space<vmem>>
        tpu.wait_dma2 semaphore(%arg13 : memref<!tpu.dma_semaphore, #tpu.memory_space<semaphore_mem>>) src(%dma_wait3A_678 : memref<8x8x128xf32, #tpu.memory_space<vmem>>) dst(%dma_wait3A_674 : memref<8x8x128xf32, #tpu.memory_space<hbm>>)
      } else {
      }
      %scan3A_357 = arith.constant 0 : i32
      %scan3A_358 = arith.constant 0 : i32
      %scan3A_359 = arith.constant 16 : i32
      %scan3A_360 = arith.addi %scan3A_358, %scan3A_359 : i32
      %scan3A_361 = arith.constant 1 : i32
      scf.for %scan3A_659 = %scan3A_358 to %scan3A_360 step %scan3A_361  : i32 {
        %mul3A_660 = arith.constant 8 : i32
        %mul3A_661 = arith.muli %scan3A_659, %mul3A_660 : i32
        %add3A_662 = arith.constant 128 : i32
        %add3A_663 = arith.addi %add3A_662, %mul3A_661 : i32
        %add3A_664 = arith.constant 0 : i32
        %add3A_665 = arith.addi %add3A_663, %add3A_664 : i32
        %get3A = arith.index_cast %add3A_665 : i32 to index
        %get3A_666 = arith.constant 0 : index
        %get3A_667 = tpu.vector_load %arg7[%get3A, %get3A_666] {strides = array<i32>} : memref<512x64xf32, #tpu.memory_space<vmem>>, vector<16xf32>,
        %get3A_668 = arith.index_cast %add3A_665 : i32 to index
        %get3A_669 = arith.constant 16 : index
        %get3A_670 = tpu.vector_load %arg7[%get3A_668, %get3A_669] {strides = array<i32>} : memref<512x64xf32, #tpu.memory_space<vmem>>, vector<16xf32>,
        %get3A_671 = arith.index_cast %add3A_665 : i32 to index
        %get3A_672 = arith.constant 32 : index
        %get3A_673 = tpu.vector_load %arg7[%get3A_671, %get3A_672] {strides = array<i32>} : memref<512x64xf32, #tpu.memory_space<vmem>>, vector<16xf32>,
        %get3A_674 = arith.index_cast %add3A_665 : i32 to index
        %get3A_675 = arith.constant 48 : index
        %get3A_676 = tpu.vector_load %arg7[%get3A_674, %get3A_675] {strides = array<i32>} : memref<512x64xf32, #tpu.memory_space<vmem>>, vector<16xf32>,
        %add3A_677 = arith.constant 128 : i32
        %add3A_678 = arith.addi %add3A_677, %mul3A_661 : i32
        %add3A_679 = arith.constant 1 : i32
        %add3A_680 = arith.addi %add3A_678, %add3A_679 : i32
        %get3A_681 = arith.index_cast %add3A_680 : i32 to index
        %get3A_682 = arith.constant 0 : index
        %get3A_683 = tpu.vector_load %arg7[%get3A_681, %get3A_682] {strides = array<i32>} : memref<512x64xf32, #tpu.memory_space<vmem>>, vector<16xf32>,
        %get3A_684 = arith.index_cast %add3A_680 : i32 to index
        %get3A_685 = arith.constant 16 : index
        %get3A_686 = tpu.vector_load %arg7[%get3A_684, %get3A_685] {strides = array<i32>} : memref<512x64xf32, #tpu.memory_space<vmem>>, vector<16xf32>,
        %get3A_687 = arith.index_cast %add3A_680 : i32 to index
        %get3A_688 = arith.constant 32 : index
        %get3A_689 = tpu.vector_load %arg7[%get3A_687, %get3A_688] {strides = array<i32>} : memref<512x64xf32, #tpu.memory_space<vmem>>, vector<16xf32>,
        %get3A_690 = arith.index_cast %add3A_680 : i32 to index
        %get3A_691 = arith.constant 48 : index
        %get3A_692 = tpu.vector_load %arg7[%get3A_690, %get3A_691] {strides = array<i32>} : memref<512x64xf32, #tpu.memory_space<vmem>>, vector<16xf32>,
        %add3A_693 = arith.constant 128 : i32
        %add3A_694 = arith.addi %add3A_693, %mul3A_661 : i32
        %add3A_695 = arith.constant 2 : i32
        %add3A_696 = arith.addi %add3A_694, %add3A_695 : i32
        %get3A_697 = arith.index_cast %add3A_696 : i32 to index
        %get3A_698 = arith.constant 0 : index
        %get3A_699 = tpu.vector_load %arg7[%get3A_697, %get3A_698] {strides = array<i32>} : memref<512x64xf32, #tpu.memory_space<vmem>>, vector<16xf32>,
        %get3A_700 = arith.index_cast %add3A_696 : i32 to index
        %get3A_701 = arith.constant 16 : index
        %get3A_702 = tpu.vector_load %arg7[%get3A_700, %get3A_701] {strides = array<i32>} : memref<512x64xf32, #tpu.memory_space<vmem>>, vector<16xf32>,
        %get3A_703 = arith.index_cast %add3A_696 : i32 to index
        %get3A_704 = arith.constant 32 : index
        %get3A_705 = tpu.vector_load %arg7[%get3A_703, %get3A_704] {strides = array<i32>} : memref<512x64xf32, #tpu.memory_space<vmem>>, vector<16xf32>,
        %get3A_706 = arith.index_cast %add3A_696 : i32 to index
        %get3A_707 = arith.constant 48 : index
        %get3A_708 = tpu.vector_load %arg7[%get3A_706, %get3A_707] {strides = array<i32>} : memref<512x64xf32, #tpu.memory_space<vmem>>, vector<16xf32>,
        %add3A_709 = arith.constant 128 : i32
        %add3A_710 = arith.addi %add3A_709, %mul3A_661 : i32
        %add3A_711 = arith.constant 3 : i32
        %add3A_712 = arith.addi %add3A_710, %add3A_711 : i32
        %get3A_713 = arith.index_cast %add3A_712 : i32 to index
        %get3A_714 = arith.constant 0 : index
        %get3A_715 = tpu.vector_load %arg7[%get3A_713, %get3A_714] {strides = array<i32>} : memref<512x64xf32, #tpu.memory_space<vmem>>, vector<16xf32>,
        %get3A_716 = arith.index_cast %add3A_712 : i32 to index
        %get3A_717 = arith.constant 16 : index
        %get3A_718 = tpu.vector_load %arg7[%get3A_716, %get3A_717] {strides = array<i32>} : memref<512x64xf32, #tpu.memory_space<vmem>>, vector<16xf32>,
        %get3A_719 = arith.index_cast %add3A_712 : i32 to index
        %get3A_720 = arith.constant 32 : index
        %get3A_721 = tpu.vector_load %arg7[%get3A_719, %get3A_720] {strides = array<i32>} : memref<512x64xf32, #tpu.memory_space<vmem>>, vector<16xf32>,
        %get3A_722 = arith.index_cast %add3A_712 : i32 to index
        %get3A_723 = arith.constant 48 : index
        %get3A_724 = tpu.vector_load %arg7[%get3A_722, %get3A_723] {strides = array<i32>} : memref<512x64xf32, #tpu.memory_space<vmem>>, vector<16xf32>,
        %add3A_725 = arith.constant 128 : i32
        %add3A_726 = arith.addi %add3A_725, %mul3A_661 : i32
        %add3A_727 = arith.constant 4 : i32
        %add3A_728 = arith.addi %add3A_726, %add3A_727 : i32
        %get3A_729 = arith.index_cast %add3A_728 : i32 to index
        %get3A_730 = arith.constant 0 : index
        %get3A_731 = tpu.vector_load %arg7[%get3A_729, %get3A_730] {strides = array<i32>} : memref<512x64xf32, #tpu.memory_space<vmem>>, vector<16xf32>,
        %get3A_732 = arith.index_cast %add3A_728 : i32 to index
        %get3A_733 = arith.constant 16 : index
        %get3A_734 = tpu.vector_load %arg7[%get3A_732, %get3A_733] {strides = array<i32>} : memref<512x64xf32, #tpu.memory_space<vmem>>, vector<16xf32>,
        %get3A_735 = arith.index_cast %add3A_728 : i32 to index
        %get3A_736 = arith.constant 32 : index
        %get3A_737 = tpu.vector_load %arg7[%get3A_735, %get3A_736] {strides = array<i32>} : memref<512x64xf32, #tpu.memory_space<vmem>>, vector<16xf32>,
        %get3A_738 = arith.index_cast %add3A_728 : i32 to index
        %get3A_739 = arith.constant 48 : index
        %get3A_740 = tpu.vector_load %arg7[%get3A_738, %get3A_739] {strides = array<i32>} : memref<512x64xf32, #tpu.memory_space<vmem>>, vector<16xf32>,
        %add3A_741 = arith.constant 128 : i32
        %add3A_742 = arith.addi %add3A_741, %mul3A_661 : i32
        %add3A_743 = arith.constant 5 : i32
        %add3A_744 = arith.addi %add3A_742, %add3A_743 : i32
        %get3A_745 = arith.index_cast %add3A_744 : i32 to index
        %get3A_746 = arith.constant 0 : index
        %get3A_747 = tpu.vector_load %arg7[%get3A_745, %get3A_746] {strides = array<i32>} : memref<512x64xf32, #tpu.memory_space<vmem>>, vector<16xf32>,
        %get3A_748 = arith.index_cast %add3A_744 : i32 to index
        %get3A_749 = arith.constant 16 : index
        %get3A_750 = tpu.vector_load %arg7[%get3A_748, %get3A_749] {strides = array<i32>} : memref<512x64xf32, #tpu.memory_space<vmem>>, vector<16xf32>,
        %get3A_751 = arith.index_cast %add3A_744 : i32 to index
        %get3A_752 = arith.constant 32 : index
        %get3A_753 = tpu.vector_load %arg7[%get3A_751, %get3A_752] {strides = array<i32>} : memref<512x64xf32, #tpu.memory_space<vmem>>, vector<16xf32>,
        %get3A_754 = arith.index_cast %add3A_744 : i32 to index
        %get3A_755 = arith.constant 48 : index
        %get3A_756 = tpu.vector_load %arg7[%get3A_754, %get3A_755] {strides = array<i32>} : memref<512x64xf32, #tpu.memory_space<vmem>>, vector<16xf32>,
        %add3A_757 = arith.constant 128 : i32
        %add3A_758 = arith.addi %add3A_757, %mul3A_661 : i32
        %add3A_759 = arith.constant 6 : i32
        %add3A_760 = arith.addi %add3A_758, %add3A_759 : i32
        %get3A_761 = arith.index_cast %add3A_760 : i32 to index
        %get3A_762 = arith.constant 0 : index
        %get3A_763 = tpu.vector_load %arg7[%get3A_761, %get3A_762] {strides = array<i32>} : memref<512x64xf32, #tpu.memory_space<vmem>>, vector<16xf32>,
        %get3A_764 = arith.index_cast %add3A_760 : i32 to index
        %get3A_765 = arith.constant 16 : index
        %get3A_766 = tpu.vector_load %arg7[%get3A_764, %get3A_765] {strides = array<i32>} : memref<512x64xf32, #tpu.memory_space<vmem>>, vector<16xf32>,
        %get3A_767 = arith.index_cast %add3A_760 : i32 to index
        %get3A_768 = arith.constant 32 : index
        %get3A_769 = tpu.vector_load %arg7[%get3A_767, %get3A_768] {strides = array<i32>} : memref<512x64xf32, #tpu.memory_space<vmem>>, vector<16xf32>,
        %get3A_770 = arith.index_cast %add3A_760 : i32 to index
        %get3A_771 = arith.constant 48 : index
        %get3A_772 = tpu.vector_load %arg7[%get3A_770, %get3A_771] {strides = array<i32>} : memref<512x64xf32, #tpu.memory_space<vmem>>, vector<16xf32>,
        %add3A_773 = arith.constant 128 : i32
        %add3A_774 = arith.addi %add3A_773, %mul3A_661 : i32
        %add3A_775 = arith.constant 7 : i32
        %add3A_776 = arith.addi %add3A_774, %add3A_775 : i32
        %get3A_777 = arith.index_cast %add3A_776 : i32 to index
        %get3A_778 = arith.constant 0 : index
        %get3A_779 = tpu.vector_load %arg7[%get3A_777, %get3A_778] {strides = array<i32>} : memref<512x64xf32, #tpu.memory_space<vmem>>, vector<16xf32>,
        %get3A_780 = arith.index_cast %add3A_776 : i32 to index
        %get3A_781 = arith.constant 16 : index
        %get3A_782 = tpu.vector_load %arg7[%get3A_780, %get3A_781] {strides = array<i32>} : memref<512x64xf32, #tpu.memory_space<vmem>>, vector<16xf32>,
        %get3A_783 = arith.index_cast %add3A_776 : i32 to index
        %get3A_784 = arith.constant 32 : index
        %get3A_785 = tpu.vector_load %arg7[%get3A_783, %get3A_784] {strides = array<i32>} : memref<512x64xf32, #tpu.memory_space<vmem>>, vector<16xf32>,
        %get3A_786 = arith.index_cast %add3A_776 : i32 to index
        %get3A_787 = arith.constant 48 : index
        %get3A_788 = tpu.vector_load %arg7[%get3A_786, %get3A_787] {strides = array<i32>} : memref<512x64xf32, #tpu.memory_space<vmem>>, vector<16xf32>,
        %broadcast_in_dim3A = arith.constant 0 : i32
        %broadcast_in_dim3A_789 = vector.broadcast %broadcast_in_dim3A : i32 to vector<16xi32>
        %add3A_790 = vector.broadcast %mul3A_661 : i32 to vector<16xi32>
        %add3A_791 = arith.addi %broadcast_in_dim3A_789, %add3A_790 : vector<16xi32>
        tpu.vector_store_idx %arg10[%select_n3A, %select_n3A_169, %add3A_791], %get3A_667 : memref<8x8x129xf32, #tpu.memory_space<vmem>>[vector<16xi32>, vector<16xi32>, vector<16xi32>], vector<16xf32>,
        tpu.vector_store_idx %arg10[%select_n3A_75, %select_n3A_195, %add3A_791], %get3A_670 : memref<8x8x129xf32, #tpu.memory_space<vmem>>[vector<16xi32>, vector<16xi32>, vector<16xi32>], vector<16xf32>,
        tpu.vector_store_idx %arg10[%select_n3A_110, %select_n3A_221, %add3A_791], %get3A_673 : memref<8x8x129xf32, #tpu.memory_space<vmem>>[vector<16xi32>, vector<16xi32>, vector<16xi32>], vector<16xf32>,
        tpu.vector_store_idx %arg10[%select_n3A_145, %select_n3A_247, %add3A_791], %get3A_676 : memref<8x8x129xf32, #tpu.memory_space<vmem>>[vector<16xi32>, vector<16xi32>, vector<16xi32>], vector<16xf32>,
        %broadcast_in_dim3A_792 = arith.constant 1 : i32
        %broadcast_in_dim3A_793 = vector.broadcast %broadcast_in_dim3A_792 : i32 to vector<16xi32>
        %add3A_794 = vector.broadcast %mul3A_661 : i32 to vector<16xi32>
        %add3A_795 = arith.addi %broadcast_in_dim3A_793, %add3A_794 : vector<16xi32>
        tpu.vector_store_idx %arg10[%select_n3A, %select_n3A_169, %add3A_795], %get3A_683 : memref<8x8x129xf32, #tpu.memory_space<vmem>>[vector<16xi32>, vector<16xi32>, vector<16xi32>], vector<16xf32>,
        tpu.vector_store_idx %arg10[%select_n3A_75, %select_n3A_195, %add3A_795], %get3A_686 : memref<8x8x129xf32, #tpu.memory_space<vmem>>[vector<16xi32>, vector<16xi32>, vector<16xi32>], vector<16xf32>,
        tpu.vector_store_idx %arg10[%select_n3A_110, %select_n3A_221, %add3A_795], %get3A_689 : memref<8x8x129xf32, #tpu.memory_space<vmem>>[vector<16xi32>, vector<16xi32>, vector<16xi32>], vector<16xf32>,
        tpu.vector_store_idx %arg10[%select_n3A_145, %select_n3A_247, %add3A_795], %get3A_692 : memref<8x8x129xf32, #tpu.memory_space<vmem>>[vector<16xi32>, vector<16xi32>, vector<16xi32>], vector<16xf32>,
        %broadcast_in_dim3A_796 = arith.constant 2 : i32
        %broadcast_in_dim3A_797 = vector.broadcast %broadcast_in_dim3A_796 : i32 to vector<16xi32>
        %add3A_798 = vector.broadcast %mul3A_661 : i32 to vector<16xi32>
        %add3A_799 = arith.addi %broadcast_in_dim3A_797, %add3A_798 : vector<16xi32>
        tpu.vector_store_idx %arg10[%select_n3A, %select_n3A_169, %add3A_799], %get3A_699 : memref<8x8x129xf32, #tpu.memory_space<vmem>>[vector<16xi32>, vector<16xi32>, vector<16xi32>], vector<16xf32>,
        tpu.vector_store_idx %arg10[%select_n3A_75, %select_n3A_195, %add3A_799], %get3A_702 : memref<8x8x129xf32, #tpu.memory_space<vmem>>[vector<16xi32>, vector<16xi32>, vector<16xi32>], vector<16xf32>,
        tpu.vector_store_idx %arg10[%select_n3A_110, %select_n3A_221, %add3A_799], %get3A_705 : memref<8x8x129xf32, #tpu.memory_space<vmem>>[vector<16xi32>, vector<16xi32>, vector<16xi32>], vector<16xf32>,
        tpu.vector_store_idx %arg10[%select_n3A_145, %select_n3A_247, %add3A_799], %get3A_708 : memref<8x8x129xf32, #tpu.memory_space<vmem>>[vector<16xi32>, vector<16xi32>, vector<16xi32>], vector<16xf32>,
        %broadcast_in_dim3A_800 = arith.constant 3 : i32
        %broadcast_in_dim3A_801 = vector.broadcast %broadcast_in_dim3A_800 : i32 to vector<16xi32>
        %add3A_802 = vector.broadcast %mul3A_661 : i32 to vector<16xi32>
        %add3A_803 = arith.addi %broadcast_in_dim3A_801, %add3A_802 : vector<16xi32>
        tpu.vector_store_idx %arg10[%select_n3A, %select_n3A_169, %add3A_803], %get3A_715 : memref<8x8x129xf32, #tpu.memory_space<vmem>>[vector<16xi32>, vector<16xi32>, vector<16xi32>], vector<16xf32>,
        tpu.vector_store_idx %arg10[%select_n3A_75, %select_n3A_195, %add3A_803], %get3A_718 : memref<8x8x129xf32, #tpu.memory_space<vmem>>[vector<16xi32>, vector<16xi32>, vector<16xi32>], vector<16xf32>,
        tpu.vector_store_idx %arg10[%select_n3A_110, %select_n3A_221, %add3A_803], %get3A_721 : memref<8x8x129xf32, #tpu.memory_space<vmem>>[vector<16xi32>, vector<16xi32>, vector<16xi32>], vector<16xf32>,
        tpu.vector_store_idx %arg10[%select_n3A_145, %select_n3A_247, %add3A_803], %get3A_724 : memref<8x8x129xf32, #tpu.memory_space<vmem>>[vector<16xi32>, vector<16xi32>, vector<16xi32>], vector<16xf32>,
        %broadcast_in_dim3A_804 = arith.constant 4 : i32
        %broadcast_in_dim3A_805 = vector.broadcast %broadcast_in_dim3A_804 : i32 to vector<16xi32>
        %add3A_806 = vector.broadcast %mul3A_661 : i32 to vector<16xi32>
        %add3A_807 = arith.addi %broadcast_in_dim3A_805, %add3A_806 : vector<16xi32>
        tpu.vector_store_idx %arg10[%select_n3A, %select_n3A_169, %add3A_807], %get3A_731 : memref<8x8x129xf32, #tpu.memory_space<vmem>>[vector<16xi32>, vector<16xi32>, vector<16xi32>], vector<16xf32>,
        tpu.vector_store_idx %arg10[%select_n3A_75, %select_n3A_195, %add3A_807], %get3A_734 : memref<8x8x129xf32, #tpu.memory_space<vmem>>[vector<16xi32>, vector<16xi32>, vector<16xi32>], vector<16xf32>,
        tpu.vector_store_idx %arg10[%select_n3A_110, %select_n3A_221, %add3A_807], %get3A_737 : memref<8x8x129xf32, #tpu.memory_space<vmem>>[vector<16xi32>, vector<16xi32>, vector<16xi32>], vector<16xf32>,
        tpu.vector_store_idx %arg10[%select_n3A_145, %select_n3A_247, %add3A_807], %get3A_740 : memref<8x8x129xf32, #tpu.memory_space<vmem>>[vector<16xi32>, vector<16xi32>, vector<16xi32>], vector<16xf32>,
        %broadcast_in_dim3A_808 = arith.constant 5 : i32
        %broadcast_in_dim3A_809 = vector.broadcast %broadcast_in_dim3A_808 : i32 to vector<16xi32>
        %add3A_810 = vector.broadcast %mul3A_661 : i32 to vector<16xi32>
        %add3A_811 = arith.addi %broadcast_in_dim3A_809, %add3A_810 : vector<16xi32>
        tpu.vector_store_idx %arg10[%select_n3A, %select_n3A_169, %add3A_811], %get3A_747 : memref<8x8x129xf32, #tpu.memory_space<vmem>>[vector<16xi32>, vector<16xi32>, vector<16xi32>], vector<16xf32>,
        tpu.vector_store_idx %arg10[%select_n3A_75, %select_n3A_195, %add3A_811], %get3A_750 : memref<8x8x129xf32, #tpu.memory_space<vmem>>[vector<16xi32>, vector<16xi32>, vector<16xi32>], vector<16xf32>,
        tpu.vector_store_idx %arg10[%select_n3A_110, %select_n3A_221, %add3A_811], %get3A_753 : memref<8x8x129xf32, #tpu.memory_space<vmem>>[vector<16xi32>, vector<16xi32>, vector<16xi32>], vector<16xf32>,
        tpu.vector_store_idx %arg10[%select_n3A_145, %select_n3A_247, %add3A_811], %get3A_756 : memref<8x8x129xf32, #tpu.memory_space<vmem>>[vector<16xi32>, vector<16xi32>, vector<16xi32>], vector<16xf32>,
        %broadcast_in_dim3A_812 = arith.constant 6 : i32
        %broadcast_in_dim3A_813 = vector.broadcast %broadcast_in_dim3A_812 : i32 to vector<16xi32>
        %add3A_814 = vector.broadcast %mul3A_661 : i32 to vector<16xi32>
        %add3A_815 = arith.addi %broadcast_in_dim3A_813, %add3A_814 : vector<16xi32>
        tpu.vector_store_idx %arg10[%select_n3A, %select_n3A_169, %add3A_815], %get3A_763 : memref<8x8x129xf32, #tpu.memory_space<vmem>>[vector<16xi32>, vector<16xi32>, vector<16xi32>], vector<16xf32>,
        tpu.vector_store_idx %arg10[%select_n3A_75, %select_n3A_195, %add3A_815], %get3A_766 : memref<8x8x129xf32, #tpu.memory_space<vmem>>[vector<16xi32>, vector<16xi32>, vector<16xi32>], vector<16xf32>,
        tpu.vector_store_idx %arg10[%select_n3A_110, %select_n3A_221, %add3A_815], %get3A_769 : memref<8x8x129xf32, #tpu.memory_space<vmem>>[vector<16xi32>, vector<16xi32>, vector<16xi32>], vector<16xf32>,
        tpu.vector_store_idx %arg10[%select_n3A_145, %select_n3A_247, %add3A_815], %get3A_772 : memref<8x8x129xf32, #tpu.memory_space<vmem>>[vector<16xi32>, vector<16xi32>, vector<16xi32>], vector<16xf32>,
        %broadcast_in_dim3A_816 = arith.constant 7 : i32
        %broadcast_in_dim3A_817 = vector.broadcast %broadcast_in_dim3A_816 : i32 to vector<16xi32>
        %add3A_818 = vector.broadcast %mul3A_661 : i32 to vector<16xi32>
        %add3A_819 = arith.addi %broadcast_in_dim3A_817, %add3A_818 : vector<16xi32>
        tpu.vector_store_idx %arg10[%select_n3A, %select_n3A_169, %add3A_819], %get3A_779 : memref<8x8x129xf32, #tpu.memory_space<vmem>>[vector<16xi32>, vector<16xi32>, vector<16xi32>], vector<16xf32>,
        tpu.vector_store_idx %arg10[%select_n3A_75, %select_n3A_195, %add3A_819], %get3A_782 : memref<8x8x129xf32, #tpu.memory_space<vmem>>[vector<16xi32>, vector<16xi32>, vector<16xi32>], vector<16xf32>,
        tpu.vector_store_idx %arg10[%select_n3A_110, %select_n3A_221, %add3A_819], %get3A_785 : memref<8x8x129xf32, #tpu.memory_space<vmem>>[vector<16xi32>, vector<16xi32>, vector<16xi32>], vector<16xf32>,
        tpu.vector_store_idx %arg10[%select_n3A_145, %select_n3A_247, %add3A_819], %get3A_788 : memref<8x8x129xf32, #tpu.memory_space<vmem>>[vector<16xi32>, vector<16xi32>, vector<16xi32>], vector<16xf32>,
      }
      %scan3A_362 = arith.constant 16 : i32
      %add3A_363 = arith.constant 1 : i32
      %add3A_364 = arith.addi %div3A_321, %add3A_363 : i32
      %dma_start3A_365 = arith.constant 0 : i32
      %dma_start3A_366 = arith.constant 0 : i32
      %dma_start3A_367 = arith.constant 0 : i32
      %dma_start3A_368 = tpu.memref_slice %arg10[%dma_start3A_365, %dma_start3A_366, %dma_start3A_367] : memref<8x8x129xf32, #tpu.memory_space<vmem>> -> memref<8x8x128xf32, #tpu.memory_space<vmem>>
      %dma_start3A_369 = arith.constant 0 : i32
      %dma_start3A_370 = arith.constant 0 : i32
      %dma_start3A_371 = arith.constant 0 : i32
      %dma_start3A_372 = tpu.memref_slice %arg4[%div3A_317, %dma_start3A_369, %add3A_364, %dma_start3A_370, %dma_start3A_371] : memref<200x8x32x8x128xf32, #tpu.memory_space<hbm>> -> memref<1x8x1x8x128xf32, #tpu.memory_space<hbm>>
      %dma_start3A_373 = tpu.memref_squeeze %dma_start3A_372 : memref<1x8x1x8x128xf32, #tpu.memory_space<hbm>> -> memref<8x8x128xf32, #tpu.memory_space<hbm>>
      %dma_start3A_374 = arith.constant 0 : i32
      %dma_start3A_375 = arith.constant 0 : i32
      %dma_start3A_376 = arith.constant 0 : i32
      %dma_start3A_377 = tpu.memref_slice %arg4[%div3A_317, %dma_start3A_374, %add3A_364, %dma_start3A_375, %dma_start3A_376] : memref<200x8x32x8x128xf32, #tpu.memory_space<hbm>> -> memref<1x8x1x8x128xf32, #tpu.memory_space<hbm>>
      %dma_start3A_378 = tpu.memref_squeeze %dma_start3A_377 : memref<1x8x1x8x128xf32, #tpu.memory_space<hbm>> -> memref<8x8x128xf32, #tpu.memory_space<hbm>>
      %dma_start3A_379 = arith.constant 0 : i32
      %dma_start3A_380 = arith.constant 0 : i32
      %dma_start3A_381 = arith.constant 0 : i32
      %dma_start3A_382 = tpu.memref_slice %arg10[%dma_start3A_379, %dma_start3A_380, %dma_start3A_381] : memref<8x8x129xf32, #tpu.memory_space<vmem>> -> memref<8x8x128xf32, #tpu.memory_space<vmem>>
      tpu.enqueue_dma source(%dma_start3A_382 : memref<8x8x128xf32, #tpu.memory_space<vmem>>) target(%dma_start3A_378 : memref<8x8x128xf32, #tpu.memory_space<hbm>>) target_semaphore(%arg13 : memref<!tpu.dma_semaphore, #tpu.memory_space<semaphore_mem>>)
      %dma_wait3A_383 = arith.constant 0 : i32
      %dma_wait3A_384 = arith.constant 0 : i32
      %dma_wait3A_385 = arith.constant 0 : i32
      %dma_wait3A_386 = arith.constant 0 : i32
      %dma_wait3A_387 = arith.constant 0 : i32
      %dma_wait3A_388 = tpu.memref_slice %arg9[%dma_wait3A_385, %dma_wait3A_386, %dma_wait3A_387] : memref<8x8x129xf32, #tpu.memory_space<vmem>> -> memref<8x8x128xf32, #tpu.memory_space<vmem>>
      %dma_wait3A_389 = arith.constant 0 : i32
      %dma_wait3A_390 = arith.constant 0 : i32
      %dma_wait3A_391 = arith.constant 0 : i32
      %dma_wait3A_392 = tpu.memref_slice %arg4[%dma_wait3A_383, %dma_wait3A_389, %dma_wait3A_384, %dma_wait3A_390, %dma_wait3A_391] : memref<200x8x32x8x128xf32, #tpu.memory_space<hbm>> -> memref<1x8x1x8x128xf32, #tpu.memory_space<hbm>>
      %dma_wait3A_393 = tpu.memref_squeeze %dma_wait3A_392 : memref<1x8x1x8x128xf32, #tpu.memory_space<hbm>> -> memref<8x8x128xf32, #tpu.memory_space<hbm>>
      %dma_wait3A_394 = arith.constant 0 : i32
      %dma_wait3A_395 = arith.constant 0 : i32
      %dma_wait3A_396 = arith.constant 0 : i32
      %dma_wait3A_397 = tpu.memref_slice %arg4[%dma_wait3A_383, %dma_wait3A_394, %dma_wait3A_384, %dma_wait3A_395, %dma_wait3A_396] : memref<200x8x32x8x128xf32, #tpu.memory_space<hbm>> -> memref<1x8x1x8x128xf32, #tpu.memory_space<hbm>>
      %dma_wait3A_398 = tpu.memref_squeeze %dma_wait3A_397 : memref<1x8x1x8x128xf32, #tpu.memory_space<hbm>> -> memref<8x8x128xf32, #tpu.memory_space<hbm>>
      %dma_wait3A_399 = arith.constant 0 : i32
      %dma_wait3A_400 = arith.constant 0 : i32
      %dma_wait3A_401 = arith.constant 0 : i32
      %dma_wait3A_402 = tpu.memref_slice %arg9[%dma_wait3A_399, %dma_wait3A_400, %dma_wait3A_401] : memref<8x8x129xf32, #tpu.memory_space<vmem>> -> memref<8x8x128xf32, #tpu.memory_space<vmem>>
      tpu.wait_dma2 semaphore(%arg13 : memref<!tpu.dma_semaphore, #tpu.memory_space<semaphore_mem>>) src(%dma_wait3A_402 : memref<8x8x128xf32, #tpu.memory_space<vmem>>) dst(%dma_wait3A_398 : memref<8x8x128xf32, #tpu.memory_space<hbm>>)
      %scan3A_403 = arith.constant 0 : i32
      %scan3A_404 = arith.constant 0 : i32
      %scan3A_405 = arith.constant 16 : i32
      %scan3A_406 = arith.addi %scan3A_404, %scan3A_405 : i32
      %scan3A_407 = arith.constant 1 : i32
      scf.for %scan3A_659 = %scan3A_404 to %scan3A_406 step %scan3A_407  : i32 {
        %mul3A_660 = arith.constant 8 : i32
        %mul3A_661 = arith.muli %scan3A_659, %mul3A_660 : i32
        %add3A_662 = arith.constant 256 : i32
        %add3A_663 = arith.addi %add3A_662, %mul3A_661 : i32
        %add3A_664 = arith.constant 0 : i32
        %add3A_665 = arith.addi %add3A_663, %add3A_664 : i32
        %get3A = arith.index_cast %add3A_665 : i32 to index
        %get3A_666 = arith.constant 0 : index
        %get3A_667 = tpu.vector_load %arg7[%get3A, %get3A_666] {strides = array<i32>} : memref<512x64xf32, #tpu.memory_space<vmem>>, vector<16xf32>,
        %get3A_668 = arith.index_cast %add3A_665 : i32 to index
        %get3A_669 = arith.constant 16 : index
        %get3A_670 = tpu.vector_load %arg7[%get3A_668, %get3A_669] {strides = array<i32>} : memref<512x64xf32, #tpu.memory_space<vmem>>, vector<16xf32>,
        %get3A_671 = arith.index_cast %add3A_665 : i32 to index
        %get3A_672 = arith.constant 32 : index
        %get3A_673 = tpu.vector_load %arg7[%get3A_671, %get3A_672] {strides = array<i32>} : memref<512x64xf32, #tpu.memory_space<vmem>>, vector<16xf32>,
        %get3A_674 = arith.index_cast %add3A_665 : i32 to index
        %get3A_675 = arith.constant 48 : index
        %get3A_676 = tpu.vector_load %arg7[%get3A_674, %get3A_675] {strides = array<i32>} : memref<512x64xf32, #tpu.memory_space<vmem>>, vector<16xf32>,
        %add3A_677 = arith.constant 256 : i32
        %add3A_678 = arith.addi %add3A_677, %mul3A_661 : i32
        %add3A_679 = arith.constant 1 : i32
        %add3A_680 = arith.addi %add3A_678, %add3A_679 : i32
        %get3A_681 = arith.index_cast %add3A_680 : i32 to index
        %get3A_682 = arith.constant 0 : index
        %get3A_683 = tpu.vector_load %arg7[%get3A_681, %get3A_682] {strides = array<i32>} : memref<512x64xf32, #tpu.memory_space<vmem>>, vector<16xf32>,
        %get3A_684 = arith.index_cast %add3A_680 : i32 to index
        %get3A_685 = arith.constant 16 : index
        %get3A_686 = tpu.vector_load %arg7[%get3A_684, %get3A_685] {strides = array<i32>} : memref<512x64xf32, #tpu.memory_space<vmem>>, vector<16xf32>,
        %get3A_687 = arith.index_cast %add3A_680 : i32 to index
        %get3A_688 = arith.constant 32 : index
        %get3A_689 = tpu.vector_load %arg7[%get3A_687, %get3A_688] {strides = array<i32>} : memref<512x64xf32, #tpu.memory_space<vmem>>, vector<16xf32>,
        %get3A_690 = arith.index_cast %add3A_680 : i32 to index
        %get3A_691 = arith.constant 48 : index
        %get3A_692 = tpu.vector_load %arg7[%get3A_690, %get3A_691] {strides = array<i32>} : memref<512x64xf32, #tpu.memory_space<vmem>>, vector<16xf32>,
        %add3A_693 = arith.constant 256 : i32
        %add3A_694 = arith.addi %add3A_693, %mul3A_661 : i32
        %add3A_695 = arith.constant 2 : i32
        %add3A_696 = arith.addi %add3A_694, %add3A_695 : i32
        %get3A_697 = arith.index_cast %add3A_696 : i32 to index
        %get3A_698 = arith.constant 0 : index
        %get3A_699 = tpu.vector_load %arg7[%get3A_697, %get3A_698] {strides = array<i32>} : memref<512x64xf32, #tpu.memory_space<vmem>>, vector<16xf32>,
        %get3A_700 = arith.index_cast %add3A_696 : i32 to index
        %get3A_701 = arith.constant 16 : index
        %get3A_702 = tpu.vector_load %arg7[%get3A_700, %get3A_701] {strides = array<i32>} : memref<512x64xf32, #tpu.memory_space<vmem>>, vector<16xf32>,
        %get3A_703 = arith.index_cast %add3A_696 : i32 to index
        %get3A_704 = arith.constant 32 : index
        %get3A_705 = tpu.vector_load %arg7[%get3A_703, %get3A_704] {strides = array<i32>} : memref<512x64xf32, #tpu.memory_space<vmem>>, vector<16xf32>,
        %get3A_706 = arith.index_cast %add3A_696 : i32 to index
        %get3A_707 = arith.constant 48 : index
        %get3A_708 = tpu.vector_load %arg7[%get3A_706, %get3A_707] {strides = array<i32>} : memref<512x64xf32, #tpu.memory_space<vmem>>, vector<16xf32>,
        %add3A_709 = arith.constant 256 : i32
        %add3A_710 = arith.addi %add3A_709, %mul3A_661 : i32
        %add3A_711 = arith.constant 3 : i32
        %add3A_712 = arith.addi %add3A_710, %add3A_711 : i32
        %get3A_713 = arith.index_cast %add3A_712 : i32 to index
        %get3A_714 = arith.constant 0 : index
        %get3A_715 = tpu.vector_load %arg7[%get3A_713, %get3A_714] {strides = array<i32>} : memref<512x64xf32, #tpu.memory_space<vmem>>, vector<16xf32>,
        %get3A_716 = arith.index_cast %add3A_712 : i32 to index
        %get3A_717 = arith.constant 16 : index
        %get3A_718 = tpu.vector_load %arg7[%get3A_716, %get3A_717] {strides = array<i32>} : memref<512x64xf32, #tpu.memory_space<vmem>>, vector<16xf32>,
        %get3A_719 = arith.index_cast %add3A_712 : i32 to index
        %get3A_720 = arith.constant 32 : index
        %get3A_721 = tpu.vector_load %arg7[%get3A_719, %get3A_720] {strides = array<i32>} : memref<512x64xf32, #tpu.memory_space<vmem>>, vector<16xf32>,
        %get3A_722 = arith.index_cast %add3A_712 : i32 to index
        %get3A_723 = arith.constant 48 : index
        %get3A_724 = tpu.vector_load %arg7[%get3A_722, %get3A_723] {strides = array<i32>} : memref<512x64xf32, #tpu.memory_space<vmem>>, vector<16xf32>,
        %add3A_725 = arith.constant 256 : i32
        %add3A_726 = arith.addi %add3A_725, %mul3A_661 : i32
        %add3A_727 = arith.constant 4 : i32
        %add3A_728 = arith.addi %add3A_726, %add3A_727 : i32
        %get3A_729 = arith.index_cast %add3A_728 : i32 to index
        %get3A_730 = arith.constant 0 : index
        %get3A_731 = tpu.vector_load %arg7[%get3A_729, %get3A_730] {strides = array<i32>} : memref<512x64xf32, #tpu.memory_space<vmem>>, vector<16xf32>,
        %get3A_732 = arith.index_cast %add3A_728 : i32 to index
        %get3A_733 = arith.constant 16 : index
        %get3A_734 = tpu.vector_load %arg7[%get3A_732, %get3A_733] {strides = array<i32>} : memref<512x64xf32, #tpu.memory_space<vmem>>, vector<16xf32>,
        %get3A_735 = arith.index_cast %add3A_728 : i32 to index
        %get3A_736 = arith.constant 32 : index
        %get3A_737 = tpu.vector_load %arg7[%get3A_735, %get3A_736] {strides = array<i32>} : memref<512x64xf32, #tpu.memory_space<vmem>>, vector<16xf32>,
        %get3A_738 = arith.index_cast %add3A_728 : i32 to index
        %get3A_739 = arith.constant 48 : index
        %get3A_740 = tpu.vector_load %arg7[%get3A_738, %get3A_739] {strides = array<i32>} : memref<512x64xf32, #tpu.memory_space<vmem>>, vector<16xf32>,
        %add3A_741 = arith.constant 256 : i32
        %add3A_742 = arith.addi %add3A_741, %mul3A_661 : i32
        %add3A_743 = arith.constant 5 : i32
        %add3A_744 = arith.addi %add3A_742, %add3A_743 : i32
        %get3A_745 = arith.index_cast %add3A_744 : i32 to index
        %get3A_746 = arith.constant 0 : index
        %get3A_747 = tpu.vector_load %arg7[%get3A_745, %get3A_746] {strides = array<i32>} : memref<512x64xf32, #tpu.memory_space<vmem>>, vector<16xf32>,
        %get3A_748 = arith.index_cast %add3A_744 : i32 to index
        %get3A_749 = arith.constant 16 : index
        %get3A_750 = tpu.vector_load %arg7[%get3A_748, %get3A_749] {strides = array<i32>} : memref<512x64xf32, #tpu.memory_space<vmem>>, vector<16xf32>,
        %get3A_751 = arith.index_cast %add3A_744 : i32 to index
        %get3A_752 = arith.constant 32 : index
        %get3A_753 = tpu.vector_load %arg7[%get3A_751, %get3A_752] {strides = array<i32>} : memref<512x64xf32, #tpu.memory_space<vmem>>, vector<16xf32>,
        %get3A_754 = arith.index_cast %add3A_744 : i32 to index
        %get3A_755 = arith.constant 48 : index
        %get3A_756 = tpu.vector_load %arg7[%get3A_754, %get3A_755] {strides = array<i32>} : memref<512x64xf32, #tpu.memory_space<vmem>>, vector<16xf32>,
        %add3A_757 = arith.constant 256 : i32
        %add3A_758 = arith.addi %add3A_757, %mul3A_661 : i32
        %add3A_759 = arith.constant 6 : i32
        %add3A_760 = arith.addi %add3A_758, %add3A_759 : i32
        %get3A_761 = arith.index_cast %add3A_760 : i32 to index
        %get3A_762 = arith.constant 0 : index
        %get3A_763 = tpu.vector_load %arg7[%get3A_761, %get3A_762] {strides = array<i32>} : memref<512x64xf32, #tpu.memory_space<vmem>>, vector<16xf32>,
        %get3A_764 = arith.index_cast %add3A_760 : i32 to index
        %get3A_765 = arith.constant 16 : index
        %get3A_766 = tpu.vector_load %arg7[%get3A_764, %get3A_765] {strides = array<i32>} : memref<512x64xf32, #tpu.memory_space<vmem>>, vector<16xf32>,
        %get3A_767 = arith.index_cast %add3A_760 : i32 to index
        %get3A_768 = arith.constant 32 : index
        %get3A_769 = tpu.vector_load %arg7[%get3A_767, %get3A_768] {strides = array<i32>} : memref<512x64xf32, #tpu.memory_space<vmem>>, vector<16xf32>,
        %get3A_770 = arith.index_cast %add3A_760 : i32 to index
        %get3A_771 = arith.constant 48 : index
        %get3A_772 = tpu.vector_load %arg7[%get3A_770, %get3A_771] {strides = array<i32>} : memref<512x64xf32, #tpu.memory_space<vmem>>, vector<16xf32>,
        %add3A_773 = arith.constant 256 : i32
        %add3A_774 = arith.addi %add3A_773, %mul3A_661 : i32
        %add3A_775 = arith.constant 7 : i32
        %add3A_776 = arith.addi %add3A_774, %add3A_775 : i32
        %get3A_777 = arith.index_cast %add3A_776 : i32 to index
        %get3A_778 = arith.constant 0 : index
        %get3A_779 = tpu.vector_load %arg7[%get3A_777, %get3A_778] {strides = array<i32>} : memref<512x64xf32, #tpu.memory_space<vmem>>, vector<16xf32>,
        %get3A_780 = arith.index_cast %add3A_776 : i32 to index
        %get3A_781 = arith.constant 16 : index
        %get3A_782 = tpu.vector_load %arg7[%get3A_780, %get3A_781] {strides = array<i32>} : memref<512x64xf32, #tpu.memory_space<vmem>>, vector<16xf32>,
        %get3A_783 = arith.index_cast %add3A_776 : i32 to index
        %get3A_784 = arith.constant 32 : index
        %get3A_785 = tpu.vector_load %arg7[%get3A_783, %get3A_784] {strides = array<i32>} : memref<512x64xf32, #tpu.memory_space<vmem>>, vector<16xf32>,
        %get3A_786 = arith.index_cast %add3A_776 : i32 to index
        %get3A_787 = arith.constant 48 : index
        %get3A_788 = tpu.vector_load %arg7[%get3A_786, %get3A_787] {strides = array<i32>} : memref<512x64xf32, #tpu.memory_space<vmem>>, vector<16xf32>,
        %broadcast_in_dim3A = arith.constant 0 : i32
        %broadcast_in_dim3A_789 = vector.broadcast %broadcast_in_dim3A : i32 to vector<16xi32>
        %add3A_790 = vector.broadcast %mul3A_661 : i32 to vector<16xi32>
        %add3A_791 = arith.addi %broadcast_in_dim3A_789, %add3A_790 : vector<16xi32>
        tpu.vector_store_idx %arg9[%select_n3A, %select_n3A_169, %add3A_791], %get3A_667 : memref<8x8x129xf32, #tpu.memory_space<vmem>>[vector<16xi32>, vector<16xi32>, vector<16xi32>], vector<16xf32>,
        tpu.vector_store_idx %arg9[%select_n3A_75, %select_n3A_195, %add3A_791], %get3A_670 : memref<8x8x129xf32, #tpu.memory_space<vmem>>[vector<16xi32>, vector<16xi32>, vector<16xi32>], vector<16xf32>,
        tpu.vector_store_idx %arg9[%select_n3A_110, %select_n3A_221, %add3A_791], %get3A_673 : memref<8x8x129xf32, #tpu.memory_space<vmem>>[vector<16xi32>, vector<16xi32>, vector<16xi32>], vector<16xf32>,
        tpu.vector_store_idx %arg9[%select_n3A_145, %select_n3A_247, %add3A_791], %get3A_676 : memref<8x8x129xf32, #tpu.memory_space<vmem>>[vector<16xi32>, vector<16xi32>, vector<16xi32>], vector<16xf32>,
        %broadcast_in_dim3A_792 = arith.constant 1 : i32
        %broadcast_in_dim3A_793 = vector.broadcast %broadcast_in_dim3A_792 : i32 to vector<16xi32>
        %add3A_794 = vector.broadcast %mul3A_661 : i32 to vector<16xi32>
        %add3A_795 = arith.addi %broadcast_in_dim3A_793, %add3A_794 : vector<16xi32>
        tpu.vector_store_idx %arg9[%select_n3A, %select_n3A_169, %add3A_795], %get3A_683 : memref<8x8x129xf32, #tpu.memory_space<vmem>>[vector<16xi32>, vector<16xi32>, vector<16xi32>], vector<16xf32>,
        tpu.vector_store_idx %arg9[%select_n3A_75, %select_n3A_195, %add3A_795], %get3A_686 : memref<8x8x129xf32, #tpu.memory_space<vmem>>[vector<16xi32>, vector<16xi32>, vector<16xi32>], vector<16xf32>,
        tpu.vector_store_idx %arg9[%select_n3A_110, %select_n3A_221, %add3A_795], %get3A_689 : memref<8x8x129xf32, #tpu.memory_space<vmem>>[vector<16xi32>, vector<16xi32>, vector<16xi32>], vector<16xf32>,
        tpu.vector_store_idx %arg9[%select_n3A_145, %select_n3A_247, %add3A_795], %get3A_692 : memref<8x8x129xf32, #tpu.memory_space<vmem>>[vector<16xi32>, vector<16xi32>, vector<16xi32>], vector<16xf32>,
        %broadcast_in_dim3A_796 = arith.constant 2 : i32
        %broadcast_in_dim3A_797 = vector.broadcast %broadcast_in_dim3A_796 : i32 to vector<16xi32>
        %add3A_798 = vector.broadcast %mul3A_661 : i32 to vector<16xi32>
        %add3A_799 = arith.addi %broadcast_in_dim3A_797, %add3A_798 : vector<16xi32>
        tpu.vector_store_idx %arg9[%select_n3A, %select_n3A_169, %add3A_799], %get3A_699 : memref<8x8x129xf32, #tpu.memory_space<vmem>>[vector<16xi32>, vector<16xi32>, vector<16xi32>], vector<16xf32>,
        tpu.vector_store_idx %arg9[%select_n3A_75, %select_n3A_195, %add3A_799], %get3A_702 : memref<8x8x129xf32, #tpu.memory_space<vmem>>[vector<16xi32>, vector<16xi32>, vector<16xi32>], vector<16xf32>,
        tpu.vector_store_idx %arg9[%select_n3A_110, %select_n3A_221, %add3A_799], %get3A_705 : memref<8x8x129xf32, #tpu.memory_space<vmem>>[vector<16xi32>, vector<16xi32>, vector<16xi32>], vector<16xf32>,
        tpu.vector_store_idx %arg9[%select_n3A_145, %select_n3A_247, %add3A_799], %get3A_708 : memref<8x8x129xf32, #tpu.memory_space<vmem>>[vector<16xi32>, vector<16xi32>, vector<16xi32>], vector<16xf32>,
        %broadcast_in_dim3A_800 = arith.constant 3 : i32
        %broadcast_in_dim3A_801 = vector.broadcast %broadcast_in_dim3A_800 : i32 to vector<16xi32>
        %add3A_802 = vector.broadcast %mul3A_661 : i32 to vector<16xi32>
        %add3A_803 = arith.addi %broadcast_in_dim3A_801, %add3A_802 : vector<16xi32>
        tpu.vector_store_idx %arg9[%select_n3A, %select_n3A_169, %add3A_803], %get3A_715 : memref<8x8x129xf32, #tpu.memory_space<vmem>>[vector<16xi32>, vector<16xi32>, vector<16xi32>], vector<16xf32>,
        tpu.vector_store_idx %arg9[%select_n3A_75, %select_n3A_195, %add3A_803], %get3A_718 : memref<8x8x129xf32, #tpu.memory_space<vmem>>[vector<16xi32>, vector<16xi32>, vector<16xi32>], vector<16xf32>,
        tpu.vector_store_idx %arg9[%select_n3A_110, %select_n3A_221, %add3A_803], %get3A_721 : memref<8x8x129xf32, #tpu.memory_space<vmem>>[vector<16xi32>, vector<16xi32>, vector<16xi32>], vector<16xf32>,
        tpu.vector_store_idx %arg9[%select_n3A_145, %select_n3A_247, %add3A_803], %get3A_724 : memref<8x8x129xf32, #tpu.memory_space<vmem>>[vector<16xi32>, vector<16xi32>, vector<16xi32>], vector<16xf32>,
        %broadcast_in_dim3A_804 = arith.constant 4 : i32
        %broadcast_in_dim3A_805 = vector.broadcast %broadcast_in_dim3A_804 : i32 to vector<16xi32>
        %add3A_806 = vector.broadcast %mul3A_661 : i32 to vector<16xi32>
        %add3A_807 = arith.addi %broadcast_in_dim3A_805, %add3A_806 : vector<16xi32>
        tpu.vector_store_idx %arg9[%select_n3A, %select_n3A_169, %add3A_807], %get3A_731 : memref<8x8x129xf32, #tpu.memory_space<vmem>>[vector<16xi32>, vector<16xi32>, vector<16xi32>], vector<16xf32>,
        tpu.vector_store_idx %arg9[%select_n3A_75, %select_n3A_195, %add3A_807], %get3A_734 : memref<8x8x129xf32, #tpu.memory_space<vmem>>[vector<16xi32>, vector<16xi32>, vector<16xi32>], vector<16xf32>,
        tpu.vector_store_idx %arg9[%select_n3A_110, %select_n3A_221, %add3A_807], %get3A_737 : memref<8x8x129xf32, #tpu.memory_space<vmem>>[vector<16xi32>, vector<16xi32>, vector<16xi32>], vector<16xf32>,
        tpu.vector_store_idx %arg9[%select_n3A_145, %select_n3A_247, %add3A_807], %get3A_740 : memref<8x8x129xf32, #tpu.memory_space<vmem>>[vector<16xi32>, vector<16xi32>, vector<16xi32>], vector<16xf32>,
        %broadcast_in_dim3A_808 = arith.constant 5 : i32
        %broadcast_in_dim3A_809 = vector.broadcast %broadcast_in_dim3A_808 : i32 to vector<16xi32>
        %add3A_810 = vector.broadcast %mul3A_661 : i32 to vector<16xi32>
        %add3A_811 = arith.addi %broadcast_in_dim3A_809, %add3A_810 : vector<16xi32>
        tpu.vector_store_idx %arg9[%select_n3A, %select_n3A_169, %add3A_811], %get3A_747 : memref<8x8x129xf32, #tpu.memory_space<vmem>>[vector<16xi32>, vector<16xi32>, vector<16xi32>], vector<16xf32>,
        tpu.vector_store_idx %arg9[%select_n3A_75, %select_n3A_195, %add3A_811], %get3A_750 : memref<8x8x129xf32, #tpu.memory_space<vmem>>[vector<16xi32>, vector<16xi32>, vector<16xi32>], vector<16xf32>,
        tpu.vector_store_idx %arg9[%select_n3A_110, %select_n3A_221, %add3A_811], %get3A_753 : memref<8x8x129xf32, #tpu.memory_space<vmem>>[vector<16xi32>, vector<16xi32>, vector<16xi32>], vector<16xf32>,
        tpu.vector_store_idx %arg9[%select_n3A_145, %select_n3A_247, %add3A_811], %get3A_756 : memref<8x8x129xf32, #tpu.memory_space<vmem>>[vector<16xi32>, vector<16xi32>, vector<16xi32>], vector<16xf32>,
        %broadcast_in_dim3A_812 = arith.constant 6 : i32
        %broadcast_in_dim3A_813 = vector.broadcast %broadcast_in_dim3A_812 : i32 to vector<16xi32>
        %add3A_814 = vector.broadcast %mul3A_661 : i32 to vector<16xi32>
        %add3A_815 = arith.addi %broadcast_in_dim3A_813, %add3A_814 : vector<16xi32>
        tpu.vector_store_idx %arg9[%select_n3A, %select_n3A_169, %add3A_815], %get3A_763 : memref<8x8x129xf32, #tpu.memory_space<vmem>>[vector<16xi32>, vector<16xi32>, vector<16xi32>], vector<16xf32>,
        tpu.vector_store_idx %arg9[%select_n3A_75, %select_n3A_195, %add3A_815], %get3A_766 : memref<8x8x129xf32, #tpu.memory_space<vmem>>[vector<16xi32>, vector<16xi32>, vector<16xi32>], vector<16xf32>,
        tpu.vector_store_idx %arg9[%select_n3A_110, %select_n3A_221, %add3A_815], %get3A_769 : memref<8x8x129xf32, #tpu.memory_space<vmem>>[vector<16xi32>, vector<16xi32>, vector<16xi32>], vector<16xf32>,
        tpu.vector_store_idx %arg9[%select_n3A_145, %select_n3A_247, %add3A_815], %get3A_772 : memref<8x8x129xf32, #tpu.memory_space<vmem>>[vector<16xi32>, vector<16xi32>, vector<16xi32>], vector<16xf32>,
        %broadcast_in_dim3A_816 = arith.constant 7 : i32
        %broadcast_in_dim3A_817 = vector.broadcast %broadcast_in_dim3A_816 : i32 to vector<16xi32>
        %add3A_818 = vector.broadcast %mul3A_661 : i32 to vector<16xi32>
        %add3A_819 = arith.addi %broadcast_in_dim3A_817, %add3A_818 : vector<16xi32>
        tpu.vector_store_idx %arg9[%select_n3A, %select_n3A_169, %add3A_819], %get3A_779 : memref<8x8x129xf32, #tpu.memory_space<vmem>>[vector<16xi32>, vector<16xi32>, vector<16xi32>], vector<16xf32>,
        tpu.vector_store_idx %arg9[%select_n3A_75, %select_n3A_195, %add3A_819], %get3A_782 : memref<8x8x129xf32, #tpu.memory_space<vmem>>[vector<16xi32>, vector<16xi32>, vector<16xi32>], vector<16xf32>,
        tpu.vector_store_idx %arg9[%select_n3A_110, %select_n3A_221, %add3A_819], %get3A_785 : memref<8x8x129xf32, #tpu.memory_space<vmem>>[vector<16xi32>, vector<16xi32>, vector<16xi32>], vector<16xf32>,
        tpu.vector_store_idx %arg9[%select_n3A_145, %select_n3A_247, %add3A_819], %get3A_788 : memref<8x8x129xf32, #tpu.memory_space<vmem>>[vector<16xi32>, vector<16xi32>, vector<16xi32>], vector<16xf32>,
      }
      %scan3A_408 = arith.constant 16 : i32
      %add3A_409 = arith.constant 2 : i32
      %add3A_410 = arith.addi %div3A_321, %add3A_409 : i32
      %dma_start3A_411 = arith.constant 0 : i32
      %dma_start3A_412 = arith.constant 0 : i32
      %dma_start3A_413 = arith.constant 0 : i32
      %dma_start3A_414 = tpu.memref_slice %arg9[%dma_start3A_411, %dma_start3A_412, %dma_start3A_413] : memref<8x8x129xf32, #tpu.memory_space<vmem>> -> memref<8x8x128xf32, #tpu.memory_space<vmem>>
      %dma_start3A_415 = arith.constant 0 : i32
      %dma_start3A_416 = arith.constant 0 : i32
      %dma_start3A_417 = arith.constant 0 : i32
      %dma_start3A_418 = tpu.memref_slice %arg4[%div3A_317, %dma_start3A_415, %add3A_410, %dma_start3A_416, %dma_start3A_417] : memref<200x8x32x8x128xf32, #tpu.memory_space<hbm>> -> memref<1x8x1x8x128xf32, #tpu.memory_space<hbm>>
      %dma_start3A_419 = tpu.memref_squeeze %dma_start3A_418 : memref<1x8x1x8x128xf32, #tpu.memory_space<hbm>> -> memref<8x8x128xf32, #tpu.memory_space<hbm>>
      %dma_start3A_420 = arith.constant 0 : i32
      %dma_start3A_421 = arith.constant 0 : i32
      %dma_start3A_422 = arith.constant 0 : i32
      %dma_start3A_423 = tpu.memref_slice %arg4[%div3A_317, %dma_start3A_420, %add3A_410, %dma_start3A_421, %dma_start3A_422] : memref<200x8x32x8x128xf32, #tpu.memory_space<hbm>> -> memref<1x8x1x8x128xf32, #tpu.memory_space<hbm>>
      %dma_start3A_424 = tpu.memref_squeeze %dma_start3A_423 : memref<1x8x1x8x128xf32, #tpu.memory_space<hbm>> -> memref<8x8x128xf32, #tpu.memory_space<hbm>>
      %dma_start3A_425 = arith.constant 0 : i32
      %dma_start3A_426 = arith.constant 0 : i32
      %dma_start3A_427 = arith.constant 0 : i32
      %dma_start3A_428 = tpu.memref_slice %arg9[%dma_start3A_425, %dma_start3A_426, %dma_start3A_427] : memref<8x8x129xf32, #tpu.memory_space<vmem>> -> memref<8x8x128xf32, #tpu.memory_space<vmem>>
      tpu.enqueue_dma source(%dma_start3A_428 : memref<8x8x128xf32, #tpu.memory_space<vmem>>) target(%dma_start3A_424 : memref<8x8x128xf32, #tpu.memory_space<hbm>>) target_semaphore(%arg13 : memref<!tpu.dma_semaphore, #tpu.memory_space<semaphore_mem>>)
      %dma_wait3A_429 = arith.constant 0 : i32
      %dma_wait3A_430 = arith.constant 0 : i32
      %dma_wait3A_431 = arith.constant 0 : i32
      %dma_wait3A_432 = arith.constant 0 : i32
      %dma_wait3A_433 = arith.constant 0 : i32
      %dma_wait3A_434 = tpu.memref_slice %arg10[%dma_wait3A_431, %dma_wait3A_432, %dma_wait3A_433] : memref<8x8x129xf32, #tpu.memory_space<vmem>> -> memref<8x8x128xf32, #tpu.memory_space<vmem>>
      %dma_wait3A_435 = arith.constant 0 : i32
      %dma_wait3A_436 = arith.constant 0 : i32
      %dma_wait3A_437 = arith.constant 0 : i32
      %dma_wait3A_438 = tpu.memref_slice %arg4[%dma_wait3A_429, %dma_wait3A_435, %dma_wait3A_430, %dma_wait3A_436, %dma_wait3A_437] : memref<200x8x32x8x128xf32, #tpu.memory_space<hbm>> -> memref<1x8x1x8x128xf32, #tpu.memory_space<hbm>>
      %dma_wait3A_439 = tpu.memref_squeeze %dma_wait3A_438 : memref<1x8x1x8x128xf32, #tpu.memory_space<hbm>> -> memref<8x8x128xf32, #tpu.memory_space<hbm>>
      %dma_wait3A_440 = arith.constant 0 : i32
      %dma_wait3A_441 = arith.constant 0 : i32
      %dma_wait3A_442 = arith.constant 0 : i32
      %dma_wait3A_443 = tpu.memref_slice %arg4[%dma_wait3A_429, %dma_wait3A_440, %dma_wait3A_430, %dma_wait3A_441, %dma_wait3A_442] : memref<200x8x32x8x128xf32, #tpu.memory_space<hbm>> -> memref<1x8x1x8x128xf32, #tpu.memory_space<hbm>>
      %dma_wait3A_444 = tpu.memref_squeeze %dma_wait3A_443 : memref<1x8x1x8x128xf32, #tpu.memory_space<hbm>> -> memref<8x8x128xf32, #tpu.memory_space<hbm>>
      %dma_wait3A_445 = arith.constant 0 : i32
      %dma_wait3A_446 = arith.constant 0 : i32
      %dma_wait3A_447 = arith.constant 0 : i32
      %dma_wait3A_448 = tpu.memref_slice %arg10[%dma_wait3A_445, %dma_wait3A_446, %dma_wait3A_447] : memref<8x8x129xf32, #tpu.memory_space<vmem>> -> memref<8x8x128xf32, #tpu.memory_space<vmem>>
      tpu.wait_dma2 semaphore(%arg13 : memref<!tpu.dma_semaphore, #tpu.memory_space<semaphore_mem>>) src(%dma_wait3A_448 : memref<8x8x128xf32, #tpu.memory_space<vmem>>) dst(%dma_wait3A_444 : memref<8x8x128xf32, #tpu.memory_space<hbm>>)
      %scan3A_449 = arith.constant 0 : i32
      %scan3A_450 = arith.constant 0 : i32
      %scan3A_451 = arith.constant 16 : i32
      %scan3A_452 = arith.addi %scan3A_450, %scan3A_451 : i32
      %scan3A_453 = arith.constant 1 : i32
      scf.for %scan3A_659 = %scan3A_450 to %scan3A_452 step %scan3A_453  : i32 {
        %mul3A_660 = arith.constant 8 : i32
        %mul3A_661 = arith.muli %scan3A_659, %mul3A_660 : i32
        %add3A_662 = arith.constant 384 : i32
        %add3A_663 = arith.addi %add3A_662, %mul3A_661 : i32
        %add3A_664 = arith.constant 0 : i32
        %add3A_665 = arith.addi %add3A_663, %add3A_664 : i32
        %get3A = arith.index_cast %add3A_665 : i32 to index
        %get3A_666 = arith.constant 0 : index
        %get3A_667 = tpu.vector_load %arg7[%get3A, %get3A_666] {strides = array<i32>} : memref<512x64xf32, #tpu.memory_space<vmem>>, vector<16xf32>,
        %get3A_668 = arith.index_cast %add3A_665 : i32 to index
        %get3A_669 = arith.constant 16 : index
        %get3A_670 = tpu.vector_load %arg7[%get3A_668, %get3A_669] {strides = array<i32>} : memref<512x64xf32, #tpu.memory_space<vmem>>, vector<16xf32>,
        %get3A_671 = arith.index_cast %add3A_665 : i32 to index
        %get3A_672 = arith.constant 32 : index
        %get3A_673 = tpu.vector_load %arg7[%get3A_671, %get3A_672] {strides = array<i32>} : memref<512x64xf32, #tpu.memory_space<vmem>>, vector<16xf32>,
        %get3A_674 = arith.index_cast %add3A_665 : i32 to index
        %get3A_675 = arith.constant 48 : index
        %get3A_676 = tpu.vector_load %arg7[%get3A_674, %get3A_675] {strides = array<i32>} : memref<512x64xf32, #tpu.memory_space<vmem>>, vector<16xf32>,
        %add3A_677 = arith.constant 384 : i32
        %add3A_678 = arith.addi %add3A_677, %mul3A_661 : i32
        %add3A_679 = arith.constant 1 : i32
        %add3A_680 = arith.addi %add3A_678, %add3A_679 : i32
        %get3A_681 = arith.index_cast %add3A_680 : i32 to index
        %get3A_682 = arith.constant 0 : index
        %get3A_683 = tpu.vector_load %arg7[%get3A_681, %get3A_682] {strides = array<i32>} : memref<512x64xf32, #tpu.memory_space<vmem>>, vector<16xf32>,
        %get3A_684 = arith.index_cast %add3A_680 : i32 to index
        %get3A_685 = arith.constant 16 : index
        %get3A_686 = tpu.vector_load %arg7[%get3A_684, %get3A_685] {strides = array<i32>} : memref<512x64xf32, #tpu.memory_space<vmem>>, vector<16xf32>,
        %get3A_687 = arith.index_cast %add3A_680 : i32 to index
        %get3A_688 = arith.constant 32 : index
        %get3A_689 = tpu.vector_load %arg7[%get3A_687, %get3A_688] {strides = array<i32>} : memref<512x64xf32, #tpu.memory_space<vmem>>, vector<16xf32>,
        %get3A_690 = arith.index_cast %add3A_680 : i32 to index
        %get3A_691 = arith.constant 48 : index
        %get3A_692 = tpu.vector_load %arg7[%get3A_690, %get3A_691] {strides = array<i32>} : memref<512x64xf32, #tpu.memory_space<vmem>>, vector<16xf32>,
        %add3A_693 = arith.constant 384 : i32
        %add3A_694 = arith.addi %add3A_693, %mul3A_661 : i32
        %add3A_695 = arith.constant 2 : i32
        %add3A_696 = arith.addi %add3A_694, %add3A_695 : i32
        %get3A_697 = arith.index_cast %add3A_696 : i32 to index
        %get3A_698 = arith.constant 0 : index
        %get3A_699 = tpu.vector_load %arg7[%get3A_697, %get3A_698] {strides = array<i32>} : memref<512x64xf32, #tpu.memory_space<vmem>>, vector<16xf32>,
        %get3A_700 = arith.index_cast %add3A_696 : i32 to index
        %get3A_701 = arith.constant 16 : index
        %get3A_702 = tpu.vector_load %arg7[%get3A_700, %get3A_701] {strides = array<i32>} : memref<512x64xf32, #tpu.memory_space<vmem>>, vector<16xf32>,
        %get3A_703 = arith.index_cast %add3A_696 : i32 to index
        %get3A_704 = arith.constant 32 : index
        %get3A_705 = tpu.vector_load %arg7[%get3A_703, %get3A_704] {strides = array<i32>} : memref<512x64xf32, #tpu.memory_space<vmem>>, vector<16xf32>,
        %get3A_706 = arith.index_cast %add3A_696 : i32 to index
        %get3A_707 = arith.constant 48 : index
        %get3A_708 = tpu.vector_load %arg7[%get3A_706, %get3A_707] {strides = array<i32>} : memref<512x64xf32, #tpu.memory_space<vmem>>, vector<16xf32>,
        %add3A_709 = arith.constant 384 : i32
        %add3A_710 = arith.addi %add3A_709, %mul3A_661 : i32
        %add3A_711 = arith.constant 3 : i32
        %add3A_712 = arith.addi %add3A_710, %add3A_711 : i32
        %get3A_713 = arith.index_cast %add3A_712 : i32 to index
        %get3A_714 = arith.constant 0 : index
        %get3A_715 = tpu.vector_load %arg7[%get3A_713, %get3A_714] {strides = array<i32>} : memref<512x64xf32, #tpu.memory_space<vmem>>, vector<16xf32>,
        %get3A_716 = arith.index_cast %add3A_712 : i32 to index
        %get3A_717 = arith.constant 16 : index
        %get3A_718 = tpu.vector_load %arg7[%get3A_716, %get3A_717] {strides = array<i32>} : memref<512x64xf32, #tpu.memory_space<vmem>>, vector<16xf32>,
        %get3A_719 = arith.index_cast %add3A_712 : i32 to index
        %get3A_720 = arith.constant 32 : index
        %get3A_721 = tpu.vector_load %arg7[%get3A_719, %get3A_720] {strides = array<i32>} : memref<512x64xf32, #tpu.memory_space<vmem>>, vector<16xf32>,
        %get3A_722 = arith.index_cast %add3A_712 : i32 to index
        %get3A_723 = arith.constant 48 : index
        %get3A_724 = tpu.vector_load %arg7[%get3A_722, %get3A_723] {strides = array<i32>} : memref<512x64xf32, #tpu.memory_space<vmem>>, vector<16xf32>,
        %add3A_725 = arith.constant 384 : i32
        %add3A_726 = arith.addi %add3A_725, %mul3A_661 : i32
        %add3A_727 = arith.constant 4 : i32
        %add3A_728 = arith.addi %add3A_726, %add3A_727 : i32
        %get3A_729 = arith.index_cast %add3A_728 : i32 to index
        %get3A_730 = arith.constant 0 : index
        %get3A_731 = tpu.vector_load %arg7[%get3A_729, %get3A_730] {strides = array<i32>} : memref<512x64xf32, #tpu.memory_space<vmem>>, vector<16xf32>,
        %get3A_732 = arith.index_cast %add3A_728 : i32 to index
        %get3A_733 = arith.constant 16 : index
        %get3A_734 = tpu.vector_load %arg7[%get3A_732, %get3A_733] {strides = array<i32>} : memref<512x64xf32, #tpu.memory_space<vmem>>, vector<16xf32>,
        %get3A_735 = arith.index_cast %add3A_728 : i32 to index
        %get3A_736 = arith.constant 32 : index
        %get3A_737 = tpu.vector_load %arg7[%get3A_735, %get3A_736] {strides = array<i32>} : memref<512x64xf32, #tpu.memory_space<vmem>>, vector<16xf32>,
        %get3A_738 = arith.index_cast %add3A_728 : i32 to index
        %get3A_739 = arith.constant 48 : index
        %get3A_740 = tpu.vector_load %arg7[%get3A_738, %get3A_739] {strides = array<i32>} : memref<512x64xf32, #tpu.memory_space<vmem>>, vector<16xf32>,
        %add3A_741 = arith.constant 384 : i32
        %add3A_742 = arith.addi %add3A_741, %mul3A_661 : i32
        %add3A_743 = arith.constant 5 : i32
        %add3A_744 = arith.addi %add3A_742, %add3A_743 : i32
        %get3A_745 = arith.index_cast %add3A_744 : i32 to index
        %get3A_746 = arith.constant 0 : index
        %get3A_747 = tpu.vector_load %arg7[%get3A_745, %get3A_746] {strides = array<i32>} : memref<512x64xf32, #tpu.memory_space<vmem>>, vector<16xf32>,
        %get3A_748 = arith.index_cast %add3A_744 : i32 to index
        %get3A_749 = arith.constant 16 : index
        %get3A_750 = tpu.vector_load %arg7[%get3A_748, %get3A_749] {strides = array<i32>} : memref<512x64xf32, #tpu.memory_space<vmem>>, vector<16xf32>,
        %get3A_751 = arith.index_cast %add3A_744 : i32 to index
        %get3A_752 = arith.constant 32 : index
        %get3A_753 = tpu.vector_load %arg7[%get3A_751, %get3A_752] {strides = array<i32>} : memref<512x64xf32, #tpu.memory_space<vmem>>, vector<16xf32>,
        %get3A_754 = arith.index_cast %add3A_744 : i32 to index
        %get3A_755 = arith.constant 48 : index
        %get3A_756 = tpu.vector_load %arg7[%get3A_754, %get3A_755] {strides = array<i32>} : memref<512x64xf32, #tpu.memory_space<vmem>>, vector<16xf32>,
        %add3A_757 = arith.constant 384 : i32
        %add3A_758 = arith.addi %add3A_757, %mul3A_661 : i32
        %add3A_759 = arith.constant 6 : i32
        %add3A_760 = arith.addi %add3A_758, %add3A_759 : i32
        %get3A_761 = arith.index_cast %add3A_760 : i32 to index
        %get3A_762 = arith.constant 0 : index
        %get3A_763 = tpu.vector_load %arg7[%get3A_761, %get3A_762] {strides = array<i32>} : memref<512x64xf32, #tpu.memory_space<vmem>>, vector<16xf32>,
        %get3A_764 = arith.index_cast %add3A_760 : i32 to index
        %get3A_765 = arith.constant 16 : index
        %get3A_766 = tpu.vector_load %arg7[%get3A_764, %get3A_765] {strides = array<i32>} : memref<512x64xf32, #tpu.memory_space<vmem>>, vector<16xf32>,
        %get3A_767 = arith.index_cast %add3A_760 : i32 to index
        %get3A_768 = arith.constant 32 : index
        %get3A_769 = tpu.vector_load %arg7[%get3A_767, %get3A_768] {strides = array<i32>} : memref<512x64xf32, #tpu.memory_space<vmem>>, vector<16xf32>,
        %get3A_770 = arith.index_cast %add3A_760 : i32 to index
        %get3A_771 = arith.constant 48 : index
        %get3A_772 = tpu.vector_load %arg7[%get3A_770, %get3A_771] {strides = array<i32>} : memref<512x64xf32, #tpu.memory_space<vmem>>, vector<16xf32>,
        %add3A_773 = arith.constant 384 : i32
        %add3A_774 = arith.addi %add3A_773, %mul3A_661 : i32
        %add3A_775 = arith.constant 7 : i32
        %add3A_776 = arith.addi %add3A_774, %add3A_775 : i32
        %get3A_777 = arith.index_cast %add3A_776 : i32 to index
        %get3A_778 = arith.constant 0 : index
        %get3A_779 = tpu.vector_load %arg7[%get3A_777, %get3A_778] {strides = array<i32>} : memref<512x64xf32, #tpu.memory_space<vmem>>, vector<16xf32>,
        %get3A_780 = arith.index_cast %add3A_776 : i32 to index
        %get3A_781 = arith.constant 16 : index
        %get3A_782 = tpu.vector_load %arg7[%get3A_780, %get3A_781] {strides = array<i32>} : memref<512x64xf32, #tpu.memory_space<vmem>>, vector<16xf32>,
        %get3A_783 = arith.index_cast %add3A_776 : i32 to index
        %get3A_784 = arith.constant 32 : index
        %get3A_785 = tpu.vector_load %arg7[%get3A_783, %get3A_784] {strides = array<i32>} : memref<512x64xf32, #tpu.memory_space<vmem>>, vector<16xf32>,
        %get3A_786 = arith.index_cast %add3A_776 : i32 to index
        %get3A_787 = arith.constant 48 : index
        %get3A_788 = tpu.vector_load %arg7[%get3A_786, %get3A_787] {strides = array<i32>} : memref<512x64xf32, #tpu.memory_space<vmem>>, vector<16xf32>,
        %broadcast_in_dim3A = arith.constant 0 : i32
        %broadcast_in_dim3A_789 = vector.broadcast %broadcast_in_dim3A : i32 to vector<16xi32>
        %add3A_790 = vector.broadcast %mul3A_661 : i32 to vector<16xi32>
        %add3A_791 = arith.addi %broadcast_in_dim3A_789, %add3A_790 : vector<16xi32>
        tpu.vector_store_idx %arg10[%select_n3A, %select_n3A_169, %add3A_791], %get3A_667 : memref<8x8x129xf32, #tpu.memory_space<vmem>>[vector<16xi32>, vector<16xi32>, vector<16xi32>], vector<16xf32>,
        tpu.vector_store_idx %arg10[%select_n3A_75, %select_n3A_195, %add3A_791], %get3A_670 : memref<8x8x129xf32, #tpu.memory_space<vmem>>[vector<16xi32>, vector<16xi32>, vector<16xi32>], vector<16xf32>,
        tpu.vector_store_idx %arg10[%select_n3A_110, %select_n3A_221, %add3A_791], %get3A_673 : memref<8x8x129xf32, #tpu.memory_space<vmem>>[vector<16xi32>, vector<16xi32>, vector<16xi32>], vector<16xf32>,
        tpu.vector_store_idx %arg10[%select_n3A_145, %select_n3A_247, %add3A_791], %get3A_676 : memref<8x8x129xf32, #tpu.memory_space<vmem>>[vector<16xi32>, vector<16xi32>, vector<16xi32>], vector<16xf32>,
        %broadcast_in_dim3A_792 = arith.constant 1 : i32
        %broadcast_in_dim3A_793 = vector.broadcast %broadcast_in_dim3A_792 : i32 to vector<16xi32>
        %add3A_794 = vector.broadcast %mul3A_661 : i32 to vector<16xi32>
        %add3A_795 = arith.addi %broadcast_in_dim3A_793, %add3A_794 : vector<16xi32>
        tpu.vector_store_idx %arg10[%select_n3A, %select_n3A_169, %add3A_795], %get3A_683 : memref<8x8x129xf32, #tpu.memory_space<vmem>>[vector<16xi32>, vector<16xi32>, vector<16xi32>], vector<16xf32>,
        tpu.vector_store_idx %arg10[%select_n3A_75, %select_n3A_195, %add3A_795], %get3A_686 : memref<8x8x129xf32, #tpu.memory_space<vmem>>[vector<16xi32>, vector<16xi32>, vector<16xi32>], vector<16xf32>,
        tpu.vector_store_idx %arg10[%select_n3A_110, %select_n3A_221, %add3A_795], %get3A_689 : memref<8x8x129xf32, #tpu.memory_space<vmem>>[vector<16xi32>, vector<16xi32>, vector<16xi32>], vector<16xf32>,
        tpu.vector_store_idx %arg10[%select_n3A_145, %select_n3A_247, %add3A_795], %get3A_692 : memref<8x8x129xf32, #tpu.memory_space<vmem>>[vector<16xi32>, vector<16xi32>, vector<16xi32>], vector<16xf32>,
        %broadcast_in_dim3A_796 = arith.constant 2 : i32
        %broadcast_in_dim3A_797 = vector.broadcast %broadcast_in_dim3A_796 : i32 to vector<16xi32>
        %add3A_798 = vector.broadcast %mul3A_661 : i32 to vector<16xi32>
        %add3A_799 = arith.addi %broadcast_in_dim3A_797, %add3A_798 : vector<16xi32>
        tpu.vector_store_idx %arg10[%select_n3A, %select_n3A_169, %add3A_799], %get3A_699 : memref<8x8x129xf32, #tpu.memory_space<vmem>>[vector<16xi32>, vector<16xi32>, vector<16xi32>], vector<16xf32>,
        tpu.vector_store_idx %arg10[%select_n3A_75, %select_n3A_195, %add3A_799], %get3A_702 : memref<8x8x129xf32, #tpu.memory_space<vmem>>[vector<16xi32>, vector<16xi32>, vector<16xi32>], vector<16xf32>,
        tpu.vector_store_idx %arg10[%select_n3A_110, %select_n3A_221, %add3A_799], %get3A_705 : memref<8x8x129xf32, #tpu.memory_space<vmem>>[vector<16xi32>, vector<16xi32>, vector<16xi32>], vector<16xf32>,
        tpu.vector_store_idx %arg10[%select_n3A_145, %select_n3A_247, %add3A_799], %get3A_708 : memref<8x8x129xf32, #tpu.memory_space<vmem>>[vector<16xi32>, vector<16xi32>, vector<16xi32>], vector<16xf32>,
        %broadcast_in_dim3A_800 = arith.constant 3 : i32
        %broadcast_in_dim3A_801 = vector.broadcast %broadcast_in_dim3A_800 : i32 to vector<16xi32>
        %add3A_802 = vector.broadcast %mul3A_661 : i32 to vector<16xi32>
        %add3A_803 = arith.addi %broadcast_in_dim3A_801, %add3A_802 : vector<16xi32>
        tpu.vector_store_idx %arg10[%select_n3A, %select_n3A_169, %add3A_803], %get3A_715 : memref<8x8x129xf32, #tpu.memory_space<vmem>>[vector<16xi32>, vector<16xi32>, vector<16xi32>], vector<16xf32>,
        tpu.vector_store_idx %arg10[%select_n3A_75, %select_n3A_195, %add3A_803], %get3A_718 : memref<8x8x129xf32, #tpu.memory_space<vmem>>[vector<16xi32>, vector<16xi32>, vector<16xi32>], vector<16xf32>,
        tpu.vector_store_idx %arg10[%select_n3A_110, %select_n3A_221, %add3A_803], %get3A_721 : memref<8x8x129xf32, #tpu.memory_space<vmem>>[vector<16xi32>, vector<16xi32>, vector<16xi32>], vector<16xf32>,
        tpu.vector_store_idx %arg10[%select_n3A_145, %select_n3A_247, %add3A_803], %get3A_724 : memref<8x8x129xf32, #tpu.memory_space<vmem>>[vector<16xi32>, vector<16xi32>, vector<16xi32>], vector<16xf32>,
        %broadcast_in_dim3A_804 = arith.constant 4 : i32
        %broadcast_in_dim3A_805 = vector.broadcast %broadcast_in_dim3A_804 : i32 to vector<16xi32>
        %add3A_806 = vector.broadcast %mul3A_661 : i32 to vector<16xi32>
        %add3A_807 = arith.addi %broadcast_in_dim3A_805, %add3A_806 : vector<16xi32>
        tpu.vector_store_idx %arg10[%select_n3A, %select_n3A_169, %add3A_807], %get3A_731 : memref<8x8x129xf32, #tpu.memory_space<vmem>>[vector<16xi32>, vector<16xi32>, vector<16xi32>], vector<16xf32>,
        tpu.vector_store_idx %arg10[%select_n3A_75, %select_n3A_195, %add3A_807], %get3A_734 : memref<8x8x129xf32, #tpu.memory_space<vmem>>[vector<16xi32>, vector<16xi32>, vector<16xi32>], vector<16xf32>,
        tpu.vector_store_idx %arg10[%select_n3A_110, %select_n3A_221, %add3A_807], %get3A_737 : memref<8x8x129xf32, #tpu.memory_space<vmem>>[vector<16xi32>, vector<16xi32>, vector<16xi32>], vector<16xf32>,
        tpu.vector_store_idx %arg10[%select_n3A_145, %select_n3A_247, %add3A_807], %get3A_740 : memref<8x8x129xf32, #tpu.memory_space<vmem>>[vector<16xi32>, vector<16xi32>, vector<16xi32>], vector<16xf32>,
        %broadcast_in_dim3A_808 = arith.constant 5 : i32
        %broadcast_in_dim3A_809 = vector.broadcast %broadcast_in_dim3A_808 : i32 to vector<16xi32>
        %add3A_810 = vector.broadcast %mul3A_661 : i32 to vector<16xi32>
        %add3A_811 = arith.addi %broadcast_in_dim3A_809, %add3A_810 : vector<16xi32>
        tpu.vector_store_idx %arg10[%select_n3A, %select_n3A_169, %add3A_811], %get3A_747 : memref<8x8x129xf32, #tpu.memory_space<vmem>>[vector<16xi32>, vector<16xi32>, vector<16xi32>], vector<16xf32>,
        tpu.vector_store_idx %arg10[%select_n3A_75, %select_n3A_195, %add3A_811], %get3A_750 : memref<8x8x129xf32, #tpu.memory_space<vmem>>[vector<16xi32>, vector<16xi32>, vector<16xi32>], vector<16xf32>,
        tpu.vector_store_idx %arg10[%select_n3A_110, %select_n3A_221, %add3A_811], %get3A_753 : memref<8x8x129xf32, #tpu.memory_space<vmem>>[vector<16xi32>, vector<16xi32>, vector<16xi32>], vector<16xf32>,
        tpu.vector_store_idx %arg10[%select_n3A_145, %select_n3A_247, %add3A_811], %get3A_756 : memref<8x8x129xf32, #tpu.memory_space<vmem>>[vector<16xi32>, vector<16xi32>, vector<16xi32>], vector<16xf32>,
        %broadcast_in_dim3A_812 = arith.constant 6 : i32
        %broadcast_in_dim3A_813 = vector.broadcast %broadcast_in_dim3A_812 : i32 to vector<16xi32>
        %add3A_814 = vector.broadcast %mul3A_661 : i32 to vector<16xi32>
        %add3A_815 = arith.addi %broadcast_in_dim3A_813, %add3A_814 : vector<16xi32>
        tpu.vector_store_idx %arg10[%select_n3A, %select_n3A_169, %add3A_815], %get3A_763 : memref<8x8x129xf32, #tpu.memory_space<vmem>>[vector<16xi32>, vector<16xi32>, vector<16xi32>], vector<16xf32>,
        tpu.vector_store_idx %arg10[%select_n3A_75, %select_n3A_195, %add3A_815], %get3A_766 : memref<8x8x129xf32, #tpu.memory_space<vmem>>[vector<16xi32>, vector<16xi32>, vector<16xi32>], vector<16xf32>,
        tpu.vector_store_idx %arg10[%select_n3A_110, %select_n3A_221, %add3A_815], %get3A_769 : memref<8x8x129xf32, #tpu.memory_space<vmem>>[vector<16xi32>, vector<16xi32>, vector<16xi32>], vector<16xf32>,
        tpu.vector_store_idx %arg10[%select_n3A_145, %select_n3A_247, %add3A_815], %get3A_772 : memref<8x8x129xf32, #tpu.memory_space<vmem>>[vector<16xi32>, vector<16xi32>, vector<16xi32>], vector<16xf32>,
        %broadcast_in_dim3A_816 = arith.constant 7 : i32
        %broadcast_in_dim3A_817 = vector.broadcast %broadcast_in_dim3A_816 : i32 to vector<16xi32>
        %add3A_818 = vector.broadcast %mul3A_661 : i32 to vector<16xi32>
        %add3A_819 = arith.addi %broadcast_in_dim3A_817, %add3A_818 : vector<16xi32>
        tpu.vector_store_idx %arg10[%select_n3A, %select_n3A_169, %add3A_819], %get3A_779 : memref<8x8x129xf32, #tpu.memory_space<vmem>>[vector<16xi32>, vector<16xi32>, vector<16xi32>], vector<16xf32>,
        tpu.vector_store_idx %arg10[%select_n3A_75, %select_n3A_195, %add3A_819], %get3A_782 : memref<8x8x129xf32, #tpu.memory_space<vmem>>[vector<16xi32>, vector<16xi32>, vector<16xi32>], vector<16xf32>,
        tpu.vector_store_idx %arg10[%select_n3A_110, %select_n3A_221, %add3A_819], %get3A_785 : memref<8x8x129xf32, #tpu.memory_space<vmem>>[vector<16xi32>, vector<16xi32>, vector<16xi32>], vector<16xf32>,
        tpu.vector_store_idx %arg10[%select_n3A_145, %select_n3A_247, %add3A_819], %get3A_788 : memref<8x8x129xf32, #tpu.memory_space<vmem>>[vector<16xi32>, vector<16xi32>, vector<16xi32>], vector<16xf32>,
      }
      %scan3A_454 = arith.constant 16 : i32
      %add3A_455 = arith.constant 3 : i32
      %add3A_456 = arith.addi %div3A_321, %add3A_455 : i32
      %dma_start3A_457 = arith.constant 0 : i32
      %dma_start3A_458 = arith.constant 0 : i32
      %dma_start3A_459 = arith.constant 0 : i32
      %dma_start3A_460 = tpu.memref_slice %arg10[%dma_start3A_457, %dma_start3A_458, %dma_start3A_459] : memref<8x8x129xf32, #tpu.memory_space<vmem>> -> memref<8x8x128xf32, #tpu.memory_space<vmem>>
      %dma_start3A_461 = arith.constant 0 : i32
      %dma_start3A_462 = arith.constant 0 : i32
      %dma_start3A_463 = arith.constant 0 : i32
      %dma_start3A_464 = tpu.memref_slice %arg4[%div3A_317, %dma_start3A_461, %add3A_456, %dma_start3A_462, %dma_start3A_463] : memref<200x8x32x8x128xf32, #tpu.memory_space<hbm>> -> memref<1x8x1x8x128xf32, #tpu.memory_space<hbm>>
      %dma_start3A_465 = tpu.memref_squeeze %dma_start3A_464 : memref<1x8x1x8x128xf32, #tpu.memory_space<hbm>> -> memref<8x8x128xf32, #tpu.memory_space<hbm>>
      %dma_start3A_466 = arith.constant 0 : i32
      %dma_start3A_467 = arith.constant 0 : i32
      %dma_start3A_468 = arith.constant 0 : i32
      %dma_start3A_469 = tpu.memref_slice %arg4[%div3A_317, %dma_start3A_466, %add3A_456, %dma_start3A_467, %dma_start3A_468] : memref<200x8x32x8x128xf32, #tpu.memory_space<hbm>> -> memref<1x8x1x8x128xf32, #tpu.memory_space<hbm>>
      %dma_start3A_470 = tpu.memref_squeeze %dma_start3A_469 : memref<1x8x1x8x128xf32, #tpu.memory_space<hbm>> -> memref<8x8x128xf32, #tpu.memory_space<hbm>>
      %dma_start3A_471 = arith.constant 0 : i32
      %dma_start3A_472 = arith.constant 0 : i32
      %dma_start3A_473 = arith.constant 0 : i32
      %dma_start3A_474 = tpu.memref_slice %arg10[%dma_start3A_471, %dma_start3A_472, %dma_start3A_473] : memref<8x8x129xf32, #tpu.memory_space<vmem>> -> memref<8x8x128xf32, #tpu.memory_space<vmem>>
      tpu.enqueue_dma source(%dma_start3A_474 : memref<8x8x128xf32, #tpu.memory_space<vmem>>) target(%dma_start3A_470 : memref<8x8x128xf32, #tpu.memory_space<hbm>>) target_semaphore(%arg13 : memref<!tpu.dma_semaphore, #tpu.memory_space<semaphore_mem>>)
      %mul3A_475 = arith.constant 2 : i32
      %mul3A_476 = arith.muli %mul3A_475, %scan3A_293 : i32
      %add3A_477 = arith.constant 1 : i32
      %add3A_478 = arith.addi %mul3A_476, %add3A_477 : i32
      %mul3A_479 = arith.constant 512 : i32
      %mul3A_480 = arith.muli %add3A_478, %mul3A_479 : i32
      %add3A_481 = arith.addi %mul3A_2, %mul3A_480 : i32
      %dma_wait3A_482 = arith.constant 0 : i32
      %dma_wait3A_483 = arith.constant 0 : i32
      %dma_wait3A_484 = tpu.memref_slice %arg3[%dma_wait3A_482, %dma_wait3A_483] : memref<100000x64xf32, #tpu.memory_space<hbm>> -> memref<100000x64xf32, #tpu.memory_space<hbm>>
      tpu.wait_indirect_dma semaphore(%arg12 : memref<!tpu.dma_semaphore, #tpu.memory_space<semaphore_mem>>) src(%dma_wait3A_484 : memref<100000x64xf32, #tpu.memory_space<hbm>>) dst(%arg8 : memref<512x64xf32, #tpu.memory_space<vmem>>)
      %add3A_485 = arith.constant 2 : i32
      %add3A_486 = arith.addi %add3A_478, %add3A_485 : i32
      %lt3A_487 = arith.constant 50 : i32
      %lt3A_488 = arith.cmpi slt, %add3A_486, %lt3A_487 : i32
      %convert_element_type3A_489 = arith.extui %lt3A_488 : i1 to i32
      %cond3A_490 = arith.constant 0 : i32
      %cond3A_491 = arith.cmpi ne, %convert_element_type3A_489, %cond3A_490 : i32
      scf.if %cond3A_491 {
        %add3A_659 = arith.constant 1024 : i32
        %add3A_660 = arith.addi %add3A_481, %add3A_659 : i32
        %dma_start3A_661 = tpu.memref_slice %arg2[%add3A_660] : memref<819200xi32, #tpu.memory_space<hbm>> -> memref<512xi32, #tpu.memory_space<hbm>>
        %dma_start3A_662 = tpu.memref_slice %arg2[%add3A_660] : memref<819200xi32, #tpu.memory_space<hbm>> -> memref<512xi32, #tpu.memory_space<hbm>>
        tpu.enqueue_dma source(%dma_start3A_662 : memref<512xi32, #tpu.memory_space<hbm>>) target(%arg6 : memref<512xi32, #tpu.memory_space<vmem>>) target_semaphore(%arg11 : memref<!tpu.dma_semaphore, #tpu.memory_space<semaphore_mem>>)
      } else {
      }
      %add3A_492 = arith.constant 1 : i32
      %add3A_493 = arith.addi %add3A_478, %add3A_492 : i32
      %lt3A_494 = arith.constant 50 : i32
      %lt3A_495 = arith.cmpi slt, %add3A_493, %lt3A_494 : i32
      %convert_element_type3A_496 = arith.extui %lt3A_495 : i1 to i32
      %cond3A_497 = arith.constant 0 : i32
      %cond3A_498 = arith.cmpi ne, %convert_element_type3A_496, %cond3A_497 : i32
      scf.if %cond3A_498 {
        %dma_wait3A_659 = tpu.memref_slice %arg2[%mul3A_2] : memref<819200xi32, #tpu.memory_space<hbm>> -> memref<512xi32, #tpu.memory_space<hbm>>
        %dma_wait3A_660 = tpu.memref_slice %arg2[%mul3A_2] : memref<819200xi32, #tpu.memory_space<hbm>> -> memref<512xi32, #tpu.memory_space<hbm>>
        tpu.wait_dma2 semaphore(%arg11 : memref<!tpu.dma_semaphore, #tpu.memory_space<semaphore_mem>>) src(%dma_wait3A_660 : memref<512xi32, #tpu.memory_space<hbm>>) dst(%arg5 : memref<512xi32, #tpu.memory_space<vmem>>)
        %dma_start3A_661 = arith.constant 0 : i32
        %dma_start3A_662 = arith.constant 0 : i32
        %dma_start3A_663 = tpu.memref_slice %arg3[%dma_start3A_661, %dma_start3A_662] : memref<100000x64xf32, #tpu.memory_space<hbm>> -> memref<100000x64xf32, #tpu.memory_space<hbm>>
        tpu.enqueue_indirect_dma source(%dma_start3A_663 : memref<100000x64xf32, #tpu.memory_space<hbm>>) target(%arg7 : memref<512x64xf32, #tpu.memory_space<vmem>>) offsets(%arg5 : memref<512xi32, #tpu.memory_space<vmem>>) semaphore(%arg12 : memref<!tpu.dma_semaphore, #tpu.memory_space<semaphore_mem>>)
      } else {
      }
      %div3A_499 = arith.constant 4096 : i32
      %div3A_500 = arith.divsi %add3A_481, %div3A_499 : i32
      %rem3A_501 = arith.constant 4096 : i32
      %rem3A_502 = arith.remsi %add3A_481, %rem3A_501 : i32
      %div3A_503 = arith.constant 128 : i32
      %div3A_504 = arith.divsi %rem3A_502, %div3A_503 : i32
      %gt3A_505 = arith.constant 0 : i32
      %gt3A_506 = arith.cmpi sgt, %add3A_478, %gt3A_505 : i32
      %convert_element_type3A_507 = arith.extui %gt3A_506 : i1 to i32
      %cond3A_508 = arith.constant 0 : i32
      %cond3A_509 = arith.cmpi ne, %convert_element_type3A_507, %cond3A_508 : i32
      scf.if %cond3A_509 {
        %dma_wait3A_659 = arith.constant 0 : i32
        %dma_wait3A_660 = arith.constant 0 : i32
        %dma_wait3A_661 = arith.constant 0 : i32
        %dma_wait3A_662 = arith.constant 0 : i32
        %dma_wait3A_663 = arith.constant 0 : i32
        %dma_wait3A_664 = tpu.memref_slice %arg9[%dma_wait3A_661, %dma_wait3A_662, %dma_wait3A_663] : memref<8x8x129xf32, #tpu.memory_space<vmem>> -> memref<8x8x128xf32, #tpu.memory_space<vmem>>
        %dma_wait3A_665 = arith.constant 0 : i32
        %dma_wait3A_666 = arith.constant 0 : i32
        %dma_wait3A_667 = arith.constant 0 : i32
        %dma_wait3A_668 = tpu.memref_slice %arg4[%dma_wait3A_659, %dma_wait3A_665, %dma_wait3A_660, %dma_wait3A_666, %dma_wait3A_667] : memref<200x8x32x8x128xf32, #tpu.memory_space<hbm>> -> memref<1x8x1x8x128xf32, #tpu.memory_space<hbm>>
        %dma_wait3A_669 = tpu.memref_squeeze %dma_wait3A_668 : memref<1x8x1x8x128xf32, #tpu.memory_space<hbm>> -> memref<8x8x128xf32, #tpu.memory_space<hbm>>
        %dma_wait3A_670 = arith.constant 0 : i32
        %dma_wait3A_671 = arith.constant 0 : i32
        %dma_wait3A_672 = arith.constant 0 : i32
        %dma_wait3A_673 = tpu.memref_slice %arg4[%dma_wait3A_659, %dma_wait3A_670, %dma_wait3A_660, %dma_wait3A_671, %dma_wait3A_672] : memref<200x8x32x8x128xf32, #tpu.memory_space<hbm>> -> memref<1x8x1x8x128xf32, #tpu.memory_space<hbm>>
        %dma_wait3A_674 = tpu.memref_squeeze %dma_wait3A_673 : memref<1x8x1x8x128xf32, #tpu.memory_space<hbm>> -> memref<8x8x128xf32, #tpu.memory_space<hbm>>
        %dma_wait3A_675 = arith.constant 0 : i32
        %dma_wait3A_676 = arith.constant 0 : i32
        %dma_wait3A_677 = arith.constant 0 : i32
        %dma_wait3A_678 = tpu.memref_slice %arg9[%dma_wait3A_675, %dma_wait3A_676, %dma_wait3A_677] : memref<8x8x129xf32, #tpu.memory_space<vmem>> -> memref<8x8x128xf32, #tpu.memory_space<vmem>>
        tpu.wait_dma2 semaphore(%arg13 : memref<!tpu.dma_semaphore, #tpu.memory_space<semaphore_mem>>) src(%dma_wait3A_678 : memref<8x8x128xf32, #tpu.memory_space<vmem>>) dst(%dma_wait3A_674 : memref<8x8x128xf32, #tpu.memory_space<hbm>>)
      } else {
      }
      %scan3A_510 = arith.constant 0 : i32
      %scan3A_511 = arith.constant 0 : i32
      %scan3A_512 = arith.constant 16 : i32
      %scan3A_513 = arith.addi %scan3A_511, %scan3A_512 : i32
      %scan3A_514 = arith.constant 1 : i32
      scf.for %scan3A_659 = %scan3A_511 to %scan3A_513 step %scan3A_514  : i32 {
        %mul3A_660 = arith.constant 8 : i32
        %mul3A_661 = arith.muli %scan3A_659, %mul3A_660 : i32
        %add3A_662 = arith.constant 0 : i32
        %add3A_663 = arith.addi %add3A_662, %mul3A_661 : i32
        %add3A_664 = arith.constant 0 : i32
        %add3A_665 = arith.addi %add3A_663, %add3A_664 : i32
        %get3A = arith.index_cast %add3A_665 : i32 to index
        %get3A_666 = arith.constant 0 : index
        %get3A_667 = tpu.vector_load %arg8[%get3A, %get3A_666] {strides = array<i32>} : memref<512x64xf32, #tpu.memory_space<vmem>>, vector<16xf32>,
        %get3A_668 = arith.index_cast %add3A_665 : i32 to index
        %get3A_669 = arith.constant 16 : index
        %get3A_670 = tpu.vector_load %arg8[%get3A_668, %get3A_669] {strides = array<i32>} : memref<512x64xf32, #tpu.memory_space<vmem>>, vector<16xf32>,
        %get3A_671 = arith.index_cast %add3A_665 : i32 to index
        %get3A_672 = arith.constant 32 : index
        %get3A_673 = tpu.vector_load %arg8[%get3A_671, %get3A_672] {strides = array<i32>} : memref<512x64xf32, #tpu.memory_space<vmem>>, vector<16xf32>,
        %get3A_674 = arith.index_cast %add3A_665 : i32 to index
        %get3A_675 = arith.constant 48 : index
        %get3A_676 = tpu.vector_load %arg8[%get3A_674, %get3A_675] {strides = array<i32>} : memref<512x64xf32, #tpu.memory_space<vmem>>, vector<16xf32>,
        %add3A_677 = arith.constant 0 : i32
        %add3A_678 = arith.addi %add3A_677, %mul3A_661 : i32
        %add3A_679 = arith.constant 1 : i32
        %add3A_680 = arith.addi %add3A_678, %add3A_679 : i32
        %get3A_681 = arith.index_cast %add3A_680 : i32 to index
        %get3A_682 = arith.constant 0 : index
        %get3A_683 = tpu.vector_load %arg8[%get3A_681, %get3A_682] {strides = array<i32>} : memref<512x64xf32, #tpu.memory_space<vmem>>, vector<16xf32>,
        %get3A_684 = arith.index_cast %add3A_680 : i32 to index
        %get3A_685 = arith.constant 16 : index
        %get3A_686 = tpu.vector_load %arg8[%get3A_684, %get3A_685] {strides = array<i32>} : memref<512x64xf32, #tpu.memory_space<vmem>>, vector<16xf32>,
        %get3A_687 = arith.index_cast %add3A_680 : i32 to index
        %get3A_688 = arith.constant 32 : index
        %get3A_689 = tpu.vector_load %arg8[%get3A_687, %get3A_688] {strides = array<i32>} : memref<512x64xf32, #tpu.memory_space<vmem>>, vector<16xf32>,
        %get3A_690 = arith.index_cast %add3A_680 : i32 to index
        %get3A_691 = arith.constant 48 : index
        %get3A_692 = tpu.vector_load %arg8[%get3A_690, %get3A_691] {strides = array<i32>} : memref<512x64xf32, #tpu.memory_space<vmem>>, vector<16xf32>,
        %add3A_693 = arith.constant 0 : i32
        %add3A_694 = arith.addi %add3A_693, %mul3A_661 : i32
        %add3A_695 = arith.constant 2 : i32
        %add3A_696 = arith.addi %add3A_694, %add3A_695 : i32
        %get3A_697 = arith.index_cast %add3A_696 : i32 to index
        %get3A_698 = arith.constant 0 : index
        %get3A_699 = tpu.vector_load %arg8[%get3A_697, %get3A_698] {strides = array<i32>} : memref<512x64xf32, #tpu.memory_space<vmem>>, vector<16xf32>,
        %get3A_700 = arith.index_cast %add3A_696 : i32 to index
        %get3A_701 = arith.constant 16 : index
        %get3A_702 = tpu.vector_load %arg8[%get3A_700, %get3A_701] {strides = array<i32>} : memref<512x64xf32, #tpu.memory_space<vmem>>, vector<16xf32>,
        %get3A_703 = arith.index_cast %add3A_696 : i32 to index
        %get3A_704 = arith.constant 32 : index
        %get3A_705 = tpu.vector_load %arg8[%get3A_703, %get3A_704] {strides = array<i32>} : memref<512x64xf32, #tpu.memory_space<vmem>>, vector<16xf32>,
        %get3A_706 = arith.index_cast %add3A_696 : i32 to index
        %get3A_707 = arith.constant 48 : index
        %get3A_708 = tpu.vector_load %arg8[%get3A_706, %get3A_707] {strides = array<i32>} : memref<512x64xf32, #tpu.memory_space<vmem>>, vector<16xf32>,
        %add3A_709 = arith.constant 0 : i32
        %add3A_710 = arith.addi %add3A_709, %mul3A_661 : i32
        %add3A_711 = arith.constant 3 : i32
        %add3A_712 = arith.addi %add3A_710, %add3A_711 : i32
        %get3A_713 = arith.index_cast %add3A_712 : i32 to index
        %get3A_714 = arith.constant 0 : index
        %get3A_715 = tpu.vector_load %arg8[%get3A_713, %get3A_714] {strides = array<i32>} : memref<512x64xf32, #tpu.memory_space<vmem>>, vector<16xf32>,
        %get3A_716 = arith.index_cast %add3A_712 : i32 to index
        %get3A_717 = arith.constant 16 : index
        %get3A_718 = tpu.vector_load %arg8[%get3A_716, %get3A_717] {strides = array<i32>} : memref<512x64xf32, #tpu.memory_space<vmem>>, vector<16xf32>,
        %get3A_719 = arith.index_cast %add3A_712 : i32 to index
        %get3A_720 = arith.constant 32 : index
        %get3A_721 = tpu.vector_load %arg8[%get3A_719, %get3A_720] {strides = array<i32>} : memref<512x64xf32, #tpu.memory_space<vmem>>, vector<16xf32>,
        %get3A_722 = arith.index_cast %add3A_712 : i32 to index
        %get3A_723 = arith.constant 48 : index
        %get3A_724 = tpu.vector_load %arg8[%get3A_722, %get3A_723] {strides = array<i32>} : memref<512x64xf32, #tpu.memory_space<vmem>>, vector<16xf32>,
        %add3A_725 = arith.constant 0 : i32
        %add3A_726 = arith.addi %add3A_725, %mul3A_661 : i32
        %add3A_727 = arith.constant 4 : i32
        %add3A_728 = arith.addi %add3A_726, %add3A_727 : i32
        %get3A_729 = arith.index_cast %add3A_728 : i32 to index
        %get3A_730 = arith.constant 0 : index
        %get3A_731 = tpu.vector_load %arg8[%get3A_729, %get3A_730] {strides = array<i32>} : memref<512x64xf32, #tpu.memory_space<vmem>>, vector<16xf32>,
        %get3A_732 = arith.index_cast %add3A_728 : i32 to index
        %get3A_733 = arith.constant 16 : index
        %get3A_734 = tpu.vector_load %arg8[%get3A_732, %get3A_733] {strides = array<i32>} : memref<512x64xf32, #tpu.memory_space<vmem>>, vector<16xf32>,
        %get3A_735 = arith.index_cast %add3A_728 : i32 to index
        %get3A_736 = arith.constant 32 : index
        %get3A_737 = tpu.vector_load %arg8[%get3A_735, %get3A_736] {strides = array<i32>} : memref<512x64xf32, #tpu.memory_space<vmem>>, vector<16xf32>,
        %get3A_738 = arith.index_cast %add3A_728 : i32 to index
        %get3A_739 = arith.constant 48 : index
        %get3A_740 = tpu.vector_load %arg8[%get3A_738, %get3A_739] {strides = array<i32>} : memref<512x64xf32, #tpu.memory_space<vmem>>, vector<16xf32>,
        %add3A_741 = arith.constant 0 : i32
        %add3A_742 = arith.addi %add3A_741, %mul3A_661 : i32
        %add3A_743 = arith.constant 5 : i32
        %add3A_744 = arith.addi %add3A_742, %add3A_743 : i32
        %get3A_745 = arith.index_cast %add3A_744 : i32 to index
        %get3A_746 = arith.constant 0 : index
        %get3A_747 = tpu.vector_load %arg8[%get3A_745, %get3A_746] {strides = array<i32>} : memref<512x64xf32, #tpu.memory_space<vmem>>, vector<16xf32>,
        %get3A_748 = arith.index_cast %add3A_744 : i32 to index
        %get3A_749 = arith.constant 16 : index
        %get3A_750 = tpu.vector_load %arg8[%get3A_748, %get3A_749] {strides = array<i32>} : memref<512x64xf32, #tpu.memory_space<vmem>>, vector<16xf32>,
        %get3A_751 = arith.index_cast %add3A_744 : i32 to index
        %get3A_752 = arith.constant 32 : index
        %get3A_753 = tpu.vector_load %arg8[%get3A_751, %get3A_752] {strides = array<i32>} : memref<512x64xf32, #tpu.memory_space<vmem>>, vector<16xf32>,
        %get3A_754 = arith.index_cast %add3A_744 : i32 to index
        %get3A_755 = arith.constant 48 : index
        %get3A_756 = tpu.vector_load %arg8[%get3A_754, %get3A_755] {strides = array<i32>} : memref<512x64xf32, #tpu.memory_space<vmem>>, vector<16xf32>,
        %add3A_757 = arith.constant 0 : i32
        %add3A_758 = arith.addi %add3A_757, %mul3A_661 : i32
        %add3A_759 = arith.constant 6 : i32
        %add3A_760 = arith.addi %add3A_758, %add3A_759 : i32
        %get3A_761 = arith.index_cast %add3A_760 : i32 to index
        %get3A_762 = arith.constant 0 : index
        %get3A_763 = tpu.vector_load %arg8[%get3A_761, %get3A_762] {strides = array<i32>} : memref<512x64xf32, #tpu.memory_space<vmem>>, vector<16xf32>,
        %get3A_764 = arith.index_cast %add3A_760 : i32 to index
        %get3A_765 = arith.constant 16 : index
        %get3A_766 = tpu.vector_load %arg8[%get3A_764, %get3A_765] {strides = array<i32>} : memref<512x64xf32, #tpu.memory_space<vmem>>, vector<16xf32>,
        %get3A_767 = arith.index_cast %add3A_760 : i32 to index
        %get3A_768 = arith.constant 32 : index
        %get3A_769 = tpu.vector_load %arg8[%get3A_767, %get3A_768] {strides = array<i32>} : memref<512x64xf32, #tpu.memory_space<vmem>>, vector<16xf32>,
        %get3A_770 = arith.index_cast %add3A_760 : i32 to index
        %get3A_771 = arith.constant 48 : index
        %get3A_772 = tpu.vector_load %arg8[%get3A_770, %get3A_771] {strides = array<i32>} : memref<512x64xf32, #tpu.memory_space<vmem>>, vector<16xf32>,
        %add3A_773 = arith.constant 0 : i32
        %add3A_774 = arith.addi %add3A_773, %mul3A_661 : i32
        %add3A_775 = arith.constant 7 : i32
        %add3A_776 = arith.addi %add3A_774, %add3A_775 : i32
        %get3A_777 = arith.index_cast %add3A_776 : i32 to index
        %get3A_778 = arith.constant 0 : index
        %get3A_779 = tpu.vector_load %arg8[%get3A_777, %get3A_778] {strides = array<i32>} : memref<512x64xf32, #tpu.memory_space<vmem>>, vector<16xf32>,
        %get3A_780 = arith.index_cast %add3A_776 : i32 to index
        %get3A_781 = arith.constant 16 : index
        %get3A_782 = tpu.vector_load %arg8[%get3A_780, %get3A_781] {strides = array<i32>} : memref<512x64xf32, #tpu.memory_space<vmem>>, vector<16xf32>,
        %get3A_783 = arith.index_cast %add3A_776 : i32 to index
        %get3A_784 = arith.constant 32 : index
        %get3A_785 = tpu.vector_load %arg8[%get3A_783, %get3A_784] {strides = array<i32>} : memref<512x64xf32, #tpu.memory_space<vmem>>, vector<16xf32>,
        %get3A_786 = arith.index_cast %add3A_776 : i32 to index
        %get3A_787 = arith.constant 48 : index
        %get3A_788 = tpu.vector_load %arg8[%get3A_786, %get3A_787] {strides = array<i32>} : memref<512x64xf32, #tpu.memory_space<vmem>>, vector<16xf32>,
        %broadcast_in_dim3A = arith.constant 0 : i32
        %broadcast_in_dim3A_789 = vector.broadcast %broadcast_in_dim3A : i32 to vector<16xi32>
        %add3A_790 = vector.broadcast %mul3A_661 : i32 to vector<16xi32>
        %add3A_791 = arith.addi %broadcast_in_dim3A_789, %add3A_790 : vector<16xi32>
        tpu.vector_store_idx %arg9[%select_n3A, %select_n3A_169, %add3A_791], %get3A_667 : memref<8x8x129xf32, #tpu.memory_space<vmem>>[vector<16xi32>, vector<16xi32>, vector<16xi32>], vector<16xf32>,
        tpu.vector_store_idx %arg9[%select_n3A_75, %select_n3A_195, %add3A_791], %get3A_670 : memref<8x8x129xf32, #tpu.memory_space<vmem>>[vector<16xi32>, vector<16xi32>, vector<16xi32>], vector<16xf32>,
        tpu.vector_store_idx %arg9[%select_n3A_110, %select_n3A_221, %add3A_791], %get3A_673 : memref<8x8x129xf32, #tpu.memory_space<vmem>>[vector<16xi32>, vector<16xi32>, vector<16xi32>], vector<16xf32>,
        tpu.vector_store_idx %arg9[%select_n3A_145, %select_n3A_247, %add3A_791], %get3A_676 : memref<8x8x129xf32, #tpu.memory_space<vmem>>[vector<16xi32>, vector<16xi32>, vector<16xi32>], vector<16xf32>,
        %broadcast_in_dim3A_792 = arith.constant 1 : i32
        %broadcast_in_dim3A_793 = vector.broadcast %broadcast_in_dim3A_792 : i32 to vector<16xi32>
        %add3A_794 = vector.broadcast %mul3A_661 : i32 to vector<16xi32>
        %add3A_795 = arith.addi %broadcast_in_dim3A_793, %add3A_794 : vector<16xi32>
        tpu.vector_store_idx %arg9[%select_n3A, %select_n3A_169, %add3A_795], %get3A_683 : memref<8x8x129xf32, #tpu.memory_space<vmem>>[vector<16xi32>, vector<16xi32>, vector<16xi32>], vector<16xf32>,
        tpu.vector_store_idx %arg9[%select_n3A_75, %select_n3A_195, %add3A_795], %get3A_686 : memref<8x8x129xf32, #tpu.memory_space<vmem>>[vector<16xi32>, vector<16xi32>, vector<16xi32>], vector<16xf32>,
        tpu.vector_store_idx %arg9[%select_n3A_110, %select_n3A_221, %add3A_795], %get3A_689 : memref<8x8x129xf32, #tpu.memory_space<vmem>>[vector<16xi32>, vector<16xi32>, vector<16xi32>], vector<16xf32>,
        tpu.vector_store_idx %arg9[%select_n3A_145, %select_n3A_247, %add3A_795], %get3A_692 : memref<8x8x129xf32, #tpu.memory_space<vmem>>[vector<16xi32>, vector<16xi32>, vector<16xi32>], vector<16xf32>,
        %broadcast_in_dim3A_796 = arith.constant 2 : i32
        %broadcast_in_dim3A_797 = vector.broadcast %broadcast_in_dim3A_796 : i32 to vector<16xi32>
        %add3A_798 = vector.broadcast %mul3A_661 : i32 to vector<16xi32>
        %add3A_799 = arith.addi %broadcast_in_dim3A_797, %add3A_798 : vector<16xi32>
        tpu.vector_store_idx %arg9[%select_n3A, %select_n3A_169, %add3A_799], %get3A_699 : memref<8x8x129xf32, #tpu.memory_space<vmem>>[vector<16xi32>, vector<16xi32>, vector<16xi32>], vector<16xf32>,
        tpu.vector_store_idx %arg9[%select_n3A_75, %select_n3A_195, %add3A_799], %get3A_702 : memref<8x8x129xf32, #tpu.memory_space<vmem>>[vector<16xi32>, vector<16xi32>, vector<16xi32>], vector<16xf32>,
        tpu.vector_store_idx %arg9[%select_n3A_110, %select_n3A_221, %add3A_799], %get3A_705 : memref<8x8x129xf32, #tpu.memory_space<vmem>>[vector<16xi32>, vector<16xi32>, vector<16xi32>], vector<16xf32>,
        tpu.vector_store_idx %arg9[%select_n3A_145, %select_n3A_247, %add3A_799], %get3A_708 : memref<8x8x129xf32, #tpu.memory_space<vmem>>[vector<16xi32>, vector<16xi32>, vector<16xi32>], vector<16xf32>,
        %broadcast_in_dim3A_800 = arith.constant 3 : i32
        %broadcast_in_dim3A_801 = vector.broadcast %broadcast_in_dim3A_800 : i32 to vector<16xi32>
        %add3A_802 = vector.broadcast %mul3A_661 : i32 to vector<16xi32>
        %add3A_803 = arith.addi %broadcast_in_dim3A_801, %add3A_802 : vector<16xi32>
        tpu.vector_store_idx %arg9[%select_n3A, %select_n3A_169, %add3A_803], %get3A_715 : memref<8x8x129xf32, #tpu.memory_space<vmem>>[vector<16xi32>, vector<16xi32>, vector<16xi32>], vector<16xf32>,
        tpu.vector_store_idx %arg9[%select_n3A_75, %select_n3A_195, %add3A_803], %get3A_718 : memref<8x8x129xf32, #tpu.memory_space<vmem>>[vector<16xi32>, vector<16xi32>, vector<16xi32>], vector<16xf32>,
        tpu.vector_store_idx %arg9[%select_n3A_110, %select_n3A_221, %add3A_803], %get3A_721 : memref<8x8x129xf32, #tpu.memory_space<vmem>>[vector<16xi32>, vector<16xi32>, vector<16xi32>], vector<16xf32>,
        tpu.vector_store_idx %arg9[%select_n3A_145, %select_n3A_247, %add3A_803], %get3A_724 : memref<8x8x129xf32, #tpu.memory_space<vmem>>[vector<16xi32>, vector<16xi32>, vector<16xi32>], vector<16xf32>,
        %broadcast_in_dim3A_804 = arith.constant 4 : i32
        %broadcast_in_dim3A_805 = vector.broadcast %broadcast_in_dim3A_804 : i32 to vector<16xi32>
        %add3A_806 = vector.broadcast %mul3A_661 : i32 to vector<16xi32>
        %add3A_807 = arith.addi %broadcast_in_dim3A_805, %add3A_806 : vector<16xi32>
        tpu.vector_store_idx %arg9[%select_n3A, %select_n3A_169, %add3A_807], %get3A_731 : memref<8x8x129xf32, #tpu.memory_space<vmem>>[vector<16xi32>, vector<16xi32>, vector<16xi32>], vector<16xf32>,
        tpu.vector_store_idx %arg9[%select_n3A_75, %select_n3A_195, %add3A_807], %get3A_734 : memref<8x8x129xf32, #tpu.memory_space<vmem>>[vector<16xi32>, vector<16xi32>, vector<16xi32>], vector<16xf32>,
        tpu.vector_store_idx %arg9[%select_n3A_110, %select_n3A_221, %add3A_807], %get3A_737 : memref<8x8x129xf32, #tpu.memory_space<vmem>>[vector<16xi32>, vector<16xi32>, vector<16xi32>], vector<16xf32>,
        tpu.vector_store_idx %arg9[%select_n3A_145, %select_n3A_247, %add3A_807], %get3A_740 : memref<8x8x129xf32, #tpu.memory_space<vmem>>[vector<16xi32>, vector<16xi32>, vector<16xi32>], vector<16xf32>,
        %broadcast_in_dim3A_808 = arith.constant 5 : i32
        %broadcast_in_dim3A_809 = vector.broadcast %broadcast_in_dim3A_808 : i32 to vector<16xi32>
        %add3A_810 = vector.broadcast %mul3A_661 : i32 to vector<16xi32>
        %add3A_811 = arith.addi %broadcast_in_dim3A_809, %add3A_810 : vector<16xi32>
        tpu.vector_store_idx %arg9[%select_n3A, %select_n3A_169, %add3A_811], %get3A_747 : memref<8x8x129xf32, #tpu.memory_space<vmem>>[vector<16xi32>, vector<16xi32>, vector<16xi32>], vector<16xf32>,
        tpu.vector_store_idx %arg9[%select_n3A_75, %select_n3A_195, %add3A_811], %get3A_750 : memref<8x8x129xf32, #tpu.memory_space<vmem>>[vector<16xi32>, vector<16xi32>, vector<16xi32>], vector<16xf32>,
        tpu.vector_store_idx %arg9[%select_n3A_110, %select_n3A_221, %add3A_811], %get3A_753 : memref<8x8x129xf32, #tpu.memory_space<vmem>>[vector<16xi32>, vector<16xi32>, vector<16xi32>], vector<16xf32>,
        tpu.vector_store_idx %arg9[%select_n3A_145, %select_n3A_247, %add3A_811], %get3A_756 : memref<8x8x129xf32, #tpu.memory_space<vmem>>[vector<16xi32>, vector<16xi32>, vector<16xi32>], vector<16xf32>,
        %broadcast_in_dim3A_812 = arith.constant 6 : i32
        %broadcast_in_dim3A_813 = vector.broadcast %broadcast_in_dim3A_812 : i32 to vector<16xi32>
        %add3A_814 = vector.broadcast %mul3A_661 : i32 to vector<16xi32>
        %add3A_815 = arith.addi %broadcast_in_dim3A_813, %add3A_814 : vector<16xi32>
        tpu.vector_store_idx %arg9[%select_n3A, %select_n3A_169, %add3A_815], %get3A_763 : memref<8x8x129xf32, #tpu.memory_space<vmem>>[vector<16xi32>, vector<16xi32>, vector<16xi32>], vector<16xf32>,
        tpu.vector_store_idx %arg9[%select_n3A_75, %select_n3A_195, %add3A_815], %get3A_766 : memref<8x8x129xf32, #tpu.memory_space<vmem>>[vector<16xi32>, vector<16xi32>, vector<16xi32>], vector<16xf32>,
        tpu.vector_store_idx %arg9[%select_n3A_110, %select_n3A_221, %add3A_815], %get3A_769 : memref<8x8x129xf32, #tpu.memory_space<vmem>>[vector<16xi32>, vector<16xi32>, vector<16xi32>], vector<16xf32>,
        tpu.vector_store_idx %arg9[%select_n3A_145, %select_n3A_247, %add3A_815], %get3A_772 : memref<8x8x129xf32, #tpu.memory_space<vmem>>[vector<16xi32>, vector<16xi32>, vector<16xi32>], vector<16xf32>,
        %broadcast_in_dim3A_816 = arith.constant 7 : i32
        %broadcast_in_dim3A_817 = vector.broadcast %broadcast_in_dim3A_816 : i32 to vector<16xi32>
        %add3A_818 = vector.broadcast %mul3A_661 : i32 to vector<16xi32>
        %add3A_819 = arith.addi %broadcast_in_dim3A_817, %add3A_818 : vector<16xi32>
        tpu.vector_store_idx %arg9[%select_n3A, %select_n3A_169, %add3A_819], %get3A_779 : memref<8x8x129xf32, #tpu.memory_space<vmem>>[vector<16xi32>, vector<16xi32>, vector<16xi32>], vector<16xf32>,
        tpu.vector_store_idx %arg9[%select_n3A_75, %select_n3A_195, %add3A_819], %get3A_782 : memref<8x8x129xf32, #tpu.memory_space<vmem>>[vector<16xi32>, vector<16xi32>, vector<16xi32>], vector<16xf32>,
        tpu.vector_store_idx %arg9[%select_n3A_110, %select_n3A_221, %add3A_819], %get3A_785 : memref<8x8x129xf32, #tpu.memory_space<vmem>>[vector<16xi32>, vector<16xi32>, vector<16xi32>], vector<16xf32>,
        tpu.vector_store_idx %arg9[%select_n3A_145, %select_n3A_247, %add3A_819], %get3A_788 : memref<8x8x129xf32, #tpu.memory_space<vmem>>[vector<16xi32>, vector<16xi32>, vector<16xi32>], vector<16xf32>,
      }
      %scan3A_515 = arith.constant 16 : i32
      %add3A_516 = arith.constant 0 : i32
      %add3A_517 = arith.addi %div3A_504, %add3A_516 : i32
      %dma_start3A_518 = arith.constant 0 : i32
      %dma_start3A_519 = arith.constant 0 : i32
      %dma_start3A_520 = arith.constant 0 : i32
      %dma_start3A_521 = tpu.memref_slice %arg9[%dma_start3A_518, %dma_start3A_519, %dma_start3A_520] : memref<8x8x129xf32, #tpu.memory_space<vmem>> -> memref<8x8x128xf32, #tpu.memory_space<vmem>>
      %dma_start3A_522 = arith.constant 0 : i32
      %dma_start3A_523 = arith.constant 0 : i32
      %dma_start3A_524 = arith.constant 0 : i32
      %dma_start3A_525 = tpu.memref_slice %arg4[%div3A_500, %dma_start3A_522, %add3A_517, %dma_start3A_523, %dma_start3A_524] : memref<200x8x32x8x128xf32, #tpu.memory_space<hbm>> -> memref<1x8x1x8x128xf32, #tpu.memory_space<hbm>>
      %dma_start3A_526 = tpu.memref_squeeze %dma_start3A_525 : memref<1x8x1x8x128xf32, #tpu.memory_space<hbm>> -> memref<8x8x128xf32, #tpu.memory_space<hbm>>
      %dma_start3A_527 = arith.constant 0 : i32
      %dma_start3A_528 = arith.constant 0 : i32
      %dma_start3A_529 = arith.constant 0 : i32
      %dma_start3A_530 = tpu.memref_slice %arg4[%div3A_500, %dma_start3A_527, %add3A_517, %dma_start3A_528, %dma_start3A_529] : memref<200x8x32x8x128xf32, #tpu.memory_space<hbm>> -> memref<1x8x1x8x128xf32, #tpu.memory_space<hbm>>
      %dma_start3A_531 = tpu.memref_squeeze %dma_start3A_530 : memref<1x8x1x8x128xf32, #tpu.memory_space<hbm>> -> memref<8x8x128xf32, #tpu.memory_space<hbm>>
      %dma_start3A_532 = arith.constant 0 : i32
      %dma_start3A_533 = arith.constant 0 : i32
      %dma_start3A_534 = arith.constant 0 : i32
      %dma_start3A_535 = tpu.memref_slice %arg9[%dma_start3A_532, %dma_start3A_533, %dma_start3A_534] : memref<8x8x129xf32, #tpu.memory_space<vmem>> -> memref<8x8x128xf32, #tpu.memory_space<vmem>>
      tpu.enqueue_dma source(%dma_start3A_535 : memref<8x8x128xf32, #tpu.memory_space<vmem>>) target(%dma_start3A_531 : memref<8x8x128xf32, #tpu.memory_space<hbm>>) target_semaphore(%arg13 : memref<!tpu.dma_semaphore, #tpu.memory_space<semaphore_mem>>)
      %gt3A_536 = arith.constant 0 : i32
      %gt3A_537 = arith.cmpi sgt, %add3A_478, %gt3A_536 : i32
      %convert_element_type3A_538 = arith.extui %gt3A_537 : i1 to i32
      %cond3A_539 = arith.constant 0 : i32
      %cond3A_540 = arith.cmpi ne, %convert_element_type3A_538, %cond3A_539 : i32
      scf.if %cond3A_540 {
        %dma_wait3A_659 = arith.constant 0 : i32
        %dma_wait3A_660 = arith.constant 0 : i32
        %dma_wait3A_661 = arith.constant 0 : i32
        %dma_wait3A_662 = arith.constant 0 : i32
        %dma_wait3A_663 = arith.constant 0 : i32
        %dma_wait3A_664 = tpu.memref_slice %arg10[%dma_wait3A_661, %dma_wait3A_662, %dma_wait3A_663] : memref<8x8x129xf32, #tpu.memory_space<vmem>> -> memref<8x8x128xf32, #tpu.memory_space<vmem>>
        %dma_wait3A_665 = arith.constant 0 : i32
        %dma_wait3A_666 = arith.constant 0 : i32
        %dma_wait3A_667 = arith.constant 0 : i32
        %dma_wait3A_668 = tpu.memref_slice %arg4[%dma_wait3A_659, %dma_wait3A_665, %dma_wait3A_660, %dma_wait3A_666, %dma_wait3A_667] : memref<200x8x32x8x128xf32, #tpu.memory_space<hbm>> -> memref<1x8x1x8x128xf32, #tpu.memory_space<hbm>>
        %dma_wait3A_669 = tpu.memref_squeeze %dma_wait3A_668 : memref<1x8x1x8x128xf32, #tpu.memory_space<hbm>> -> memref<8x8x128xf32, #tpu.memory_space<hbm>>
        %dma_wait3A_670 = arith.constant 0 : i32
        %dma_wait3A_671 = arith.constant 0 : i32
        %dma_wait3A_672 = arith.constant 0 : i32
        %dma_wait3A_673 = tpu.memref_slice %arg4[%dma_wait3A_659, %dma_wait3A_670, %dma_wait3A_660, %dma_wait3A_671, %dma_wait3A_672] : memref<200x8x32x8x128xf32, #tpu.memory_space<hbm>> -> memref<1x8x1x8x128xf32, #tpu.memory_space<hbm>>
        %dma_wait3A_674 = tpu.memref_squeeze %dma_wait3A_673 : memref<1x8x1x8x128xf32, #tpu.memory_space<hbm>> -> memref<8x8x128xf32, #tpu.memory_space<hbm>>
        %dma_wait3A_675 = arith.constant 0 : i32
        %dma_wait3A_676 = arith.constant 0 : i32
        %dma_wait3A_677 = arith.constant 0 : i32
        %dma_wait3A_678 = tpu.memref_slice %arg10[%dma_wait3A_675, %dma_wait3A_676, %dma_wait3A_677] : memref<8x8x129xf32, #tpu.memory_space<vmem>> -> memref<8x8x128xf32, #tpu.memory_space<vmem>>
        tpu.wait_dma2 semaphore(%arg13 : memref<!tpu.dma_semaphore, #tpu.memory_space<semaphore_mem>>) src(%dma_wait3A_678 : memref<8x8x128xf32, #tpu.memory_space<vmem>>) dst(%dma_wait3A_674 : memref<8x8x128xf32, #tpu.memory_space<hbm>>)
      } else {
      }
      %scan3A_541 = arith.constant 0 : i32
      %scan3A_542 = arith.constant 0 : i32
      %scan3A_543 = arith.constant 16 : i32
      %scan3A_544 = arith.addi %scan3A_542, %scan3A_543 : i32
      %scan3A_545 = arith.constant 1 : i32
      scf.for %scan3A_659 = %scan3A_542 to %scan3A_544 step %scan3A_545  : i32 {
        %mul3A_660 = arith.constant 8 : i32
        %mul3A_661 = arith.muli %scan3A_659, %mul3A_660 : i32
        %add3A_662 = arith.constant 128 : i32
        %add3A_663 = arith.addi %add3A_662, %mul3A_661 : i32
        %add3A_664 = arith.constant 0 : i32
        %add3A_665 = arith.addi %add3A_663, %add3A_664 : i32
        %get3A = arith.index_cast %add3A_665 : i32 to index
        %get3A_666 = arith.constant 0 : index
        %get3A_667 = tpu.vector_load %arg8[%get3A, %get3A_666] {strides = array<i32>} : memref<512x64xf32, #tpu.memory_space<vmem>>, vector<16xf32>,
        %get3A_668 = arith.index_cast %add3A_665 : i32 to index
        %get3A_669 = arith.constant 16 : index
        %get3A_670 = tpu.vector_load %arg8[%get3A_668, %get3A_669] {strides = array<i32>} : memref<512x64xf32, #tpu.memory_space<vmem>>, vector<16xf32>,
        %get3A_671 = arith.index_cast %add3A_665 : i32 to index
        %get3A_672 = arith.constant 32 : index
        %get3A_673 = tpu.vector_load %arg8[%get3A_671, %get3A_672] {strides = array<i32>} : memref<512x64xf32, #tpu.memory_space<vmem>>, vector<16xf32>,
        %get3A_674 = arith.index_cast %add3A_665 : i32 to index
        %get3A_675 = arith.constant 48 : index
        %get3A_676 = tpu.vector_load %arg8[%get3A_674, %get3A_675] {strides = array<i32>} : memref<512x64xf32, #tpu.memory_space<vmem>>, vector<16xf32>,
        %add3A_677 = arith.constant 128 : i32
        %add3A_678 = arith.addi %add3A_677, %mul3A_661 : i32
        %add3A_679 = arith.constant 1 : i32
        %add3A_680 = arith.addi %add3A_678, %add3A_679 : i32
        %get3A_681 = arith.index_cast %add3A_680 : i32 to index
        %get3A_682 = arith.constant 0 : index
        %get3A_683 = tpu.vector_load %arg8[%get3A_681, %get3A_682] {strides = array<i32>} : memref<512x64xf32, #tpu.memory_space<vmem>>, vector<16xf32>,
        %get3A_684 = arith.index_cast %add3A_680 : i32 to index
        %get3A_685 = arith.constant 16 : index
        %get3A_686 = tpu.vector_load %arg8[%get3A_684, %get3A_685] {strides = array<i32>} : memref<512x64xf32, #tpu.memory_space<vmem>>, vector<16xf32>,
        %get3A_687 = arith.index_cast %add3A_680 : i32 to index
        %get3A_688 = arith.constant 32 : index
        %get3A_689 = tpu.vector_load %arg8[%get3A_687, %get3A_688] {strides = array<i32>} : memref<512x64xf32, #tpu.memory_space<vmem>>, vector<16xf32>,
        %get3A_690 = arith.index_cast %add3A_680 : i32 to index
        %get3A_691 = arith.constant 48 : index
        %get3A_692 = tpu.vector_load %arg8[%get3A_690, %get3A_691] {strides = array<i32>} : memref<512x64xf32, #tpu.memory_space<vmem>>, vector<16xf32>,
        %add3A_693 = arith.constant 128 : i32
        %add3A_694 = arith.addi %add3A_693, %mul3A_661 : i32
        %add3A_695 = arith.constant 2 : i32
        %add3A_696 = arith.addi %add3A_694, %add3A_695 : i32
        %get3A_697 = arith.index_cast %add3A_696 : i32 to index
        %get3A_698 = arith.constant 0 : index
        %get3A_699 = tpu.vector_load %arg8[%get3A_697, %get3A_698] {strides = array<i32>} : memref<512x64xf32, #tpu.memory_space<vmem>>, vector<16xf32>,
        %get3A_700 = arith.index_cast %add3A_696 : i32 to index
        %get3A_701 = arith.constant 16 : index
        %get3A_702 = tpu.vector_load %arg8[%get3A_700, %get3A_701] {strides = array<i32>} : memref<512x64xf32, #tpu.memory_space<vmem>>, vector<16xf32>,
        %get3A_703 = arith.index_cast %add3A_696 : i32 to index
        %get3A_704 = arith.constant 32 : index
        %get3A_705 = tpu.vector_load %arg8[%get3A_703, %get3A_704] {strides = array<i32>} : memref<512x64xf32, #tpu.memory_space<vmem>>, vector<16xf32>,
        %get3A_706 = arith.index_cast %add3A_696 : i32 to index
        %get3A_707 = arith.constant 48 : index
        %get3A_708 = tpu.vector_load %arg8[%get3A_706, %get3A_707] {strides = array<i32>} : memref<512x64xf32, #tpu.memory_space<vmem>>, vector<16xf32>,
        %add3A_709 = arith.constant 128 : i32
        %add3A_710 = arith.addi %add3A_709, %mul3A_661 : i32
        %add3A_711 = arith.constant 3 : i32
        %add3A_712 = arith.addi %add3A_710, %add3A_711 : i32
        %get3A_713 = arith.index_cast %add3A_712 : i32 to index
        %get3A_714 = arith.constant 0 : index
        %get3A_715 = tpu.vector_load %arg8[%get3A_713, %get3A_714] {strides = array<i32>} : memref<512x64xf32, #tpu.memory_space<vmem>>, vector<16xf32>,
        %get3A_716 = arith.index_cast %add3A_712 : i32 to index
        %get3A_717 = arith.constant 16 : index
        %get3A_718 = tpu.vector_load %arg8[%get3A_716, %get3A_717] {strides = array<i32>} : memref<512x64xf32, #tpu.memory_space<vmem>>, vector<16xf32>,
        %get3A_719 = arith.index_cast %add3A_712 : i32 to index
        %get3A_720 = arith.constant 32 : index
        %get3A_721 = tpu.vector_load %arg8[%get3A_719, %get3A_720] {strides = array<i32>} : memref<512x64xf32, #tpu.memory_space<vmem>>, vector<16xf32>,
        %get3A_722 = arith.index_cast %add3A_712 : i32 to index
        %get3A_723 = arith.constant 48 : index
        %get3A_724 = tpu.vector_load %arg8[%get3A_722, %get3A_723] {strides = array<i32>} : memref<512x64xf32, #tpu.memory_space<vmem>>, vector<16xf32>,
        %add3A_725 = arith.constant 128 : i32
        %add3A_726 = arith.addi %add3A_725, %mul3A_661 : i32
        %add3A_727 = arith.constant 4 : i32
        %add3A_728 = arith.addi %add3A_726, %add3A_727 : i32
        %get3A_729 = arith.index_cast %add3A_728 : i32 to index
        %get3A_730 = arith.constant 0 : index
        %get3A_731 = tpu.vector_load %arg8[%get3A_729, %get3A_730] {strides = array<i32>} : memref<512x64xf32, #tpu.memory_space<vmem>>, vector<16xf32>,
        %get3A_732 = arith.index_cast %add3A_728 : i32 to index
        %get3A_733 = arith.constant 16 : index
        %get3A_734 = tpu.vector_load %arg8[%get3A_732, %get3A_733] {strides = array<i32>} : memref<512x64xf32, #tpu.memory_space<vmem>>, vector<16xf32>,
        %get3A_735 = arith.index_cast %add3A_728 : i32 to index
        %get3A_736 = arith.constant 32 : index
        %get3A_737 = tpu.vector_load %arg8[%get3A_735, %get3A_736] {strides = array<i32>} : memref<512x64xf32, #tpu.memory_space<vmem>>, vector<16xf32>,
        %get3A_738 = arith.index_cast %add3A_728 : i32 to index
        %get3A_739 = arith.constant 48 : index
        %get3A_740 = tpu.vector_load %arg8[%get3A_738, %get3A_739] {strides = array<i32>} : memref<512x64xf32, #tpu.memory_space<vmem>>, vector<16xf32>,
        %add3A_741 = arith.constant 128 : i32
        %add3A_742 = arith.addi %add3A_741, %mul3A_661 : i32
        %add3A_743 = arith.constant 5 : i32
        %add3A_744 = arith.addi %add3A_742, %add3A_743 : i32
        %get3A_745 = arith.index_cast %add3A_744 : i32 to index
        %get3A_746 = arith.constant 0 : index
        %get3A_747 = tpu.vector_load %arg8[%get3A_745, %get3A_746] {strides = array<i32>} : memref<512x64xf32, #tpu.memory_space<vmem>>, vector<16xf32>,
        %get3A_748 = arith.index_cast %add3A_744 : i32 to index
        %get3A_749 = arith.constant 16 : index
        %get3A_750 = tpu.vector_load %arg8[%get3A_748, %get3A_749] {strides = array<i32>} : memref<512x64xf32, #tpu.memory_space<vmem>>, vector<16xf32>,
        %get3A_751 = arith.index_cast %add3A_744 : i32 to index
        %get3A_752 = arith.constant 32 : index
        %get3A_753 = tpu.vector_load %arg8[%get3A_751, %get3A_752] {strides = array<i32>} : memref<512x64xf32, #tpu.memory_space<vmem>>, vector<16xf32>,
        %get3A_754 = arith.index_cast %add3A_744 : i32 to index
        %get3A_755 = arith.constant 48 : index
        %get3A_756 = tpu.vector_load %arg8[%get3A_754, %get3A_755] {strides = array<i32>} : memref<512x64xf32, #tpu.memory_space<vmem>>, vector<16xf32>,
        %add3A_757 = arith.constant 128 : i32
        %add3A_758 = arith.addi %add3A_757, %mul3A_661 : i32
        %add3A_759 = arith.constant 6 : i32
        %add3A_760 = arith.addi %add3A_758, %add3A_759 : i32
        %get3A_761 = arith.index_cast %add3A_760 : i32 to index
        %get3A_762 = arith.constant 0 : index
        %get3A_763 = tpu.vector_load %arg8[%get3A_761, %get3A_762] {strides = array<i32>} : memref<512x64xf32, #tpu.memory_space<vmem>>, vector<16xf32>,
        %get3A_764 = arith.index_cast %add3A_760 : i32 to index
        %get3A_765 = arith.constant 16 : index
        %get3A_766 = tpu.vector_load %arg8[%get3A_764, %get3A_765] {strides = array<i32>} : memref<512x64xf32, #tpu.memory_space<vmem>>, vector<16xf32>,
        %get3A_767 = arith.index_cast %add3A_760 : i32 to index
        %get3A_768 = arith.constant 32 : index
        %get3A_769 = tpu.vector_load %arg8[%get3A_767, %get3A_768] {strides = array<i32>} : memref<512x64xf32, #tpu.memory_space<vmem>>, vector<16xf32>,
        %get3A_770 = arith.index_cast %add3A_760 : i32 to index
        %get3A_771 = arith.constant 48 : index
        %get3A_772 = tpu.vector_load %arg8[%get3A_770, %get3A_771] {strides = array<i32>} : memref<512x64xf32, #tpu.memory_space<vmem>>, vector<16xf32>,
        %add3A_773 = arith.constant 128 : i32
        %add3A_774 = arith.addi %add3A_773, %mul3A_661 : i32
        %add3A_775 = arith.constant 7 : i32
        %add3A_776 = arith.addi %add3A_774, %add3A_775 : i32
        %get3A_777 = arith.index_cast %add3A_776 : i32 to index
        %get3A_778 = arith.constant 0 : index
        %get3A_779 = tpu.vector_load %arg8[%get3A_777, %get3A_778] {strides = array<i32>} : memref<512x64xf32, #tpu.memory_space<vmem>>, vector<16xf32>,
        %get3A_780 = arith.index_cast %add3A_776 : i32 to index
        %get3A_781 = arith.constant 16 : index
        %get3A_782 = tpu.vector_load %arg8[%get3A_780, %get3A_781] {strides = array<i32>} : memref<512x64xf32, #tpu.memory_space<vmem>>, vector<16xf32>,
        %get3A_783 = arith.index_cast %add3A_776 : i32 to index
        %get3A_784 = arith.constant 32 : index
        %get3A_785 = tpu.vector_load %arg8[%get3A_783, %get3A_784] {strides = array<i32>} : memref<512x64xf32, #tpu.memory_space<vmem>>, vector<16xf32>,
        %get3A_786 = arith.index_cast %add3A_776 : i32 to index
        %get3A_787 = arith.constant 48 : index
        %get3A_788 = tpu.vector_load %arg8[%get3A_786, %get3A_787] {strides = array<i32>} : memref<512x64xf32, #tpu.memory_space<vmem>>, vector<16xf32>,
        %broadcast_in_dim3A = arith.constant 0 : i32
        %broadcast_in_dim3A_789 = vector.broadcast %broadcast_in_dim3A : i32 to vector<16xi32>
        %add3A_790 = vector.broadcast %mul3A_661 : i32 to vector<16xi32>
        %add3A_791 = arith.addi %broadcast_in_dim3A_789, %add3A_790 : vector<16xi32>
        tpu.vector_store_idx %arg10[%select_n3A, %select_n3A_169, %add3A_791], %get3A_667 : memref<8x8x129xf32, #tpu.memory_space<vmem>>[vector<16xi32>, vector<16xi32>, vector<16xi32>], vector<16xf32>,
        tpu.vector_store_idx %arg10[%select_n3A_75, %select_n3A_195, %add3A_791], %get3A_670 : memref<8x8x129xf32, #tpu.memory_space<vmem>>[vector<16xi32>, vector<16xi32>, vector<16xi32>], vector<16xf32>,
        tpu.vector_store_idx %arg10[%select_n3A_110, %select_n3A_221, %add3A_791], %get3A_673 : memref<8x8x129xf32, #tpu.memory_space<vmem>>[vector<16xi32>, vector<16xi32>, vector<16xi32>], vector<16xf32>,
        tpu.vector_store_idx %arg10[%select_n3A_145, %select_n3A_247, %add3A_791], %get3A_676 : memref<8x8x129xf32, #tpu.memory_space<vmem>>[vector<16xi32>, vector<16xi32>, vector<16xi32>], vector<16xf32>,
        %broadcast_in_dim3A_792 = arith.constant 1 : i32
        %broadcast_in_dim3A_793 = vector.broadcast %broadcast_in_dim3A_792 : i32 to vector<16xi32>
        %add3A_794 = vector.broadcast %mul3A_661 : i32 to vector<16xi32>
        %add3A_795 = arith.addi %broadcast_in_dim3A_793, %add3A_794 : vector<16xi32>
        tpu.vector_store_idx %arg10[%select_n3A, %select_n3A_169, %add3A_795], %get3A_683 : memref<8x8x129xf32, #tpu.memory_space<vmem>>[vector<16xi32>, vector<16xi32>, vector<16xi32>], vector<16xf32>,
        tpu.vector_store_idx %arg10[%select_n3A_75, %select_n3A_195, %add3A_795], %get3A_686 : memref<8x8x129xf32, #tpu.memory_space<vmem>>[vector<16xi32>, vector<16xi32>, vector<16xi32>], vector<16xf32>,
        tpu.vector_store_idx %arg10[%select_n3A_110, %select_n3A_221, %add3A_795], %get3A_689 : memref<8x8x129xf32, #tpu.memory_space<vmem>>[vector<16xi32>, vector<16xi32>, vector<16xi32>], vector<16xf32>,
        tpu.vector_store_idx %arg10[%select_n3A_145, %select_n3A_247, %add3A_795], %get3A_692 : memref<8x8x129xf32, #tpu.memory_space<vmem>>[vector<16xi32>, vector<16xi32>, vector<16xi32>], vector<16xf32>,
        %broadcast_in_dim3A_796 = arith.constant 2 : i32
        %broadcast_in_dim3A_797 = vector.broadcast %broadcast_in_dim3A_796 : i32 to vector<16xi32>
        %add3A_798 = vector.broadcast %mul3A_661 : i32 to vector<16xi32>
        %add3A_799 = arith.addi %broadcast_in_dim3A_797, %add3A_798 : vector<16xi32>
        tpu.vector_store_idx %arg10[%select_n3A, %select_n3A_169, %add3A_799], %get3A_699 : memref<8x8x129xf32, #tpu.memory_space<vmem>>[vector<16xi32>, vector<16xi32>, vector<16xi32>], vector<16xf32>,
        tpu.vector_store_idx %arg10[%select_n3A_75, %select_n3A_195, %add3A_799], %get3A_702 : memref<8x8x129xf32, #tpu.memory_space<vmem>>[vector<16xi32>, vector<16xi32>, vector<16xi32>], vector<16xf32>,
        tpu.vector_store_idx %arg10[%select_n3A_110, %select_n3A_221, %add3A_799], %get3A_705 : memref<8x8x129xf32, #tpu.memory_space<vmem>>[vector<16xi32>, vector<16xi32>, vector<16xi32>], vector<16xf32>,
        tpu.vector_store_idx %arg10[%select_n3A_145, %select_n3A_247, %add3A_799], %get3A_708 : memref<8x8x129xf32, #tpu.memory_space<vmem>>[vector<16xi32>, vector<16xi32>, vector<16xi32>], vector<16xf32>,
        %broadcast_in_dim3A_800 = arith.constant 3 : i32
        %broadcast_in_dim3A_801 = vector.broadcast %broadcast_in_dim3A_800 : i32 to vector<16xi32>
        %add3A_802 = vector.broadcast %mul3A_661 : i32 to vector<16xi32>
        %add3A_803 = arith.addi %broadcast_in_dim3A_801, %add3A_802 : vector<16xi32>
        tpu.vector_store_idx %arg10[%select_n3A, %select_n3A_169, %add3A_803], %get3A_715 : memref<8x8x129xf32, #tpu.memory_space<vmem>>[vector<16xi32>, vector<16xi32>, vector<16xi32>], vector<16xf32>,
        tpu.vector_store_idx %arg10[%select_n3A_75, %select_n3A_195, %add3A_803], %get3A_718 : memref<8x8x129xf32, #tpu.memory_space<vmem>>[vector<16xi32>, vector<16xi32>, vector<16xi32>], vector<16xf32>,
        tpu.vector_store_idx %arg10[%select_n3A_110, %select_n3A_221, %add3A_803], %get3A_721 : memref<8x8x129xf32, #tpu.memory_space<vmem>>[vector<16xi32>, vector<16xi32>, vector<16xi32>], vector<16xf32>,
        tpu.vector_store_idx %arg10[%select_n3A_145, %select_n3A_247, %add3A_803], %get3A_724 : memref<8x8x129xf32, #tpu.memory_space<vmem>>[vector<16xi32>, vector<16xi32>, vector<16xi32>], vector<16xf32>,
        %broadcast_in_dim3A_804 = arith.constant 4 : i32
        %broadcast_in_dim3A_805 = vector.broadcast %broadcast_in_dim3A_804 : i32 to vector<16xi32>
        %add3A_806 = vector.broadcast %mul3A_661 : i32 to vector<16xi32>
        %add3A_807 = arith.addi %broadcast_in_dim3A_805, %add3A_806 : vector<16xi32>
        tpu.vector_store_idx %arg10[%select_n3A, %select_n3A_169, %add3A_807], %get3A_731 : memref<8x8x129xf32, #tpu.memory_space<vmem>>[vector<16xi32>, vector<16xi32>, vector<16xi32>], vector<16xf32>,
        tpu.vector_store_idx %arg10[%select_n3A_75, %select_n3A_195, %add3A_807], %get3A_734 : memref<8x8x129xf32, #tpu.memory_space<vmem>>[vector<16xi32>, vector<16xi32>, vector<16xi32>], vector<16xf32>,
        tpu.vector_store_idx %arg10[%select_n3A_110, %select_n3A_221, %add3A_807], %get3A_737 : memref<8x8x129xf32, #tpu.memory_space<vmem>>[vector<16xi32>, vector<16xi32>, vector<16xi32>], vector<16xf32>,
        tpu.vector_store_idx %arg10[%select_n3A_145, %select_n3A_247, %add3A_807], %get3A_740 : memref<8x8x129xf32, #tpu.memory_space<vmem>>[vector<16xi32>, vector<16xi32>, vector<16xi32>], vector<16xf32>,
        %broadcast_in_dim3A_808 = arith.constant 5 : i32
        %broadcast_in_dim3A_809 = vector.broadcast %broadcast_in_dim3A_808 : i32 to vector<16xi32>
        %add3A_810 = vector.broadcast %mul3A_661 : i32 to vector<16xi32>
        %add3A_811 = arith.addi %broadcast_in_dim3A_809, %add3A_810 : vector<16xi32>
        tpu.vector_store_idx %arg10[%select_n3A, %select_n3A_169, %add3A_811], %get3A_747 : memref<8x8x129xf32, #tpu.memory_space<vmem>>[vector<16xi32>, vector<16xi32>, vector<16xi32>], vector<16xf32>,
        tpu.vector_store_idx %arg10[%select_n3A_75, %select_n3A_195, %add3A_811], %get3A_750 : memref<8x8x129xf32, #tpu.memory_space<vmem>>[vector<16xi32>, vector<16xi32>, vector<16xi32>], vector<16xf32>,
        tpu.vector_store_idx %arg10[%select_n3A_110, %select_n3A_221, %add3A_811], %get3A_753 : memref<8x8x129xf32, #tpu.memory_space<vmem>>[vector<16xi32>, vector<16xi32>, vector<16xi32>], vector<16xf32>,
        tpu.vector_store_idx %arg10[%select_n3A_145, %select_n3A_247, %add3A_811], %get3A_756 : memref<8x8x129xf32, #tpu.memory_space<vmem>>[vector<16xi32>, vector<16xi32>, vector<16xi32>], vector<16xf32>,
        %broadcast_in_dim3A_812 = arith.constant 6 : i32
        %broadcast_in_dim3A_813 = vector.broadcast %broadcast_in_dim3A_812 : i32 to vector<16xi32>
        %add3A_814 = vector.broadcast %mul3A_661 : i32 to vector<16xi32>
        %add3A_815 = arith.addi %broadcast_in_dim3A_813, %add3A_814 : vector<16xi32>
        tpu.vector_store_idx %arg10[%select_n3A, %select_n3A_169, %add3A_815], %get3A_763 : memref<8x8x129xf32, #tpu.memory_space<vmem>>[vector<16xi32>, vector<16xi32>, vector<16xi32>], vector<16xf32>,
        tpu.vector_store_idx %arg10[%select_n3A_75, %select_n3A_195, %add3A_815], %get3A_766 : memref<8x8x129xf32, #tpu.memory_space<vmem>>[vector<16xi32>, vector<16xi32>, vector<16xi32>], vector<16xf32>,
        tpu.vector_store_idx %arg10[%select_n3A_110, %select_n3A_221, %add3A_815], %get3A_769 : memref<8x8x129xf32, #tpu.memory_space<vmem>>[vector<16xi32>, vector<16xi32>, vector<16xi32>], vector<16xf32>,
        tpu.vector_store_idx %arg10[%select_n3A_145, %select_n3A_247, %add3A_815], %get3A_772 : memref<8x8x129xf32, #tpu.memory_space<vmem>>[vector<16xi32>, vector<16xi32>, vector<16xi32>], vector<16xf32>,
        %broadcast_in_dim3A_816 = arith.constant 7 : i32
        %broadcast_in_dim3A_817 = vector.broadcast %broadcast_in_dim3A_816 : i32 to vector<16xi32>
        %add3A_818 = vector.broadcast %mul3A_661 : i32 to vector<16xi32>
        %add3A_819 = arith.addi %broadcast_in_dim3A_817, %add3A_818 : vector<16xi32>
        tpu.vector_store_idx %arg10[%select_n3A, %select_n3A_169, %add3A_819], %get3A_779 : memref<8x8x129xf32, #tpu.memory_space<vmem>>[vector<16xi32>, vector<16xi32>, vector<16xi32>], vector<16xf32>,
        tpu.vector_store_idx %arg10[%select_n3A_75, %select_n3A_195, %add3A_819], %get3A_782 : memref<8x8x129xf32, #tpu.memory_space<vmem>>[vector<16xi32>, vector<16xi32>, vector<16xi32>], vector<16xf32>,
        tpu.vector_store_idx %arg10[%select_n3A_110, %select_n3A_221, %add3A_819], %get3A_785 : memref<8x8x129xf32, #tpu.memory_space<vmem>>[vector<16xi32>, vector<16xi32>, vector<16xi32>], vector<16xf32>,
        tpu.vector_store_idx %arg10[%select_n3A_145, %select_n3A_247, %add3A_819], %get3A_788 : memref<8x8x129xf32, #tpu.memory_space<vmem>>[vector<16xi32>, vector<16xi32>, vector<16xi32>], vector<16xf32>,
      }
      %scan3A_546 = arith.constant 16 : i32
      %add3A_547 = arith.constant 1 : i32
      %add3A_548 = arith.addi %div3A_504, %add3A_547 : i32
      %dma_start3A_549 = arith.constant 0 : i32
      %dma_start3A_550 = arith.constant 0 : i32
      %dma_start3A_551 = arith.constant 0 : i32
      %dma_start3A_552 = tpu.memref_slice %arg10[%dma_start3A_549, %dma_start3A_550, %dma_start3A_551] : memref<8x8x129xf32, #tpu.memory_space<vmem>> -> memref<8x8x128xf32, #tpu.memory_space<vmem>>
      %dma_start3A_553 = arith.constant 0 : i32
      %dma_start3A_554 = arith.constant 0 : i32
      %dma_start3A_555 = arith.constant 0 : i32
      %dma_start3A_556 = tpu.memref_slice %arg4[%div3A_500, %dma_start3A_553, %add3A_548, %dma_start3A_554, %dma_start3A_555] : memref<200x8x32x8x128xf32, #tpu.memory_space<hbm>> -> memref<1x8x1x8x128xf32, #tpu.memory_space<hbm>>
      %dma_start3A_557 = tpu.memref_squeeze %dma_start3A_556 : memref<1x8x1x8x128xf32, #tpu.memory_space<hbm>> -> memref<8x8x128xf32, #tpu.memory_space<hbm>>
      %dma_start3A_558 = arith.constant 0 : i32
      %dma_start3A_559 = arith.constant 0 : i32
      %dma_start3A_560 = arith.constant 0 : i32
      %dma_start3A_561 = tpu.memref_slice %arg4[%div3A_500, %dma_start3A_558, %add3A_548, %dma_start3A_559, %dma_start3A_560] : memref<200x8x32x8x128xf32, #tpu.memory_space<hbm>> -> memref<1x8x1x8x128xf32, #tpu.memory_space<hbm>>
      %dma_start3A_562 = tpu.memref_squeeze %dma_start3A_561 : memref<1x8x1x8x128xf32, #tpu.memory_space<hbm>> -> memref<8x8x128xf32, #tpu.memory_space<hbm>>
      %dma_start3A_563 = arith.constant 0 : i32
      %dma_start3A_564 = arith.constant 0 : i32
      %dma_start3A_565 = arith.constant 0 : i32
      %dma_start3A_566 = tpu.memref_slice %arg10[%dma_start3A_563, %dma_start3A_564, %dma_start3A_565] : memref<8x8x129xf32, #tpu.memory_space<vmem>> -> memref<8x8x128xf32, #tpu.memory_space<vmem>>
      tpu.enqueue_dma source(%dma_start3A_566 : memref<8x8x128xf32, #tpu.memory_space<vmem>>) target(%dma_start3A_562 : memref<8x8x128xf32, #tpu.memory_space<hbm>>) target_semaphore(%arg13 : memref<!tpu.dma_semaphore, #tpu.memory_space<semaphore_mem>>)
      %dma_wait3A_567 = arith.constant 0 : i32
      %dma_wait3A_568 = arith.constant 0 : i32
      %dma_wait3A_569 = arith.constant 0 : i32
      %dma_wait3A_570 = arith.constant 0 : i32
      %dma_wait3A_571 = arith.constant 0 : i32
      %dma_wait3A_572 = tpu.memref_slice %arg9[%dma_wait3A_569, %dma_wait3A_570, %dma_wait3A_571] : memref<8x8x129xf32, #tpu.memory_space<vmem>> -> memref<8x8x128xf32, #tpu.memory_space<vmem>>
      %dma_wait3A_573 = arith.constant 0 : i32
      %dma_wait3A_574 = arith.constant 0 : i32
      %dma_wait3A_575 = arith.constant 0 : i32
      %dma_wait3A_576 = tpu.memref_slice %arg4[%dma_wait3A_567, %dma_wait3A_573, %dma_wait3A_568, %dma_wait3A_574, %dma_wait3A_575] : memref<200x8x32x8x128xf32, #tpu.memory_space<hbm>> -> memref<1x8x1x8x128xf32, #tpu.memory_space<hbm>>
      %dma_wait3A_577 = tpu.memref_squeeze %dma_wait3A_576 : memref<1x8x1x8x128xf32, #tpu.memory_space<hbm>> -> memref<8x8x128xf32, #tpu.memory_space<hbm>>
      %dma_wait3A_578 = arith.constant 0 : i32
      %dma_wait3A_579 = arith.constant 0 : i32
      %dma_wait3A_580 = arith.constant 0 : i32
      %dma_wait3A_581 = tpu.memref_slice %arg4[%dma_wait3A_567, %dma_wait3A_578, %dma_wait3A_568, %dma_wait3A_579, %dma_wait3A_580] : memref<200x8x32x8x128xf32, #tpu.memory_space<hbm>> -> memref<1x8x1x8x128xf32, #tpu.memory_space<hbm>>
      %dma_wait3A_582 = tpu.memref_squeeze %dma_wait3A_581 : memref<1x8x1x8x128xf32, #tpu.memory_space<hbm>> -> memref<8x8x128xf32, #tpu.memory_space<hbm>>
      %dma_wait3A_583 = arith.constant 0 : i32
      %dma_wait3A_584 = arith.constant 0 : i32
      %dma_wait3A_585 = arith.constant 0 : i32
      %dma_wait3A_586 = tpu.memref_slice %arg9[%dma_wait3A_583, %dma_wait3A_584, %dma_wait3A_585] : memref<8x8x129xf32, #tpu.memory_space<vmem>> -> memref<8x8x128xf32, #tpu.memory_space<vmem>>
      tpu.wait_dma2 semaphore(%arg13 : memref<!tpu.dma_semaphore, #tpu.memory_space<semaphore_mem>>) src(%dma_wait3A_586 : memref<8x8x128xf32, #tpu.memory_space<vmem>>) dst(%dma_wait3A_582 : memref<8x8x128xf32, #tpu.memory_space<hbm>>)
      %scan3A_587 = arith.constant 0 : i32
      %scan3A_588 = arith.constant 0 : i32
      %scan3A_589 = arith.constant 16 : i32
      %scan3A_590 = arith.addi %scan3A_588, %scan3A_589 : i32
      %scan3A_591 = arith.constant 1 : i32
      scf.for %scan3A_659 = %scan3A_588 to %scan3A_590 step %scan3A_591  : i32 {
        %mul3A_660 = arith.constant 8 : i32
        %mul3A_661 = arith.muli %scan3A_659, %mul3A_660 : i32
        %add3A_662 = arith.constant 256 : i32
        %add3A_663 = arith.addi %add3A_662, %mul3A_661 : i32
        %add3A_664 = arith.constant 0 : i32
        %add3A_665 = arith.addi %add3A_663, %add3A_664 : i32
        %get3A = arith.index_cast %add3A_665 : i32 to index
        %get3A_666 = arith.constant 0 : index
        %get3A_667 = tpu.vector_load %arg8[%get3A, %get3A_666] {strides = array<i32>} : memref<512x64xf32, #tpu.memory_space<vmem>>, vector<16xf32>,
        %get3A_668 = arith.index_cast %add3A_665 : i32 to index
        %get3A_669 = arith.constant 16 : index
        %get3A_670 = tpu.vector_load %arg8[%get3A_668, %get3A_669] {strides = array<i32>} : memref<512x64xf32, #tpu.memory_space<vmem>>, vector<16xf32>,
        %get3A_671 = arith.index_cast %add3A_665 : i32 to index
        %get3A_672 = arith.constant 32 : index
        %get3A_673 = tpu.vector_load %arg8[%get3A_671, %get3A_672] {strides = array<i32>} : memref<512x64xf32, #tpu.memory_space<vmem>>, vector<16xf32>,
        %get3A_674 = arith.index_cast %add3A_665 : i32 to index
        %get3A_675 = arith.constant 48 : index
        %get3A_676 = tpu.vector_load %arg8[%get3A_674, %get3A_675] {strides = array<i32>} : memref<512x64xf32, #tpu.memory_space<vmem>>, vector<16xf32>,
        %add3A_677 = arith.constant 256 : i32
        %add3A_678 = arith.addi %add3A_677, %mul3A_661 : i32
        %add3A_679 = arith.constant 1 : i32
        %add3A_680 = arith.addi %add3A_678, %add3A_679 : i32
        %get3A_681 = arith.index_cast %add3A_680 : i32 to index
        %get3A_682 = arith.constant 0 : index
        %get3A_683 = tpu.vector_load %arg8[%get3A_681, %get3A_682] {strides = array<i32>} : memref<512x64xf32, #tpu.memory_space<vmem>>, vector<16xf32>,
        %get3A_684 = arith.index_cast %add3A_680 : i32 to index
        %get3A_685 = arith.constant 16 : index
        %get3A_686 = tpu.vector_load %arg8[%get3A_684, %get3A_685] {strides = array<i32>} : memref<512x64xf32, #tpu.memory_space<vmem>>, vector<16xf32>,
        %get3A_687 = arith.index_cast %add3A_680 : i32 to index
        %get3A_688 = arith.constant 32 : index
        %get3A_689 = tpu.vector_load %arg8[%get3A_687, %get3A_688] {strides = array<i32>} : memref<512x64xf32, #tpu.memory_space<vmem>>, vector<16xf32>,
        %get3A_690 = arith.index_cast %add3A_680 : i32 to index
        %get3A_691 = arith.constant 48 : index
        %get3A_692 = tpu.vector_load %arg8[%get3A_690, %get3A_691] {strides = array<i32>} : memref<512x64xf32, #tpu.memory_space<vmem>>, vector<16xf32>,
        %add3A_693 = arith.constant 256 : i32
        %add3A_694 = arith.addi %add3A_693, %mul3A_661 : i32
        %add3A_695 = arith.constant 2 : i32
        %add3A_696 = arith.addi %add3A_694, %add3A_695 : i32
        %get3A_697 = arith.index_cast %add3A_696 : i32 to index
        %get3A_698 = arith.constant 0 : index
        %get3A_699 = tpu.vector_load %arg8[%get3A_697, %get3A_698] {strides = array<i32>} : memref<512x64xf32, #tpu.memory_space<vmem>>, vector<16xf32>,
        %get3A_700 = arith.index_cast %add3A_696 : i32 to index
        %get3A_701 = arith.constant 16 : index
        %get3A_702 = tpu.vector_load %arg8[%get3A_700, %get3A_701] {strides = array<i32>} : memref<512x64xf32, #tpu.memory_space<vmem>>, vector<16xf32>,
        %get3A_703 = arith.index_cast %add3A_696 : i32 to index
        %get3A_704 = arith.constant 32 : index
        %get3A_705 = tpu.vector_load %arg8[%get3A_703, %get3A_704] {strides = array<i32>} : memref<512x64xf32, #tpu.memory_space<vmem>>, vector<16xf32>,
        %get3A_706 = arith.index_cast %add3A_696 : i32 to index
        %get3A_707 = arith.constant 48 : index
        %get3A_708 = tpu.vector_load %arg8[%get3A_706, %get3A_707] {strides = array<i32>} : memref<512x64xf32, #tpu.memory_space<vmem>>, vector<16xf32>,
        %add3A_709 = arith.constant 256 : i32
        %add3A_710 = arith.addi %add3A_709, %mul3A_661 : i32
        %add3A_711 = arith.constant 3 : i32
        %add3A_712 = arith.addi %add3A_710, %add3A_711 : i32
        %get3A_713 = arith.index_cast %add3A_712 : i32 to index
        %get3A_714 = arith.constant 0 : index
        %get3A_715 = tpu.vector_load %arg8[%get3A_713, %get3A_714] {strides = array<i32>} : memref<512x64xf32, #tpu.memory_space<vmem>>, vector<16xf32>,
        %get3A_716 = arith.index_cast %add3A_712 : i32 to index
        %get3A_717 = arith.constant 16 : index
        %get3A_718 = tpu.vector_load %arg8[%get3A_716, %get3A_717] {strides = array<i32>} : memref<512x64xf32, #tpu.memory_space<vmem>>, vector<16xf32>,
        %get3A_719 = arith.index_cast %add3A_712 : i32 to index
        %get3A_720 = arith.constant 32 : index
        %get3A_721 = tpu.vector_load %arg8[%get3A_719, %get3A_720] {strides = array<i32>} : memref<512x64xf32, #tpu.memory_space<vmem>>, vector<16xf32>,
        %get3A_722 = arith.index_cast %add3A_712 : i32 to index
        %get3A_723 = arith.constant 48 : index
        %get3A_724 = tpu.vector_load %arg8[%get3A_722, %get3A_723] {strides = array<i32>} : memref<512x64xf32, #tpu.memory_space<vmem>>, vector<16xf32>,
        %add3A_725 = arith.constant 256 : i32
        %add3A_726 = arith.addi %add3A_725, %mul3A_661 : i32
        %add3A_727 = arith.constant 4 : i32
        %add3A_728 = arith.addi %add3A_726, %add3A_727 : i32
        %get3A_729 = arith.index_cast %add3A_728 : i32 to index
        %get3A_730 = arith.constant 0 : index
        %get3A_731 = tpu.vector_load %arg8[%get3A_729, %get3A_730] {strides = array<i32>} : memref<512x64xf32, #tpu.memory_space<vmem>>, vector<16xf32>,
        %get3A_732 = arith.index_cast %add3A_728 : i32 to index
        %get3A_733 = arith.constant 16 : index
        %get3A_734 = tpu.vector_load %arg8[%get3A_732, %get3A_733] {strides = array<i32>} : memref<512x64xf32, #tpu.memory_space<vmem>>, vector<16xf32>,
        %get3A_735 = arith.index_cast %add3A_728 : i32 to index
        %get3A_736 = arith.constant 32 : index
        %get3A_737 = tpu.vector_load %arg8[%get3A_735, %get3A_736] {strides = array<i32>} : memref<512x64xf32, #tpu.memory_space<vmem>>, vector<16xf32>,
        %get3A_738 = arith.index_cast %add3A_728 : i32 to index
        %get3A_739 = arith.constant 48 : index
        %get3A_740 = tpu.vector_load %arg8[%get3A_738, %get3A_739] {strides = array<i32>} : memref<512x64xf32, #tpu.memory_space<vmem>>, vector<16xf32>,
        %add3A_741 = arith.constant 256 : i32
        %add3A_742 = arith.addi %add3A_741, %mul3A_661 : i32
        %add3A_743 = arith.constant 5 : i32
        %add3A_744 = arith.addi %add3A_742, %add3A_743 : i32
        %get3A_745 = arith.index_cast %add3A_744 : i32 to index
        %get3A_746 = arith.constant 0 : index
        %get3A_747 = tpu.vector_load %arg8[%get3A_745, %get3A_746] {strides = array<i32>} : memref<512x64xf32, #tpu.memory_space<vmem>>, vector<16xf32>,
        %get3A_748 = arith.index_cast %add3A_744 : i32 to index
        %get3A_749 = arith.constant 16 : index
        %get3A_750 = tpu.vector_load %arg8[%get3A_748, %get3A_749] {strides = array<i32>} : memref<512x64xf32, #tpu.memory_space<vmem>>, vector<16xf32>,
        %get3A_751 = arith.index_cast %add3A_744 : i32 to index
        %get3A_752 = arith.constant 32 : index
        %get3A_753 = tpu.vector_load %arg8[%get3A_751, %get3A_752] {strides = array<i32>} : memref<512x64xf32, #tpu.memory_space<vmem>>, vector<16xf32>,
        %get3A_754 = arith.index_cast %add3A_744 : i32 to index
        %get3A_755 = arith.constant 48 : index
        %get3A_756 = tpu.vector_load %arg8[%get3A_754, %get3A_755] {strides = array<i32>} : memref<512x64xf32, #tpu.memory_space<vmem>>, vector<16xf32>,
        %add3A_757 = arith.constant 256 : i32
        %add3A_758 = arith.addi %add3A_757, %mul3A_661 : i32
        %add3A_759 = arith.constant 6 : i32
        %add3A_760 = arith.addi %add3A_758, %add3A_759 : i32
        %get3A_761 = arith.index_cast %add3A_760 : i32 to index
        %get3A_762 = arith.constant 0 : index
        %get3A_763 = tpu.vector_load %arg8[%get3A_761, %get3A_762] {strides = array<i32>} : memref<512x64xf32, #tpu.memory_space<vmem>>, vector<16xf32>,
        %get3A_764 = arith.index_cast %add3A_760 : i32 to index
        %get3A_765 = arith.constant 16 : index
        %get3A_766 = tpu.vector_load %arg8[%get3A_764, %get3A_765] {strides = array<i32>} : memref<512x64xf32, #tpu.memory_space<vmem>>, vector<16xf32>,
        %get3A_767 = arith.index_cast %add3A_760 : i32 to index
        %get3A_768 = arith.constant 32 : index
        %get3A_769 = tpu.vector_load %arg8[%get3A_767, %get3A_768] {strides = array<i32>} : memref<512x64xf32, #tpu.memory_space<vmem>>, vector<16xf32>,
        %get3A_770 = arith.index_cast %add3A_760 : i32 to index
        %get3A_771 = arith.constant 48 : index
        %get3A_772 = tpu.vector_load %arg8[%get3A_770, %get3A_771] {strides = array<i32>} : memref<512x64xf32, #tpu.memory_space<vmem>>, vector<16xf32>,
        %add3A_773 = arith.constant 256 : i32
        %add3A_774 = arith.addi %add3A_773, %mul3A_661 : i32
        %add3A_775 = arith.constant 7 : i32
        %add3A_776 = arith.addi %add3A_774, %add3A_775 : i32
        %get3A_777 = arith.index_cast %add3A_776 : i32 to index
        %get3A_778 = arith.constant 0 : index
        %get3A_779 = tpu.vector_load %arg8[%get3A_777, %get3A_778] {strides = array<i32>} : memref<512x64xf32, #tpu.memory_space<vmem>>, vector<16xf32>,
        %get3A_780 = arith.index_cast %add3A_776 : i32 to index
        %get3A_781 = arith.constant 16 : index
        %get3A_782 = tpu.vector_load %arg8[%get3A_780, %get3A_781] {strides = array<i32>} : memref<512x64xf32, #tpu.memory_space<vmem>>, vector<16xf32>,
        %get3A_783 = arith.index_cast %add3A_776 : i32 to index
        %get3A_784 = arith.constant 32 : index
        %get3A_785 = tpu.vector_load %arg8[%get3A_783, %get3A_784] {strides = array<i32>} : memref<512x64xf32, #tpu.memory_space<vmem>>, vector<16xf32>,
        %get3A_786 = arith.index_cast %add3A_776 : i32 to index
        %get3A_787 = arith.constant 48 : index
        %get3A_788 = tpu.vector_load %arg8[%get3A_786, %get3A_787] {strides = array<i32>} : memref<512x64xf32, #tpu.memory_space<vmem>>, vector<16xf32>,
        %broadcast_in_dim3A = arith.constant 0 : i32
        %broadcast_in_dim3A_789 = vector.broadcast %broadcast_in_dim3A : i32 to vector<16xi32>
        %add3A_790 = vector.broadcast %mul3A_661 : i32 to vector<16xi32>
        %add3A_791 = arith.addi %broadcast_in_dim3A_789, %add3A_790 : vector<16xi32>
        tpu.vector_store_idx %arg9[%select_n3A, %select_n3A_169, %add3A_791], %get3A_667 : memref<8x8x129xf32, #tpu.memory_space<vmem>>[vector<16xi32>, vector<16xi32>, vector<16xi32>], vector<16xf32>,
        tpu.vector_store_idx %arg9[%select_n3A_75, %select_n3A_195, %add3A_791], %get3A_670 : memref<8x8x129xf32, #tpu.memory_space<vmem>>[vector<16xi32>, vector<16xi32>, vector<16xi32>], vector<16xf32>,
        tpu.vector_store_idx %arg9[%select_n3A_110, %select_n3A_221, %add3A_791], %get3A_673 : memref<8x8x129xf32, #tpu.memory_space<vmem>>[vector<16xi32>, vector<16xi32>, vector<16xi32>], vector<16xf32>,
        tpu.vector_store_idx %arg9[%select_n3A_145, %select_n3A_247, %add3A_791], %get3A_676 : memref<8x8x129xf32, #tpu.memory_space<vmem>>[vector<16xi32>, vector<16xi32>, vector<16xi32>], vector<16xf32>,
        %broadcast_in_dim3A_792 = arith.constant 1 : i32
        %broadcast_in_dim3A_793 = vector.broadcast %broadcast_in_dim3A_792 : i32 to vector<16xi32>
        %add3A_794 = vector.broadcast %mul3A_661 : i32 to vector<16xi32>
        %add3A_795 = arith.addi %broadcast_in_dim3A_793, %add3A_794 : vector<16xi32>
        tpu.vector_store_idx %arg9[%select_n3A, %select_n3A_169, %add3A_795], %get3A_683 : memref<8x8x129xf32, #tpu.memory_space<vmem>>[vector<16xi32>, vector<16xi32>, vector<16xi32>], vector<16xf32>,
        tpu.vector_store_idx %arg9[%select_n3A_75, %select_n3A_195, %add3A_795], %get3A_686 : memref<8x8x129xf32, #tpu.memory_space<vmem>>[vector<16xi32>, vector<16xi32>, vector<16xi32>], vector<16xf32>,
        tpu.vector_store_idx %arg9[%select_n3A_110, %select_n3A_221, %add3A_795], %get3A_689 : memref<8x8x129xf32, #tpu.memory_space<vmem>>[vector<16xi32>, vector<16xi32>, vector<16xi32>], vector<16xf32>,
        tpu.vector_store_idx %arg9[%select_n3A_145, %select_n3A_247, %add3A_795], %get3A_692 : memref<8x8x129xf32, #tpu.memory_space<vmem>>[vector<16xi32>, vector<16xi32>, vector<16xi32>], vector<16xf32>,
        %broadcast_in_dim3A_796 = arith.constant 2 : i32
        %broadcast_in_dim3A_797 = vector.broadcast %broadcast_in_dim3A_796 : i32 to vector<16xi32>
        %add3A_798 = vector.broadcast %mul3A_661 : i32 to vector<16xi32>
        %add3A_799 = arith.addi %broadcast_in_dim3A_797, %add3A_798 : vector<16xi32>
        tpu.vector_store_idx %arg9[%select_n3A, %select_n3A_169, %add3A_799], %get3A_699 : memref<8x8x129xf32, #tpu.memory_space<vmem>>[vector<16xi32>, vector<16xi32>, vector<16xi32>], vector<16xf32>,
        tpu.vector_store_idx %arg9[%select_n3A_75, %select_n3A_195, %add3A_799], %get3A_702 : memref<8x8x129xf32, #tpu.memory_space<vmem>>[vector<16xi32>, vector<16xi32>, vector<16xi32>], vector<16xf32>,
        tpu.vector_store_idx %arg9[%select_n3A_110, %select_n3A_221, %add3A_799], %get3A_705 : memref<8x8x129xf32, #tpu.memory_space<vmem>>[vector<16xi32>, vector<16xi32>, vector<16xi32>], vector<16xf32>,
        tpu.vector_store_idx %arg9[%select_n3A_145, %select_n3A_247, %add3A_799], %get3A_708 : memref<8x8x129xf32, #tpu.memory_space<vmem>>[vector<16xi32>, vector<16xi32>, vector<16xi32>], vector<16xf32>,
        %broadcast_in_dim3A_800 = arith.constant 3 : i32
        %broadcast_in_dim3A_801 = vector.broadcast %broadcast_in_dim3A_800 : i32 to vector<16xi32>
        %add3A_802 = vector.broadcast %mul3A_661 : i32 to vector<16xi32>
        %add3A_803 = arith.addi %broadcast_in_dim3A_801, %add3A_802 : vector<16xi32>
        tpu.vector_store_idx %arg9[%select_n3A, %select_n3A_169, %add3A_803], %get3A_715 : memref<8x8x129xf32, #tpu.memory_space<vmem>>[vector<16xi32>, vector<16xi32>, vector<16xi32>], vector<16xf32>,
        tpu.vector_store_idx %arg9[%select_n3A_75, %select_n3A_195, %add3A_803], %get3A_718 : memref<8x8x129xf32, #tpu.memory_space<vmem>>[vector<16xi32>, vector<16xi32>, vector<16xi32>], vector<16xf32>,
        tpu.vector_store_idx %arg9[%select_n3A_110, %select_n3A_221, %add3A_803], %get3A_721 : memref<8x8x129xf32, #tpu.memory_space<vmem>>[vector<16xi32>, vector<16xi32>, vector<16xi32>], vector<16xf32>,
        tpu.vector_store_idx %arg9[%select_n3A_145, %select_n3A_247, %add3A_803], %get3A_724 : memref<8x8x129xf32, #tpu.memory_space<vmem>>[vector<16xi32>, vector<16xi32>, vector<16xi32>], vector<16xf32>,
        %broadcast_in_dim3A_804 = arith.constant 4 : i32
        %broadcast_in_dim3A_805 = vector.broadcast %broadcast_in_dim3A_804 : i32 to vector<16xi32>
        %add3A_806 = vector.broadcast %mul3A_661 : i32 to vector<16xi32>
        %add3A_807 = arith.addi %broadcast_in_dim3A_805, %add3A_806 : vector<16xi32>
        tpu.vector_store_idx %arg9[%select_n3A, %select_n3A_169, %add3A_807], %get3A_731 : memref<8x8x129xf32, #tpu.memory_space<vmem>>[vector<16xi32>, vector<16xi32>, vector<16xi32>], vector<16xf32>,
        tpu.vector_store_idx %arg9[%select_n3A_75, %select_n3A_195, %add3A_807], %get3A_734 : memref<8x8x129xf32, #tpu.memory_space<vmem>>[vector<16xi32>, vector<16xi32>, vector<16xi32>], vector<16xf32>,
        tpu.vector_store_idx %arg9[%select_n3A_110, %select_n3A_221, %add3A_807], %get3A_737 : memref<8x8x129xf32, #tpu.memory_space<vmem>>[vector<16xi32>, vector<16xi32>, vector<16xi32>], vector<16xf32>,
        tpu.vector_store_idx %arg9[%select_n3A_145, %select_n3A_247, %add3A_807], %get3A_740 : memref<8x8x129xf32, #tpu.memory_space<vmem>>[vector<16xi32>, vector<16xi32>, vector<16xi32>], vector<16xf32>,
        %broadcast_in_dim3A_808 = arith.constant 5 : i32
        %broadcast_in_dim3A_809 = vector.broadcast %broadcast_in_dim3A_808 : i32 to vector<16xi32>
        %add3A_810 = vector.broadcast %mul3A_661 : i32 to vector<16xi32>
        %add3A_811 = arith.addi %broadcast_in_dim3A_809, %add3A_810 : vector<16xi32>
        tpu.vector_store_idx %arg9[%select_n3A, %select_n3A_169, %add3A_811], %get3A_747 : memref<8x8x129xf32, #tpu.memory_space<vmem>>[vector<16xi32>, vector<16xi32>, vector<16xi32>], vector<16xf32>,
        tpu.vector_store_idx %arg9[%select_n3A_75, %select_n3A_195, %add3A_811], %get3A_750 : memref<8x8x129xf32, #tpu.memory_space<vmem>>[vector<16xi32>, vector<16xi32>, vector<16xi32>], vector<16xf32>,
        tpu.vector_store_idx %arg9[%select_n3A_110, %select_n3A_221, %add3A_811], %get3A_753 : memref<8x8x129xf32, #tpu.memory_space<vmem>>[vector<16xi32>, vector<16xi32>, vector<16xi32>], vector<16xf32>,
        tpu.vector_store_idx %arg9[%select_n3A_145, %select_n3A_247, %add3A_811], %get3A_756 : memref<8x8x129xf32, #tpu.memory_space<vmem>>[vector<16xi32>, vector<16xi32>, vector<16xi32>], vector<16xf32>,
        %broadcast_in_dim3A_812 = arith.constant 6 : i32
        %broadcast_in_dim3A_813 = vector.broadcast %broadcast_in_dim3A_812 : i32 to vector<16xi32>
        %add3A_814 = vector.broadcast %mul3A_661 : i32 to vector<16xi32>
        %add3A_815 = arith.addi %broadcast_in_dim3A_813, %add3A_814 : vector<16xi32>
        tpu.vector_store_idx %arg9[%select_n3A, %select_n3A_169, %add3A_815], %get3A_763 : memref<8x8x129xf32, #tpu.memory_space<vmem>>[vector<16xi32>, vector<16xi32>, vector<16xi32>], vector<16xf32>,
        tpu.vector_store_idx %arg9[%select_n3A_75, %select_n3A_195, %add3A_815], %get3A_766 : memref<8x8x129xf32, #tpu.memory_space<vmem>>[vector<16xi32>, vector<16xi32>, vector<16xi32>], vector<16xf32>,
        tpu.vector_store_idx %arg9[%select_n3A_110, %select_n3A_221, %add3A_815], %get3A_769 : memref<8x8x129xf32, #tpu.memory_space<vmem>>[vector<16xi32>, vector<16xi32>, vector<16xi32>], vector<16xf32>,
        tpu.vector_store_idx %arg9[%select_n3A_145, %select_n3A_247, %add3A_815], %get3A_772 : memref<8x8x129xf32, #tpu.memory_space<vmem>>[vector<16xi32>, vector<16xi32>, vector<16xi32>], vector<16xf32>,
        %broadcast_in_dim3A_816 = arith.constant 7 : i32
        %broadcast_in_dim3A_817 = vector.broadcast %broadcast_in_dim3A_816 : i32 to vector<16xi32>
        %add3A_818 = vector.broadcast %mul3A_661 : i32 to vector<16xi32>
        %add3A_819 = arith.addi %broadcast_in_dim3A_817, %add3A_818 : vector<16xi32>
        tpu.vector_store_idx %arg9[%select_n3A, %select_n3A_169, %add3A_819], %get3A_779 : memref<8x8x129xf32, #tpu.memory_space<vmem>>[vector<16xi32>, vector<16xi32>, vector<16xi32>], vector<16xf32>,
        tpu.vector_store_idx %arg9[%select_n3A_75, %select_n3A_195, %add3A_819], %get3A_782 : memref<8x8x129xf32, #tpu.memory_space<vmem>>[vector<16xi32>, vector<16xi32>, vector<16xi32>], vector<16xf32>,
        tpu.vector_store_idx %arg9[%select_n3A_110, %select_n3A_221, %add3A_819], %get3A_785 : memref<8x8x129xf32, #tpu.memory_space<vmem>>[vector<16xi32>, vector<16xi32>, vector<16xi32>], vector<16xf32>,
        tpu.vector_store_idx %arg9[%select_n3A_145, %select_n3A_247, %add3A_819], %get3A_788 : memref<8x8x129xf32, #tpu.memory_space<vmem>>[vector<16xi32>, vector<16xi32>, vector<16xi32>], vector<16xf32>,
      }
      %scan3A_592 = arith.constant 16 : i32
      %add3A_593 = arith.constant 2 : i32
      %add3A_594 = arith.addi %div3A_504, %add3A_593 : i32
      %dma_start3A_595 = arith.constant 0 : i32
      %dma_start3A_596 = arith.constant 0 : i32
      %dma_start3A_597 = arith.constant 0 : i32
      %dma_start3A_598 = tpu.memref_slice %arg9[%dma_start3A_595, %dma_start3A_596, %dma_start3A_597] : memref<8x8x129xf32, #tpu.memory_space<vmem>> -> memref<8x8x128xf32, #tpu.memory_space<vmem>>
      %dma_start3A_599 = arith.constant 0 : i32
      %dma_start3A_600 = arith.constant 0 : i32
      %dma_start3A_601 = arith.constant 0 : i32
      %dma_start3A_602 = tpu.memref_slice %arg4[%div3A_500, %dma_start3A_599, %add3A_594, %dma_start3A_600, %dma_start3A_601] : memref<200x8x32x8x128xf32, #tpu.memory_space<hbm>> -> memref<1x8x1x8x128xf32, #tpu.memory_space<hbm>>
      %dma_start3A_603 = tpu.memref_squeeze %dma_start3A_602 : memref<1x8x1x8x128xf32, #tpu.memory_space<hbm>> -> memref<8x8x128xf32, #tpu.memory_space<hbm>>
      %dma_start3A_604 = arith.constant 0 : i32
      %dma_start3A_605 = arith.constant 0 : i32
      %dma_start3A_606 = arith.constant 0 : i32
      %dma_start3A_607 = tpu.memref_slice %arg4[%div3A_500, %dma_start3A_604, %add3A_594, %dma_start3A_605, %dma_start3A_606] : memref<200x8x32x8x128xf32, #tpu.memory_space<hbm>> -> memref<1x8x1x8x128xf32, #tpu.memory_space<hbm>>
      %dma_start3A_608 = tpu.memref_squeeze %dma_start3A_607 : memref<1x8x1x8x128xf32, #tpu.memory_space<hbm>> -> memref<8x8x128xf32, #tpu.memory_space<hbm>>
      %dma_start3A_609 = arith.constant 0 : i32
      %dma_start3A_610 = arith.constant 0 : i32
      %dma_start3A_611 = arith.constant 0 : i32
      %dma_start3A_612 = tpu.memref_slice %arg9[%dma_start3A_609, %dma_start3A_610, %dma_start3A_611] : memref<8x8x129xf32, #tpu.memory_space<vmem>> -> memref<8x8x128xf32, #tpu.memory_space<vmem>>
      tpu.enqueue_dma source(%dma_start3A_612 : memref<8x8x128xf32, #tpu.memory_space<vmem>>) target(%dma_start3A_608 : memref<8x8x128xf32, #tpu.memory_space<hbm>>) target_semaphore(%arg13 : memref<!tpu.dma_semaphore, #tpu.memory_space<semaphore_mem>>)
      %dma_wait3A_613 = arith.constant 0 : i32
      %dma_wait3A_614 = arith.constant 0 : i32
      %dma_wait3A_615 = arith.constant 0 : i32
      %dma_wait3A_616 = arith.constant 0 : i32
      %dma_wait3A_617 = arith.constant 0 : i32
      %dma_wait3A_618 = tpu.memref_slice %arg10[%dma_wait3A_615, %dma_wait3A_616, %dma_wait3A_617] : memref<8x8x129xf32, #tpu.memory_space<vmem>> -> memref<8x8x128xf32, #tpu.memory_space<vmem>>
      %dma_wait3A_619 = arith.constant 0 : i32
      %dma_wait3A_620 = arith.constant 0 : i32
      %dma_wait3A_621 = arith.constant 0 : i32
      %dma_wait3A_622 = tpu.memref_slice %arg4[%dma_wait3A_613, %dma_wait3A_619, %dma_wait3A_614, %dma_wait3A_620, %dma_wait3A_621] : memref<200x8x32x8x128xf32, #tpu.memory_space<hbm>> -> memref<1x8x1x8x128xf32, #tpu.memory_space<hbm>>
      %dma_wait3A_623 = tpu.memref_squeeze %dma_wait3A_622 : memref<1x8x1x8x128xf32, #tpu.memory_space<hbm>> -> memref<8x8x128xf32, #tpu.memory_space<hbm>>
      %dma_wait3A_624 = arith.constant 0 : i32
      %dma_wait3A_625 = arith.constant 0 : i32
      %dma_wait3A_626 = arith.constant 0 : i32
      %dma_wait3A_627 = tpu.memref_slice %arg4[%dma_wait3A_613, %dma_wait3A_624, %dma_wait3A_614, %dma_wait3A_625, %dma_wait3A_626] : memref<200x8x32x8x128xf32, #tpu.memory_space<hbm>> -> memref<1x8x1x8x128xf32, #tpu.memory_space<hbm>>
      %dma_wait3A_628 = tpu.memref_squeeze %dma_wait3A_627 : memref<1x8x1x8x128xf32, #tpu.memory_space<hbm>> -> memref<8x8x128xf32, #tpu.memory_space<hbm>>
      %dma_wait3A_629 = arith.constant 0 : i32
      %dma_wait3A_630 = arith.constant 0 : i32
      %dma_wait3A_631 = arith.constant 0 : i32
      %dma_wait3A_632 = tpu.memref_slice %arg10[%dma_wait3A_629, %dma_wait3A_630, %dma_wait3A_631] : memref<8x8x129xf32, #tpu.memory_space<vmem>> -> memref<8x8x128xf32, #tpu.memory_space<vmem>>
      tpu.wait_dma2 semaphore(%arg13 : memref<!tpu.dma_semaphore, #tpu.memory_space<semaphore_mem>>) src(%dma_wait3A_632 : memref<8x8x128xf32, #tpu.memory_space<vmem>>) dst(%dma_wait3A_628 : memref<8x8x128xf32, #tpu.memory_space<hbm>>)
      %scan3A_633 = arith.constant 0 : i32
      %scan3A_634 = arith.constant 0 : i32
      %scan3A_635 = arith.constant 16 : i32
      %scan3A_636 = arith.addi %scan3A_634, %scan3A_635 : i32
      %scan3A_637 = arith.constant 1 : i32
      scf.for %scan3A_659 = %scan3A_634 to %scan3A_636 step %scan3A_637  : i32 {
        %mul3A_660 = arith.constant 8 : i32
        %mul3A_661 = arith.muli %scan3A_659, %mul3A_660 : i32
        %add3A_662 = arith.constant 384 : i32
        %add3A_663 = arith.addi %add3A_662, %mul3A_661 : i32
        %add3A_664 = arith.constant 0 : i32
        %add3A_665 = arith.addi %add3A_663, %add3A_664 : i32
        %get3A = arith.index_cast %add3A_665 : i32 to index
        %get3A_666 = arith.constant 0 : index
        %get3A_667 = tpu.vector_load %arg8[%get3A, %get3A_666] {strides = array<i32>} : memref<512x64xf32, #tpu.memory_space<vmem>>, vector<16xf32>,
        %get3A_668 = arith.index_cast %add3A_665 : i32 to index
        %get3A_669 = arith.constant 16 : index
        %get3A_670 = tpu.vector_load %arg8[%get3A_668, %get3A_669] {strides = array<i32>} : memref<512x64xf32, #tpu.memory_space<vmem>>, vector<16xf32>,
        %get3A_671 = arith.index_cast %add3A_665 : i32 to index
        %get3A_672 = arith.constant 32 : index
        %get3A_673 = tpu.vector_load %arg8[%get3A_671, %get3A_672] {strides = array<i32>} : memref<512x64xf32, #tpu.memory_space<vmem>>, vector<16xf32>,
        %get3A_674 = arith.index_cast %add3A_665 : i32 to index
        %get3A_675 = arith.constant 48 : index
        %get3A_676 = tpu.vector_load %arg8[%get3A_674, %get3A_675] {strides = array<i32>} : memref<512x64xf32, #tpu.memory_space<vmem>>, vector<16xf32>,
        %add3A_677 = arith.constant 384 : i32
        %add3A_678 = arith.addi %add3A_677, %mul3A_661 : i32
        %add3A_679 = arith.constant 1 : i32
        %add3A_680 = arith.addi %add3A_678, %add3A_679 : i32
        %get3A_681 = arith.index_cast %add3A_680 : i32 to index
        %get3A_682 = arith.constant 0 : index
        %get3A_683 = tpu.vector_load %arg8[%get3A_681, %get3A_682] {strides = array<i32>} : memref<512x64xf32, #tpu.memory_space<vmem>>, vector<16xf32>,
        %get3A_684 = arith.index_cast %add3A_680 : i32 to index
        %get3A_685 = arith.constant 16 : index
        %get3A_686 = tpu.vector_load %arg8[%get3A_684, %get3A_685] {strides = array<i32>} : memref<512x64xf32, #tpu.memory_space<vmem>>, vector<16xf32>,
        %get3A_687 = arith.index_cast %add3A_680 : i32 to index
        %get3A_688 = arith.constant 32 : index
        %get3A_689 = tpu.vector_load %arg8[%get3A_687, %get3A_688] {strides = array<i32>} : memref<512x64xf32, #tpu.memory_space<vmem>>, vector<16xf32>,
        %get3A_690 = arith.index_cast %add3A_680 : i32 to index
        %get3A_691 = arith.constant 48 : index
        %get3A_692 = tpu.vector_load %arg8[%get3A_690, %get3A_691] {strides = array<i32>} : memref<512x64xf32, #tpu.memory_space<vmem>>, vector<16xf32>,
        %add3A_693 = arith.constant 384 : i32
        %add3A_694 = arith.addi %add3A_693, %mul3A_661 : i32
        %add3A_695 = arith.constant 2 : i32
        %add3A_696 = arith.addi %add3A_694, %add3A_695 : i32
        %get3A_697 = arith.index_cast %add3A_696 : i32 to index
        %get3A_698 = arith.constant 0 : index
        %get3A_699 = tpu.vector_load %arg8[%get3A_697, %get3A_698] {strides = array<i32>} : memref<512x64xf32, #tpu.memory_space<vmem>>, vector<16xf32>,
        %get3A_700 = arith.index_cast %add3A_696 : i32 to index
        %get3A_701 = arith.constant 16 : index
        %get3A_702 = tpu.vector_load %arg8[%get3A_700, %get3A_701] {strides = array<i32>} : memref<512x64xf32, #tpu.memory_space<vmem>>, vector<16xf32>,
        %get3A_703 = arith.index_cast %add3A_696 : i32 to index
        %get3A_704 = arith.constant 32 : index
        %get3A_705 = tpu.vector_load %arg8[%get3A_703, %get3A_704] {strides = array<i32>} : memref<512x64xf32, #tpu.memory_space<vmem>>, vector<16xf32>,
        %get3A_706 = arith.index_cast %add3A_696 : i32 to index
        %get3A_707 = arith.constant 48 : index
        %get3A_708 = tpu.vector_load %arg8[%get3A_706, %get3A_707] {strides = array<i32>} : memref<512x64xf32, #tpu.memory_space<vmem>>, vector<16xf32>,
        %add3A_709 = arith.constant 384 : i32
        %add3A_710 = arith.addi %add3A_709, %mul3A_661 : i32
        %add3A_711 = arith.constant 3 : i32
        %add3A_712 = arith.addi %add3A_710, %add3A_711 : i32
        %get3A_713 = arith.index_cast %add3A_712 : i32 to index
        %get3A_714 = arith.constant 0 : index
        %get3A_715 = tpu.vector_load %arg8[%get3A_713, %get3A_714] {strides = array<i32>} : memref<512x64xf32, #tpu.memory_space<vmem>>, vector<16xf32>,
        %get3A_716 = arith.index_cast %add3A_712 : i32 to index
        %get3A_717 = arith.constant 16 : index
        %get3A_718 = tpu.vector_load %arg8[%get3A_716, %get3A_717] {strides = array<i32>} : memref<512x64xf32, #tpu.memory_space<vmem>>, vector<16xf32>,
        %get3A_719 = arith.index_cast %add3A_712 : i32 to index
        %get3A_720 = arith.constant 32 : index
        %get3A_721 = tpu.vector_load %arg8[%get3A_719, %get3A_720] {strides = array<i32>} : memref<512x64xf32, #tpu.memory_space<vmem>>, vector<16xf32>,
        %get3A_722 = arith.index_cast %add3A_712 : i32 to index
        %get3A_723 = arith.constant 48 : index
        %get3A_724 = tpu.vector_load %arg8[%get3A_722, %get3A_723] {strides = array<i32>} : memref<512x64xf32, #tpu.memory_space<vmem>>, vector<16xf32>,
        %add3A_725 = arith.constant 384 : i32
        %add3A_726 = arith.addi %add3A_725, %mul3A_661 : i32
        %add3A_727 = arith.constant 4 : i32
        %add3A_728 = arith.addi %add3A_726, %add3A_727 : i32
        %get3A_729 = arith.index_cast %add3A_728 : i32 to index
        %get3A_730 = arith.constant 0 : index
        %get3A_731 = tpu.vector_load %arg8[%get3A_729, %get3A_730] {strides = array<i32>} : memref<512x64xf32, #tpu.memory_space<vmem>>, vector<16xf32>,
        %get3A_732 = arith.index_cast %add3A_728 : i32 to index
        %get3A_733 = arith.constant 16 : index
        %get3A_734 = tpu.vector_load %arg8[%get3A_732, %get3A_733] {strides = array<i32>} : memref<512x64xf32, #tpu.memory_space<vmem>>, vector<16xf32>,
        %get3A_735 = arith.index_cast %add3A_728 : i32 to index
        %get3A_736 = arith.constant 32 : index
        %get3A_737 = tpu.vector_load %arg8[%get3A_735, %get3A_736] {strides = array<i32>} : memref<512x64xf32, #tpu.memory_space<vmem>>, vector<16xf32>,
        %get3A_738 = arith.index_cast %add3A_728 : i32 to index
        %get3A_739 = arith.constant 48 : index
        %get3A_740 = tpu.vector_load %arg8[%get3A_738, %get3A_739] {strides = array<i32>} : memref<512x64xf32, #tpu.memory_space<vmem>>, vector<16xf32>,
        %add3A_741 = arith.constant 384 : i32
        %add3A_742 = arith.addi %add3A_741, %mul3A_661 : i32
        %add3A_743 = arith.constant 5 : i32
        %add3A_744 = arith.addi %add3A_742, %add3A_743 : i32
        %get3A_745 = arith.index_cast %add3A_744 : i32 to index
        %get3A_746 = arith.constant 0 : index
        %get3A_747 = tpu.vector_load %arg8[%get3A_745, %get3A_746] {strides = array<i32>} : memref<512x64xf32, #tpu.memory_space<vmem>>, vector<16xf32>,
        %get3A_748 = arith.index_cast %add3A_744 : i32 to index
        %get3A_749 = arith.constant 16 : index
        %get3A_750 = tpu.vector_load %arg8[%get3A_748, %get3A_749] {strides = array<i32>} : memref<512x64xf32, #tpu.memory_space<vmem>>, vector<16xf32>,
        %get3A_751 = arith.index_cast %add3A_744 : i32 to index
        %get3A_752 = arith.constant 32 : index
        %get3A_753 = tpu.vector_load %arg8[%get3A_751, %get3A_752] {strides = array<i32>} : memref<512x64xf32, #tpu.memory_space<vmem>>, vector<16xf32>,
        %get3A_754 = arith.index_cast %add3A_744 : i32 to index
        %get3A_755 = arith.constant 48 : index
        %get3A_756 = tpu.vector_load %arg8[%get3A_754, %get3A_755] {strides = array<i32>} : memref<512x64xf32, #tpu.memory_space<vmem>>, vector<16xf32>,
        %add3A_757 = arith.constant 384 : i32
        %add3A_758 = arith.addi %add3A_757, %mul3A_661 : i32
        %add3A_759 = arith.constant 6 : i32
        %add3A_760 = arith.addi %add3A_758, %add3A_759 : i32
        %get3A_761 = arith.index_cast %add3A_760 : i32 to index
        %get3A_762 = arith.constant 0 : index
        %get3A_763 = tpu.vector_load %arg8[%get3A_761, %get3A_762] {strides = array<i32>} : memref<512x64xf32, #tpu.memory_space<vmem>>, vector<16xf32>,
        %get3A_764 = arith.index_cast %add3A_760 : i32 to index
        %get3A_765 = arith.constant 16 : index
        %get3A_766 = tpu.vector_load %arg8[%get3A_764, %get3A_765] {strides = array<i32>} : memref<512x64xf32, #tpu.memory_space<vmem>>, vector<16xf32>,
        %get3A_767 = arith.index_cast %add3A_760 : i32 to index
        %get3A_768 = arith.constant 32 : index
        %get3A_769 = tpu.vector_load %arg8[%get3A_767, %get3A_768] {strides = array<i32>} : memref<512x64xf32, #tpu.memory_space<vmem>>, vector<16xf32>,
        %get3A_770 = arith.index_cast %add3A_760 : i32 to index
        %get3A_771 = arith.constant 48 : index
        %get3A_772 = tpu.vector_load %arg8[%get3A_770, %get3A_771] {strides = array<i32>} : memref<512x64xf32, #tpu.memory_space<vmem>>, vector<16xf32>,
        %add3A_773 = arith.constant 384 : i32
        %add3A_774 = arith.addi %add3A_773, %mul3A_661 : i32
        %add3A_775 = arith.constant 7 : i32
        %add3A_776 = arith.addi %add3A_774, %add3A_775 : i32
        %get3A_777 = arith.index_cast %add3A_776 : i32 to index
        %get3A_778 = arith.constant 0 : index
        %get3A_779 = tpu.vector_load %arg8[%get3A_777, %get3A_778] {strides = array<i32>} : memref<512x64xf32, #tpu.memory_space<vmem>>, vector<16xf32>,
        %get3A_780 = arith.index_cast %add3A_776 : i32 to index
        %get3A_781 = arith.constant 16 : index
        %get3A_782 = tpu.vector_load %arg8[%get3A_780, %get3A_781] {strides = array<i32>} : memref<512x64xf32, #tpu.memory_space<vmem>>, vector<16xf32>,
        %get3A_783 = arith.index_cast %add3A_776 : i32 to index
        %get3A_784 = arith.constant 32 : index
        %get3A_785 = tpu.vector_load %arg8[%get3A_783, %get3A_784] {strides = array<i32>} : memref<512x64xf32, #tpu.memory_space<vmem>>, vector<16xf32>,
        %get3A_786 = arith.index_cast %add3A_776 : i32 to index
        %get3A_787 = arith.constant 48 : index
        %get3A_788 = tpu.vector_load %arg8[%get3A_786, %get3A_787] {strides = array<i32>} : memref<512x64xf32, #tpu.memory_space<vmem>>, vector<16xf32>,
        %broadcast_in_dim3A = arith.constant 0 : i32
        %broadcast_in_dim3A_789 = vector.broadcast %broadcast_in_dim3A : i32 to vector<16xi32>
        %add3A_790 = vector.broadcast %mul3A_661 : i32 to vector<16xi32>
        %add3A_791 = arith.addi %broadcast_in_dim3A_789, %add3A_790 : vector<16xi32>
        tpu.vector_store_idx %arg10[%select_n3A, %select_n3A_169, %add3A_791], %get3A_667 : memref<8x8x129xf32, #tpu.memory_space<vmem>>[vector<16xi32>, vector<16xi32>, vector<16xi32>], vector<16xf32>,
        tpu.vector_store_idx %arg10[%select_n3A_75, %select_n3A_195, %add3A_791], %get3A_670 : memref<8x8x129xf32, #tpu.memory_space<vmem>>[vector<16xi32>, vector<16xi32>, vector<16xi32>], vector<16xf32>,
        tpu.vector_store_idx %arg10[%select_n3A_110, %select_n3A_221, %add3A_791], %get3A_673 : memref<8x8x129xf32, #tpu.memory_space<vmem>>[vector<16xi32>, vector<16xi32>, vector<16xi32>], vector<16xf32>,
        tpu.vector_store_idx %arg10[%select_n3A_145, %select_n3A_247, %add3A_791], %get3A_676 : memref<8x8x129xf32, #tpu.memory_space<vmem>>[vector<16xi32>, vector<16xi32>, vector<16xi32>], vector<16xf32>,
        %broadcast_in_dim3A_792 = arith.constant 1 : i32
        %broadcast_in_dim3A_793 = vector.broadcast %broadcast_in_dim3A_792 : i32 to vector<16xi32>
        %add3A_794 = vector.broadcast %mul3A_661 : i32 to vector<16xi32>
        %add3A_795 = arith.addi %broadcast_in_dim3A_793, %add3A_794 : vector<16xi32>
        tpu.vector_store_idx %arg10[%select_n3A, %select_n3A_169, %add3A_795], %get3A_683 : memref<8x8x129xf32, #tpu.memory_space<vmem>>[vector<16xi32>, vector<16xi32>, vector<16xi32>], vector<16xf32>,
        tpu.vector_store_idx %arg10[%select_n3A_75, %select_n3A_195, %add3A_795], %get3A_686 : memref<8x8x129xf32, #tpu.memory_space<vmem>>[vector<16xi32>, vector<16xi32>, vector<16xi32>], vector<16xf32>,
        tpu.vector_store_idx %arg10[%select_n3A_110, %select_n3A_221, %add3A_795], %get3A_689 : memref<8x8x129xf32, #tpu.memory_space<vmem>>[vector<16xi32>, vector<16xi32>, vector<16xi32>], vector<16xf32>,
        tpu.vector_store_idx %arg10[%select_n3A_145, %select_n3A_247, %add3A_795], %get3A_692 : memref<8x8x129xf32, #tpu.memory_space<vmem>>[vector<16xi32>, vector<16xi32>, vector<16xi32>], vector<16xf32>,
        %broadcast_in_dim3A_796 = arith.constant 2 : i32
        %broadcast_in_dim3A_797 = vector.broadcast %broadcast_in_dim3A_796 : i32 to vector<16xi32>
        %add3A_798 = vector.broadcast %mul3A_661 : i32 to vector<16xi32>
        %add3A_799 = arith.addi %broadcast_in_dim3A_797, %add3A_798 : vector<16xi32>
        tpu.vector_store_idx %arg10[%select_n3A, %select_n3A_169, %add3A_799], %get3A_699 : memref<8x8x129xf32, #tpu.memory_space<vmem>>[vector<16xi32>, vector<16xi32>, vector<16xi32>], vector<16xf32>,
        tpu.vector_store_idx %arg10[%select_n3A_75, %select_n3A_195, %add3A_799], %get3A_702 : memref<8x8x129xf32, #tpu.memory_space<vmem>>[vector<16xi32>, vector<16xi32>, vector<16xi32>], vector<16xf32>,
        tpu.vector_store_idx %arg10[%select_n3A_110, %select_n3A_221, %add3A_799], %get3A_705 : memref<8x8x129xf32, #tpu.memory_space<vmem>>[vector<16xi32>, vector<16xi32>, vector<16xi32>], vector<16xf32>,
        tpu.vector_store_idx %arg10[%select_n3A_145, %select_n3A_247, %add3A_799], %get3A_708 : memref<8x8x129xf32, #tpu.memory_space<vmem>>[vector<16xi32>, vector<16xi32>, vector<16xi32>], vector<16xf32>,
        %broadcast_in_dim3A_800 = arith.constant 3 : i32
        %broadcast_in_dim3A_801 = vector.broadcast %broadcast_in_dim3A_800 : i32 to vector<16xi32>
        %add3A_802 = vector.broadcast %mul3A_661 : i32 to vector<16xi32>
        %add3A_803 = arith.addi %broadcast_in_dim3A_801, %add3A_802 : vector<16xi32>
        tpu.vector_store_idx %arg10[%select_n3A, %select_n3A_169, %add3A_803], %get3A_715 : memref<8x8x129xf32, #tpu.memory_space<vmem>>[vector<16xi32>, vector<16xi32>, vector<16xi32>], vector<16xf32>,
        tpu.vector_store_idx %arg10[%select_n3A_75, %select_n3A_195, %add3A_803], %get3A_718 : memref<8x8x129xf32, #tpu.memory_space<vmem>>[vector<16xi32>, vector<16xi32>, vector<16xi32>], vector<16xf32>,
        tpu.vector_store_idx %arg10[%select_n3A_110, %select_n3A_221, %add3A_803], %get3A_721 : memref<8x8x129xf32, #tpu.memory_space<vmem>>[vector<16xi32>, vector<16xi32>, vector<16xi32>], vector<16xf32>,
        tpu.vector_store_idx %arg10[%select_n3A_145, %select_n3A_247, %add3A_803], %get3A_724 : memref<8x8x129xf32, #tpu.memory_space<vmem>>[vector<16xi32>, vector<16xi32>, vector<16xi32>], vector<16xf32>,
        %broadcast_in_dim3A_804 = arith.constant 4 : i32
        %broadcast_in_dim3A_805 = vector.broadcast %broadcast_in_dim3A_804 : i32 to vector<16xi32>
        %add3A_806 = vector.broadcast %mul3A_661 : i32 to vector<16xi32>
        %add3A_807 = arith.addi %broadcast_in_dim3A_805, %add3A_806 : vector<16xi32>
        tpu.vector_store_idx %arg10[%select_n3A, %select_n3A_169, %add3A_807], %get3A_731 : memref<8x8x129xf32, #tpu.memory_space<vmem>>[vector<16xi32>, vector<16xi32>, vector<16xi32>], vector<16xf32>,
        tpu.vector_store_idx %arg10[%select_n3A_75, %select_n3A_195, %add3A_807], %get3A_734 : memref<8x8x129xf32, #tpu.memory_space<vmem>>[vector<16xi32>, vector<16xi32>, vector<16xi32>], vector<16xf32>,
        tpu.vector_store_idx %arg10[%select_n3A_110, %select_n3A_221, %add3A_807], %get3A_737 : memref<8x8x129xf32, #tpu.memory_space<vmem>>[vector<16xi32>, vector<16xi32>, vector<16xi32>], vector<16xf32>,
        tpu.vector_store_idx %arg10[%select_n3A_145, %select_n3A_247, %add3A_807], %get3A_740 : memref<8x8x129xf32, #tpu.memory_space<vmem>>[vector<16xi32>, vector<16xi32>, vector<16xi32>], vector<16xf32>,
        %broadcast_in_dim3A_808 = arith.constant 5 : i32
        %broadcast_in_dim3A_809 = vector.broadcast %broadcast_in_dim3A_808 : i32 to vector<16xi32>
        %add3A_810 = vector.broadcast %mul3A_661 : i32 to vector<16xi32>
        %add3A_811 = arith.addi %broadcast_in_dim3A_809, %add3A_810 : vector<16xi32>
        tpu.vector_store_idx %arg10[%select_n3A, %select_n3A_169, %add3A_811], %get3A_747 : memref<8x8x129xf32, #tpu.memory_space<vmem>>[vector<16xi32>, vector<16xi32>, vector<16xi32>], vector<16xf32>,
        tpu.vector_store_idx %arg10[%select_n3A_75, %select_n3A_195, %add3A_811], %get3A_750 : memref<8x8x129xf32, #tpu.memory_space<vmem>>[vector<16xi32>, vector<16xi32>, vector<16xi32>], vector<16xf32>,
        tpu.vector_store_idx %arg10[%select_n3A_110, %select_n3A_221, %add3A_811], %get3A_753 : memref<8x8x129xf32, #tpu.memory_space<vmem>>[vector<16xi32>, vector<16xi32>, vector<16xi32>], vector<16xf32>,
        tpu.vector_store_idx %arg10[%select_n3A_145, %select_n3A_247, %add3A_811], %get3A_756 : memref<8x8x129xf32, #tpu.memory_space<vmem>>[vector<16xi32>, vector<16xi32>, vector<16xi32>], vector<16xf32>,
        %broadcast_in_dim3A_812 = arith.constant 6 : i32
        %broadcast_in_dim3A_813 = vector.broadcast %broadcast_in_dim3A_812 : i32 to vector<16xi32>
        %add3A_814 = vector.broadcast %mul3A_661 : i32 to vector<16xi32>
        %add3A_815 = arith.addi %broadcast_in_dim3A_813, %add3A_814 : vector<16xi32>
        tpu.vector_store_idx %arg10[%select_n3A, %select_n3A_169, %add3A_815], %get3A_763 : memref<8x8x129xf32, #tpu.memory_space<vmem>>[vector<16xi32>, vector<16xi32>, vector<16xi32>], vector<16xf32>,
        tpu.vector_store_idx %arg10[%select_n3A_75, %select_n3A_195, %add3A_815], %get3A_766 : memref<8x8x129xf32, #tpu.memory_space<vmem>>[vector<16xi32>, vector<16xi32>, vector<16xi32>], vector<16xf32>,
        tpu.vector_store_idx %arg10[%select_n3A_110, %select_n3A_221, %add3A_815], %get3A_769 : memref<8x8x129xf32, #tpu.memory_space<vmem>>[vector<16xi32>, vector<16xi32>, vector<16xi32>], vector<16xf32>,
        tpu.vector_store_idx %arg10[%select_n3A_145, %select_n3A_247, %add3A_815], %get3A_772 : memref<8x8x129xf32, #tpu.memory_space<vmem>>[vector<16xi32>, vector<16xi32>, vector<16xi32>], vector<16xf32>,
        %broadcast_in_dim3A_816 = arith.constant 7 : i32
        %broadcast_in_dim3A_817 = vector.broadcast %broadcast_in_dim3A_816 : i32 to vector<16xi32>
        %add3A_818 = vector.broadcast %mul3A_661 : i32 to vector<16xi32>
        %add3A_819 = arith.addi %broadcast_in_dim3A_817, %add3A_818 : vector<16xi32>
        tpu.vector_store_idx %arg10[%select_n3A, %select_n3A_169, %add3A_819], %get3A_779 : memref<8x8x129xf32, #tpu.memory_space<vmem>>[vector<16xi32>, vector<16xi32>, vector<16xi32>], vector<16xf32>,
        tpu.vector_store_idx %arg10[%select_n3A_75, %select_n3A_195, %add3A_819], %get3A_782 : memref<8x8x129xf32, #tpu.memory_space<vmem>>[vector<16xi32>, vector<16xi32>, vector<16xi32>], vector<16xf32>,
        tpu.vector_store_idx %arg10[%select_n3A_110, %select_n3A_221, %add3A_819], %get3A_785 : memref<8x8x129xf32, #tpu.memory_space<vmem>>[vector<16xi32>, vector<16xi32>, vector<16xi32>], vector<16xf32>,
        tpu.vector_store_idx %arg10[%select_n3A_145, %select_n3A_247, %add3A_819], %get3A_788 : memref<8x8x129xf32, #tpu.memory_space<vmem>>[vector<16xi32>, vector<16xi32>, vector<16xi32>], vector<16xf32>,
      }
      %scan3A_638 = arith.constant 16 : i32
      %add3A_639 = arith.constant 3 : i32
      %add3A_640 = arith.addi %div3A_504, %add3A_639 : i32
      %dma_start3A_641 = arith.constant 0 : i32
      %dma_start3A_642 = arith.constant 0 : i32
      %dma_start3A_643 = arith.constant 0 : i32
      %dma_start3A_644 = tpu.memref_slice %arg10[%dma_start3A_641, %dma_start3A_642, %dma_start3A_643] : memref<8x8x129xf32, #tpu.memory_space<vmem>> -> memref<8x8x128xf32, #tpu.memory_space<vmem>>
      %dma_start3A_645 = arith.constant 0 : i32
      %dma_start3A_646 = arith.constant 0 : i32
      %dma_start3A_647 = arith.constant 0 : i32
      %dma_start3A_648 = tpu.memref_slice %arg4[%div3A_500, %dma_start3A_645, %add3A_640, %dma_start3A_646, %dma_start3A_647] : memref<200x8x32x8x128xf32, #tpu.memory_space<hbm>> -> memref<1x8x1x8x128xf32, #tpu.memory_space<hbm>>
      %dma_start3A_649 = tpu.memref_squeeze %dma_start3A_648 : memref<1x8x1x8x128xf32, #tpu.memory_space<hbm>> -> memref<8x8x128xf32, #tpu.memory_space<hbm>>
      %dma_start3A_650 = arith.constant 0 : i32
      %dma_start3A_651 = arith.constant 0 : i32
      %dma_start3A_652 = arith.constant 0 : i32
      %dma_start3A_653 = tpu.memref_slice %arg4[%div3A_500, %dma_start3A_650, %add3A_640, %dma_start3A_651, %dma_start3A_652] : memref<200x8x32x8x128xf32, #tpu.memory_space<hbm>> -> memref<1x8x1x8x128xf32, #tpu.memory_space<hbm>>
      %dma_start3A_654 = tpu.memref_squeeze %dma_start3A_653 : memref<1x8x1x8x128xf32, #tpu.memory_space<hbm>> -> memref<8x8x128xf32, #tpu.memory_space<hbm>>
      %dma_start3A_655 = arith.constant 0 : i32
      %dma_start3A_656 = arith.constant 0 : i32
      %dma_start3A_657 = arith.constant 0 : i32
      %dma_start3A_658 = tpu.memref_slice %arg10[%dma_start3A_655, %dma_start3A_656, %dma_start3A_657] : memref<8x8x129xf32, #tpu.memory_space<vmem>> -> memref<8x8x128xf32, #tpu.memory_space<vmem>>
      tpu.enqueue_dma source(%dma_start3A_658 : memref<8x8x128xf32, #tpu.memory_space<vmem>>) target(%dma_start3A_654 : memref<8x8x128xf32, #tpu.memory_space<hbm>>) target_semaphore(%arg13 : memref<!tpu.dma_semaphore, #tpu.memory_space<semaphore_mem>>)
    }
    %scan3A_252 = arith.constant 25 : i32
    %dma_wait3A_253 = arith.constant 0 : i32
    %dma_wait3A_254 = arith.constant 0 : i32
    %dma_wait3A_255 = arith.constant 0 : i32
    %dma_wait3A_256 = arith.constant 0 : i32
    %dma_wait3A_257 = arith.constant 0 : i32
    %dma_wait3A_258 = tpu.memref_slice %arg9[%dma_wait3A_255, %dma_wait3A_256, %dma_wait3A_257] : memref<8x8x129xf32, #tpu.memory_space<vmem>> -> memref<8x8x128xf32, #tpu.memory_space<vmem>>
    %dma_wait3A_259 = arith.constant 0 : i32
    %dma_wait3A_260 = arith.constant 0 : i32
    %dma_wait3A_261 = arith.constant 0 : i32
    %dma_wait3A_262 = tpu.memref_slice %arg4[%dma_wait3A_253, %dma_wait3A_259, %dma_wait3A_254, %dma_wait3A_260, %dma_wait3A_261] : memref<200x8x32x8x128xf32, #tpu.memory_space<hbm>> -> memref<1x8x1x8x128xf32, #tpu.memory_space<hbm>>
    %dma_wait3A_263 = tpu.memref_squeeze %dma_wait3A_262 : memref<1x8x1x8x128xf32, #tpu.memory_space<hbm>> -> memref<8x8x128xf32, #tpu.memory_space<hbm>>
    %dma_wait3A_264 = arith.constant 0 : i32
    %dma_wait3A_265 = arith.constant 0 : i32
    %dma_wait3A_266 = arith.constant 0 : i32
    %dma_wait3A_267 = tpu.memref_slice %arg4[%dma_wait3A_253, %dma_wait3A_264, %dma_wait3A_254, %dma_wait3A_265, %dma_wait3A_266] : memref<200x8x32x8x128xf32, #tpu.memory_space<hbm>> -> memref<1x8x1x8x128xf32, #tpu.memory_space<hbm>>
    %dma_wait3A_268 = tpu.memref_squeeze %dma_wait3A_267 : memref<1x8x1x8x128xf32, #tpu.memory_space<hbm>> -> memref<8x8x128xf32, #tpu.memory_space<hbm>>
    %dma_wait3A_269 = arith.constant 0 : i32
    %dma_wait3A_270 = arith.constant 0 : i32
    %dma_wait3A_271 = arith.constant 0 : i32
    %dma_wait3A_272 = tpu.memref_slice %arg9[%dma_wait3A_269, %dma_wait3A_270, %dma_wait3A_271] : memref<8x8x129xf32, #tpu.memory_space<vmem>> -> memref<8x8x128xf32, #tpu.memory_space<vmem>>
    tpu.wait_dma2 semaphore(%arg13 : memref<!tpu.dma_semaphore, #tpu.memory_space<semaphore_mem>>) src(%dma_wait3A_272 : memref<8x8x128xf32, #tpu.memory_space<vmem>>) dst(%dma_wait3A_268 : memref<8x8x128xf32, #tpu.memory_space<hbm>>)
    %dma_wait3A_273 = arith.constant 0 : i32
    %dma_wait3A_274 = arith.constant 0 : i32
    %dma_wait3A_275 = arith.constant 0 : i32
    %dma_wait3A_276 = arith.constant 0 : i32
    %dma_wait3A_277 = arith.constant 0 : i32
    %dma_wait3A_278 = tpu.memref_slice %arg10[%dma_wait3A_275, %dma_wait3A_276, %dma_wait3A_277] : memref<8x8x129xf32, #tpu.memory_space<vmem>> -> memref<8x8x128xf32, #tpu.memory_space<vmem>>
    %dma_wait3A_279 = arith.constant 0 : i32
    %dma_wait3A_280 = arith.constant 0 : i32
    %dma_wait3A_281 = arith.constant 0 : i32
    %dma_wait3A_282 = tpu.memref_slice %arg4[%dma_wait3A_273, %dma_wait3A_279, %dma_wait3A_274, %dma_wait3A_280, %dma_wait3A_281] : memref<200x8x32x8x128xf32, #tpu.memory_space<hbm>> -> memref<1x8x1x8x128xf32, #tpu.memory_space<hbm>>
    %dma_wait3A_283 = tpu.memref_squeeze %dma_wait3A_282 : memref<1x8x1x8x128xf32, #tpu.memory_space<hbm>> -> memref<8x8x128xf32, #tpu.memory_space<hbm>>
    %dma_wait3A_284 = arith.constant 0 : i32
    %dma_wait3A_285 = arith.constant 0 : i32
    %dma_wait3A_286 = arith.constant 0 : i32
    %dma_wait3A_287 = tpu.memref_slice %arg4[%dma_wait3A_273, %dma_wait3A_284, %dma_wait3A_274, %dma_wait3A_285, %dma_wait3A_286] : memref<200x8x32x8x128xf32, #tpu.memory_space<hbm>> -> memref<1x8x1x8x128xf32, #tpu.memory_space<hbm>>
    %dma_wait3A_288 = tpu.memref_squeeze %dma_wait3A_287 : memref<1x8x1x8x128xf32, #tpu.memory_space<hbm>> -> memref<8x8x128xf32, #tpu.memory_space<hbm>>
    %dma_wait3A_289 = arith.constant 0 : i32
    %dma_wait3A_290 = arith.constant 0 : i32
    %dma_wait3A_291 = arith.constant 0 : i32
    %dma_wait3A_292 = tpu.memref_slice %arg10[%dma_wait3A_289, %dma_wait3A_290, %dma_wait3A_291] : memref<8x8x129xf32, #tpu.memory_space<vmem>> -> memref<8x8x128xf32, #tpu.memory_space<vmem>>
    tpu.wait_dma2 semaphore(%arg13 : memref<!tpu.dma_semaphore, #tpu.memory_space<semaphore_mem>>) src(%dma_wait3A_292 : memref<8x8x128xf32, #tpu.memory_space<vmem>>) dst(%dma_wait3A_288 : memref<8x8x128xf32, #tpu.memory_space<hbm>>)
    return
  }
}

</mosaic_0001>

<sc_bundles>
// kernel: kernel.3.cloned.1.call-start
scs
__scs_entry_jumppad:
0x0: {  	(pc) =	sbr.rel $0x88, $3  }
0x1: {  	(tag) =	ssettag $0x0;
	lr =	simm.s32 $0x1  }
0x2: {  	[smem:$0x3F9F] =	sst lr;
	_ =	strace $0xD0000000  }
0x3: {  	_ = 	snop  }
0x4: {  	_ = 	snop  }
0x5: {  	_ = 	snop  }
0x6: {  	_ = 	snop  }
0x7: {  	_ = 	snop  }
__scs_overlays_trampoline_lowered:
0x8: {  	[smem:$0x3FAE] =	sst s0  }
0x9: {  	[smem:$0x3FAF] =	sst s1  }
0xa: {  	[smem:$0x3FB0] =	sst s2  }
0xb: {  	[smem:$0x3FB1] =	sst s3  }
0xc: {  	[smem:$0x3FB2] =	sst s4  }
0xd: {  	[smem:$0x3FB3] =	sst s5  }
0xe: {  	[smem:$0x3FB4] =	sst s6  }
0xf: {  	[smem:$0x3FB5] =	sst s7  }
0x10: {  	[smem:$0x3FB6] =	sst s8  }
0x11: {  	[smem:$0x3FB7] =	sst s9;
	s0 =	simm.s32 @!p0 $0x0  }
0x12: {  	s1 =	sld [smem:$0x3F9D];
	s0 =	simm.s32 @p0 $0x1  }
0x13: {  	[smem:$0x3FB8] =	sst s0;
	s0 =	simm.s32 @!p1 $0x0  }
0x14: {  	s2 =	sld [smem:$0x3F9C];
	s0 =	simm.s32 @p1 $0x1  }
0x15: {  	[smem:$0x3FB9] =	sst s0;
	s0 =	simm.s32 @!p2 $0x0  }
0x16: {  	s3 =	sld [smem:$0x3FDB];
	s0 =	simm.s32 @p2 $0x1  }
0x17: {  	s4 =	simm.s32 $0x1BF5;
	[smem:$0x3FBB] =	sst s0  }
0x18: {  	s0 =	sld [smem:$0x3F9E];
	_ =	swait.ge [sflag:s4], $0x0  }
0x19: {  	s7 =	sld [smem:$0x3F9F]  }
0x1a: {  	s8 =	sadd.s32 $0xFFFFE003, lr  }
0x1b: {  	s9 =	sadd.s32 $0xFFFFFEF7, lr;
	s5 =	simm.s32 $0xFFFFFFFF;
	p2 =	slt.u32 s8, $0xFFFFF086  }
0x1c: {  	p1 =	slt.u32 s9, $0xF7A;
	s5 =	simm.s32 @!p2 $0x0  }
0x1d: {  	s5 =	simm.s32 @p1 $0x1;
	p0 =	seq.s32 s7, s2  }
0x1e: {  	s7 =	smul.u32 @!p0 $0xF7A, s2;
	p2 =	seq.s32 @!p0 s5, $0x0  }
0x1f: {  	s9 =	smul.u32 $0xF7A, s1;
	s8 =	simm.s32 @!p0 $0x1BF5;
	p2 =	por !p2, p0  }
0x20: {  	[sflag:s8] =	ssyncset.s32 @!p0 $0xFFFFF086;
	s6 =	sadd.s32 @!p0 s3, s7;
	s7 =	simm.s32 @!p0 $0x108  }
0x21: {  	s3 =	sadd.s32 s3, s9;
	s6 =	sadd.s32 @!p0 $0x88, s6;
	s7 =	simm.s32 @p2 $0x1082  }
0x22: {  	[simem:s7], [sflag:s8] =	dma.local @!p0 [hbm:s6], $0xF7A  }
0x23: {  	s9 =	sor.u32 $0xD0000000, s2;
	s6 =	simm.s32 $0x108;
	_ =	swait.ge @!p0 [sflag:s8], $0x0  }
0x24: {  	s3 =	sadd.s32 $0x88, s3;
	s6 =	simm.s32 @!p1 $0x1082;
	[sflag:s4] =	ssyncset.s32 $0xFFFFF086  }
0x25: {  	[simem:s6], [sflag:s4] =	dma.local [hbm:s3], $0xF7A  }
0x26: {  	[smem:$0x3F9F] =	sst s1;
	(tag) =	ssettag s2;
	_ =	strace s9  }
0x27: {  	s1 =	sld [smem:$0x3FAF]  }
0x28: {  	s2 =	sld [smem:$0x3FB0]  }
0x29: {  	s4 =	sld [smem:$0x3FB2]  }
0x2a: {  	p0 =	seq.s32 s5, $0x0;
	s5 =	sld [smem:$0x3FB3]  }
0x2b: {  	s6 =	sld [smem:$0x3FB4]  }
0x2c: {  	s7 =	sld [smem:$0x3FB5]  }
0x2d: {  	s3 =	simm.s32 $0x108;
	s8 =	sld [smem:$0x3FB6]  }
0x2e: {  	s3 =	simm.s32 @!p0 $0x1082;
	s9 =	sld [smem:$0x3FB7]  }
0x2f: {  	lr =	sadd.s32 s0, s3;
	s0 =	sld [smem:$0x3FAE]  }
0x30: {  	s3 =	sld [smem:$0x3FB1]  }
0x31: {  	[smem:$0x3FBA] =	sst s10  }
0x32: {  	s10 =	sld [smem:$0x3FB8];
	_ =	sdelay $0x3  }
0x33: {  	p0 =	seq.s32 s10, $0x1;
	s10 =	sld [smem:$0x3FBA];
	_ =	sdelay $0x3  }
0x34: {  	[smem:$0x3FBA] =	sst s10  }
0x35: {  	s10 =	sld [smem:$0x3FB9];
	_ =	sdelay $0x3  }
0x36: {  	p1 =	seq.s32 s10, $0x1;
	s10 =	sld [smem:$0x3FBA];
	_ =	sdelay $0x3  }
0x37: {  	[smem:$0x3FBA] =	sst s10  }
0x38: {  	s10 =	sld [smem:$0x3FBB]  }
0x39: {  	_ = 	snop;
	(pc) =	sbr.ind lr, $3  }
0x3a: {  	_ = 	snop  }
0x3b: {  	_ = 	snop  }
0x3c: {  	p2 =	seq.s32 s10, $0x1;
	s10 =	sld [smem:$0x3FBA]  }
0x3d: {  	_ =	shalt  }
0x3e: {  	_ =	shalt  }
0x3f: {  	_ =	shalt  }
0x40: {  	_ =	shalt  }
0x41: {  	_ =	shalt  }
0x42: {  	_ =	shalt  }
0x43: {  	_ =	shalt  }
0x44: {  	_ =	shalt  }
0x45: {  	_ =	shalt  }
0x46: {  	_ =	shalt  }
0x47: {  	_ =	shalt  }
0x48: {  	_ =	shalt  }
0x49: {  	_ =	shalt  }
0x4a: {  	_ =	shalt  }
0x4b: {  	_ =	shalt  }
0x4c: {  	_ =	shalt  }
0x4d: {  	_ =	shalt  }
0x4e: {  	_ =	shalt  }
0x4f: {  	_ =	shalt  }
0x50: {  	_ =	shalt  }
0x51: {  	_ =	shalt  }
0x52: {  	_ =	shalt  }
0x53: {  	_ =	shalt  }
0x54: {  	_ =	shalt  }
0x55: {  	_ =	shalt  }
0x56: {  	_ =	shalt  }
0x57: {  	_ =	shalt  }
0x58: {  	_ =	shalt  }
0x59: {  	_ =	shalt  }
0x5a: {  	_ =	shalt  }
0x5b: {  	_ =	shalt  }
0x5c: {  	_ =	shalt  }
0x5d: {  	_ =	shalt  }
0x5e: {  	_ =	shalt  }
0x5f: {  	_ =	shalt  }
0x60: {  	_ =	shalt  }
0x61: {  	_ =	shalt  }
0x62: {  	_ =	shalt  }
0x63: {  	_ =	shalt  }
0x64: {  	_ =	shalt  }
0x65: {  	_ =	shalt  }
0x66: {  	_ =	shalt  }
0x67: {  	_ =	shalt  }
0x68: {  	_ =	shalt  }
0x69: {  	_ =	shalt  }
0x6a: {  	_ =	shalt  }
0x6b: {  	_ =	shalt  }
0x6c: {  	_ =	shalt  }
0x6d: {  	_ =	shalt  }
0x6e: {  	_ =	shalt  }
0x6f: {  	_ =	shalt  }
0x70: {  	_ =	shalt  }
0x71: {  	_ =	shalt  }
0x72: {  	_ =	shalt  }
0x73: {  	_ =	shalt  }
0x74: {  	_ =	shalt  }
0x75: {  	_ =	shalt  }
0x76: {  	_ =	shalt  }
0x77: {  	_ =	shalt  }
0x78: {  	_ =	shalt  }
0x79: {  	_ =	shalt  }
0x7a: {  	_ =	shalt  }
0x7b: {  	_ =	shalt  }
0x7c: {  	_ =	shalt  }
0x7d: {  	_ =	shalt  }
0x7e: {  	_ =	shalt  }
0x7f: {  	_ =	shalt  }
0x80: {  	_ =	shalt  }
0x81: {  	_ =	shalt  }
0x82: {  	_ =	shalt  }
0x83: {  	_ =	shalt  }
0x84: {  	_ =	shalt  }
0x85: {  	_ =	shalt  }
0x86: {  	_ =	shalt  }
0x87: {  	_ =	shalt  }
.Lfunc_end0:
.L_simem_size_0:
called_computation_lowered:
.L_overlay_start_0:
0x88: {  	s2 =	sld [smem:$0x3FD9]  }
0x89: {  	s3 =	sld [smem:$0x3FFE];
	_ =	sdelay $0x1  }
0x8a: {  	s1 =	srdreg.scid  }
0x8b: {  	s0 =	sand.u32 $0x1, s1  }
0x8c: {  	s17 =	sshll.u32 s0, $0xA;
	s2 =	sadd.s32 s3, s2  }
0x8d: {  	s2 =	sadd.s32 s2, s17  }
0x8e: {  	[smem:$0x3FC6] =	sst s2  }
0x8f: {  	_ = 	snop  }
0x90: {  	s2 =	sld [smem:$0x3FD0];
	(tm) =	ssettm $0x1  }
0x91: {  	s18 =	sld [smem:$0x3FFB];
	_ =	sdelay $0x3  }
0x92: {  	_ =	strace s18  }
0x93: {  	s3 =	sld [smem:$0x3FFC];
	_ =	sdelay $0x3  }
0x94: {  	_ =	strace s3  }
0x95: {  	s3 =	sld [smem:$0x3FFD];
	_ =	sdelay $0x3  }
0x96: {  	_ =	strace s3  }
0x97: {  	_ =	strace $0x8FFFFFFF  }
0x98: {  	s19 =	sld [smem:$0x3FDB];
	_ =	sdelay $0x1  }
0x99: {  	s4 =	simm.s32 $_scs_section_size  }
0x9a: {  	s5 =	simm.s32 $_size__tile_overlayer_lowered;
	s6 =	simm.s32 $_tile_overlayer_lowered  }
0x9b: {  	s22 =	simm.s32 $0x1BFF;
	s21 =	sshll.u32 s6, $0x1;
	s3 =	sadd.s32 s4, s19  }
0x9c: {  	s7 =	simm.s32 $0x0;
	s20 =	sshll.u32 s5, $0x1;
	s5 =	sadd.s32 s21, s3  }
0x9d: {  	[timem:s7], [sflag:s22] =	dma.local [hbm:s5], s20  }
0x9e: {  	_ =	swait.ge [sflag:s22], s20  }
0x9f: {  	s4 =	ssub.s32 $0x0, s20;
	[sflag:s22] =	ssyncset.done $0x0  }
0xa0: {  	[sflag:s22] =	ssyncadd.s32 s4;
	_ =	sdelay $0x1  }
0xa1: {  	s23 =	simm.s32 $0x1B8B  }
0xa2: {  	_ =	swait.ge [sflag:s23], $0x1  }
0xa3: {  	[sflag:s23] =	ssyncset.done $0x0  }
0xa4: {  	s25 =	simm.s32 $0x1B8E;
	s24 =	sld [smem:$0x3FFE];
	[sflag:s23] =	ssyncadd.s32 $0xFFFFFFFF  }
0xa5: {  	s26 =	simm.s32 $execute0_lowered;
	[smem:$0x3FD2] =	sst s25  }
0xa6: {  	s5 =	sshll.u32 s26, $0x1;
	_ =	strace $0x80000046;
	[dreg:$0x1] =	wrdreg $0xFFFFFFFF  }
0xa7: {  	s28 =	simm.s32 $_size_execute0_lowered;
	s3 =	sadd.s32 s3, s5;
	[dreg:$0x0] =	wrdreg $0x0  }
0xa8: {  	s5 =	sshll.u32 s28, $0x1;
	[dreg:$0x2] =	wrdreg s3  }
0xa9: {  	[dreg:$0x3] =	wrdreg s5  }
0xaa: {  	[dreg:$0x4] =	wrdreg $0xC0  }
0xab: {  	_ =	task [dreg:s7], $0x5FFFF  }
0xac: {  	[dreg:$0x1] =	wrdreg $0xFFFFFFFF  }
0xad: {  	[dreg:$0x0] =	wrdreg $0x60  }
0xae: {  	[dreg:$0x2] =	wrdreg s24  }
0xaf: {  	[dreg:$0x3] =	wrdreg s2  }
0xb0: {  	[dreg:$0x4] =	wrdreg $0x9  }
0xb1: {  	_ =	task.clear_ibuf [dreg:s7], $0x5FFFF;
	_ =	strace $0x90000046  }
0xb2: {  	s29 =	simm.s32 $0x9;
	_ =	strace $0x80000048  }
0xb3: {  	_ =	swait.ge [sflag:s29], $0x1  }
0xb4: {  	[sflag:s29] =	ssyncadd.s32 $0xFFFFFFFF  }
0xb5: {  	_ =	strace $0x90000048  }
0xb6: {  	_ =	sfence  }
0xb7: {  	s30 =	sld [smem:$0x0];
	_ =	sdelay $0x2  }
0xb8: {  	s31 =	sshll.u32 s1, $0xD;
	s1 =	sshrl.u32 s1, $0x2  }
0xb9: {  	s3 =	sand.u32 $0x4000, s31;
	s1 =	sadd.s32 s1, s30  }
0xba: {  	s0 =	sor.u32 s3, s0;
	s1 =	sshll.u32 s1, $0x11  }
0xbb: {  	s0 =	sor.u32 s1, s0  }
0xbc: {  	s0 =	sadd.s32 $0x8F2B, s0  }
0xbd: {  	[sflag:s0] =	ssyncadd.remote.s32 $0x1  }
0xbe: {  	_ =	sfence.sel $0xFFFF  }
0xbf: {  	[dreg:$0x0] =	wrdreg $0xFFFFFFFF;
	(pc) =	sbr.abs _section_cstart, $3  }
0xc0: {  	[dreg:$0x1] =	wrdreg $0xFFFFFFFF  }
0xc1: {  	_ =	task.clear_ibuf [dreg:s7], $0x2FFFF;
	_ =	strace $0x9FFFFFFF  }
0xc2: {  	(tm) =	ssettm $0x7FFFFFFF  }
0xc3: {  	_ =	shalt  }
tec
execute0_lowered:
.L_overlay_start_1:
0x0: {  	(tag) =	ssettag $0x1  }
0x1: {  	v0 =	vlaneseq.u32  }
0x2: {  	v7 =	vmul.u32 $0x88, v0  }
0x3: {  	s7 =	rddreg [dreg:$0x0]  }
0x4: {  	s2 =	rddreg [dreg:$0x1];
	s3 =	simm.s32 $0x0;
	v0 =	vadd.s32 $0x1982, v7  }
0x5: {  	s1 =	srdreg.scid;
	[smem:$0x7FF] =	sst s3;
	[tilespmem:$0x1FE00] =	vst v0;
	v0 =	vadd.s32 $0x1985, v7  }
0x6: {  	s5 =	sand.u32 $0x1, s1;
	s1 =	rddreg [dreg:$0x2];
	_ =	strace $0x80000047;
	[tilespmem:$0x1FE10] =	vst v0  }
0x7: {  	v21 =	vadd.s32 $0x880, v7;
	[tilespmem:$0x1FE20] =	vst v7  }
0x8: {  	v23 =	vadd.s32 $0x1100, v7;
	[tilespmem:$0x1FE30] =	vst v21  }
0x9: {  	v25 =	vadd.s32 $0x1980, v7;
	[tilespmem:$0x1FE40] =	vst v23  }
0xa: {  	v27 =	vor.u32 $0x1, v7;
	[tilespmem:$0x1FE50] =	vst v25  }
0xb: {  	v3 =	vadd.s32 $0x881, v7;
	[tilespmem:$0x1FE60] =	vst v27  }
0xc: {  	v4 =	vadd.s32 $0x1101, v7;
	[tilespmem:$0x1FE70] =	vst v3  }
0xd: {  	v26 =	vadd.s32 $0x1981, v7;
	[tilespmem:$0x1FE80] =	vst v4  }
0xe: {  	v28 =	vor.u32 $0x2, v7;
	[tilespmem:$0x1FE90] =	vst v26  }
0xf: {  	v24 =	vadd.s32 $0x882, v7;
	[tilespmem:$0x1FEA0] =	vst v28  }
0x10: {  	v12 =	vadd.s32 $0x1102, v7;
	[tilespmem:$0x1FEB0] =	vst v24  }
0x11: {  	v1 =	vor.u32 $0x3, v7;
	[tilespmem:$0x1FEC0] =	vst v12  }
0x12: {  	v10 =	vadd.s32 $0x883, v7;
	[tilespmem:$0x1FED0] =	vst v1  }
0x13: {  	v5 =	vadd.s32 $0x1103, v7;
	[tilespmem:$0x1FEE0] =	vst v10  }
0x14: {  	v8 =	vadd.s32 $0x1983, v7;
	[tilespmem:$0x1FEF0] =	vst v5  }
0x15: {  	v2 =	vor.u32 $0x4, v7;
	[tilespmem:$0x1FF00] =	vst v8  }
0x16: {  	v22 =	vadd.s32 $0x884, v7;
	[tilespmem:$0x1FF10] =	vst v2  }
0x17: {  	v14 =	vadd.s32 $0x1104, v7;
	[tilespmem:$0x1FF20] =	vst v22  }
0x18: {  	v20 =	vadd.s32 $0x1984, v7;
	[tilespmem:$0x1FF30] =	vst v14  }
0x19: {  	v15 =	vor.u32 $0x5, v7;
	[tilespmem:$0x1FF40] =	vst v20  }
0x1a: {  	v11 =	vadd.s32 $0x885, v7;
	[tilespmem:$0x1FF50] =	vst v15  }
0x1b: {  	v16 =	vadd.s32 $0x1105, v7;
	[tilespmem:$0x1FF60] =	vst v11  }
0x1c: {  	v19 =	vor.u32 $0x6, v7;
	[tilespmem:$0x1FF70] =	vst v16  }
0x1d: {  	s0 =	stileid.u32;
	v6 =	vadd.s32 $0x886, v7;
	[tilespmem:$0x1FF80] =	vst v19  }
0x1e: {  	s11 =	simm.s32 $0x1;
	s12 =	simm.s32 $0x400;
	s31 =	sshll.u32 s0, $0x1;
	v18 =	vadd.s32 $0x1106, v7;
	[tilespmem:$0x1FF90] =	vst v6  }
0x1f: {  	s13 =	simm.s32 $0x2;
	s14 =	simm.s32 $0x8400;
	s4 =	sor.u32 s5, s31;
	v13 =	vadd.s32 $0x1986, v7;
	[tilespmem:$0x1FFA0] =	vst v18  }
0x20: {  	s15 =	simm.s32 $0x10400;
	s16 =	simm.s32 $0x12600;
	s4 =	smul.u32 $0x6400, s4;
	v9 =	vor.u32 $0x7, v7;
	[tilespmem:$0x1FFB0] =	vst v13  }
0x21: {  	s17 =	simm.s32 $0x3;
	s18 =	simm.s32 $0x0;
	s6 =	ssub.s32 $0x2, s5;
	v17 =	vadd.s32 $0x887, v7;
	[tilespmem:$0x1FFC0] =	vst v9  }
0x22: {  	s5 =	sadd.s32 $0x400, s7;
	s8 =	sshrl.u32 s6, $0x1;
	v31 =	vadd.s32 $0x1107, v7;
	s9 =	sshrl.u32 s4, $0x3;
	[tilespmem:$0x1FFD0] =	vst v17  }
0x23: {  	s7 =	sadd.s32 $0x19400, s7;
	v29 =	vadd.s32 $0x1987, v7;
	s10 =	ssub.s32 s6, s8;
	[tilespmem:$0x1FFE0] =	vst v31;
	s6 =	sadd.s32 s5, s9  }
0x24: {  	[tilespmem:$0x1FFF0] =	vst v29;
	s9 =	smax.u32 s10, $0x1;
	s10 =	simm.s32 $0x200;
	s8 =	sadd.s32 $0x40, s6  }
.LBB2_1:
0x25: {  	[tilespmem:s3], [sflag:$0x1] =	stream.linear.gather [hbm4b:s6+s3], $0x200, $0x38;
	[tilespmem:$0x14800] =	vst v63  }
0x26: {  	_ = 	snop  }
0x27: {  	[tilespmem:s10], [sflag:$0x1] =	stream.linear.gather [hbm4b:s8+s3], $0x200, $0x38;
	[tilespmem:$0x14800] =	vst v63  }
0x28: {  	_ =	swait.ge [sflag:s11], $0x200  }
0x29: {  	[sflag:s11] =	ssyncset.done $0x0  }
0x2a: {  	s19 =	simm.s32 $0x0;
	[sflag:s11] =	ssyncadd.s32 $0xFFFFFE00  }
0x2b: {  	[tilespmem:s12], [sflag:$0x2] =	stream.indirect.gather [hbm4b:s7+s10], $0x40, s3, s10, $0xb8;
	[tilespmem:$0x14800] =	vst v63  }
.LBB2_2:
0x2c: {  	s20 =	sshll.u32 s19, $0xA  }
0x2d: {  	p0 =	seq.s32 s19, $0x18;
	s22 =	sadd.s32 s4, s20  }
0x2e: {  	_ =	swait.ge [sflag:s13], $0x8000;
	s21 =	sshrl.u32 @!p0 s22, $0x3  }
0x2f: {  	[sflag:s13] =	ssyncset.done $0x0;
	s21 =	sadd.s32 @!p0 s5, s21  }
0x30: {  	s23 =	simm.s32 @!p0 $0x0;
	[sflag:s13] =	ssyncadd.s32 $0xFFFF8000;
	s21 =	sadd.s32 @!p0 $0x80, s21  }
0x31: {  	[tilespmem:s23], [sflag:$0x1] =	stream.linear.gather @!p0 [hbm4b:s21+s23], $0x200, $0x38;
	[tilespmem:$0x14800] =	vst v63  }
0x32: {  	_ =	swait.ge [sflag:s11], $0x200  }
0x33: {  	p1 =	seq.s32 s19, $0x0;
	[sflag:s11] =	ssyncset.done $0x0  }
0x34: {  	s21 =	simm.s32 @!p1 $0x3;
	[sflag:s11] =	ssyncadd.s32 $0xFFFFFE00  }
0x35: {  	[tilespmem:s14], [sflag:$0x2] =	stream.indirect.gather [hbm4b:s7+s10], $0x40, s10, s10, $0xb8;
	[tilespmem:$0x14800] =	vst v63  }
0x36: {  	_ =	swait.ge @!p1 [sflag:s21], $0x2000  }
0x37: {  	[sflag:s21] =	ssyncset.done @!p1 $0x0  }
0x38: {  	s23 =	simm.s32 $0x500;
	[sflag:s21] =	ssyncadd.s32 @!p1 $0xFFFFE000  }
0x39: {  	v32 =	vld [tilespmem:s23+$0xF0]  }
0x3a: {  	v0 =	vld [tilespmem:s23+$0xE0]  }
0x3b: {  	v30 =	vld [tilespmem:s23+$0xC0]  }
0x3c: {  	v33 =	vld [tilespmem:s23+$0xB0]  }
0x3d: {  	v34 =	vld [tilespmem:s23+$0xA0]  }
0x3e: {  	v35 =	vld [tilespmem:s23+$0x90]  }
0x3f: {  	v36 =	vld [tilespmem:s23+$0x80]  }
0x40: {  	v37 =	vld [tilespmem:s23+$0x70]  }
0x41: {  	v38 =	vld [tilespmem:s23+$0x60]  }
0x42: {  	v39 =	vld [tilespmem:s23+$0x50]  }
0x43: {  	v40 =	vld [tilespmem:s23+$0x40]  }
0x44: {  	v41 =	vld [tilespmem:s23+$0x30]  }
0x45: {  	v42 =	vld [tilespmem:s23+$0x20]  }
0x46: {  	v43 =	vld [tilespmem:s23+$0x10]  }
0x47: {  	v44 =	vld [tilespmem:s23+$0x0]  }
0x48: {  	v45 =	vld [tilespmem:s23+$0xFFFFFFF0]  }
0x49: {  	v46 =	vld [tilespmem:s23+$0xFFFFFFE0]  }
0x4a: {  	v47 =	vld [tilespmem:s23+$0xFFFFFFD0]  }
0x4b: {  	v48 =	vld [tilespmem:s23+$0xFFFFFFC0]  }
0x4c: {  	v49 =	vld [tilespmem:s23+$0xFFFFFFB0]  }
0x4d: {  	v50 =	vld [tilespmem:s23+$0xFFFFFFA0]  }
0x4e: {  	v51 =	vld [tilespmem:s23+$0xFFFFFF90]  }
0x4f: {  	v52 =	vld [tilespmem:s23+$0xFFFFFF80]  }
0x50: {  	v53 =	vld [tilespmem:s23+$0xFFFFFF70]  }
0x51: {  	v54 =	vld [tilespmem:s23+$0xFFFFFF60]  }
0x52: {  	s25 =	simm.s32 $0x0;
	[tilespmem:$0x1FDF0] =	vst v0;
	v0 =	vld [tilespmem:s23+$0xD0]  }
0x53: {  	v57 =	vadd.s32 s25, v7;
	v56 =	vld [tilespmem:s23+$0xFFFFFF00]  }
0x54: {  	v59 =	vadd.s32 s25, v21;
	v58 =	vld [tilespmem:s23+$0xFFFFFF10]  }
0x55: {  	v61 =	vadd.s32 s25, v23;
	v60 =	vld [tilespmem:s23+$0xFFFFFF20]  }
0x56: {  	v63 =	vadd.s32 s25, v25;
	v62 =	vld [tilespmem:s23+$0xFFFFFF30]  }
0x57: {  	v21 =	vmov v1;
	v1 =	vld [tilespmem:s23+$0xFFFFFF40];
	[tilespmem:$0x1FDE0] =	vst v0;
	v0 =	vadd.s32 s25, v27  }
0x58: {  	v55 =	vld [tilespmem:s23+$0xFFFFFF50];
	[tilespmem:v57+s15+$0x0] =	vst.idx.msk $0xffff, v56;
	v56 =	vadd.s32 s25, v3  }
0x59: {  	[tilespmem:v59+s15+$0x0] =	vst.idx.msk $0xffff, v58  }
0x5a: {  	[tilespmem:v61+s15+$0x0] =	vst.idx.msk $0xffff, v60  }
0x5b: {  	[tilespmem:v63+s15+$0x0] =	vst.idx.msk $0xffff, v62  }
0x5c: {  	[tilespmem:v0+s15+$0x0] =	vst.idx.msk $0xffff, v1  }
0x5d: {  	v57 =	vadd.s32 s25, v4;
	[tilespmem:v56+s15+$0x0] =	vst.idx.msk $0xffff, v55;
	v55 =	vld [tilespmem:$0x1FE00]  }
0x5e: {  	v58 =	vadd.s32 s25, v26  }
0x5f: {  	v60 =	vadd.s32 s25, v28  }
0x60: {  	v0 =	vadd.s32 s25, v24  }
0x61: {  	v1 =	vadd.s32 s25, v12  }
0x62: {  	[tilespmem:v57+s15+$0x0] =	vst.idx.msk $0xffff, v54;
	v61 =	vadd.s32 s25, v55  }
0x63: {  	v62 =	vadd.s32 s25, v21;
	[tilespmem:v58+s15+$0x0] =	vst.idx.msk $0xffff, v53  }
0x64: {  	v63 =	vadd.s32 s25, v10;
	[tilespmem:v60+s15+$0x0] =	vst.idx.msk $0xffff, v52  }
0x65: {  	[tilespmem:v0+s15+$0x0] =	vst.idx.msk $0xffff, v51;
	v0 =	vadd.s32 s25, v5  }
0x66: {  	[tilespmem:v1+s15+$0x0] =	vst.idx.msk $0xffff, v50;
	v1 =	vadd.s32 s25, v8  }
0x67: {  	v54 =	vadd.s32 s25, v2;
	[tilespmem:v61+s15+$0x0] =	vst.idx.msk $0xffff, v49  }
0x68: {  	v56 =	vadd.s32 s25, v22;
	[tilespmem:v62+s15+$0x0] =	vst.idx.msk $0xffff, v48  }
0x69: {  	v27 =	vmov v21;
	v21 =	vld [tilespmem:$0x1FE10];
	v57 =	vadd.s32 s25, v14;
	[tilespmem:v63+s15+$0x0] =	vst.idx.msk $0xffff, v47  }
0x6a: {  	[tilespmem:v0+s15+$0x0] =	vst.idx.msk $0xffff, v46;
	v0 =	vadd.s32 s25, v20  }
0x6b: {  	[tilespmem:v1+s15+$0x0] =	vst.idx.msk $0xffff, v45;
	v1 =	vadd.s32 s25, v15  }
0x6c: {  	v58 =	vadd.s32 s25, v11;
	[tilespmem:v54+s15+$0x0] =	vst.idx.msk $0xffff, v44  }
0x6d: {  	v59 =	vadd.s32 s25, v16;
	[tilespmem:v56+s15+$0x0] =	vst.idx.msk $0xffff, v43  }
0x6e: {  	v60 =	vadd.s32 s25, v21;
	[tilespmem:v57+s15+$0x0] =	vst.idx.msk $0xffff, v42  }
0x6f: {  	[tilespmem:v0+s15+$0x0] =	vst.idx.msk $0xffff, v41;
	v0 =	vadd.s32 s25, v19  }
0x70: {  	[tilespmem:v1+s15+$0x0] =	vst.idx.msk $0xffff, v40;
	v1 =	vadd.s32 s25, v6  }
0x71: {  	v61 =	vadd.s32 s25, v18;
	[tilespmem:v58+s15+$0x0] =	vst.idx.msk $0xffff, v39  }
0x72: {  	v62 =	vadd.s32 s25, v13;
	[tilespmem:v59+s15+$0x0] =	vst.idx.msk $0xffff, v38  }
0x73: {  	v63 =	vadd.s32 s25, v9;
	[tilespmem:v60+s15+$0x0] =	vst.idx.msk $0xffff, v37  }
0x74: {  	v25 =	vmov v2;
	v2 =	vld [tilespmem:$0x1FDE0];
	[tilespmem:v0+s15+$0x0] =	vst.idx.msk $0xffff, v36;
	v0 =	vadd.s32 s25, v17  }
0x75: {  	[tilespmem:v1+s15+$0x0] =	vst.idx.msk $0xffff, v35  }
0x76: {  	[tilespmem:v61+s15+$0x0] =	vst.idx.msk $0xffff, v34  }
0x77: {  	[tilespmem:v62+s15+$0x0] =	vst.idx.msk $0xffff, v33  }
0x78: {  	[tilespmem:v63+s15+$0x0] =	vst.idx.msk $0xffff, v30  }
0x79: {  	v1 =	vadd.s32 s25, v31;
	[tilespmem:v0+s15+$0x0] =	vst.idx.msk $0xffff, v2;
	v0 =	vld [tilespmem:$0x1FDF0];
	_ =	sdelay $0x2  }
0x7a: {  	v23 =	vmov v20;
	v21 =	vmov v3  }
0x7b: {  	v20 =	vmovc v13;
	v13 =	vmovc v8;
	v8 =	vmov v9;
	v9 =	vmov v17;
	v17 =	vmov v31  }
0x7c: {  	s24 =	simm.s32 $0x8;
	s21 =	sand.u32 $0xC00, s22;
	v31 =	vmovc v22;
	v22 =	vmovc v55;
	v30 =	vmov v28;
	v28 =	vmov v4;
	[tilespmem:v1+s15+$0x0] =	vst.idx.msk $0xffff, v0;
	v0 =	vadd.s32 s25, v29  }
.LBB2_3:
0x7d: {  	_ =	sdelay $0x2  }
0x7e: {  	v3 =	vld [tilespmem:$0x1FE30]  }
0x7f: {  	[tilespmem:v0+s15+$0x0] =	vst.idx.msk $0xffff, v32;
	s23 =	sadd.s32 $0x200, s23;
	v4 =	vld [tilespmem:$0x1FE60]  }
0x80: {  	v32 =	vld [tilespmem:s23+$0xF0]  }
0x81: {  	v33 =	vld [tilespmem:s23+$0xE0]  }
0x82: {  	v34 =	vld [tilespmem:s23+$0xD0]  }
0x83: {  	v35 =	vld [tilespmem:s23+$0xC0]  }
0x84: {  	v36 =	vld [tilespmem:s23+$0xB0]  }
0x85: {  	v37 =	vld [tilespmem:s23+$0xA0]  }
0x86: {  	v38 =	vld [tilespmem:s23+$0x90]  }
0x87: {  	v0 =	vld [tilespmem:s23+$0x80]  }
0x88: {  	v1 =	vld [tilespmem:s23+$0x70]  }
0x89: {  	v2 =	vld [tilespmem:s23+$0x60]  }
0x8a: {  	v39 =	vld [tilespmem:s23+$0x50]  }
0x8b: {  	v40 =	vld [tilespmem:s23+$0x40]  }
0x8c: {  	v41 =	vld [tilespmem:s23+$0x30]  }
0x8d: {  	v42 =	vld [tilespmem:s23+$0x20]  }
0x8e: {  	v43 =	vld [tilespmem:s23+$0x10]  }
0x8f: {  	v44 =	vld [tilespmem:s23+$0x0]  }
0x90: {  	v45 =	vld [tilespmem:s23+$0xFFFFFFF0]  }
0x91: {  	v46 =	vld [tilespmem:s23+$0xFFFFFFE0]  }
0x92: {  	v47 =	vld [tilespmem:s23+$0xFFFFFFD0]  }
0x93: {  	v48 =	vld [tilespmem:s23+$0xFFFFFFC0]  }
0x94: {  	s25 =	smov.u32 s24;
	v49 =	vld [tilespmem:s23+$0xFFFFFFB0]  }
0x95: {  	v59 =	vadd.s32 s25, v3;
	v3 =	vld [tilespmem:$0x1FE40]  }
0x96: {  	v50 =	vld [tilespmem:s23+$0xFFFFFFA0]  }
0x97: {  	v51 =	vld [tilespmem:s23+$0xFFFFFF90]  }
0x98: {  	v52 =	vld [tilespmem:s23+$0xFFFFFF80]  }
0x99: {  	v53 =	vld [tilespmem:s23+$0xFFFFFF70]  }
0x9a: {  	v61 =	vadd.s32 s25, v3;
	v3 =	vld [tilespmem:$0x1FE50]  }
0x9b: {  	v54 =	vld [tilespmem:s23+$0xFFFFFF60]  }
0x9c: {  	v56 =	vld [tilespmem:s23+$0xFFFFFF00];
	v57 =	vadd.s32 s25, v7  }
0x9d: {  	v58 =	vld [tilespmem:s23+$0xFFFFFF10]  }
0x9e: {  	v60 =	vld [tilespmem:s23+$0xFFFFFF20]  }
0x9f: {  	v62 =	vld [tilespmem:s23+$0xFFFFFF30];
	v63 =	vadd.s32 s25, v3  }
0xa0: {  	v4 =	vadd.s32 s25, v4;
	v3 =	vld [tilespmem:s23+$0xFFFFFF40]  }
0xa1: {  	v55 =	vld [tilespmem:s23+$0xFFFFFF50];
	[tilespmem:v57+s15+$0x0] =	vst.idx.msk $0xffff, v56;
	v56 =	vadd.s32 s25, v21  }
0xa2: {  	v57 =	vadd.s32 s25, v28;
	[tilespmem:v59+s15+$0x0] =	vst.idx.msk $0xffff, v58  }
0xa3: {  	[tilespmem:v61+s15+$0x0] =	vst.idx.msk $0xffff, v60;
	v60 =	vadd.s32 s25, v26  }
0xa4: {  	v61 =	vadd.s32 s25, v30;
	[tilespmem:v63+s15+$0x0] =	vst.idx.msk $0xffff, v62  }
0xa5: {  	[tilespmem:v4+s15+$0x0] =	vst.idx.msk $0xffff, v3;
	v3 =	vadd.s32 s25, v24  }
0xa6: {  	v4 =	vadd.s32 s25, v12;
	[tilespmem:v56+s15+$0x0] =	vst.idx.msk $0xffff, v55  }
0xa7: {  	v62 =	vadd.s32 s25, v22;
	[tilespmem:v57+s15+$0x0] =	vst.idx.msk $0xffff, v54  }
0xa8: {  	v63 =	vadd.s32 s25, v27;
	[tilespmem:v60+s15+$0x0] =	vst.idx.msk $0xffff, v53  }
0xa9: {  	v56 =	vadd.s32 s25, v10;
	[tilespmem:v61+s15+$0x0] =	vst.idx.msk $0xffff, v52  }
0xaa: {  	[tilespmem:v3+s15+$0x0] =	vst.idx.msk $0xffff, v51;
	v3 =	vadd.s32 s25, v5  }
0xab: {  	[tilespmem:v4+s15+$0x0] =	vst.idx.msk $0xffff, v50;
	v4 =	vadd.s32 s25, v13  }
0xac: {  	v57 =	vadd.s32 s25, v25;
	[tilespmem:v62+s15+$0x0] =	vst.idx.msk $0xffff, v49  }
0xad: {  	v58 =	vadd.s32 s25, v31;
	[tilespmem:v63+s15+$0x0] =	vst.idx.msk $0xffff, v48  }
0xae: {  	v59 =	vadd.s32 s25, v14;
	v62 =	vld [tilespmem:$0x1FE10];
	[tilespmem:v56+s15+$0x0] =	vst.idx.msk $0xffff, v47  }
0xaf: {  	[tilespmem:v3+s15+$0x0] =	vst.idx.msk $0xffff, v46;
	v3 =	vadd.s32 s25, v23  }
0xb0: {  	[tilespmem:v4+s15+$0x0] =	vst.idx.msk $0xffff, v45;
	v4 =	vadd.s32 s25, v15  }
0xb1: {  	v60 =	vadd.s32 s25, v11;
	[tilespmem:v57+s15+$0x0] =	vst.idx.msk $0xffff, v44  }
0xb2: {  	v61 =	vadd.s32 s25, v16;
	[tilespmem:v58+s15+$0x0] =	vst.idx.msk $0xffff, v43  }
0xb3: {  	[tilespmem:v59+s15+$0x0] =	vst.idx.msk $0xffff, v42;
	v42 =	vadd.s32 s25, v62  }
0xb4: {  	[tilespmem:v3+s15+$0x0] =	vst.idx.msk $0xffff, v41;
	v3 =	vadd.s32 s25, v19  }
0xb5: {  	[tilespmem:v4+s15+$0x0] =	vst.idx.msk $0xffff, v40;
	v4 =	vadd.s32 s25, v6  }
0xb6: {  	v63 =	vadd.s32 s25, v18;
	[tilespmem:v60+s15+$0x0] =	vst.idx.msk $0xffff, v39  }
0xb7: {  	[tilespmem:v61+s15+$0x0] =	vst.idx.msk $0xffff, v2;
	v2 =	vadd.s32 s25, v20  }
0xb8: {  	[tilespmem:v42+s15+$0x0] =	vst.idx.msk $0xffff, v1;
	v1 =	vadd.s32 s25, v8  }
0xb9: {  	[tilespmem:v3+s15+$0x0] =	vst.idx.msk $0xffff, v0;
	v3 =	vadd.s32 s25, v9  }
0xba: {  	p2 =	sne.s32 s24, $0x78;
	[tilespmem:v4+s15+$0x0] =	vst.idx.msk $0xffff, v38;
	v4 =	vadd.s32 s25, v17  }
.Ltmp0:
0xbb: {  	[tilespmem:v63+s15+$0x0] =	vst.idx.msk $0xffff, v37;
	(pc) =	sbr.rel @p2 .LBB2_3-.Ltmp0, $4  }
0xbc: {  	[tilespmem:v2+s15+$0x0] =	vst.idx.msk $0xffff, v36  }
0xbd: {  	[tilespmem:v1+s15+$0x0] =	vst.idx.msk $0xffff, v35  }
0xbe: {  	[tilespmem:v3+s15+$0x0] =	vst.idx.msk $0xffff, v34  }
0xbf: {  	s24 =	sadd.s32 $0x8, s24;
	v0 =	vadd.s32 s25, v29;
	[tilespmem:v4+s15+$0x0] =	vst.idx.msk $0xffff, v33  }
0xc0: {  	_ =	sdelay $0x1  }
0xc1: {  	s22 =	sshll.u32 s22, $0x3  }
0xc2: {  	s23 =	sadd.s32 s2, s21;
	s22 =	sand.u32 $0xFFF8000, s22  }
0xc3: {  	[tilespmem:v0+s15+$0x0] =	vst.idx.msk $0xffff, v32;
	s26 =	simm.s32 $0x10400;
	s24 =	sadd.s32 s22, s23  }
0xc4: {  	[hbm4b:s24+s3] =	stream.linear.scatter [tilespmem:s26], [sflag:$0x3], $0x80, $0x38;
	[tilespmem:$0x14800] =	vst v63  }
0xc5: {  	s29 =	simm.s32 $0x10488;
	s25 =	sadd.s32 $0x10, s24  }
0xc6: {  	[hbm4b:s25+s3] =	stream.linear.scatter [tilespmem:s29], [sflag:$0x3], $0x80, $0x38;
	[tilespmem:$0x14800] =	vst v63  }
0xc7: {  	s30 =	simm.s32 $0x10510;
	s23 =	simm.s32 $0x440;
	s31 =	sadd.s32 $0x20, s24  }
0xc8: {  	[hbm4b:s31+s3] =	stream.linear.scatter [tilespmem:s30], [sflag:$0x3], $0x80, $0x38;
	[tilespmem:$0x14800] =	vst v63  }
0xc9: {  	s26 =	simm.s32 $0x10598;
	s28 =	sadd.s32 $0x70, s24;
	s29 =	sadd.s32 $0x30, s24  }
0xca: {  	[hbm4b:s29+s3] =	stream.linear.scatter [tilespmem:s26], [sflag:$0x3], $0x80, $0x38;
	[tilespmem:$0x14800] =	vst v63  }
0xcb: {  	s25 =	simm.s32 $0x2200;
	s30 =	simm.s32 $0x10620;
	s31 =	sadd.s32 $0x40, s24  }
0xcc: {  	[hbm4b:s31+s3] =	stream.linear.scatter [tilespmem:s30], [sflag:$0x3], $0x80, $0x38;
	[tilespmem:$0x14800] =	vst v63  }
0xcd: {  	s26 =	simm.s32 $0x106A8;
	s29 =	sadd.s32 $0x50, s24;
	s30 =	simm.s32 $0x10730  }
0xce: {  	[hbm4b:s29+s3] =	stream.linear.scatter [tilespmem:s26], [sflag:$0x3], $0x80, $0x38;
	[tilespmem:$0x14800] =	vst v63  }
0xcf: {  	s31 =	sadd.s32 $0x60, s24;
	s24 =	sadd.s32 $0x1000, s24;
	s26 =	simm.s32 $0x107B8  }
0xd0: {  	[hbm4b:s31+s3] =	stream.linear.scatter [tilespmem:s30], [sflag:$0x3], $0x80, $0x38;
	[tilespmem:$0x14800] =	vst v63  }
.LBB2_5:
0xd1: {  	[hbm4b:s28+s3] =	stream.linear.scatter [tilespmem:s26], [sflag:$0x3], $0x80, $0x38;
	[tilespmem:$0x14800] =	vst v63  }
0xd2: {  	s26 =	smov.u32 s23;
	s23 =	smov.u32 s25  }
0xd3: {  	s29 =	sadd.s32 $0x1100, s25;
	s23 =	sshra.s32 s23, $0x2;
	s28 =	sadd.s32 $0x10400, s26  }
0xd4: {  	[hbm4b:s24+s3] =	stream.linear.scatter [tilespmem:s28], [sflag:$0x3], $0x80, $0x38;
	[tilespmem:$0x14800] =	vst v63  }
0xd5: {  	p2 =	sne.s32 s25, $0x7700;
	s25 =	sadd.s32 $0x10488, s26;
	s28 =	sadd.s32 $0x10, s24  }
0xd6: {  	[hbm4b:s28+s3] =	stream.linear.scatter [tilespmem:s25], [sflag:$0x3], $0x80, $0x38;
	[tilespmem:$0x14800] =	vst v63  }
0xd7: {  	s25 =	sadd.s32 $0x10510, s26;
	s28 =	sadd.s32 $0x20, s24  }
0xd8: {  	[hbm4b:s28+s3] =	stream.linear.scatter [tilespmem:s25], [sflag:$0x3], $0x80, $0x38;
	[tilespmem:$0x14800] =	vst v63  }
0xd9: {  	s25 =	sadd.s32 $0x10598, s26;
	s28 =	sadd.s32 $0x30, s24  }
0xda: {  	[hbm4b:s28+s3] =	stream.linear.scatter [tilespmem:s25], [sflag:$0x3], $0x80, $0x38;
	[tilespmem:$0x14800] =	vst v63  }
0xdb: {  	s25 =	sadd.s32 $0x10620, s26;
	s28 =	sadd.s32 $0x40, s24  }
0xdc: {  	[hbm4b:s28+s3] =	stream.linear.scatter [tilespmem:s25], [sflag:$0x3], $0x80, $0x38;
	[tilespmem:$0x14800] =	vst v63  }
.Ltmp1:
0xdd: {  	s25 =	sadd.s32 $0x106A8, s26;
	s28 =	sadd.s32 $0x50, s24;
	(pc) =	sbr.rel @p2 .LBB2_5-.Ltmp1, $4  }
0xde: {  	[hbm4b:s28+s3] =	stream.linear.scatter [tilespmem:s25], [sflag:$0x3], $0x80, $0x38;
	[tilespmem:$0x14800] =	vst v63  }
0xdf: {  	s25 =	sadd.s32 $0x10730, s26;
	s28 =	sadd.s32 $0x60, s24;
	s26 =	sadd.s32 $0x107B8, s26  }
0xe0: {  	[hbm4b:s28+s3] =	stream.linear.scatter [tilespmem:s25], [sflag:$0x3], $0x80, $0x38;
	[tilespmem:$0x14800] =	vst v63  }
0xe1: {  	s28 =	sadd.s32 $0x70, s24;
	s24 =	sadd.s32 $0x1000, s24;
	s25 =	smov.u32 s29  }
0xe2: {  	[hbm4b:s28+s3] =	stream.linear.scatter [tilespmem:s26], [sflag:$0x3], $0x80, $0x38;
	[tilespmem:$0x14800] =	vst v63  }
0xe3: {  	s25 =	sadd.s32 $0x10400, s23  }
0xe4: {  	[hbm4b:s24+s3] =	stream.linear.scatter [tilespmem:s25], [sflag:$0x3], $0x80, $0x38;
	[tilespmem:$0x14800] =	vst v63  }
0xe5: {  	s30 =	sadd.s32 $0x10488, s23;
	s31 =	sadd.s32 $0x10, s24  }
0xe6: {  	[hbm4b:s31+s3] =	stream.linear.scatter [tilespmem:s30], [sflag:$0x3], $0x80, $0x38;
	[tilespmem:$0x14800] =	vst v63  }
0xe7: {  	s28 =	sadd.s32 $0x10510, s23;
	s29 =	sadd.s32 $0x20, s24  }
0xe8: {  	[hbm4b:s29+s3] =	stream.linear.scatter [tilespmem:s28], [sflag:$0x3], $0x80, $0x38;
	[tilespmem:$0x14800] =	vst v63  }
0xe9: {  	s30 =	sadd.s32 $0x10598, s23;
	s31 =	sadd.s32 $0x30, s24  }
0xea: {  	[hbm4b:s31+s3] =	stream.linear.scatter [tilespmem:s30], [sflag:$0x3], $0x80, $0x38;
	[tilespmem:$0x14800] =	vst v63  }
0xeb: {  	s28 =	sadd.s32 $0x10620, s23;
	s29 =	sadd.s32 $0x40, s24  }
0xec: {  	[hbm4b:s29+s3] =	stream.linear.scatter [tilespmem:s28], [sflag:$0x3], $0x80, $0x38;
	[tilespmem:$0x14800] =	vst v63  }
0xed: {  	s30 =	sadd.s32 $0x106A8, s23;
	s31 =	sadd.s32 $0x50, s24  }
0xee: {  	[hbm4b:s31+s3] =	stream.linear.scatter [tilespmem:s30], [sflag:$0x3], $0x80, $0x38;
	[tilespmem:$0x14800] =	vst v63  }
0xef: {  	s26 =	sadd.s32 $0x10730, s23;
	s28 =	sadd.s32 $0x60, s24  }
0xf0: {  	[hbm4b:s28+s3] =	stream.linear.scatter [tilespmem:s26], [sflag:$0x3], $0x80, $0x38;
	[tilespmem:$0x14800] =	vst v63  }
0xf1: {  	s29 =	sadd.s32 $0x107B8, s23;
	s23 =	simm.s32 @!p1 $0x3;
	s30 =	sadd.s32 $0x70, s24  }
0xf2: {  	[hbm4b:s30+s3] =	stream.linear.scatter [tilespmem:s29], [sflag:$0x3], $0x80, $0x38;
	[tilespmem:$0x14800] =	vst v63  }
0xf3: {  	_ =	swait.ge @!p1 [sflag:s23], $0x2000  }
0xf4: {  	v8 =	vld [tilespmem:$0x1FE30]  }
0xf5: {  	v29 =	vld [tilespmem:$0x1FE70]  }
0xf6: {  	v28 =	vld [tilespmem:$0x1FE80]  }
0xf7: {  	v26 =	vld [tilespmem:$0x1FE90]  }
0xf8: {  	v30 =	vld [tilespmem:$0x1FEA0]  }
0xf9: {  	[sflag:s23] =	ssyncset.done @!p1 $0x0;
	v24 =	vld [tilespmem:$0x1FEB0]  }
0xfa: {  	v12 =	vld [tilespmem:$0x1FEC0];
	[sflag:s23] =	ssyncadd.s32 @!p1 $0xFFFFE000;
	s23 =	simm.s32 $0x25F0  }
0xfb: {  	v32 =	vld [tilespmem:s23+$0x0]  }
0xfc: {  	v0 =	vld [tilespmem:s23+$0xFFFFFFF0]  }
0xfd: {  	v1 =	vld [tilespmem:s23+$0xFFFFFFE0]  }
0xfe: {  	v2 =	vld [tilespmem:s23+$0xFFFFFFD0]  }
0xff: {  	v3 =	vld [tilespmem:s23+$0xFFFFFFC0]  }
0x100: {  	v4 =	vld [tilespmem:s23+$0xFFFFFFB0]  }
0x101: {  	v33 =	vld [tilespmem:s23+$0xFFFFFFA0]  }
0x102: {  	v34 =	vld [tilespmem:s23+$0xFFFFFF90]  }
0x103: {  	v35 =	vld [tilespmem:s23+$0xFFFFFF80]  }
0x104: {  	v36 =	vld [tilespmem:s23+$0xFFFFFF70]  }
0x105: {  	v37 =	vld [tilespmem:s23+$0xFFFFFF60]  }
0x106: {  	v38 =	vld [tilespmem:s23+$0xFFFFFF50]  }
0x107: {  	v39 =	vld [tilespmem:s23+$0xFFFFFF40]  }
0x108: {  	v40 =	vld [tilespmem:s23+$0xFFFFFF30]  }
0x109: {  	v41 =	vld [tilespmem:s23+$0xFFFFFF20]  }
0x10a: {  	v42 =	vld [tilespmem:s23+$0xFFFFFF10]  }
0x10b: {  	v43 =	vld [tilespmem:s23+$0xFFFFFF00]  }
0x10c: {  	s31 =	simm.s32 $0x0;
	v44 =	vld [tilespmem:s23+$0xFFFFFEF0]  }
0x10d: {  	v57 =	vadd.s32 s31, v8;
	v8 =	vld [tilespmem:$0x1FE40]  }
0x10e: {  	v45 =	vld [tilespmem:s23+$0xFFFFFEE0]  }
0x10f: {  	v46 =	vld [tilespmem:s23+$0xFFFFFED0]  }
0x110: {  	v47 =	vld [tilespmem:s23+$0xFFFFFEC0]  }
0x111: {  	v48 =	vld [tilespmem:s23+$0xFFFFFEB0]  }
0x112: {  	v59 =	vadd.s32 s31, v8;
	v8 =	vld [tilespmem:$0x1FE50]  }
0x113: {  	v49 =	vld [tilespmem:s23+$0xFFFFFEA0]  }
0x114: {  	v50 =	vld [tilespmem:s23+$0xFFFFFE90]  }
0x115: {  	v51 =	vld [tilespmem:s23+$0xFFFFFE80]  }
0x116: {  	v52 =	vld [tilespmem:s23+$0xFFFFFE70]  }
0x117: {  	v61 =	vadd.s32 s31, v8;
	v8 =	vld [tilespmem:$0x1FE60]  }
0x118: {  	v55 =	vadd.s32 s31, v7;
	v54 =	vld [tilespmem:s23+$0xFFFFFE10]  }
0x119: {  	v56 =	vld [tilespmem:s23+$0xFFFFFE20]  }
0x11a: {  	v58 =	vld [tilespmem:s23+$0xFFFFFE30]  }
0x11b: {  	v60 =	vld [tilespmem:s23+$0xFFFFFE40]  }
0x11c: {  	v62 =	vld [tilespmem:s23+$0xFFFFFE50];
	v63 =	vadd.s32 s31, v8  }
0x11d: {  	v53 =	vld [tilespmem:s23+$0xFFFFFE60];
	[tilespmem:v55+s16+$0x0] =	vst.idx.msk $0xffff, v54;
	v54 =	vadd.s32 s31, v29  }
0x11e: {  	v22 =	vld [tilespmem:$0x1FE00];
	v55 =	vadd.s32 s31, v28;
	[tilespmem:v57+s16+$0x0] =	vst.idx.msk $0xffff, v56  }
0x11f: {  	v25 =	vld [tilespmem:$0x1FED0];
	v56 =	vadd.s32 s31, v26;
	[tilespmem:v59+s16+$0x0] =	vst.idx.msk $0xffff, v58  }
0x120: {  	v10 =	vld [tilespmem:$0x1FEE0];
	[tilespmem:v61+s16+$0x0] =	vst.idx.msk $0xffff, v60;
	v60 =	vadd.s32 s31, v30  }
0x121: {  	v61 =	vadd.s32 s31, v24;
	[tilespmem:v63+s16+$0x0] =	vst.idx.msk $0xffff, v62  }
0x122: {  	v13 =	vld [tilespmem:$0x1FF00];
	v62 =	vadd.s32 s31, v12;
	[tilespmem:v54+s16+$0x0] =	vst.idx.msk $0xffff, v53  }
0x123: {  	v27 =	vld [tilespmem:$0x1FF10];
	v63 =	vadd.s32 s31, v22;
	[tilespmem:v55+s16+$0x0] =	vst.idx.msk $0xffff, v52  }
0x124: {  	v31 =	vld [tilespmem:$0x1FF20];
	[tilespmem:v56+s16+$0x0] =	vst.idx.msk $0xffff, v51;
	v56 =	vadd.s32 s31, v25  }
0x125: {  	v14 =	vld [tilespmem:$0x1FF30];
	v59 =	vadd.s32 s31, v10;
	[tilespmem:v60+s16+$0x0] =	vst.idx.msk $0xffff, v50  }
0x126: {  	v23 =	vld [tilespmem:$0x1FF40];
	v60 =	vadd.s32 s31, v5;
	[tilespmem:v61+s16+$0x0] =	vst.idx.msk $0xffff, v49  }
0x127: {  	v15 =	vld [tilespmem:$0x1FF50];
	v61 =	vadd.s32 s31, v13;
	[tilespmem:v62+s16+$0x0] =	vst.idx.msk $0xffff, v48  }
0x128: {  	v11 =	vld [tilespmem:$0x1FF60];
	v62 =	vadd.s32 s31, v27;
	[tilespmem:v63+s16+$0x0] =	vst.idx.msk $0xffff, v47  }
0x129: {  	v16 =	vld [tilespmem:$0x1FF70];
	v63 =	vadd.s32 s31, v31;
	[tilespmem:v56+s16+$0x0] =	vst.idx.msk $0xffff, v46  }
0x12a: {  	v8 =	vld [tilespmem:$0x1FE10];
	v51 =	vadd.s32 s31, v14;
	[tilespmem:v59+s16+$0x0] =	vst.idx.msk $0xffff, v45  }
0x12b: {  	v19 =	vld [tilespmem:$0x1FF80];
	v52 =	vadd.s32 s31, v23;
	[tilespmem:v60+s16+$0x0] =	vst.idx.msk $0xffff, v44  }
0x12c: {  	v53 =	vadd.s32 s31, v15;
	[tilespmem:v61+s16+$0x0] =	vst.idx.msk $0xffff, v43  }
0x12d: {  	v21 =	vld [tilespmem:$0x1FFA0];
	v54 =	vadd.s32 s31, v11;
	[tilespmem:v62+s16+$0x0] =	vst.idx.msk $0xffff, v42  }
0x12e: {  	v20 =	vld [tilespmem:$0x1FFB0];
	v55 =	vadd.s32 s31, v16;
	[tilespmem:v63+s16+$0x0] =	vst.idx.msk $0xffff, v41  }
0x12f: {  	v56 =	vadd.s32 s31, v8;
	v8 =	vld [tilespmem:$0x1FFC0];
	[tilespmem:v51+s16+$0x0] =	vst.idx.msk $0xffff, v40  }
0x130: {  	v9 =	vld [tilespmem:$0x1FFD0];
	v57 =	vadd.s32 s31, v19;
	[tilespmem:v52+s16+$0x0] =	vst.idx.msk $0xffff, v39  }
0x131: {  	v17 =	vld [tilespmem:$0x1FFE0];
	v58 =	vadd.s32 s31, v6;
	[tilespmem:v53+s16+$0x0] =	vst.idx.msk $0xffff, v38  }
0x132: {  	v59 =	vadd.s32 s31, v21;
	[tilespmem:v54+s16+$0x0] =	vst.idx.msk $0xffff, v37  }
0x133: {  	v60 =	vadd.s32 s31, v20;
	[tilespmem:v55+s16+$0x0] =	vst.idx.msk $0xffff, v36  }
0x134: {  	v61 =	vadd.s32 s31, v8;
	[tilespmem:v56+s16+$0x0] =	vst.idx.msk $0xffff, v35  }
0x135: {  	v62 =	vadd.s32 s31, v9;
	[tilespmem:v57+s16+$0x0] =	vst.idx.msk $0xffff, v34  }
0x136: {  	v18 =	vld [tilespmem:$0x1FFF0];
	v63 =	vadd.s32 s31, v17;
	[tilespmem:v58+s16+$0x0] =	vst.idx.msk $0xffff, v33  }
0x137: {  	[tilespmem:v59+s16+$0x0] =	vst.idx.msk $0xffff, v4  }
0x138: {  	[tilespmem:v60+s16+$0x0] =	vst.idx.msk $0xffff, v3  }
0x139: {  	[tilespmem:v61+s16+$0x0] =	vst.idx.msk $0xffff, v2  }
0x13a: {  	[tilespmem:v62+s16+$0x0] =	vst.idx.msk $0xffff, v1  }
0x13b: {  	s24 =	simm.s32 $0x8;
	[tilespmem:v63+s16+$0x0] =	vst.idx.msk $0xffff, v0;
	v0 =	vadd.s32 s31, v18  }
.LBB2_7:
0x13c: {  	_ = 	snop  }
0x13d: {  	v57 =	vld [tilespmem:$0x1FE30]  }
0x13e: {  	v59 =	vld [tilespmem:$0x1FE40]  }
0x13f: {  	v61 =	vld [tilespmem:$0x1FE50]  }
0x140: {  	[tilespmem:v0+s16+$0x0] =	vst.idx.msk $0xffff, v32;
	s23 =	sadd.s32 $0x200, s23;
	v63 =	vld [tilespmem:$0x1FE60]  }
0x141: {  	v32 =	vld [tilespmem:s23+$0x0]  }
0x142: {  	v33 =	vld [tilespmem:s23+$0xFFFFFFF0]  }
0x143: {  	v34 =	vld [tilespmem:s23+$0xFFFFFFE0]  }
0x144: {  	v35 =	vld [tilespmem:s23+$0xFFFFFFD0]  }
0x145: {  	v36 =	vld [tilespmem:s23+$0xFFFFFFC0]  }
0x146: {  	v37 =	vld [tilespmem:s23+$0xFFFFFFB0]  }
0x147: {  	v38 =	vld [tilespmem:s23+$0xFFFFFFA0]  }
0x148: {  	v0 =	vld [tilespmem:s23+$0xFFFFFF90]  }
0x149: {  	v1 =	vld [tilespmem:s23+$0xFFFFFF80]  }
0x14a: {  	v2 =	vld [tilespmem:s23+$0xFFFFFF70]  }
0x14b: {  	v3 =	vld [tilespmem:s23+$0xFFFFFF60]  }
0x14c: {  	v4 =	vld [tilespmem:s23+$0xFFFFFF50]  }
0x14d: {  	v39 =	vld [tilespmem:s23+$0xFFFFFF40]  }
0x14e: {  	v40 =	vld [tilespmem:s23+$0xFFFFFF30]  }
0x14f: {  	v41 =	vld [tilespmem:s23+$0xFFFFFF20]  }
0x150: {  	v42 =	vld [tilespmem:s23+$0xFFFFFF10]  }
0x151: {  	v43 =	vld [tilespmem:s23+$0xFFFFFF00]  }
0x152: {  	v44 =	vld [tilespmem:s23+$0xFFFFFEF0]  }
0x153: {  	v45 =	vld [tilespmem:s23+$0xFFFFFEE0]  }
0x154: {  	v46 =	vld [tilespmem:s23+$0xFFFFFED0]  }
0x155: {  	v47 =	vld [tilespmem:s23+$0xFFFFFEC0]  }
0x156: {  	v48 =	vld [tilespmem:s23+$0xFFFFFEB0]  }
0x157: {  	v49 =	vld [tilespmem:s23+$0xFFFFFEA0]  }
0x158: {  	v50 =	vld [tilespmem:s23+$0xFFFFFE90]  }
0x159: {  	v51 =	vld [tilespmem:s23+$0xFFFFFE80]  }
0x15a: {  	s25 =	smov.u32 s24;
	v52 =	vld [tilespmem:s23+$0xFFFFFE70]  }
0x15b: {  	v54 =	vld [tilespmem:s23+$0xFFFFFE10];
	v55 =	vadd.s32 s25, v7  }
0x15c: {  	v56 =	vld [tilespmem:s23+$0xFFFFFE20];
	v57 =	vadd.s32 s25, v57  }
0x15d: {  	v58 =	vld [tilespmem:s23+$0xFFFFFE30];
	v59 =	vadd.s32 s25, v59  }
0x15e: {  	v60 =	vld [tilespmem:s23+$0xFFFFFE40];
	v61 =	vadd.s32 s25, v61  }
0x15f: {  	v62 =	vld [tilespmem:s23+$0xFFFFFE50];
	v63 =	vadd.s32 s25, v63  }
0x160: {  	v53 =	vld [tilespmem:s23+$0xFFFFFE60];
	[tilespmem:v55+s16+$0x0] =	vst.idx.msk $0xffff, v54;
	v54 =	vadd.s32 s25, v29  }
0x161: {  	v55 =	vadd.s32 s25, v28;
	[tilespmem:v57+s16+$0x0] =	vst.idx.msk $0xffff, v56  }
0x162: {  	v56 =	vadd.s32 s25, v26;
	[tilespmem:v59+s16+$0x0] =	vst.idx.msk $0xffff, v58  }
0x163: {  	v57 =	vadd.s32 s25, v30;
	[tilespmem:v61+s16+$0x0] =	vst.idx.msk $0xffff, v60  }
0x164: {  	[tilespmem:v63+s16+$0x0] =	vst.idx.msk $0xffff, v62;
	v63 =	vadd.s32 s25, v24  }
0x165: {  	v59 =	vadd.s32 s25, v12;
	[tilespmem:v54+s16+$0x0] =	vst.idx.msk $0xffff, v53  }
0x166: {  	v60 =	vadd.s32 s25, v22;
	[tilespmem:v55+s16+$0x0] =	vst.idx.msk $0xffff, v52  }
0x167: {  	v61 =	vadd.s32 s25, v25;
	[tilespmem:v56+s16+$0x0] =	vst.idx.msk $0xffff, v51  }
0x168: {  	v62 =	vadd.s32 s25, v10;
	[tilespmem:v57+s16+$0x0] =	vst.idx.msk $0xffff, v50  }
0x169: {  	[tilespmem:v63+s16+$0x0] =	vst.idx.msk $0xffff, v49;
	v63 =	vadd.s32 s25, v5  }
0x16a: {  	v53 =	vadd.s32 s25, v13;
	[tilespmem:v59+s16+$0x0] =	vst.idx.msk $0xffff, v48  }
0x16b: {  	v54 =	vadd.s32 s25, v27;
	[tilespmem:v60+s16+$0x0] =	vst.idx.msk $0xffff, v47  }
0x16c: {  	v55 =	vadd.s32 s25, v31;
	[tilespmem:v61+s16+$0x0] =	vst.idx.msk $0xffff, v46  }
0x16d: {  	v56 =	vadd.s32 s25, v14;
	v61 =	vld [tilespmem:$0x1FE10];
	[tilespmem:v62+s16+$0x0] =	vst.idx.msk $0xffff, v45  }
0x16e: {  	v57 =	vadd.s32 s25, v23;
	[tilespmem:v63+s16+$0x0] =	vst.idx.msk $0xffff, v44  }
0x16f: {  	v58 =	vadd.s32 s25, v15;
	[tilespmem:v53+s16+$0x0] =	vst.idx.msk $0xffff, v43  }
0x170: {  	v59 =	vadd.s32 s25, v11;
	[tilespmem:v54+s16+$0x0] =	vst.idx.msk $0xffff, v42  }
0x171: {  	v60 =	vadd.s32 s25, v16;
	[tilespmem:v55+s16+$0x0] =	vst.idx.msk $0xffff, v41  }
0x172: {  	[tilespmem:v56+s16+$0x0] =	vst.idx.msk $0xffff, v40;
	v40 =	vadd.s32 s25, v61  }
0x173: {  	v62 =	vadd.s32 s25, v19;
	[tilespmem:v57+s16+$0x0] =	vst.idx.msk $0xffff, v39  }
0x174: {  	[tilespmem:v58+s16+$0x0] =	vst.idx.msk $0xffff, v4;
	v4 =	vadd.s32 s25, v6  }
0x175: {  	[tilespmem:v59+s16+$0x0] =	vst.idx.msk $0xffff, v3;
	v3 =	vadd.s32 s25, v21  }
0x176: {  	[tilespmem:v60+s16+$0x0] =	vst.idx.msk $0xffff, v2;
	v2 =	vadd.s32 s25, v20  }
0x177: {  	[tilespmem:v40+s16+$0x0] =	vst.idx.msk $0xffff, v1;
	v1 =	vadd.s32 s25, v8  }
0x178: {  	v63 =	vadd.s32 s25, v9;
	[tilespmem:v62+s16+$0x0] =	vst.idx.msk $0xffff, v0  }
0x179: {  	p1 =	sne.s32 s24, $0x78;
	[tilespmem:v4+s16+$0x0] =	vst.idx.msk $0xffff, v38;
	v4 =	vadd.s32 s25, v17  }
.Ltmp2:
0x17a: {  	[tilespmem:v3+s16+$0x0] =	vst.idx.msk $0xffff, v37;
	(pc) =	sbr.rel @p1 .LBB2_7-.Ltmp2, $4  }
0x17b: {  	[tilespmem:v2+s16+$0x0] =	vst.idx.msk $0xffff, v36  }
0x17c: {  	[tilespmem:v1+s16+$0x0] =	vst.idx.msk $0xffff, v35  }
0x17d: {  	[tilespmem:v63+s16+$0x0] =	vst.idx.msk $0xffff, v34  }
0x17e: {  	s24 =	sadd.s32 $0x8, s24;
	v0 =	vadd.s32 s25, v18;
	[tilespmem:v4+s16+$0x0] =	vst.idx.msk $0xffff, v33  }
0x17f: {  	_ =	sdelay $0x1  }
0x180: {  	s21 =	sor.u32 s21, s22  }
0x181: {  	s21 =	sadd.s32 s21, s2  }
0x182: {  	[tilespmem:v0+s16+$0x0] =	vst.idx.msk $0xffff, v32;
	s25 =	simm.s32 $0x12600;
	s23 =	sadd.s32 $0x80, s21  }
0x183: {  	[hbm4b:s23+s3] =	stream.linear.scatter [tilespmem:s25], [sflag:$0x3], $0x80, $0x38;
	[tilespmem:$0x14800] =	vst v63  }
0x184: {  	s26 =	simm.s32 $0x12688;
	s24 =	sadd.s32 $0x10, s23  }
0x185: {  	[hbm4b:s24+s3] =	stream.linear.scatter [tilespmem:s26], [sflag:$0x3], $0x80, $0x38;
	[tilespmem:$0x14800] =	vst v63  }
0x186: {  	s28 =	simm.s32 $0x12710;
	s30 =	simm.s32 $0x12798;
	s29 =	sadd.s32 $0x20, s23  }
0x187: {  	[hbm4b:s29+s3] =	stream.linear.scatter [tilespmem:s28], [sflag:$0x3], $0x80, $0x38;
	[tilespmem:$0x14800] =	vst v63  }
0x188: {  	s22 =	simm.s32 $0x440;
	s31 =	sadd.s32 $0x30, s23;
	s25 =	simm.s32 $0x12820  }
0x189: {  	[hbm4b:s31+s3] =	stream.linear.scatter [tilespmem:s30], [sflag:$0x3], $0x80, $0x38;
	[tilespmem:$0x14800] =	vst v63  }
0x18a: {  	s26 =	sadd.s32 $0x40, s23;
	s24 =	simm.s32 $0x2200;
	s28 =	simm.s32 $0x128A8  }
0x18b: {  	[hbm4b:s26+s3] =	stream.linear.scatter [tilespmem:s25], [sflag:$0x3], $0x80, $0x38;
	[tilespmem:$0x14800] =	vst v63  }
0x18c: {  	s29 =	sadd.s32 $0x50, s23;
	s30 =	simm.s32 $0x12930;
	s31 =	sadd.s32 $0x60, s23  }
0x18d: {  	[hbm4b:s29+s3] =	stream.linear.scatter [tilespmem:s28], [sflag:$0x3], $0x80, $0x38;
	[tilespmem:$0x14800] =	vst v63  }
0x18e: {  	s25 =	simm.s32 $0x129B8;
	s26 =	sadd.s32 $0x70, s23;
	s23 =	sadd.s32 $0x1000, s23  }
0x18f: {  	[hbm4b:s31+s3] =	stream.linear.scatter [tilespmem:s30], [sflag:$0x3], $0x80, $0x38;
	[tilespmem:$0x14800] =	vst v63  }
.LBB2_9:
0x190: {  	[hbm4b:s26+s3] =	stream.linear.scatter [tilespmem:s25], [sflag:$0x3], $0x80, $0x38;
	[tilespmem:$0x14800] =	vst v63  }
0x191: {  	s25 =	smov.u32 s22;
	s22 =	smov.u32 s24  }
0x192: {  	s28 =	sadd.s32 $0x1100, s24;
	s22 =	sshra.s32 s22, $0x2;
	s26 =	sadd.s32 $0x12600, s25  }
0x193: {  	[hbm4b:s23+s3] =	stream.linear.scatter [tilespmem:s26], [sflag:$0x3], $0x80, $0x38;
	[tilespmem:$0x14800] =	vst v63  }
0x194: {  	p1 =	sne.s32 s24, $0x7700;
	s24 =	sadd.s32 $0x12688, s25;
	s26 =	sadd.s32 $0x10, s23  }
0x195: {  	[hbm4b:s26+s3] =	stream.linear.scatter [tilespmem:s24], [sflag:$0x3], $0x80, $0x38;
	[tilespmem:$0x14800] =	vst v63  }
0x196: {  	s24 =	sadd.s32 $0x12710, s25;
	s26 =	sadd.s32 $0x20, s23  }
0x197: {  	[hbm4b:s26+s3] =	stream.linear.scatter [tilespmem:s24], [sflag:$0x3], $0x80, $0x38;
	[tilespmem:$0x14800] =	vst v63  }
0x198: {  	s24 =	sadd.s32 $0x12798, s25;
	s26 =	sadd.s32 $0x30, s23  }
0x199: {  	[hbm4b:s26+s3] =	stream.linear.scatter [tilespmem:s24], [sflag:$0x3], $0x80, $0x38;
	[tilespmem:$0x14800] =	vst v63  }
0x19a: {  	s24 =	sadd.s32 $0x12820, s25;
	s26 =	sadd.s32 $0x40, s23  }
0x19b: {  	[hbm4b:s26+s3] =	stream.linear.scatter [tilespmem:s24], [sflag:$0x3], $0x80, $0x38;
	[tilespmem:$0x14800] =	vst v63  }
.Ltmp3:
0x19c: {  	s24 =	sadd.s32 $0x128A8, s25;
	s26 =	sadd.s32 $0x50, s23;
	(pc) =	sbr.rel @p1 .LBB2_9-.Ltmp3, $4  }
0x19d: {  	[hbm4b:s26+s3] =	stream.linear.scatter [tilespmem:s24], [sflag:$0x3], $0x80, $0x38;
	[tilespmem:$0x14800] =	vst v63  }
0x19e: {  	s24 =	sadd.s32 $0x12930, s25;
	s26 =	sadd.s32 $0x60, s23;
	s25 =	sadd.s32 $0x129B8, s25  }
0x19f: {  	[hbm4b:s26+s3] =	stream.linear.scatter [tilespmem:s24], [sflag:$0x3], $0x80, $0x38;
	[tilespmem:$0x14800] =	vst v63  }
0x1a0: {  	s26 =	sadd.s32 $0x70, s23;
	s23 =	sadd.s32 $0x1000, s23;
	s24 =	smov.u32 s28  }
0x1a1: {  	[hbm4b:s26+s3] =	stream.linear.scatter [tilespmem:s25], [sflag:$0x3], $0x80, $0x38;
	[tilespmem:$0x14800] =	vst v63  }
0x1a2: {  	s24 =	sadd.s32 $0x12600, s22  }
0x1a3: {  	[hbm4b:s23+s3] =	stream.linear.scatter [tilespmem:s24], [sflag:$0x3], $0x80, $0x38;
	[tilespmem:$0x14800] =	vst v63  }
0x1a4: {  	s28 =	sadd.s32 $0x12688, s22;
	s29 =	sadd.s32 $0x10, s23  }
0x1a5: {  	[hbm4b:s29+s3] =	stream.linear.scatter [tilespmem:s28], [sflag:$0x3], $0x80, $0x38;
	[tilespmem:$0x14800] =	vst v63  }
0x1a6: {  	s30 =	sadd.s32 $0x12710, s22;
	s31 =	sadd.s32 $0x20, s23  }
0x1a7: {  	[hbm4b:s31+s3] =	stream.linear.scatter [tilespmem:s30], [sflag:$0x3], $0x80, $0x38;
	[tilespmem:$0x14800] =	vst v63  }
0x1a8: {  	s25 =	sadd.s32 $0x12798, s22;
	s26 =	sadd.s32 $0x30, s23  }
0x1a9: {  	[hbm4b:s26+s3] =	stream.linear.scatter [tilespmem:s25], [sflag:$0x3], $0x80, $0x38;
	[tilespmem:$0x14800] =	vst v63  }
0x1aa: {  	s28 =	sadd.s32 $0x12820, s22;
	s29 =	sadd.s32 $0x40, s23  }
0x1ab: {  	[hbm4b:s29+s3] =	stream.linear.scatter [tilespmem:s28], [sflag:$0x3], $0x80, $0x38;
	[tilespmem:$0x14800] =	vst v63  }
0x1ac: {  	s30 =	sadd.s32 $0x128A8, s22;
	s31 =	sadd.s32 $0x50, s23  }
0x1ad: {  	[hbm4b:s31+s3] =	stream.linear.scatter [tilespmem:s30], [sflag:$0x3], $0x80, $0x38;
	[tilespmem:$0x14800] =	vst v63  }
0x1ae: {  	s26 =	sadd.s32 $0x12930, s22;
	s28 =	sadd.s32 $0x60, s23  }
0x1af: {  	[hbm4b:s28+s3] =	stream.linear.scatter [tilespmem:s26], [sflag:$0x3], $0x80, $0x38;
	[tilespmem:$0x14800] =	vst v63  }
0x1b0: {  	s29 =	sadd.s32 $0x129B8, s22;
	s30 =	sadd.s32 $0x70, s23  }
0x1b1: {  	[hbm4b:s30+s3] =	stream.linear.scatter [tilespmem:s29], [sflag:$0x3], $0x80, $0x38;
	[tilespmem:$0x14800] =	vst v63  }
0x1b2: {  	_ =	swait.ge [sflag:s17], $0x2000  }
0x1b3: {  	v21 =	vld [tilespmem:$0x1FE30]  }
0x1b4: {  	v23 =	vld [tilespmem:$0x1FE40]  }
0x1b5: {  	v25 =	vld [tilespmem:$0x1FE50]  }
0x1b6: {  	v12 =	vld [tilespmem:$0x1FEC0]  }
0x1b7: {  	v27 =	vld [tilespmem:$0x1FE60]  }
0x1b8: {  	v29 =	vld [tilespmem:$0x1FE70]  }
0x1b9: {  	v28 =	vld [tilespmem:$0x1FE80]  }
0x1ba: {  	v26 =	vld [tilespmem:$0x1FE90]  }
0x1bb: {  	v30 =	vld [tilespmem:$0x1FEA0]  }
0x1bc: {  	v24 =	vld [tilespmem:$0x1FEB0]  }
0x1bd: {  	v14 =	vld [tilespmem:$0x1FF30]  }
0x1be: {  	v15 =	vld [tilespmem:$0x1FF50]  }
0x1bf: {  	v16 =	vld [tilespmem:$0x1FF70]  }
0x1c0: {  	v19 =	vld [tilespmem:$0x1FF80]  }
0x1c1: {  	v10 =	vld [tilespmem:$0x1FEE0]  }
0x1c2: {  	v22 =	vld [tilespmem:$0x1FE00]  }
0x1c3: {  	v31 =	vld [tilespmem:$0x1FF20]  }
0x1c4: {  	v11 =	vld [tilespmem:$0x1FF60]  }
0x1c5: {  	v13 =	vld [tilespmem:$0x1FF00]  }
0x1c6: {  	[sflag:s17] =	ssyncset.done $0x0;
	v18 =	vld [tilespmem:$0x1FFA0]  }
0x1c7: {  	s31 =	simm.s32 $0x0;
	v17 =	vld [tilespmem:$0x1FF40];
	[sflag:s17] =	ssyncadd.s32 $0xFFFFE000  }
0x1c8: {  	v52 =	vld [tilespmem:s31+$0x4440]  }
0x1c9: {  	v47 =	vld [tilespmem:s31+$0x4470]  }
0x1ca: {  	v45 =	vld [tilespmem:s31+$0x4480]  }
0x1cb: {  	v32 =	vld [tilespmem:s31+$0x45F0]  }
0x1cc: {  	v46 =	vld [tilespmem:s31+$0x4490]  }
0x1cd: {  	v33 =	vld [tilespmem:s31+$0x45E0]  }
0x1ce: {  	v56 =	vld [tilespmem:s31+$0x4450]  }
0x1cf: {  	v34 =	vld [tilespmem:s31+$0x45D0]  }
0x1d0: {  	v48 =	vld [tilespmem:s31+$0x44A0]  }
0x1d1: {  	v35 =	vld [tilespmem:s31+$0x45C0]  }
0x1d2: {  	v36 =	vld [tilespmem:s31+$0x45B0]  }
0x1d3: {  	v37 =	vld [tilespmem:s31+$0x45A0]  }
0x1d4: {  	v38 =	vld [tilespmem:s31+$0x4590]  }
0x1d5: {  	v49 =	vld [tilespmem:s31+$0x44C0]  }
0x1d6: {  	v39 =	vld [tilespmem:s31+$0x4570]  }
0x1d7: {  	v41 =	vld [tilespmem:s31+$0x4560]  }
0x1d8: {  	v42 =	vld [tilespmem:s31+$0x4540]  }
0x1d9: {  	v43 =	vld [tilespmem:s31+$0x4530]  }
0x1da: {  	v44 =	vld [tilespmem:s31+$0x4520]  }
0x1db: {  	v55 =	vld [tilespmem:s31+$0x44D0]  }
0x1dc: {  	v51 =	vld [tilespmem:s31+$0x4500]  }
0x1dd: {  	v53 =	vld [tilespmem:s31+$0x44F0]  }
0x1de: {  	v57 =	vld [tilespmem:s31+$0x44E0]  }
0x1df: {  	v59 =	vld [tilespmem:s31+$0x4460]  }
0x1e0: {  	v3 =	vld [tilespmem:s31+$0x4430]  }
0x1e1: {  	s22 =	simm.s32 $0x0;
	v1 =	vld [tilespmem:s31+$0x4420]  }
0x1e2: {  	v2 =	vadd.s32 s22, v7;
	v4 =	vld [tilespmem:s31+$0x4400]  }
0x1e3: {  	v0 =	vld [tilespmem:s31+$0x4410];
	v61 =	vadd.s32 s22, v21  }
0x1e4: {  	v58 =	vld [tilespmem:s31+$0x4510];
	v62 =	vadd.s32 s22, v23  }
0x1e5: {  	v54 =	vld [tilespmem:s31+$0x4550];
	v63 =	vadd.s32 s22, v25  }
0x1e6: {  	v50 =	vld [tilespmem:s31+$0x4580]  }
0x1e7: {  	v60 =	vld [tilespmem:s31+$0x44B0];
	[tilespmem:v2+s15+$0x0] =	vst.idx.msk $0xffff, v4  }
0x1e8: {  	v9 =	vld [tilespmem:$0x1FE10];
	v40 =	vadd.s32 s22, v12;
	[tilespmem:v61+s15+$0x0] =	vst.idx.msk $0xffff, v0  }
0x1e9: {  	v8 =	vld [tilespmem:$0x1FED0];
	v2 =	vadd.s32 s22, v27;
	v0 =	vadd.s32 s22, v29;
	v61 =	vadd.s32 s22, v28;
	[tilespmem:v62+s15+$0x0] =	vst.idx.msk $0xffff, v1  }
0x1ea: {  	s24 =	simm.s32 $0x8;
	s23 =	simm.s32 $0x800;
	v20 =	vld [tilespmem:$0x1FF10];
	v1 =	vadd.s32 s22, v26;
	v62 =	vadd.s32 s22, v30;
	[tilespmem:v63+s15+$0x0] =	vst.idx.msk $0xffff, v3;
	v63 =	vadd.s32 s22, v24  }
.LBB2_11:
0x1eb: {  	_ =	sdelay $0x2  }
0x1ec: {  	[tilespmem:v2+s15+$0x0] =	vst.idx.msk $0xffff, v52  }
0x1ed: {  	[tilespmem:v0+s15+$0x0] =	vst.idx.msk $0xffff, v56  }
0x1ee: {  	v0 =	vadd.s32 s22, v22;
	[tilespmem:v61+s15+$0x0] =	vst.idx.msk $0xffff, v59  }
0x1ef: {  	v2 =	vadd.s32 s22, v8;
	[tilespmem:v1+s15+$0x0] =	vst.idx.msk $0xffff, v47  }
0x1f0: {  	v1 =	vadd.s32 s22, v10;
	[tilespmem:v62+s15+$0x0] =	vst.idx.msk $0xffff, v45  }
0x1f1: {  	v4 =	vadd.s32 s22, v5;
	[tilespmem:v63+s15+$0x0] =	vst.idx.msk $0xffff, v46  }
0x1f2: {  	v59 =	vadd.s32 s22, v13;
	[tilespmem:v40+s15+$0x0] =	vst.idx.msk $0xffff, v48  }
0x1f3: {  	v61 =	vadd.s32 s22, v20;
	[tilespmem:v0+s15+$0x0] =	vst.idx.msk $0xffff, v60  }
0x1f4: {  	v0 =	vadd.s32 s22, v31;
	[tilespmem:v2+s15+$0x0] =	vst.idx.msk $0xffff, v49  }
0x1f5: {  	v2 =	vadd.s32 s22, v14;
	[tilespmem:v1+s15+$0x0] =	vst.idx.msk $0xffff, v55  }
0x1f6: {  	v3 =	vadd.s32 s24, v12;
	v1 =	vadd.s32 s22, v17;
	[tilespmem:v4+s15+$0x0] =	vst.idx.msk $0xffff, v57  }
0x1f7: {  	v40 =	vmov v3;
	v3 =	vadd.s32 s22, v15;
	[tilespmem:v59+s15+$0x0] =	vst.idx.msk $0xffff, v53  }
0x1f8: {  	v4 =	vadd.s32 s22, v11;
	[tilespmem:v61+s15+$0x0] =	vst.idx.msk $0xffff, v51  }
0x1f9: {  	v62 =	vadd.s32 s22, v16;
	[tilespmem:v0+s15+$0x0] =	vst.idx.msk $0xffff, v58  }
0x1fa: {  	v0 =	vadd.s32 s22, v9;
	[tilespmem:v2+s15+$0x0] =	vst.idx.msk $0xffff, v44  }
0x1fb: {  	v2 =	vadd.s32 s22, v19;
	[tilespmem:v1+s15+$0x0] =	vst.idx.msk $0xffff, v43  }
0x1fc: {  	v1 =	vadd.s32 s22, v6;
	[tilespmem:v3+s15+$0x0] =	vst.idx.msk $0xffff, v42  }
0x1fd: {  	[tilespmem:v4+s15+$0x0] =	vst.idx.msk $0xffff, v54;
	v4 =	vld [tilespmem:$0x1FFB0]  }
0x1fe: {  	v5 =	vld [tilespmem:$0x1FFC0];
	[tilespmem:v62+s15+$0x0] =	vst.idx.msk $0xffff, v41  }
0x1ff: {  	[tilespmem:v0+s15+$0x0] =	vst.idx.msk $0xffff, v39;
	v0 =	vld [tilespmem:$0x1FFD0]  }
0x200: {  	[tilespmem:v2+s15+$0x0] =	vst.idx.msk $0xffff, v50;
	v2 =	vld [tilespmem:$0x1FFE0]  }
0x201: {  	v3 =	vadd.s32 s22, v18;
	[tilespmem:v1+s15+$0x0] =	vst.idx.msk $0xffff, v38;
	v1 =	vld [tilespmem:$0x1FFF0]  }
0x202: {  	v4 =	vadd.s32 s22, v4  }
0x203: {  	v63 =	vadd.s32 s22, v5  }
0x204: {  	v0 =	vadd.s32 s22, v0  }
0x205: {  	v2 =	vadd.s32 s22, v2  }
0x206: {  	[tilespmem:v3+s15+$0x0] =	vst.idx.msk $0xffff, v37;
	v1 =	vadd.s32 s22, v1  }
0x207: {  	[tilespmem:v4+s15+$0x0] =	vst.idx.msk $0xffff, v36  }
0x208: {  	[tilespmem:v63+s15+$0x0] =	vst.idx.msk $0xffff, v35  }
0x209: {  	[tilespmem:v0+s15+$0x0] =	vst.idx.msk $0xffff, v34  }
0x20a: {  	s25 =	smov.u32 s23;
	[tilespmem:v2+s15+$0x0] =	vst.idx.msk $0xffff, v33  }
0x20b: {  	s25 =	sshra.s32 s25, $0x2;
	[tilespmem:v1+s15+$0x0] =	vst.idx.msk $0xffff, v32  }
0x20c: {  	v52 =	vld [tilespmem:s25+$0x4440]  }
0x20d: {  	v47 =	vld [tilespmem:s25+$0x4470]  }
0x20e: {  	v45 =	vld [tilespmem:s25+$0x4480]  }
0x20f: {  	v32 =	vld [tilespmem:s25+$0x45F0]  }
0x210: {  	v46 =	vld [tilespmem:s25+$0x4490]  }
0x211: {  	v33 =	vld [tilespmem:s25+$0x45E0]  }
0x212: {  	v56 =	vld [tilespmem:s25+$0x4450]  }
0x213: {  	v34 =	vld [tilespmem:s25+$0x45D0]  }
0x214: {  	v48 =	vld [tilespmem:s25+$0x44A0]  }
0x215: {  	v35 =	vld [tilespmem:s25+$0x45C0]  }
0x216: {  	v36 =	vld [tilespmem:s25+$0x45B0]  }
0x217: {  	v37 =	vld [tilespmem:s25+$0x45A0]  }
0x218: {  	v38 =	vld [tilespmem:s25+$0x4590]  }
0x219: {  	v49 =	vld [tilespmem:s25+$0x44C0]  }
0x21a: {  	v39 =	vld [tilespmem:s25+$0x4570]  }
0x21b: {  	v41 =	vld [tilespmem:s25+$0x4560]  }
0x21c: {  	v42 =	vld [tilespmem:s25+$0x4540]  }
0x21d: {  	v43 =	vld [tilespmem:s25+$0x4530]  }
0x21e: {  	v44 =	vld [tilespmem:s25+$0x4520]  }
0x21f: {  	v55 =	vld [tilespmem:s25+$0x44D0]  }
0x220: {  	v51 =	vld [tilespmem:s25+$0x4500]  }
0x221: {  	v53 =	vld [tilespmem:s25+$0x44F0]  }
0x222: {  	v57 =	vld [tilespmem:s25+$0x44E0]  }
0x223: {  	v59 =	vld [tilespmem:s25+$0x4460]  }
0x224: {  	v3 =	vld [tilespmem:s25+$0x4430]  }
0x225: {  	v4 =	vld [tilespmem:s25+$0x4420]  }
0x226: {  	v61 =	vadd.s32 s24, v7;
	v62 =	vld [tilespmem:s25+$0x4400]  }
0x227: {  	v63 =	vadd.s32 s24, v21;
	v1 =	vld [tilespmem:s25+$0x4410]  }
0x228: {  	v5 =	vadd.s32 s24, v23;
	v58 =	vld [tilespmem:s25+$0x4510]  }
0x229: {  	p1 =	sne.s32 s23, $0x7800;
	v6 =	vadd.s32 s24, v25;
	v54 =	vld [tilespmem:s25+$0x4550]  }
.Ltmp4:
0x22a: {  	v50 =	vld [tilespmem:s25+$0x4580];
	(pc) =	sbr.rel @p1 .LBB2_11-.Ltmp4, $4  }
0x22b: {  	v60 =	vld [tilespmem:s25+$0x44B0];
	[tilespmem:v61+s15+$0x0] =	vst.idx.msk $0xffff, v62  }
0x22c: {  	[tilespmem:v63+s15+$0x0] =	vst.idx.msk $0xffff, v1  }
0x22d: {  	s22 =	smov.u32 s24;
	v0 =	vadd.s32 s24, v29;
	v2 =	vadd.s32 s24, v27;
	v61 =	vadd.s32 s24, v28;
	[tilespmem:v5+s15+$0x0] =	vst.idx.msk $0xffff, v4;
	v5 =	vld [tilespmem:$0x1FEF0]  }
0x22e: {  	s23 =	sadd.s32 $0x800, s23;
	v62 =	vadd.s32 s24, v30;
	v1 =	vadd.s32 s24, v26;
	v63 =	vadd.s32 s22, v24;
	s24 =	sadd.s32 $0x8, s24;
	[tilespmem:v6+s15+$0x0] =	vst.idx.msk $0xffff, v3;
	v6 =	vld [tilespmem:$0x1FF90]  }
0x22f: {  	_ =	sdelay $0x3  }
0x230: {  	[tilespmem:v2+s15+$0x0] =	vst.idx.msk $0xffff, v52  }
0x231: {  	[tilespmem:v0+s15+$0x0] =	vst.idx.msk $0xffff, v56  }
0x232: {  	v29 =	vadd.s32 s22, v22;
	[tilespmem:v61+s15+$0x0] =	vst.idx.msk $0xffff, v59  }
0x233: {  	v30 =	vadd.s32 s22, v8;
	[tilespmem:v1+s15+$0x0] =	vst.idx.msk $0xffff, v47  }
0x234: {  	v47 =	vadd.s32 s22, v10;
	[tilespmem:v62+s15+$0x0] =	vst.idx.msk $0xffff, v45  }
0x235: {  	v3 =	vadd.s32 s22, v5;
	[tilespmem:v63+s15+$0x0] =	vst.idx.msk $0xffff, v46  }
0x236: {  	v4 =	vadd.s32 s22, v13;
	[tilespmem:v40+s15+$0x0] =	vst.idx.msk $0xffff, v48  }
0x237: {  	v5 =	vadd.s32 s22, v20;
	[tilespmem:v29+s15+$0x0] =	vst.idx.msk $0xffff, v60  }
0x238: {  	v48 =	vadd.s32 s22, v31;
	[tilespmem:v30+s15+$0x0] =	vst.idx.msk $0xffff, v49  }
0x239: {  	v52 =	vadd.s32 s22, v14;
	[tilespmem:v47+s15+$0x0] =	vst.idx.msk $0xffff, v55  }
0x23a: {  	v55 =	vadd.s32 s22, v17;
	[tilespmem:v3+s15+$0x0] =	vst.idx.msk $0xffff, v57  }
0x23b: {  	v56 =	vadd.s32 s22, v15;
	[tilespmem:v4+s15+$0x0] =	vst.idx.msk $0xffff, v53  }
0x23c: {  	v4 =	vadd.s32 s22, v11;
	[tilespmem:v5+s15+$0x0] =	vst.idx.msk $0xffff, v51  }
0x23d: {  	v5 =	vadd.s32 s22, v16;
	[tilespmem:v48+s15+$0x0] =	vst.idx.msk $0xffff, v58  }
0x23e: {  	[tilespmem:v52+s15+$0x0] =	vst.idx.msk $0xffff, v44  }
0x23f: {  	[tilespmem:v55+s15+$0x0] =	vst.idx.msk $0xffff, v43  }
0x240: {  	[tilespmem:v56+s15+$0x0] =	vst.idx.msk $0xffff, v42  }
0x241: {  	[tilespmem:v4+s15+$0x0] =	vst.idx.msk $0xffff, v54;
	v4 =	vld [tilespmem:$0x1FFB0]  }
0x242: {  	v57 =	vadd.s32 s22, v9;
	[tilespmem:v5+s15+$0x0] =	vst.idx.msk $0xffff, v41;
	v5 =	vld [tilespmem:$0x1FFC0]  }
0x243: {  	v61 =	vld [tilespmem:$0x1FFD0];
	v58 =	vadd.s32 s22, v19  }
0x244: {  	v59 =	vadd.s32 s22, v6;
	v62 =	vld [tilespmem:$0x1FFE0]  }
0x245: {  	v63 =	vld [tilespmem:$0x1FFF0];
	v60 =	vadd.s32 s22, v18  }
0x246: {  	v4 =	vadd.s32 s22, v4  }
0x247: {  	[tilespmem:v57+s15+$0x0] =	vst.idx.msk $0xffff, v39;
	v5 =	vadd.s32 s22, v5  }
0x248: {  	v0 =	vadd.s32 s22, v61;
	[tilespmem:v58+s15+$0x0] =	vst.idx.msk $0xffff, v50  }
0x249: {  	v2 =	vadd.s32 s22, v62;
	[tilespmem:v59+s15+$0x0] =	vst.idx.msk $0xffff, v38  }
0x24a: {  	v1 =	vadd.s32 s22, v63;
	[tilespmem:v60+s15+$0x0] =	vst.idx.msk $0xffff, v37  }
0x24b: {  	[tilespmem:v4+s15+$0x0] =	vst.idx.msk $0xffff, v36  }
0x24c: {  	[tilespmem:v5+s15+$0x0] =	vst.idx.msk $0xffff, v35  }
0x24d: {  	[tilespmem:v0+s15+$0x0] =	vst.idx.msk $0xffff, v34  }
0x24e: {  	[tilespmem:v2+s15+$0x0] =	vst.idx.msk $0xffff, v33  }
0x24f: {  	s23 =	sadd.s32 $0x100, s21;
	s25 =	simm.s32 $0x10400;
	[tilespmem:v1+s15+$0x0] =	vst.idx.msk $0xffff, v32  }
0x250: {  	[hbm4b:s23+s3] =	stream.linear.scatter [tilespmem:s25], [sflag:$0x3], $0x80, $0x38;
	[tilespmem:$0x14800] =	vst v63  }
0x251: {  	s26 =	simm.s32 $0x10488;
	s24 =	sadd.s32 $0x10, s23  }
0x252: {  	[hbm4b:s24+s3] =	stream.linear.scatter [tilespmem:s26], [sflag:$0x3], $0x80, $0x38;
	[tilespmem:$0x14800] =	vst v63  }
0x253: {  	s28 =	simm.s32 $0x10510;
	s30 =	simm.s32 $0x10598;
	s29 =	sadd.s32 $0x20, s23  }
0x254: {  	[hbm4b:s29+s3] =	stream.linear.scatter [tilespmem:s28], [sflag:$0x3], $0x80, $0x38;
	[tilespmem:$0x14800] =	vst v63  }
0x255: {  	s31 =	sadd.s32 $0x30, s23;
	s22 =	simm.s32 $0x440;
	s25 =	simm.s32 $0x10620  }
0x256: {  	[hbm4b:s31+s3] =	stream.linear.scatter [tilespmem:s30], [sflag:$0x3], $0x80, $0x38;
	[tilespmem:$0x14800] =	vst v63  }
0x257: {  	s26 =	sadd.s32 $0x40, s23;
	s24 =	simm.s32 $0x2200;
	s28 =	simm.s32 $0x106A8  }
0x258: {  	[hbm4b:s26+s3] =	stream.linear.scatter [tilespmem:s25], [sflag:$0x3], $0x80, $0x38;
	[tilespmem:$0x14800] =	vst v63  }
0x259: {  	s29 =	sadd.s32 $0x50, s23;
	s30 =	simm.s32 $0x10730;
	s31 =	sadd.s32 $0x60, s23  }
0x25a: {  	[hbm4b:s29+s3] =	stream.linear.scatter [tilespmem:s28], [sflag:$0x3], $0x80, $0x38;
	[tilespmem:$0x14800] =	vst v63  }
0x25b: {  	s25 =	simm.s32 $0x107B8;
	s26 =	sadd.s32 $0x70, s23;
	s23 =	sadd.s32 $0x1000, s23  }
0x25c: {  	v22 =	vmov v10;
	v12 =	vmov v31;
	v13 =	vmov v11;
	[hbm4b:s31+s3] =	stream.linear.scatter [tilespmem:s30], [sflag:$0x3], $0x80, $0x38;
	[tilespmem:$0x14800] =	vst v63  }
.LBB2_13:
0x25d: {  	[hbm4b:s26+s3] =	stream.linear.scatter [tilespmem:s25], [sflag:$0x3], $0x80, $0x38;
	[tilespmem:$0x14800] =	vst v63  }
0x25e: {  	s25 =	smov.u32 s22;
	s22 =	smov.u32 s24  }
0x25f: {  	s28 =	sadd.s32 $0x1100, s24;
	s22 =	sshra.s32 s22, $0x2;
	s26 =	sadd.s32 $0x10400, s25  }
0x260: {  	[hbm4b:s23+s3] =	stream.linear.scatter [tilespmem:s26], [sflag:$0x3], $0x80, $0x38;
	[tilespmem:$0x14800] =	vst v63  }
0x261: {  	p1 =	sne.s32 s24, $0x7700;
	s24 =	sadd.s32 $0x10488, s25;
	s26 =	sadd.s32 $0x10, s23  }
0x262: {  	[hbm4b:s26+s3] =	stream.linear.scatter [tilespmem:s24], [sflag:$0x3], $0x80, $0x38;
	[tilespmem:$0x14800] =	vst v63  }
0x263: {  	s24 =	sadd.s32 $0x10510, s25;
	s26 =	sadd.s32 $0x20, s23  }
0x264: {  	[hbm4b:s26+s3] =	stream.linear.scatter [tilespmem:s24], [sflag:$0x3], $0x80, $0x38;
	[tilespmem:$0x14800] =	vst v63  }
0x265: {  	s24 =	sadd.s32 $0x10598, s25;
	s26 =	sadd.s32 $0x30, s23  }
0x266: {  	[hbm4b:s26+s3] =	stream.linear.scatter [tilespmem:s24], [sflag:$0x3], $0x80, $0x38;
	[tilespmem:$0x14800] =	vst v63  }
0x267: {  	s24 =	sadd.s32 $0x10620, s25;
	s26 =	sadd.s32 $0x40, s23  }
0x268: {  	[hbm4b:s26+s3] =	stream.linear.scatter [tilespmem:s24], [sflag:$0x3], $0x80, $0x38;
	[tilespmem:$0x14800] =	vst v63  }
.Ltmp5:
0x269: {  	s24 =	sadd.s32 $0x106A8, s25;
	s26 =	sadd.s32 $0x50, s23;
	(pc) =	sbr.rel @p1 .LBB2_13-.Ltmp5, $4  }
0x26a: {  	[hbm4b:s26+s3] =	stream.linear.scatter [tilespmem:s24], [sflag:$0x3], $0x80, $0x38;
	[tilespmem:$0x14800] =	vst v63  }
0x26b: {  	s24 =	sadd.s32 $0x10730, s25;
	s26 =	sadd.s32 $0x60, s23;
	s25 =	sadd.s32 $0x107B8, s25  }
0x26c: {  	[hbm4b:s26+s3] =	stream.linear.scatter [tilespmem:s24], [sflag:$0x3], $0x80, $0x38;
	[tilespmem:$0x14800] =	vst v63  }
0x26d: {  	s26 =	sadd.s32 $0x70, s23;
	s23 =	sadd.s32 $0x1000, s23;
	s24 =	smov.u32 s28  }
0x26e: {  	[hbm4b:s26+s3] =	stream.linear.scatter [tilespmem:s25], [sflag:$0x3], $0x80, $0x38;
	[tilespmem:$0x14800] =	vst v63  }
0x26f: {  	s24 =	sadd.s32 $0x10400, s22  }
0x270: {  	[hbm4b:s23+s3] =	stream.linear.scatter [tilespmem:s24], [sflag:$0x3], $0x80, $0x38;
	[tilespmem:$0x14800] =	vst v63  }
0x271: {  	s28 =	sadd.s32 $0x10488, s22;
	s29 =	sadd.s32 $0x10, s23  }
0x272: {  	[hbm4b:s29+s3] =	stream.linear.scatter [tilespmem:s28], [sflag:$0x3], $0x80, $0x38;
	[tilespmem:$0x14800] =	vst v63  }
0x273: {  	s30 =	sadd.s32 $0x10510, s22;
	s31 =	sadd.s32 $0x20, s23  }
0x274: {  	[hbm4b:s31+s3] =	stream.linear.scatter [tilespmem:s30], [sflag:$0x3], $0x80, $0x38;
	[tilespmem:$0x14800] =	vst v63  }
0x275: {  	s25 =	sadd.s32 $0x10598, s22;
	s26 =	sadd.s32 $0x30, s23  }
0x276: {  	[hbm4b:s26+s3] =	stream.linear.scatter [tilespmem:s25], [sflag:$0x3], $0x80, $0x38;
	[tilespmem:$0x14800] =	vst v63  }
0x277: {  	s28 =	sadd.s32 $0x10620, s22;
	s29 =	sadd.s32 $0x40, s23  }
0x278: {  	[hbm4b:s29+s3] =	stream.linear.scatter [tilespmem:s28], [sflag:$0x3], $0x80, $0x38;
	[tilespmem:$0x14800] =	vst v63  }
0x279: {  	s30 =	sadd.s32 $0x106A8, s22;
	s31 =	sadd.s32 $0x50, s23  }
0x27a: {  	[hbm4b:s31+s3] =	stream.linear.scatter [tilespmem:s30], [sflag:$0x3], $0x80, $0x38;
	[tilespmem:$0x14800] =	vst v63  }
0x27b: {  	s26 =	sadd.s32 $0x10730, s22;
	s28 =	sadd.s32 $0x60, s23  }
0x27c: {  	[hbm4b:s28+s3] =	stream.linear.scatter [tilespmem:s26], [sflag:$0x3], $0x80, $0x38;
	[tilespmem:$0x14800] =	vst v63  }
0x27d: {  	s29 =	sadd.s32 $0x107B8, s22;
	s30 =	sadd.s32 $0x70, s23  }
0x27e: {  	[hbm4b:s30+s3] =	stream.linear.scatter [tilespmem:s29], [sflag:$0x3], $0x80, $0x38;
	[tilespmem:$0x14800] =	vst v63  }
0x27f: {  	_ =	swait.ge [sflag:s17], $0x2000  }
0x280: {  	v14 =	vld [tilespmem:$0x1FE30]  }
0x281: {  	v15 =	vld [tilespmem:$0x1FE40]  }
0x282: {  	v16 =	vld [tilespmem:$0x1FE50]  }
0x283: {  	v28 =	vld [tilespmem:$0x1FEC0]  }
0x284: {  	v19 =	vld [tilespmem:$0x1FE60]  }
0x285: {  	v21 =	vld [tilespmem:$0x1FE70]  }
0x286: {  	v23 =	vld [tilespmem:$0x1FE80]  }
0x287: {  	v25 =	vld [tilespmem:$0x1FE90]  }
0x288: {  	v27 =	vld [tilespmem:$0x1FEA0]  }
0x289: {  	v29 =	vld [tilespmem:$0x1FEB0]  }
0x28a: {  	v8 =	vld [tilespmem:$0x1FE00]  }
0x28b: {  	v10 =	vld [tilespmem:$0x1FF00]  }
0x28c: {  	v20 =	vld [tilespmem:$0x1FF40]  }
0x28d: {  	v31 =	vld [tilespmem:$0x1FE10]  }
0x28e: {  	v30 =	vld [tilespmem:$0x1FED0]  }
0x28f: {  	v18 =	vmov v13;
	v13 =	vld [tilespmem:$0x1FEF0]  }
0x290: {  	[sflag:s17] =	ssyncset.done $0x0;
	v17 =	vld [tilespmem:$0x1FF10]  }
0x291: {  	s31 =	simm.s32 $0x0;
	v11 =	vld [tilespmem:$0x1FF30];
	[sflag:s17] =	ssyncadd.s32 $0xFFFFE000  }
0x292: {  	v52 =	vld [tilespmem:s31+$0x6440]  }
0x293: {  	v47 =	vld [tilespmem:s31+$0x6470]  }
0x294: {  	v45 =	vld [tilespmem:s31+$0x6480]  }
0x295: {  	v32 =	vld [tilespmem:s31+$0x65F0]  }
0x296: {  	v46 =	vld [tilespmem:s31+$0x6490]  }
0x297: {  	v33 =	vld [tilespmem:s31+$0x65E0]  }
0x298: {  	v56 =	vld [tilespmem:s31+$0x6450]  }
0x299: {  	v34 =	vld [tilespmem:s31+$0x65D0]  }
0x29a: {  	v48 =	vld [tilespmem:s31+$0x64A0]  }
0x29b: {  	v35 =	vld [tilespmem:s31+$0x65C0]  }
0x29c: {  	v36 =	vld [tilespmem:s31+$0x65B0]  }
0x29d: {  	v37 =	vld [tilespmem:s31+$0x65A0]  }
0x29e: {  	v38 =	vld [tilespmem:s31+$0x6590]  }
0x29f: {  	v49 =	vld [tilespmem:s31+$0x64C0]  }
0x2a0: {  	v39 =	vld [tilespmem:s31+$0x6570]  }
0x2a1: {  	v41 =	vld [tilespmem:s31+$0x6560]  }
0x2a2: {  	v42 =	vld [tilespmem:s31+$0x6540]  }
0x2a3: {  	v43 =	vld [tilespmem:s31+$0x6530]  }
0x2a4: {  	v44 =	vld [tilespmem:s31+$0x6520]  }
0x2a5: {  	v55 =	vld [tilespmem:s31+$0x64D0]  }
0x2a6: {  	v51 =	vld [tilespmem:s31+$0x6500]  }
0x2a7: {  	v53 =	vld [tilespmem:s31+$0x64F0]  }
0x2a8: {  	v57 =	vld [tilespmem:s31+$0x64E0]  }
0x2a9: {  	v59 =	vld [tilespmem:s31+$0x6460]  }
0x2aa: {  	v3 =	vld [tilespmem:s31+$0x6430]  }
0x2ab: {  	s22 =	simm.s32 $0x0;
	v1 =	vld [tilespmem:s31+$0x6420]  }
0x2ac: {  	v2 =	vadd.s32 s22, v7;
	v4 =	vld [tilespmem:s31+$0x6400]  }
0x2ad: {  	v0 =	vld [tilespmem:s31+$0x6410];
	v5 =	vadd.s32 s22, v14  }
0x2ae: {  	v58 =	vld [tilespmem:s31+$0x6510];
	v6 =	vadd.s32 s22, v15  }
0x2af: {  	v54 =	vld [tilespmem:s31+$0x6550];
	v63 =	vadd.s32 s22, v16  }
0x2b0: {  	v50 =	vld [tilespmem:s31+$0x6580]  }
0x2b1: {  	v60 =	vld [tilespmem:s31+$0x64B0];
	[tilespmem:v2+s16+$0x0] =	vst.idx.msk $0xffff, v4  }
0x2b2: {  	v9 =	vld [tilespmem:$0x1FF50];
	v40 =	vadd.s32 s22, v28;
	[tilespmem:v5+s16+$0x0] =	vst.idx.msk $0xffff, v0  }
0x2b3: {  	v26 =	vld [tilespmem:$0x1FF70];
	v61 =	vadd.s32 s22, v23;
	v62 =	vadd.s32 s22, v27;
	v2 =	vadd.s32 s22, v19;
	[tilespmem:v6+s16+$0x0] =	vst.idx.msk $0xffff, v1  }
0x2b4: {  	s24 =	simm.s32 $0x8;
	s23 =	simm.s32 $0x800;
	v24 =	vld [tilespmem:$0x1FF80];
	v0 =	vadd.s32 s22, v21;
	v1 =	vadd.s32 s22, v25;
	[tilespmem:v63+s16+$0x0] =	vst.idx.msk $0xffff, v3;
	v63 =	vadd.s32 s22, v29  }
.LBB2_15:
0x2b5: {  	_ =	sdelay $0x2  }
0x2b6: {  	[tilespmem:v2+s16+$0x0] =	vst.idx.msk $0xffff, v52  }
0x2b7: {  	[tilespmem:v0+s16+$0x0] =	vst.idx.msk $0xffff, v56  }
0x2b8: {  	v0 =	vadd.s32 s22, v8;
	[tilespmem:v61+s16+$0x0] =	vst.idx.msk $0xffff, v59  }
0x2b9: {  	v2 =	vadd.s32 s22, v30;
	[tilespmem:v1+s16+$0x0] =	vst.idx.msk $0xffff, v47  }
0x2ba: {  	v1 =	vadd.s32 s22, v22;
	[tilespmem:v62+s16+$0x0] =	vst.idx.msk $0xffff, v45  }
0x2bb: {  	v4 =	vadd.s32 s22, v13;
	[tilespmem:v63+s16+$0x0] =	vst.idx.msk $0xffff, v46  }
0x2bc: {  	v5 =	vadd.s32 s22, v10;
	[tilespmem:v40+s16+$0x0] =	vst.idx.msk $0xffff, v48  }
0x2bd: {  	v6 =	vadd.s32 s22, v17;
	[tilespmem:v0+s16+$0x0] =	vst.idx.msk $0xffff, v60  }
0x2be: {  	v0 =	vadd.s32 s22, v12;
	[tilespmem:v2+s16+$0x0] =	vst.idx.msk $0xffff, v49  }
0x2bf: {  	v2 =	vadd.s32 s22, v11;
	[tilespmem:v1+s16+$0x0] =	vst.idx.msk $0xffff, v55  }
0x2c0: {  	v1 =	vadd.s32 s22, v20;
	[tilespmem:v4+s16+$0x0] =	vst.idx.msk $0xffff, v57  }
0x2c1: {  	[tilespmem:v5+s16+$0x0] =	vst.idx.msk $0xffff, v53  }
0x2c2: {  	[tilespmem:v6+s16+$0x0] =	vst.idx.msk $0xffff, v51  }
0x2c3: {  	[tilespmem:v0+s16+$0x0] =	vst.idx.msk $0xffff, v58  }
0x2c4: {  	v3 =	vadd.s32 s24, v28;
	[tilespmem:v2+s16+$0x0] =	vst.idx.msk $0xffff, v44  }
0x2c5: {  	v40 =	vmov v3;
	v3 =	vadd.s32 s22, v9;
	[tilespmem:v1+s16+$0x0] =	vst.idx.msk $0xffff, v43;
	v1 =	vld [tilespmem:$0x1FF90]  }
0x2c6: {  	v4 =	vadd.s32 s22, v18  }
0x2c7: {  	v5 =	vadd.s32 s22, v26  }
0x2c8: {  	v0 =	vadd.s32 s22, v31  }
0x2c9: {  	v2 =	vadd.s32 s22, v24  }
0x2ca: {  	[tilespmem:v3+s16+$0x0] =	vst.idx.msk $0xffff, v42;
	v3 =	vld [tilespmem:$0x1FFA0];
	v1 =	vadd.s32 s22, v1  }
0x2cb: {  	[tilespmem:v4+s16+$0x0] =	vst.idx.msk $0xffff, v54;
	v4 =	vld [tilespmem:$0x1FFB0]  }
0x2cc: {  	[tilespmem:v5+s16+$0x0] =	vst.idx.msk $0xffff, v41;
	v5 =	vld [tilespmem:$0x1FFC0]  }
0x2cd: {  	[tilespmem:v0+s16+$0x0] =	vst.idx.msk $0xffff, v39;
	v0 =	vld [tilespmem:$0x1FFD0]  }
0x2ce: {  	[tilespmem:v2+s16+$0x0] =	vst.idx.msk $0xffff, v50;
	v2 =	vld [tilespmem:$0x1FFE0]  }
0x2cf: {  	v3 =	vadd.s32 s22, v3;
	[tilespmem:v1+s16+$0x0] =	vst.idx.msk $0xffff, v38;
	v1 =	vld [tilespmem:$0x1FFF0]  }
0x2d0: {  	v4 =	vadd.s32 s22, v4  }
0x2d1: {  	v5 =	vadd.s32 s22, v5  }
0x2d2: {  	v0 =	vadd.s32 s22, v0  }
0x2d3: {  	v2 =	vadd.s32 s22, v2  }
0x2d4: {  	[tilespmem:v3+s16+$0x0] =	vst.idx.msk $0xffff, v37;
	v1 =	vadd.s32 s22, v1  }
0x2d5: {  	[tilespmem:v4+s16+$0x0] =	vst.idx.msk $0xffff, v36  }
0x2d6: {  	[tilespmem:v5+s16+$0x0] =	vst.idx.msk $0xffff, v35  }
0x2d7: {  	[tilespmem:v0+s16+$0x0] =	vst.idx.msk $0xffff, v34  }
0x2d8: {  	s25 =	smov.u32 s23;
	[tilespmem:v2+s16+$0x0] =	vst.idx.msk $0xffff, v33  }
0x2d9: {  	s25 =	sshra.s32 s25, $0x2;
	[tilespmem:v1+s16+$0x0] =	vst.idx.msk $0xffff, v32  }
0x2da: {  	v52 =	vld [tilespmem:s25+$0x6440]  }
0x2db: {  	v47 =	vld [tilespmem:s25+$0x6470]  }
0x2dc: {  	v45 =	vld [tilespmem:s25+$0x6480]  }
0x2dd: {  	v32 =	vld [tilespmem:s25+$0x65F0]  }
0x2de: {  	v46 =	vld [tilespmem:s25+$0x6490]  }
0x2df: {  	v33 =	vld [tilespmem:s25+$0x65E0]  }
0x2e0: {  	v56 =	vld [tilespmem:s25+$0x6450]  }
0x2e1: {  	v34 =	vld [tilespmem:s25+$0x65D0]  }
0x2e2: {  	v48 =	vld [tilespmem:s25+$0x64A0]  }
0x2e3: {  	v35 =	vld [tilespmem:s25+$0x65C0]  }
0x2e4: {  	v36 =	vld [tilespmem:s25+$0x65B0]  }
0x2e5: {  	v37 =	vld [tilespmem:s25+$0x65A0]  }
0x2e6: {  	v38 =	vld [tilespmem:s25+$0x6590]  }
0x2e7: {  	v49 =	vld [tilespmem:s25+$0x64C0]  }
0x2e8: {  	v39 =	vld [tilespmem:s25+$0x6570]  }
0x2e9: {  	v41 =	vld [tilespmem:s25+$0x6560]  }
0x2ea: {  	v42 =	vld [tilespmem:s25+$0x6540]  }
0x2eb: {  	v43 =	vld [tilespmem:s25+$0x6530]  }
0x2ec: {  	v44 =	vld [tilespmem:s25+$0x6520]  }
0x2ed: {  	v55 =	vld [tilespmem:s25+$0x64D0]  }
0x2ee: {  	v51 =	vld [tilespmem:s25+$0x6500]  }
0x2ef: {  	v53 =	vld [tilespmem:s25+$0x64F0]  }
0x2f0: {  	v57 =	vld [tilespmem:s25+$0x64E0]  }
0x2f1: {  	v59 =	vld [tilespmem:s25+$0x6460]  }
0x2f2: {  	v3 =	vld [tilespmem:s25+$0x6430]  }
0x2f3: {  	v4 =	vld [tilespmem:s25+$0x6420]  }
0x2f4: {  	v5 =	vadd.s32 s24, v7;
	v6 =	vld [tilespmem:s25+$0x6400]  }
0x2f5: {  	v62 =	vadd.s32 s24, v14;
	v1 =	vld [tilespmem:s25+$0x6410]  }
0x2f6: {  	v63 =	vadd.s32 s24, v15;
	v58 =	vld [tilespmem:s25+$0x6510]  }
0x2f7: {  	p1 =	sne.s32 s23, $0x7800;
	v7 =	vadd.s32 s24, v16;
	v54 =	vld [tilespmem:s25+$0x6550]  }
.Ltmp6:
0x2f8: {  	v50 =	vld [tilespmem:s25+$0x6580];
	(pc) =	sbr.rel @p1 .LBB2_15-.Ltmp6, $4  }
0x2f9: {  	v60 =	vld [tilespmem:s25+$0x64B0];
	[tilespmem:v5+s16+$0x0] =	vst.idx.msk $0xffff, v6  }
0x2fa: {  	[tilespmem:v62+s16+$0x0] =	vst.idx.msk $0xffff, v1  }
0x2fb: {  	v61 =	vadd.s32 s24, v23;
	v0 =	vadd.s32 s24, v21;
	s22 =	smov.u32 s24;
	v2 =	vadd.s32 s24, v19;
	[tilespmem:v63+s16+$0x0] =	vst.idx.msk $0xffff, v4  }
0x2fc: {  	s23 =	sadd.s32 $0x800, s23;
	v1 =	vadd.s32 s24, v25;
	v62 =	vadd.s32 s24, v27;
	s24 =	sadd.s32 $0x8, s24;
	v63 =	vadd.s32 s22, v29;
	[tilespmem:v7+s16+$0x0] =	vst.idx.msk $0xffff, v3;
	v7 =	vld [tilespmem:$0x1FE20]  }
0x2fd: {  	_ =	sdelay $0x3  }
0x2fe: {  	[tilespmem:v2+s16+$0x0] =	vst.idx.msk $0xffff, v52  }
0x2ff: {  	[tilespmem:v0+s16+$0x0] =	vst.idx.msk $0xffff, v56  }
0x300: {  	v28 =	vadd.s32 s22, v8;
	[tilespmem:v61+s16+$0x0] =	vst.idx.msk $0xffff, v59  }
0x301: {  	v29 =	vadd.s32 s22, v30;
	[tilespmem:v1+s16+$0x0] =	vst.idx.msk $0xffff, v47  }
0x302: {  	v30 =	vadd.s32 s22, v22;
	[tilespmem:v62+s16+$0x0] =	vst.idx.msk $0xffff, v45  }
0x303: {  	v3 =	vadd.s32 s22, v13;
	[tilespmem:v63+s16+$0x0] =	vst.idx.msk $0xffff, v46  }
0x304: {  	v4 =	vadd.s32 s22, v10;
	[tilespmem:v40+s16+$0x0] =	vst.idx.msk $0xffff, v48  }
0x305: {  	v5 =	vadd.s32 s22, v17;
	[tilespmem:v28+s16+$0x0] =	vst.idx.msk $0xffff, v60  }
0x306: {  	v46 =	vadd.s32 s22, v12;
	[tilespmem:v29+s16+$0x0] =	vst.idx.msk $0xffff, v49  }
0x307: {  	[tilespmem:v30+s16+$0x0] =	vst.idx.msk $0xffff, v55  }
0x308: {  	v47 =	vadd.s32 s22, v11;
	[tilespmem:v3+s16+$0x0] =	vst.idx.msk $0xffff, v57  }
0x309: {  	v48 =	vadd.s32 s22, v20;
	[tilespmem:v4+s16+$0x0] =	vst.idx.msk $0xffff, v53  }
0x30a: {  	v49 =	vadd.s32 s22, v9;
	v57 =	vld [tilespmem:$0x1FF90];
	[tilespmem:v5+s16+$0x0] =	vst.idx.msk $0xffff, v51  }
0x30b: {  	v52 =	vadd.s32 s22, v18;
	[tilespmem:v46+s16+$0x0] =	vst.idx.msk $0xffff, v58;
	v58 =	vld [tilespmem:$0x1FFA0]  }
0x30c: {  	v59 =	vld [tilespmem:$0x1FFB0];
	v53 =	vadd.s32 s22, v26  }
0x30d: {  	v60 =	vld [tilespmem:$0x1FFC0];
	v55 =	vadd.s32 s22, v31;
	[tilespmem:v47+s16+$0x0] =	vst.idx.msk $0xffff, v44  }
0x30e: {  	v56 =	vadd.s32 s22, v24;
	v61 =	vld [tilespmem:$0x1FFD0];
	[tilespmem:v48+s16+$0x0] =	vst.idx.msk $0xffff, v43  }
0x30f: {  	v62 =	vld [tilespmem:$0x1FFE0];
	v1 =	vadd.s32 s22, v57;
	[tilespmem:v49+s16+$0x0] =	vst.idx.msk $0xffff, v42  }
0x310: {  	v63 =	vld [tilespmem:$0x1FFF0];
	[tilespmem:v52+s16+$0x0] =	vst.idx.msk $0xffff, v54;
	v3 =	vadd.s32 s22, v58  }
0x311: {  	v4 =	vadd.s32 s22, v59;
	[tilespmem:v53+s16+$0x0] =	vst.idx.msk $0xffff, v41  }
0x312: {  	v5 =	vadd.s32 s22, v60;
	[tilespmem:v55+s16+$0x0] =	vst.idx.msk $0xffff, v39  }
0x313: {  	v0 =	vadd.s32 s22, v61;
	[tilespmem:v56+s16+$0x0] =	vst.idx.msk $0xffff, v50  }
0x314: {  	v2 =	vadd.s32 s22, v62;
	[tilespmem:v1+s16+$0x0] =	vst.idx.msk $0xffff, v38  }
0x315: {  	v1 =	vadd.s32 s22, v63;
	[tilespmem:v3+s16+$0x0] =	vst.idx.msk $0xffff, v37  }
0x316: {  	[tilespmem:v4+s16+$0x0] =	vst.idx.msk $0xffff, v36  }
0x317: {  	[tilespmem:v5+s16+$0x0] =	vst.idx.msk $0xffff, v35  }
0x318: {  	[tilespmem:v0+s16+$0x0] =	vst.idx.msk $0xffff, v34  }
0x319: {  	[tilespmem:v2+s16+$0x0] =	vst.idx.msk $0xffff, v33  }
0x31a: {  	s28 =	simm.s32 $0x12600;
	s22 =	sadd.s32 $0x180, s21;
	[tilespmem:v1+s16+$0x0] =	vst.idx.msk $0xffff, v32  }
0x31b: {  	[hbm4b:s22+s3] =	stream.linear.scatter [tilespmem:s28], [sflag:$0x3], $0x80, $0x38;
	[tilespmem:$0x14800] =	vst v63  }
0x31c: {  	s29 =	simm.s32 $0x12688;
	s23 =	sadd.s32 $0x10, s22  }
0x31d: {  	[hbm4b:s23+s3] =	stream.linear.scatter [tilespmem:s29], [sflag:$0x3], $0x80, $0x38;
	[tilespmem:$0x14800] =	vst v63  }
0x31e: {  	s30 =	simm.s32 $0x12710;
	s25 =	simm.s32 $0x12820;
	s31 =	sadd.s32 $0x20, s22  }
0x31f: {  	[hbm4b:s31+s3] =	stream.linear.scatter [tilespmem:s30], [sflag:$0x3], $0x80, $0x38;
	[tilespmem:$0x14800] =	vst v63  }
0x320: {  	s21 =	simm.s32 $0x440;
	s24 =	sadd.s32 $0x30, s22;
	s23 =	simm.s32 $0x12798  }
0x321: {  	[hbm4b:s24+s3] =	stream.linear.scatter [tilespmem:s23], [sflag:$0x3], $0x80, $0x38;
	[tilespmem:$0x14800] =	vst v63  }
0x322: {  	s26 =	sadd.s32 $0x40, s22;
	s28 =	simm.s32 $0x128A8;
	s29 =	sadd.s32 $0x50, s22  }
0x323: {  	[hbm4b:s26+s3] =	stream.linear.scatter [tilespmem:s25], [sflag:$0x3], $0x80, $0x38;
	[tilespmem:$0x14800] =	vst v63  }
0x324: {  	s30 =	simm.s32 $0x12930;
	s31 =	sadd.s32 $0x60, s22;
	s23 =	simm.s32 $0x2200  }
0x325: {  	[hbm4b:s29+s3] =	stream.linear.scatter [tilespmem:s28], [sflag:$0x3], $0x80, $0x38;
	[tilespmem:$0x14800] =	vst v63  }
0x326: {  	s24 =	simm.s32 $0x129B8;
	s25 =	sadd.s32 $0x70, s22;
	s22 =	sadd.s32 $0x1000, s22  }
0x327: {  	v16 =	vmov v12;
	[hbm4b:s31+s3] =	stream.linear.scatter [tilespmem:s30], [sflag:$0x3], $0x80, $0x38;
	[tilespmem:$0x14800] =	vst v63  }
.LBB2_17:
0x328: {  	[hbm4b:s25+s3] =	stream.linear.scatter [tilespmem:s24], [sflag:$0x3], $0x80, $0x38;
	[tilespmem:$0x14800] =	vst v63  }
0x329: {  	s24 =	smov.u32 s21;
	s21 =	smov.u32 s23  }
0x32a: {  	s26 =	sadd.s32 $0x1100, s23;
	s21 =	sshra.s32 s21, $0x2;
	s25 =	sadd.s32 $0x12600, s24  }
0x32b: {  	[hbm4b:s22+s3] =	stream.linear.scatter [tilespmem:s25], [sflag:$0x3], $0x80, $0x38;
	[tilespmem:$0x14800] =	vst v63  }
0x32c: {  	p1 =	sne.s32 s23, $0x7700;
	s23 =	sadd.s32 $0x12688, s24;
	s25 =	sadd.s32 $0x10, s22  }
0x32d: {  	[hbm4b:s25+s3] =	stream.linear.scatter [tilespmem:s23], [sflag:$0x3], $0x80, $0x38;
	[tilespmem:$0x14800] =	vst v63  }
0x32e: {  	s23 =	sadd.s32 $0x12710, s24;
	s25 =	sadd.s32 $0x20, s22  }
0x32f: {  	[hbm4b:s25+s3] =	stream.linear.scatter [tilespmem:s23], [sflag:$0x3], $0x80, $0x38;
	[tilespmem:$0x14800] =	vst v63  }
0x330: {  	s23 =	sadd.s32 $0x12798, s24;
	s25 =	sadd.s32 $0x30, s22  }
0x331: {  	[hbm4b:s25+s3] =	stream.linear.scatter [tilespmem:s23], [sflag:$0x3], $0x80, $0x38;
	[tilespmem:$0x14800] =	vst v63  }
0x332: {  	s23 =	sadd.s32 $0x12820, s24;
	s25 =	sadd.s32 $0x40, s22  }
0x333: {  	[hbm4b:s25+s3] =	stream.linear.scatter [tilespmem:s23], [sflag:$0x3], $0x80, $0x38;
	[tilespmem:$0x14800] =	vst v63  }
.Ltmp7:
0x334: {  	s23 =	sadd.s32 $0x128A8, s24;
	s25 =	sadd.s32 $0x50, s22;
	(pc) =	sbr.rel @p1 .LBB2_17-.Ltmp7, $4  }
0x335: {  	[hbm4b:s25+s3] =	stream.linear.scatter [tilespmem:s23], [sflag:$0x3], $0x80, $0x38;
	[tilespmem:$0x14800] =	vst v63  }
0x336: {  	s23 =	sadd.s32 $0x12930, s24;
	s25 =	sadd.s32 $0x60, s22;
	s24 =	sadd.s32 $0x129B8, s24  }
0x337: {  	[hbm4b:s25+s3] =	stream.linear.scatter [tilespmem:s23], [sflag:$0x3], $0x80, $0x38;
	[tilespmem:$0x14800] =	vst v63  }
0x338: {  	s25 =	sadd.s32 $0x70, s22;
	s22 =	sadd.s32 $0x1000, s22;
	s23 =	smov.u32 s26  }
0x339: {  	[hbm4b:s25+s3] =	stream.linear.scatter [tilespmem:s24], [sflag:$0x3], $0x80, $0x38;
	[tilespmem:$0x14800] =	vst v63  }
0x33a: {  	s23 =	sadd.s32 $0x12600, s21  }
0x33b: {  	[hbm4b:s22+s3] =	stream.linear.scatter [tilespmem:s23], [sflag:$0x3], $0x80, $0x38;
	[tilespmem:$0x14800] =	vst v63  }
0x33c: {  	s30 =	sadd.s32 $0x12688, s21;
	s31 =	sadd.s32 $0x10, s22  }
0x33d: {  	[hbm4b:s31+s3] =	stream.linear.scatter [tilespmem:s30], [sflag:$0x3], $0x80, $0x38;
	[tilespmem:$0x14800] =	vst v63  }
0x33e: {  	s25 =	sadd.s32 $0x12710, s21;
	s26 =	sadd.s32 $0x20, s22  }
0x33f: {  	[hbm4b:s26+s3] =	stream.linear.scatter [tilespmem:s25], [sflag:$0x3], $0x80, $0x38;
	[tilespmem:$0x14800] =	vst v63  }
0x340: {  	s28 =	sadd.s32 $0x12798, s21;
	s29 =	sadd.s32 $0x30, s22  }
0x341: {  	[hbm4b:s29+s3] =	stream.linear.scatter [tilespmem:s28], [sflag:$0x3], $0x80, $0x38;
	[tilespmem:$0x14800] =	vst v63  }
0x342: {  	s30 =	sadd.s32 $0x12820, s21;
	s31 =	sadd.s32 $0x40, s22  }
0x343: {  	[hbm4b:s31+s3] =	stream.linear.scatter [tilespmem:s30], [sflag:$0x3], $0x80, $0x38;
	[tilespmem:$0x14800] =	vst v63  }
0x344: {  	s24 =	sadd.s32 $0x128A8, s21;
	s25 =	sadd.s32 $0x50, s22  }
0x345: {  	[hbm4b:s25+s3] =	stream.linear.scatter [tilespmem:s24], [sflag:$0x3], $0x80, $0x38;
	[tilespmem:$0x14800] =	vst v63  }
0x346: {  	s20 =	sadd.s32 s20, s4;
	s26 =	sadd.s32 $0x12930, s21;
	s28 =	sadd.s32 $0x60, s22  }
0x347: {  	[hbm4b:s28+s3] =	stream.linear.scatter [tilespmem:s26], [sflag:$0x3], $0x80, $0x38;
	[tilespmem:$0x14800] =	vst v63  }
0x348: {  	s29 =	sadd.s32 $0x129B8, s21;
	s21 =	sadd.s32 $0x200, s20;
	s30 =	sadd.s32 $0x70, s22  }
0x349: {  	[hbm4b:s30+s3] =	stream.linear.scatter [tilespmem:s29], [sflag:$0x3], $0x80, $0x38;
	[tilespmem:$0x14800] =	vst v63  }
0x34a: {  	s20 =	sshrl.u32 @!p0 s21, $0x3;
	_ =	swait.ge [sflag:s13], $0x8000  }
0x34b: {  	s23 =	simm.s32 @!p0 $0x200;
	s20 =	sadd.s32 @!p0 s5, s20;
	[sflag:s13] =	ssyncset.done $0x0  }
0x34c: {  	s22 =	simm.s32 @!p0 $0x0;
	s20 =	sadd.s32 @!p0 $0x80, s20;
	[sflag:s13] =	ssyncadd.s32 $0xFFFF8000  }
0x34d: {  	[tilespmem:s23], [sflag:$0x1] =	stream.linear.gather @!p0 [hbm4b:s20+s22], $0x200, $0x38;
	[tilespmem:$0x14800] =	vst v63  }
0x34e: {  	s20 =	simm.s32 @!p0 $0x1  }
0x34f: {  	_ =	swait.ge @!p0 [sflag:s20], $0x200  }
0x350: {  	[sflag:s20] =	ssyncset.done @!p0 $0x0  }
0x351: {  	[sflag:s20] =	ssyncadd.s32 @!p0 $0xFFFFFE00;
	s20 =	simm.s32 @!p0 $0x400  }
0x352: {  	[tilespmem:s20], [sflag:$0x2] =	stream.indirect.gather @!p0 [hbm4b:s7+s23], $0x40, s22, s23, $0xb8;
	[tilespmem:$0x14800] =	vst v63  }
0x353: {  	_ =	swait.ge [sflag:s17], $0x2000  }
0x354: {  	v8 =	vld [tilespmem:$0x1FE20]  }
0x355: {  	[sflag:s17] =	ssyncset.done $0x0;
	v30 =	vld [tilespmem:$0x1FE70]  }
0x356: {  	s20 =	simm.s32 $0x8500;
	v31 =	vld [tilespmem:$0x1FE80];
	[sflag:s17] =	ssyncadd.s32 $0xFFFFE000  }
0x357: {  	v32 =	vld [tilespmem:s20+$0xF0]  }
0x358: {  	v0 =	vld [tilespmem:s20+$0xE0]  }
0x359: {  	v1 =	vld [tilespmem:s20+$0xD0]  }
0x35a: {  	v2 =	vld [tilespmem:s20+$0xC0]  }
0x35b: {  	v3 =	vld [tilespmem:s20+$0xB0]  }
0x35c: {  	v4 =	vld [tilespmem:s20+$0xA0]  }
0x35d: {  	v5 =	vld [tilespmem:s20+$0x90]  }
0x35e: {  	v6 =	vld [tilespmem:s20+$0x80]  }
0x35f: {  	v7 =	vld [tilespmem:s20+$0x70]  }
0x360: {  	v33 =	vld [tilespmem:s20+$0x60]  }
0x361: {  	v34 =	vld [tilespmem:s20+$0x50]  }
0x362: {  	v35 =	vld [tilespmem:s20+$0x40]  }
0x363: {  	v36 =	vld [tilespmem:s20+$0x30]  }
0x364: {  	v37 =	vld [tilespmem:s20+$0x20]  }
0x365: {  	s31 =	simm.s32 $0x0;
	v38 =	vld [tilespmem:s20+$0x10]  }
0x366: {  	v52 =	vadd.s32 s31, v8;
	v8 =	vld [tilespmem:$0x1FE30]  }
0x367: {  	v39 =	vld [tilespmem:s20+$0x0]  }
0x368: {  	v40 =	vld [tilespmem:s20+$0xFFFFFFF0]  }
0x369: {  	v41 =	vld [tilespmem:s20+$0xFFFFFFE0]  }
0x36a: {  	v42 =	vld [tilespmem:s20+$0xFFFFFFD0]  }
0x36b: {  	v54 =	vadd.s32 s31, v8;
	v8 =	vld [tilespmem:$0x1FE40]  }
0x36c: {  	v43 =	vld [tilespmem:s20+$0xFFFFFFC0]  }
0x36d: {  	v44 =	vld [tilespmem:s20+$0xFFFFFFB0]  }
0x36e: {  	v45 =	vld [tilespmem:s20+$0xFFFFFFA0]  }
0x36f: {  	v46 =	vld [tilespmem:s20+$0xFFFFFF90]  }
0x370: {  	v56 =	vadd.s32 s31, v8;
	v8 =	vld [tilespmem:$0x1FE50]  }
0x371: {  	v47 =	vld [tilespmem:s20+$0xFFFFFF80]  }
0x372: {  	v48 =	vld [tilespmem:s20+$0xFFFFFF70]  }
0x373: {  	v49 =	vld [tilespmem:s20+$0xFFFFFF60]  }
0x374: {  	v51 =	vld [tilespmem:s20+$0xFFFFFF00]  }
0x375: {  	v58 =	vadd.s32 s31, v8;
	v8 =	vld [tilespmem:$0x1FE60]  }
0x376: {  	v53 =	vld [tilespmem:s20+$0xFFFFFF10]  }
0x377: {  	v55 =	vld [tilespmem:s20+$0xFFFFFF20]  }
0x378: {  	v57 =	vld [tilespmem:s20+$0xFFFFFF30]  }
0x379: {  	v50 =	vld [tilespmem:s20+$0xFFFFFF50]  }
0x37a: {  	v59 =	vld [tilespmem:s20+$0xFFFFFF40];
	[tilespmem:v52+s15+$0x0] =	vst.idx.msk $0xffff, v51;
	v60 =	vadd.s32 s31, v8  }
0x37b: {  	v63 =	vadd.s32 s31, v30;
	[tilespmem:v54+s15+$0x0] =	vst.idx.msk $0xffff, v53  }
0x37c: {  	v52 =	vadd.s32 s31, v31;
	[tilespmem:v56+s15+$0x0] =	vst.idx.msk $0xffff, v55;
	v56 =	vld [tilespmem:$0x1FE90]  }
0x37d: {  	[tilespmem:v58+s15+$0x0] =	vst.idx.msk $0xffff, v57;
	v57 =	vld [tilespmem:$0x1FEA0]  }
0x37e: {  	v58 =	vld [tilespmem:$0x1FEB0]  }
0x37f: {  	v62 =	vld [tilespmem:$0x1FEC0];
	[tilespmem:v60+s15+$0x0] =	vst.idx.msk $0xffff, v59  }
0x380: {  	v51 =	vld [tilespmem:$0x1FE00];
	[tilespmem:v63+s15+$0x0] =	vst.idx.msk $0xffff, v50  }
0x381: {  	v53 =	vadd.s32 s31, v56;
	[tilespmem:v52+s15+$0x0] =	vst.idx.msk $0xffff, v49;
	v52 =	vld [tilespmem:$0x1FED0]  }
0x382: {  	v54 =	vadd.s32 s31, v57  }
0x383: {  	v11 =	vld [tilespmem:$0x1FEF0];
	v59 =	vadd.s32 s31, v58  }
0x384: {  	v60 =	vadd.s32 s31, v62;
	v50 =	vld [tilespmem:$0x1FF00]  }
0x385: {  	v61 =	vadd.s32 s31, v51  }
0x386: {  	[tilespmem:v53+s15+$0x0] =	vst.idx.msk $0xffff, v48;
	v63 =	vadd.s32 s31, v52  }
0x387: {  	v10 =	vld [tilespmem:$0x1FF30];
	v53 =	vadd.s32 s31, v22;
	[tilespmem:v54+s15+$0x0] =	vst.idx.msk $0xffff, v47  }
0x388: {  	v54 =	vadd.s32 s31, v11;
	[tilespmem:v59+s15+$0x0] =	vst.idx.msk $0xffff, v46;
	v46 =	vld [tilespmem:$0x1FF40]  }
0x389: {  	v13 =	vld [tilespmem:$0x1FF50];
	v55 =	vadd.s32 s31, v50;
	[tilespmem:v60+s15+$0x0] =	vst.idx.msk $0xffff, v45  }
0x38a: {  	v59 =	vadd.s32 s31, v17;
	[tilespmem:v61+s15+$0x0] =	vst.idx.msk $0xffff, v44  }
0x38b: {  	v12 =	vld [tilespmem:$0x1FF70];
	v60 =	vadd.s32 s31, v16;
	[tilespmem:v63+s15+$0x0] =	vst.idx.msk $0xffff, v43  }
0x38c: {  	v61 =	vadd.s32 s31, v10;
	[tilespmem:v53+s15+$0x0] =	vst.idx.msk $0xffff, v42;
	v42 =	vld [tilespmem:$0x1FE10]  }
0x38d: {  	v14 =	vld [tilespmem:$0x1FF80];
	v63 =	vadd.s32 s31, v46;
	[tilespmem:v54+s15+$0x0] =	vst.idx.msk $0xffff, v41  }
0x38e: {  	v19 =	vmov v17;
	v17 =	vld [tilespmem:$0x1FF90];
	v45 =	vadd.s32 s31, v13;
	[tilespmem:v55+s15+$0x0] =	vst.idx.msk $0xffff, v40  }
0x38f: {  	v21 =	vmov v18;
	v47 =	vadd.s32 s31, v18;
	v18 =	vld [tilespmem:$0x1FFA0];
	[tilespmem:v59+s15+$0x0] =	vst.idx.msk $0xffff, v39  }
0x390: {  	v20 =	vld [tilespmem:$0x1FFB0];
	v48 =	vadd.s32 s31, v12;
	[tilespmem:v60+s15+$0x0] =	vst.idx.msk $0xffff, v38  }
0x391: {  	v15 =	vmov v22;
	v22 =	vld [tilespmem:$0x1FFC0];
	[tilespmem:v61+s15+$0x0] =	vst.idx.msk $0xffff, v37;
	v49 =	vadd.s32 s31, v42  }
0x392: {  	v24 =	vld [tilespmem:$0x1FFD0];
	v53 =	vadd.s32 s31, v14;
	[tilespmem:v63+s15+$0x0] =	vst.idx.msk $0xffff, v36  }
0x393: {  	v26 =	vld [tilespmem:$0x1FFE0];
	v54 =	vadd.s32 s31, v17;
	[tilespmem:v45+s15+$0x0] =	vst.idx.msk $0xffff, v35  }
0x394: {  	v55 =	vadd.s32 s31, v18;
	[tilespmem:v47+s15+$0x0] =	vst.idx.msk $0xffff, v34  }
0x395: {  	v59 =	vadd.s32 s31, v20;
	[tilespmem:v48+s15+$0x0] =	vst.idx.msk $0xffff, v33  }
0x396: {  	v60 =	vadd.s32 s31, v22;
	[tilespmem:v49+s15+$0x0] =	vst.idx.msk $0xffff, v7  }
0x397: {  	v61 =	vadd.s32 s31, v24;
	[tilespmem:v53+s15+$0x0] =	vst.idx.msk $0xffff, v6  }
0x398: {  	v28 =	vld [tilespmem:$0x1FFF0];
	v63 =	vadd.s32 s31, v26;
	[tilespmem:v54+s15+$0x0] =	vst.idx.msk $0xffff, v5  }
0x399: {  	[tilespmem:v55+s15+$0x0] =	vst.idx.msk $0xffff, v4  }
0x39a: {  	[tilespmem:v59+s15+$0x0] =	vst.idx.msk $0xffff, v3  }
0x39b: {  	[tilespmem:v60+s15+$0x0] =	vst.idx.msk $0xffff, v2  }
0x39c: {  	[tilespmem:v61+s15+$0x0] =	vst.idx.msk $0xffff, v1  }
0x39d: {  	s22 =	simm.s32 $0x8;
	[tilespmem:v63+s15+$0x0] =	vst.idx.msk $0xffff, v0;
	v0 =	vadd.s32 s31, v28  }
.LBB2_19:
0x39e: {  	_ =	sdelay $0x2  }
0x39f: {  	v8 =	vld [tilespmem:$0x1FE20]  }
0x3a0: {  	[tilespmem:v0+s15+$0x0] =	vst.idx.msk $0xffff, v32;
	s20 =	sadd.s32 $0x200, s20;
	v60 =	vld [tilespmem:$0x1FE50]  }
0x3a1: {  	v32 =	vld [tilespmem:s20+$0xF0]  }
0x3a2: {  	v33 =	vld [tilespmem:s20+$0xE0]  }
0x3a3: {  	v34 =	vld [tilespmem:s20+$0xD0]  }
0x3a4: {  	v35 =	vld [tilespmem:s20+$0xC0]  }
0x3a5: {  	v36 =	vld [tilespmem:s20+$0xB0]  }
0x3a6: {  	v37 =	vld [tilespmem:s20+$0xA0]  }
0x3a7: {  	v38 =	vld [tilespmem:s20+$0x90]  }
0x3a8: {  	v0 =	vld [tilespmem:s20+$0x80]  }
0x3a9: {  	v1 =	vld [tilespmem:s20+$0x70]  }
0x3aa: {  	v2 =	vld [tilespmem:s20+$0x60]  }
0x3ab: {  	v3 =	vld [tilespmem:s20+$0x50]  }
0x3ac: {  	v4 =	vld [tilespmem:s20+$0x40]  }
0x3ad: {  	v5 =	vld [tilespmem:s20+$0x30]  }
0x3ae: {  	v6 =	vld [tilespmem:s20+$0x20]  }
0x3af: {  	v7 =	vld [tilespmem:s20+$0x10]  }
0x3b0: {  	v39 =	vld [tilespmem:s20+$0x0]  }
0x3b1: {  	v40 =	vld [tilespmem:s20+$0xFFFFFFF0]  }
0x3b2: {  	s23 =	smov.u32 s22;
	v41 =	vld [tilespmem:s20+$0xFFFFFFE0]  }
0x3b3: {  	v23 =	vmov v52;
	v52 =	vadd.s32 s23, v8;
	v8 =	vld [tilespmem:$0x1FE30]  }
0x3b4: {  	v29 =	vmov v42;
	v42 =	vld [tilespmem:s20+$0xFFFFFFD0]  }
0x3b5: {  	v43 =	vld [tilespmem:s20+$0xFFFFFFC0]  }
0x3b6: {  	v44 =	vld [tilespmem:s20+$0xFFFFFFB0]  }
0x3b7: {  	v45 =	vld [tilespmem:s20+$0xFFFFFFA0]  }
0x3b8: {  	v54 =	vadd.s32 s23, v8;
	v8 =	vld [tilespmem:$0x1FE40]  }
0x3b9: {  	v27 =	vmov v46;
	v46 =	vld [tilespmem:s20+$0xFFFFFF90]  }
0x3ba: {  	v47 =	vld [tilespmem:s20+$0xFFFFFF80]  }
0x3bb: {  	v48 =	vld [tilespmem:s20+$0xFFFFFF70]  }
0x3bc: {  	v49 =	vld [tilespmem:s20+$0xFFFFFF60]  }
0x3bd: {  	v9 =	vmovc v56;
	v56 =	vadd.s32 s23, v8;
	v8 =	vmov v58;
	v58 =	vadd.s32 s23, v60;
	v60 =	vld [tilespmem:$0x1FE60]  }
0x3be: {  	v61 =	vmov v51;
	v51 =	vld [tilespmem:s20+$0xFFFFFF00]  }
0x3bf: {  	v53 =	vld [tilespmem:s20+$0xFFFFFF10]  }
0x3c0: {  	v55 =	vld [tilespmem:s20+$0xFFFFFF20]  }
0x3c1: {  	v63 =	vmov v57;
	v57 =	vld [tilespmem:s20+$0xFFFFFF30]  }
0x3c2: {  	v59 =	vld [tilespmem:s20+$0xFFFFFF40];
	v60 =	vadd.s32 s23, v60  }
0x3c3: {  	v25 =	vmov v50;
	v50 =	vld [tilespmem:s20+$0xFFFFFF50];
	[tilespmem:v52+s15+$0x0] =	vst.idx.msk $0xffff, v51;
	v51 =	vadd.s32 s23, v30  }
0x3c4: {  	v52 =	vadd.s32 s23, v31;
	[tilespmem:v54+s15+$0x0] =	vst.idx.msk $0xffff, v53  }
0x3c5: {  	v53 =	vadd.s32 s23, v9;
	[tilespmem:v56+s15+$0x0] =	vst.idx.msk $0xffff, v55  }
0x3c6: {  	v54 =	vadd.s32 s23, v63;
	[tilespmem:v58+s15+$0x0] =	vst.idx.msk $0xffff, v57  }
0x3c7: {  	v55 =	vadd.s32 s23, v8;
	[tilespmem:v60+s15+$0x0] =	vst.idx.msk $0xffff, v59  }
0x3c8: {  	[tilespmem:v51+s15+$0x0] =	vst.idx.msk $0xffff, v50;
	v50 =	vadd.s32 s23, v62  }
0x3c9: {  	[tilespmem:v52+s15+$0x0] =	vst.idx.msk $0xffff, v49;
	v49 =	vadd.s32 s23, v61  }
0x3ca: {  	v59 =	vadd.s32 s23, v23;
	[tilespmem:v53+s15+$0x0] =	vst.idx.msk $0xffff, v48  }
0x3cb: {  	v60 =	vadd.s32 s23, v15;
	[tilespmem:v54+s15+$0x0] =	vst.idx.msk $0xffff, v47  }
0x3cc: {  	v53 =	vadd.s32 s23, v11;
	[tilespmem:v55+s15+$0x0] =	vst.idx.msk $0xffff, v46  }
0x3cd: {  	v54 =	vadd.s32 s23, v25;
	[tilespmem:v50+s15+$0x0] =	vst.idx.msk $0xffff, v45  }
0x3ce: {  	v55 =	vadd.s32 s23, v19;
	[tilespmem:v49+s15+$0x0] =	vst.idx.msk $0xffff, v44  }
0x3cf: {  	[tilespmem:v59+s15+$0x0] =	vst.idx.msk $0xffff, v43;
	v59 =	vadd.s32 s23, v16  }
0x3d0: {  	[tilespmem:v60+s15+$0x0] =	vst.idx.msk $0xffff, v42;
	v60 =	vadd.s32 s23, v10  }
0x3d1: {  	v48 =	vadd.s32 s23, v27;
	[tilespmem:v53+s15+$0x0] =	vst.idx.msk $0xffff, v41  }
0x3d2: {  	v49 =	vadd.s32 s23, v13;
	[tilespmem:v54+s15+$0x0] =	vst.idx.msk $0xffff, v40  }
0x3d3: {  	v53 =	vadd.s32 s23, v21;
	[tilespmem:v55+s15+$0x0] =	vst.idx.msk $0xffff, v39  }
0x3d4: {  	[tilespmem:v59+s15+$0x0] =	vst.idx.msk $0xffff, v7;
	v7 =	vadd.s32 s23, v12  }
0x3d5: {  	[tilespmem:v60+s15+$0x0] =	vst.idx.msk $0xffff, v6;
	v6 =	vadd.s32 s23, v29  }
0x3d6: {  	v54 =	vadd.s32 s23, v14;
	[tilespmem:v48+s15+$0x0] =	vst.idx.msk $0xffff, v5  }
0x3d7: {  	v55 =	vadd.s32 s23, v17;
	[tilespmem:v49+s15+$0x0] =	vst.idx.msk $0xffff, v4  }
0x3d8: {  	[tilespmem:v53+s15+$0x0] =	vst.idx.msk $0xffff, v3;
	v3 =	vadd.s32 s23, v18  }
0x3d9: {  	[tilespmem:v7+s15+$0x0] =	vst.idx.msk $0xffff, v2;
	v2 =	vadd.s32 s23, v20  }
0x3da: {  	[tilespmem:v6+s15+$0x0] =	vst.idx.msk $0xffff, v1;
	v1 =	vadd.s32 s23, v22  }
0x3db: {  	v59 =	vadd.s32 s23, v24;
	[tilespmem:v54+s15+$0x0] =	vst.idx.msk $0xffff, v0  }
0x3dc: {  	p0 =	sne.s32 s22, $0x78;
	v60 =	vadd.s32 s23, v26;
	[tilespmem:v55+s15+$0x0] =	vst.idx.msk $0xffff, v38  }
.Ltmp8:
0x3dd: {  	[tilespmem:v3+s15+$0x0] =	vst.idx.msk $0xffff, v37;
	(pc) =	sbr.rel @p0 .LBB2_19-.Ltmp8, $4  }
0x3de: {  	[tilespmem:v2+s15+$0x0] =	vst.idx.msk $0xffff, v36  }
0x3df: {  	[tilespmem:v1+s15+$0x0] =	vst.idx.msk $0xffff, v35  }
0x3e0: {  	v56 =	vmovc v9;
	v58 =	vmov v8;
	v57 =	vmov v63;
	v51 =	vmov v61;
	[tilespmem:v59+s15+$0x0] =	vst.idx.msk $0xffff, v34  }
0x3e1: {  	s22 =	sadd.s32 $0x8, s22;
	v52 =	vmovc v23;
	v46 =	vmovc v27;
	v50 =	vmov v25;
	v42 =	vmov v29;
	v0 =	vadd.s32 s23, v28;
	[tilespmem:v60+s15+$0x0] =	vst.idx.msk $0xffff, v33  }
0x3e2: {  	_ =	sdelay $0x1  }
0x3e3: {  	s20 =	sand.u32 $0xE00, s21;
	s24 =	sshll.u32 s21, $0x3  }
0x3e4: {  	s21 =	sand.u32 $0xFFF8000, s24;
	s22 =	sadd.s32 s2, s20  }
0x3e5: {  	[tilespmem:v0+s15+$0x0] =	vst.idx.msk $0xffff, v32;
	s25 =	simm.s32 $0x10400;
	s23 =	sadd.s32 s21, s22  }
0x3e6: {  	[hbm4b:s23+s3] =	stream.linear.scatter [tilespmem:s25], [sflag:$0x3], $0x80, $0x38;
	[tilespmem:$0x14800] =	vst v63  }
0x3e7: {  	s26 =	simm.s32 $0x10488;
	s24 =	sadd.s32 $0x10, s23  }
0x3e8: {  	[hbm4b:s24+s3] =	stream.linear.scatter [tilespmem:s26], [sflag:$0x3], $0x80, $0x38;
	[tilespmem:$0x14800] =	vst v63  }
0x3e9: {  	s28 =	simm.s32 $0x10510;
	s30 =	simm.s32 $0x10598;
	s29 =	sadd.s32 $0x20, s23  }
0x3ea: {  	[hbm4b:s29+s3] =	stream.linear.scatter [tilespmem:s28], [sflag:$0x3], $0x80, $0x38;
	[tilespmem:$0x14800] =	vst v63  }
0x3eb: {  	s22 =	simm.s32 $0x440;
	s31 =	sadd.s32 $0x30, s23;
	s25 =	simm.s32 $0x10620  }
0x3ec: {  	[hbm4b:s31+s3] =	stream.linear.scatter [tilespmem:s30], [sflag:$0x3], $0x80, $0x38;
	[tilespmem:$0x14800] =	vst v63  }
0x3ed: {  	s26 =	sadd.s32 $0x40, s23;
	s24 =	simm.s32 $0x2200;
	s28 =	simm.s32 $0x106A8  }
0x3ee: {  	[hbm4b:s26+s3] =	stream.linear.scatter [tilespmem:s25], [sflag:$0x3], $0x80, $0x38;
	[tilespmem:$0x14800] =	vst v63  }
0x3ef: {  	v13 =	vld [tilespmem:$0x1FE60];
	s29 =	sadd.s32 $0x50, s23;
	s30 =	simm.s32 $0x10730;
	s31 =	sadd.s32 $0x60, s23  }
0x3f0: {  	v12 =	vld [tilespmem:$0x1FE50];
	[hbm4b:s29+s3] =	stream.linear.scatter [tilespmem:s28], [sflag:$0x3], $0x80, $0x38  }
0x3f1: {  	v11 =	vld [tilespmem:$0x1FE40];
	s25 =	simm.s32 $0x107B8;
	s26 =	sadd.s32 $0x70, s23;
	s23 =	sadd.s32 $0x1000, s23  }
0x3f2: {  	v14 =	vmov v30;
	v10 =	vld [tilespmem:$0x1FE30];
	[hbm4b:s31+s3] =	stream.linear.scatter [tilespmem:s30], [sflag:$0x3], $0x80, $0x38  }
.LBB2_21:
0x3f3: {  	[hbm4b:s26+s3] =	stream.linear.scatter [tilespmem:s25], [sflag:$0x3], $0x80, $0x38;
	[tilespmem:$0x14800] =	vst v63  }
0x3f4: {  	s25 =	smov.u32 s22;
	s22 =	smov.u32 s24  }
0x3f5: {  	s28 =	sadd.s32 $0x1100, s24;
	s22 =	sshra.s32 s22, $0x2;
	s26 =	sadd.s32 $0x10400, s25  }
0x3f6: {  	[hbm4b:s23+s3] =	stream.linear.scatter [tilespmem:s26], [sflag:$0x3], $0x80, $0x38;
	[tilespmem:$0x14800] =	vst v63  }
0x3f7: {  	p0 =	sne.s32 s24, $0x7700;
	s24 =	sadd.s32 $0x10488, s25;
	s26 =	sadd.s32 $0x10, s23  }
0x3f8: {  	[hbm4b:s26+s3] =	stream.linear.scatter [tilespmem:s24], [sflag:$0x3], $0x80, $0x38;
	[tilespmem:$0x14800] =	vst v63  }
0x3f9: {  	s24 =	sadd.s32 $0x10510, s25;
	s26 =	sadd.s32 $0x20, s23  }
0x3fa: {  	[hbm4b:s26+s3] =	stream.linear.scatter [tilespmem:s24], [sflag:$0x3], $0x80, $0x38;
	[tilespmem:$0x14800] =	vst v63  }
0x3fb: {  	s24 =	sadd.s32 $0x10598, s25;
	s26 =	sadd.s32 $0x30, s23  }
0x3fc: {  	[hbm4b:s26+s3] =	stream.linear.scatter [tilespmem:s24], [sflag:$0x3], $0x80, $0x38;
	[tilespmem:$0x14800] =	vst v63  }
0x3fd: {  	s24 =	sadd.s32 $0x10620, s25;
	s26 =	sadd.s32 $0x40, s23  }
0x3fe: {  	[hbm4b:s26+s3] =	stream.linear.scatter [tilespmem:s24], [sflag:$0x3], $0x80, $0x38;
	[tilespmem:$0x14800] =	vst v63  }
.Ltmp9:
0x3ff: {  	s24 =	sadd.s32 $0x106A8, s25;
	s26 =	sadd.s32 $0x50, s23;
	(pc) =	sbr.rel @p0 .LBB2_21-.Ltmp9, $4  }
0x400: {  	[hbm4b:s26+s3] =	stream.linear.scatter [tilespmem:s24], [sflag:$0x3], $0x80, $0x38;
	[tilespmem:$0x14800] =	vst v63  }
0x401: {  	s24 =	sadd.s32 $0x10730, s25;
	s26 =	sadd.s32 $0x60, s23;
	s25 =	sadd.s32 $0x107B8, s25  }
0x402: {  	[hbm4b:s26+s3] =	stream.linear.scatter [tilespmem:s24], [sflag:$0x3], $0x80, $0x38;
	[tilespmem:$0x14800] =	vst v63  }
0x403: {  	s26 =	sadd.s32 $0x70, s23;
	s23 =	sadd.s32 $0x1000, s23;
	s24 =	smov.u32 s28  }
0x404: {  	[hbm4b:s26+s3] =	stream.linear.scatter [tilespmem:s25], [sflag:$0x3], $0x80, $0x38;
	[tilespmem:$0x14800] =	vst v63  }
0x405: {  	s24 =	sadd.s32 $0x10400, s22  }
0x406: {  	[hbm4b:s23+s3] =	stream.linear.scatter [tilespmem:s24], [sflag:$0x3], $0x80, $0x38;
	[tilespmem:$0x14800] =	vst v63  }
0x407: {  	s28 =	sadd.s32 $0x10488, s22;
	s29 =	sadd.s32 $0x10, s23  }
0x408: {  	[hbm4b:s29+s3] =	stream.linear.scatter [tilespmem:s28], [sflag:$0x3], $0x80, $0x38;
	[tilespmem:$0x14800] =	vst v63  }
0x409: {  	s30 =	sadd.s32 $0x10510, s22;
	s31 =	sadd.s32 $0x20, s23  }
0x40a: {  	[hbm4b:s31+s3] =	stream.linear.scatter [tilespmem:s30], [sflag:$0x3], $0x80, $0x38;
	[tilespmem:$0x14800] =	vst v63  }
0x40b: {  	s25 =	sadd.s32 $0x10598, s22;
	s26 =	sadd.s32 $0x30, s23  }
0x40c: {  	[hbm4b:s26+s3] =	stream.linear.scatter [tilespmem:s25], [sflag:$0x3], $0x80, $0x38;
	[tilespmem:$0x14800] =	vst v63  }
0x40d: {  	s28 =	sadd.s32 $0x10620, s22;
	s29 =	sadd.s32 $0x40, s23  }
0x40e: {  	[hbm4b:s29+s3] =	stream.linear.scatter [tilespmem:s28], [sflag:$0x3], $0x80, $0x38;
	[tilespmem:$0x14800] =	vst v63  }
0x40f: {  	s30 =	sadd.s32 $0x106A8, s22;
	s31 =	sadd.s32 $0x50, s23  }
0x410: {  	[hbm4b:s31+s3] =	stream.linear.scatter [tilespmem:s30], [sflag:$0x3], $0x80, $0x38;
	[tilespmem:$0x14800] =	vst v63  }
0x411: {  	s26 =	sadd.s32 $0x10730, s22;
	s28 =	sadd.s32 $0x60, s23  }
0x412: {  	[hbm4b:s28+s3] =	stream.linear.scatter [tilespmem:s26], [sflag:$0x3], $0x80, $0x38;
	[tilespmem:$0x14800] =	vst v63  }
0x413: {  	s29 =	sadd.s32 $0x107B8, s22;
	s30 =	sadd.s32 $0x70, s23  }
0x414: {  	[hbm4b:s30+s3] =	stream.linear.scatter [tilespmem:s29], [sflag:$0x3], $0x80, $0x38;
	[tilespmem:$0x14800] =	vst v63  }
0x415: {  	_ =	swait.ge [sflag:s17], $0x2000  }
0x416: {  	[sflag:s17] =	ssyncset.done $0x0  }
0x417: {  	s22 =	simm.s32 $0xA5F0;
	v30 =	vld [tilespmem:$0x1FE20];
	[sflag:s17] =	ssyncadd.s32 $0xFFFFE000  }
0x418: {  	v32 =	vld [tilespmem:s22+$0x0]  }
0x419: {  	v0 =	vld [tilespmem:s22+$0xFFFFFFF0]  }
0x41a: {  	v1 =	vld [tilespmem:s22+$0xFFFFFFE0]  }
0x41b: {  	v2 =	vld [tilespmem:s22+$0xFFFFFFD0]  }
0x41c: {  	v3 =	vld [tilespmem:s22+$0xFFFFFFC0]  }
0x41d: {  	v4 =	vld [tilespmem:s22+$0xFFFFFFB0]  }
0x41e: {  	v5 =	vld [tilespmem:s22+$0xFFFFFFA0]  }
0x41f: {  	v6 =	vld [tilespmem:s22+$0xFFFFFF90]  }
0x420: {  	v7 =	vld [tilespmem:s22+$0xFFFFFF80]  }
0x421: {  	v33 =	vld [tilespmem:s22+$0xFFFFFF70]  }
0x422: {  	v34 =	vld [tilespmem:s22+$0xFFFFFF60]  }
0x423: {  	v35 =	vld [tilespmem:s22+$0xFFFFFF50]  }
0x424: {  	v36 =	vld [tilespmem:s22+$0xFFFFFF40]  }
0x425: {  	v37 =	vld [tilespmem:s22+$0xFFFFFF30]  }
0x426: {  	v38 =	vld [tilespmem:s22+$0xFFFFFF20]  }
0x427: {  	v39 =	vld [tilespmem:s22+$0xFFFFFF10]  }
0x428: {  	v40 =	vld [tilespmem:s22+$0xFFFFFF00]  }
0x429: {  	v41 =	vld [tilespmem:s22+$0xFFFFFEF0]  }
0x42a: {  	v42 =	vld [tilespmem:s22+$0xFFFFFEE0]  }
0x42b: {  	v43 =	vld [tilespmem:s22+$0xFFFFFED0]  }
0x42c: {  	v44 =	vld [tilespmem:s22+$0xFFFFFEC0]  }
0x42d: {  	v45 =	vld [tilespmem:s22+$0xFFFFFEB0]  }
0x42e: {  	v46 =	vld [tilespmem:s22+$0xFFFFFEA0]  }
0x42f: {  	v47 =	vld [tilespmem:s22+$0xFFFFFE90]  }
0x430: {  	v48 =	vld [tilespmem:s22+$0xFFFFFE80]  }
0x431: {  	s31 =	simm.s32 $0x0;
	v49 =	vld [tilespmem:s22+$0xFFFFFE70]  }
0x432: {  	v51 =	vld [tilespmem:s22+$0xFFFFFE10];
	v52 =	vadd.s32 s31, v30  }
0x433: {  	v54 =	vadd.s32 s31, v10;
	v53 =	vld [tilespmem:s22+$0xFFFFFE20]  }
0x434: {  	v56 =	vadd.s32 s31, v11;
	v55 =	vld [tilespmem:s22+$0xFFFFFE30]  }
0x435: {  	v58 =	vadd.s32 s31, v12;
	v57 =	vld [tilespmem:s22+$0xFFFFFE40]  }
0x436: {  	v60 =	vadd.s32 s31, v13;
	v59 =	vld [tilespmem:s22+$0xFFFFFE50]  }
0x437: {  	v62 =	vadd.s32 s31, v14;
	v50 =	vld [tilespmem:s22+$0xFFFFFE60];
	[tilespmem:v52+s16+$0x0] =	vst.idx.msk $0xffff, v51  }
0x438: {  	[tilespmem:v54+s16+$0x0] =	vst.idx.msk $0xffff, v53  }
0x439: {  	[tilespmem:v56+s16+$0x0] =	vst.idx.msk $0xffff, v55  }
0x43a: {  	[tilespmem:v58+s16+$0x0] =	vst.idx.msk $0xffff, v57  }
0x43b: {  	[tilespmem:v60+s16+$0x0] =	vst.idx.msk $0xffff, v59  }
0x43c: {  	[tilespmem:v62+s16+$0x0] =	vst.idx.msk $0xffff, v50;
	v62 =	vld [tilespmem:$0x1FEC0]  }
0x43d: {  	v52 =	vadd.s32 s31, v31  }
0x43e: {  	v53 =	vadd.s32 s31, v9  }
0x43f: {  	v58 =	vadd.s32 s31, v63  }
0x440: {  	v11 =	vld [tilespmem:$0x1FEF0];
	v59 =	vadd.s32 s31, v8  }
0x441: {  	v60 =	vadd.s32 s31, v62  }
0x442: {  	[tilespmem:v52+s16+$0x0] =	vst.idx.msk $0xffff, v49;
	v52 =	vadd.s32 s31, v61  }
0x443: {  	v56 =	vadd.s32 s31, v23;
	[tilespmem:v53+s16+$0x0] =	vst.idx.msk $0xffff, v48  }
0x444: {  	v10 =	vld [tilespmem:$0x1FF30];
	v57 =	vadd.s32 s31, v15;
	[tilespmem:v58+s16+$0x0] =	vst.idx.msk $0xffff, v47  }
0x445: {  	v58 =	vadd.s32 s31, v11;
	[tilespmem:v59+s16+$0x0] =	vst.idx.msk $0xffff, v46  }
0x446: {  	v13 =	vld [tilespmem:$0x1FF50];
	v59 =	vadd.s32 s31, v25;
	[tilespmem:v60+s16+$0x0] =	vst.idx.msk $0xffff, v45  }
0x447: {  	v60 =	vadd.s32 s31, v19;
	[tilespmem:v52+s16+$0x0] =	vst.idx.msk $0xffff, v44  }
0x448: {  	v12 =	vld [tilespmem:$0x1FF70];
	v49 =	vadd.s32 s31, v16;
	[tilespmem:v56+s16+$0x0] =	vst.idx.msk $0xffff, v43  }
0x449: {  	v50 =	vadd.s32 s31, v10;
	[tilespmem:v57+s16+$0x0] =	vst.idx.msk $0xffff, v42  }
0x44a: {  	v14 =	vld [tilespmem:$0x1FF80];
	v51 =	vadd.s32 s31, v27;
	[tilespmem:v58+s16+$0x0] =	vst.idx.msk $0xffff, v41  }
0x44b: {  	v17 =	vld [tilespmem:$0x1FF90];
	v52 =	vadd.s32 s31, v13;
	[tilespmem:v59+s16+$0x0] =	vst.idx.msk $0xffff, v40  }
0x44c: {  	v18 =	vld [tilespmem:$0x1FFA0];
	v53 =	vadd.s32 s31, v21;
	[tilespmem:v60+s16+$0x0] =	vst.idx.msk $0xffff, v39  }
0x44d: {  	v20 =	vld [tilespmem:$0x1FFB0];
	v54 =	vadd.s32 s31, v12;
	[tilespmem:v49+s16+$0x0] =	vst.idx.msk $0xffff, v38  }
0x44e: {  	v22 =	vld [tilespmem:$0x1FFC0];
	v55 =	vadd.s32 s31, v29;
	[tilespmem:v50+s16+$0x0] =	vst.idx.msk $0xffff, v37  }
0x44f: {  	v24 =	vld [tilespmem:$0x1FFD0];
	v56 =	vadd.s32 s31, v14;
	[tilespmem:v51+s16+$0x0] =	vst.idx.msk $0xffff, v36  }
0x450: {  	v26 =	vld [tilespmem:$0x1FFE0];
	v57 =	vadd.s32 s31, v17;
	[tilespmem:v52+s16+$0x0] =	vst.idx.msk $0xffff, v35  }
0x451: {  	v58 =	vadd.s32 s31, v18;
	[tilespmem:v53+s16+$0x0] =	vst.idx.msk $0xffff, v34  }
0x452: {  	v59 =	vadd.s32 s31, v20;
	[tilespmem:v54+s16+$0x0] =	vst.idx.msk $0xffff, v33  }
0x453: {  	[tilespmem:v55+s16+$0x0] =	vst.idx.msk $0xffff, v7;
	v7 =	vadd.s32 s31, v22  }
0x454: {  	[tilespmem:v56+s16+$0x0] =	vst.idx.msk $0xffff, v6;
	v6 =	vadd.s32 s31, v24  }
0x455: {  	v28 =	vld [tilespmem:$0x1FFF0];
	v60 =	vadd.s32 s31, v26;
	[tilespmem:v57+s16+$0x0] =	vst.idx.msk $0xffff, v5  }
0x456: {  	[tilespmem:v58+s16+$0x0] =	vst.idx.msk $0xffff, v4  }
0x457: {  	[tilespmem:v59+s16+$0x0] =	vst.idx.msk $0xffff, v3  }
0x458: {  	[tilespmem:v7+s16+$0x0] =	vst.idx.msk $0xffff, v2  }
0x459: {  	[tilespmem:v6+s16+$0x0] =	vst.idx.msk $0xffff, v1  }
0x45a: {  	s23 =	simm.s32 $0x8;
	[tilespmem:v60+s16+$0x0] =	vst.idx.msk $0xffff, v0;
	v0 =	vadd.s32 s31, v28  }
.LBB2_23:
0x45b: {  	_ = 	snop  }
0x45c: {  	v54 =	vld [tilespmem:$0x1FE30]  }
0x45d: {  	v56 =	vld [tilespmem:$0x1FE40]  }
0x45e: {  	v58 =	vld [tilespmem:$0x1FE50]  }
0x45f: {  	[tilespmem:v0+s16+$0x0] =	vst.idx.msk $0xffff, v32;
	s22 =	sadd.s32 $0x200, s22;
	v60 =	vld [tilespmem:$0x1FE60]  }
0x460: {  	v32 =	vld [tilespmem:s22+$0x0]  }
0x461: {  	v33 =	vld [tilespmem:s22+$0xFFFFFFF0]  }
0x462: {  	v34 =	vld [tilespmem:s22+$0xFFFFFFE0]  }
0x463: {  	v35 =	vld [tilespmem:s22+$0xFFFFFFD0]  }
0x464: {  	v36 =	vld [tilespmem:s22+$0xFFFFFFC0]  }
0x465: {  	v37 =	vld [tilespmem:s22+$0xFFFFFFB0]  }
0x466: {  	v38 =	vld [tilespmem:s22+$0xFFFFFFA0]  }
0x467: {  	v0 =	vld [tilespmem:s22+$0xFFFFFF90]  }
0x468: {  	v1 =	vld [tilespmem:s22+$0xFFFFFF80]  }
0x469: {  	v2 =	vld [tilespmem:s22+$0xFFFFFF70]  }
0x46a: {  	v3 =	vld [tilespmem:s22+$0xFFFFFF60]  }
0x46b: {  	v4 =	vld [tilespmem:s22+$0xFFFFFF50]  }
0x46c: {  	v5 =	vld [tilespmem:s22+$0xFFFFFF40]  }
0x46d: {  	v6 =	vld [tilespmem:s22+$0xFFFFFF30]  }
0x46e: {  	v7 =	vld [tilespmem:s22+$0xFFFFFF20]  }
0x46f: {  	v39 =	vld [tilespmem:s22+$0xFFFFFF10]  }
0x470: {  	v40 =	vld [tilespmem:s22+$0xFFFFFF00]  }
0x471: {  	v41 =	vld [tilespmem:s22+$0xFFFFFEF0]  }
0x472: {  	v42 =	vld [tilespmem:s22+$0xFFFFFEE0]  }
0x473: {  	v43 =	vld [tilespmem:s22+$0xFFFFFED0]  }
0x474: {  	v44 =	vld [tilespmem:s22+$0xFFFFFEC0]  }
0x475: {  	v45 =	vld [tilespmem:s22+$0xFFFFFEB0]  }
0x476: {  	v46 =	vld [tilespmem:s22+$0xFFFFFEA0]  }
0x477: {  	v47 =	vld [tilespmem:s22+$0xFFFFFE90]  }
0x478: {  	v48 =	vld [tilespmem:s22+$0xFFFFFE80]  }
0x479: {  	v49 =	vld [tilespmem:s22+$0xFFFFFE70]  }
0x47a: {  	s24 =	smov.u32 s23;
	v50 =	vld [tilespmem:s22+$0xFFFFFE60]  }
0x47b: {  	v51 =	vld [tilespmem:s22+$0xFFFFFE10];
	v52 =	vadd.s32 s24, v30  }
0x47c: {  	v53 =	vld [tilespmem:s22+$0xFFFFFE20]  }
0x47d: {  	v55 =	vld [tilespmem:s22+$0xFFFFFE30]  }
0x47e: {  	v57 =	vld [tilespmem:s22+$0xFFFFFE40]  }
0x47f: {  	v59 =	vld [tilespmem:s22+$0xFFFFFE50]  }
0x480: {  	[tilespmem:v52+s16+$0x0] =	vst.idx.msk $0xffff, v51;
	v51 =	vld [tilespmem:$0x1FE70]  }
0x481: {  	v54 =	vadd.s32 s24, v54  }
0x482: {  	v56 =	vadd.s32 s24, v56  }
0x483: {  	v58 =	vadd.s32 s24, v58  }
0x484: {  	v60 =	vadd.s32 s24, v60  }
0x485: {  	v51 =	vadd.s32 s24, v51  }
0x486: {  	v52 =	vadd.s32 s24, v31;
	[tilespmem:v54+s16+$0x0] =	vst.idx.msk $0xffff, v53  }
0x487: {  	v53 =	vadd.s32 s24, v9;
	[tilespmem:v56+s16+$0x0] =	vst.idx.msk $0xffff, v55  }
0x488: {  	v54 =	vadd.s32 s24, v63;
	[tilespmem:v58+s16+$0x0] =	vst.idx.msk $0xffff, v57  }
0x489: {  	[tilespmem:v60+s16+$0x0] =	vst.idx.msk $0xffff, v59;
	v60 =	vadd.s32 s24, v8  }
0x48a: {  	v56 =	vadd.s32 s24, v62;
	[tilespmem:v51+s16+$0x0] =	vst.idx.msk $0xffff, v50  }
0x48b: {  	v57 =	vadd.s32 s24, v61;
	[tilespmem:v52+s16+$0x0] =	vst.idx.msk $0xffff, v49  }
0x48c: {  	v58 =	vadd.s32 s24, v23;
	[tilespmem:v53+s16+$0x0] =	vst.idx.msk $0xffff, v48  }
0x48d: {  	v59 =	vadd.s32 s24, v15;
	[tilespmem:v54+s16+$0x0] =	vst.idx.msk $0xffff, v47  }
0x48e: {  	[tilespmem:v60+s16+$0x0] =	vst.idx.msk $0xffff, v46;
	v60 =	vadd.s32 s24, v11  }
0x48f: {  	v50 =	vadd.s32 s24, v25;
	[tilespmem:v56+s16+$0x0] =	vst.idx.msk $0xffff, v45  }
0x490: {  	v51 =	vadd.s32 s24, v19;
	[tilespmem:v57+s16+$0x0] =	vst.idx.msk $0xffff, v44  }
0x491: {  	v52 =	vadd.s32 s24, v16;
	[tilespmem:v58+s16+$0x0] =	vst.idx.msk $0xffff, v43  }
0x492: {  	v53 =	vadd.s32 s24, v10;
	[tilespmem:v59+s16+$0x0] =	vst.idx.msk $0xffff, v42  }
0x493: {  	v54 =	vadd.s32 s24, v27;
	[tilespmem:v60+s16+$0x0] =	vst.idx.msk $0xffff, v41  }
0x494: {  	v55 =	vadd.s32 s24, v13;
	[tilespmem:v50+s16+$0x0] =	vst.idx.msk $0xffff, v40  }
0x495: {  	v56 =	vadd.s32 s24, v21;
	[tilespmem:v51+s16+$0x0] =	vst.idx.msk $0xffff, v39  }
0x496: {  	[tilespmem:v52+s16+$0x0] =	vst.idx.msk $0xffff, v7;
	v7 =	vadd.s32 s24, v12  }
0x497: {  	[tilespmem:v53+s16+$0x0] =	vst.idx.msk $0xffff, v6;
	v6 =	vadd.s32 s24, v29  }
0x498: {  	v57 =	vadd.s32 s24, v14;
	[tilespmem:v54+s16+$0x0] =	vst.idx.msk $0xffff, v5  }
0x499: {  	v58 =	vadd.s32 s24, v17;
	[tilespmem:v55+s16+$0x0] =	vst.idx.msk $0xffff, v4  }
0x49a: {  	[tilespmem:v56+s16+$0x0] =	vst.idx.msk $0xffff, v3;
	v3 =	vadd.s32 s24, v18  }
0x49b: {  	[tilespmem:v7+s16+$0x0] =	vst.idx.msk $0xffff, v2;
	v2 =	vadd.s32 s24, v20  }
0x49c: {  	[tilespmem:v6+s16+$0x0] =	vst.idx.msk $0xffff, v1;
	v1 =	vadd.s32 s24, v22  }
0x49d: {  	v59 =	vadd.s32 s24, v24;
	[tilespmem:v57+s16+$0x0] =	vst.idx.msk $0xffff, v0  }
0x49e: {  	p0 =	sne.s32 s23, $0x78;
	v60 =	vadd.s32 s24, v26;
	[tilespmem:v58+s16+$0x0] =	vst.idx.msk $0xffff, v38  }
.Ltmp10:
0x49f: {  	[tilespmem:v3+s16+$0x0] =	vst.idx.msk $0xffff, v37;
	(pc) =	sbr.rel @p0 .LBB2_23-.Ltmp10, $4  }
0x4a0: {  	[tilespmem:v2+s16+$0x0] =	vst.idx.msk $0xffff, v36  }
0x4a1: {  	[tilespmem:v1+s16+$0x0] =	vst.idx.msk $0xffff, v35  }
0x4a2: {  	[tilespmem:v59+s16+$0x0] =	vst.idx.msk $0xffff, v34  }
0x4a3: {  	s23 =	sadd.s32 $0x8, s23;
	v0 =	vadd.s32 s24, v28;
	[tilespmem:v60+s16+$0x0] =	vst.idx.msk $0xffff, v33  }
0x4a4: {  	_ =	sdelay $0x1  }
0x4a5: {  	s20 =	sor.u32 s20, s21  }
0x4a6: {  	s20 =	sadd.s32 s20, s2  }
0x4a7: {  	[tilespmem:v0+s16+$0x0] =	vst.idx.msk $0xffff, v32;
	s28 =	simm.s32 $0x12600;
	s22 =	sadd.s32 $0x80, s20  }
0x4a8: {  	[hbm4b:s22+s3] =	stream.linear.scatter [tilespmem:s28], [sflag:$0x3], $0x80, $0x38;
	[tilespmem:$0x14800] =	vst v63  }
0x4a9: {  	s29 =	simm.s32 $0x12688;
	s23 =	sadd.s32 $0x10, s22  }
0x4aa: {  	[hbm4b:s23+s3] =	stream.linear.scatter [tilespmem:s29], [sflag:$0x3], $0x80, $0x38;
	[tilespmem:$0x14800] =	vst v63  }
0x4ab: {  	s30 =	simm.s32 $0x12710;
	s25 =	simm.s32 $0x12820;
	s31 =	sadd.s32 $0x20, s22  }
0x4ac: {  	[hbm4b:s31+s3] =	stream.linear.scatter [tilespmem:s30], [sflag:$0x3], $0x80, $0x38;
	[tilespmem:$0x14800] =	vst v63  }
0x4ad: {  	s21 =	simm.s32 $0x440;
	s24 =	sadd.s32 $0x30, s22;
	s23 =	simm.s32 $0x12798  }
0x4ae: {  	[hbm4b:s24+s3] =	stream.linear.scatter [tilespmem:s23], [sflag:$0x3], $0x80, $0x38;
	[tilespmem:$0x14800] =	vst v63  }
0x4af: {  	s26 =	sadd.s32 $0x40, s22;
	s28 =	simm.s32 $0x128A8;
	s29 =	sadd.s32 $0x50, s22  }
0x4b0: {  	[hbm4b:s26+s3] =	stream.linear.scatter [tilespmem:s25], [sflag:$0x3], $0x80, $0x38;
	[tilespmem:$0x14800] =	vst v63  }
0x4b1: {  	s30 =	simm.s32 $0x12930;
	s31 =	sadd.s32 $0x60, s22;
	s23 =	simm.s32 $0x2200  }
0x4b2: {  	[hbm4b:s29+s3] =	stream.linear.scatter [tilespmem:s28], [sflag:$0x3], $0x80, $0x38;
	[tilespmem:$0x14800] =	vst v63  }
0x4b3: {  	s24 =	simm.s32 $0x129B8;
	s25 =	sadd.s32 $0x70, s22;
	s22 =	sadd.s32 $0x1000, s22  }
0x4b4: {  	[hbm4b:s31+s3] =	stream.linear.scatter [tilespmem:s30], [sflag:$0x3], $0x80, $0x38;
	[tilespmem:$0x14800] =	vst v63  }
.LBB2_25:
0x4b5: {  	[hbm4b:s25+s3] =	stream.linear.scatter [tilespmem:s24], [sflag:$0x3], $0x80, $0x38;
	[tilespmem:$0x14800] =	vst v63  }
0x4b6: {  	s24 =	smov.u32 s21;
	s21 =	smov.u32 s23  }
0x4b7: {  	s26 =	sadd.s32 $0x1100, s23;
	s21 =	sshra.s32 s21, $0x2;
	s25 =	sadd.s32 $0x12600, s24  }
0x4b8: {  	[hbm4b:s22+s3] =	stream.linear.scatter [tilespmem:s25], [sflag:$0x3], $0x80, $0x38;
	[tilespmem:$0x14800] =	vst v63  }
0x4b9: {  	p0 =	sne.s32 s23, $0x7700;
	s23 =	sadd.s32 $0x12688, s24;
	s25 =	sadd.s32 $0x10, s22  }
0x4ba: {  	[hbm4b:s25+s3] =	stream.linear.scatter [tilespmem:s23], [sflag:$0x3], $0x80, $0x38;
	[tilespmem:$0x14800] =	vst v63  }
0x4bb: {  	s23 =	sadd.s32 $0x12710, s24;
	s25 =	sadd.s32 $0x20, s22  }
0x4bc: {  	[hbm4b:s25+s3] =	stream.linear.scatter [tilespmem:s23], [sflag:$0x3], $0x80, $0x38;
	[tilespmem:$0x14800] =	vst v63  }
0x4bd: {  	s23 =	sadd.s32 $0x12798, s24;
	s25 =	sadd.s32 $0x30, s22  }
0x4be: {  	[hbm4b:s25+s3] =	stream.linear.scatter [tilespmem:s23], [sflag:$0x3], $0x80, $0x38;
	[tilespmem:$0x14800] =	vst v63  }
0x4bf: {  	s23 =	sadd.s32 $0x12820, s24;
	s25 =	sadd.s32 $0x40, s22  }
0x4c0: {  	[hbm4b:s25+s3] =	stream.linear.scatter [tilespmem:s23], [sflag:$0x3], $0x80, $0x38;
	[tilespmem:$0x14800] =	vst v63  }
.Ltmp11:
0x4c1: {  	s23 =	sadd.s32 $0x128A8, s24;
	s25 =	sadd.s32 $0x50, s22;
	(pc) =	sbr.rel @p0 .LBB2_25-.Ltmp11, $4  }
0x4c2: {  	[hbm4b:s25+s3] =	stream.linear.scatter [tilespmem:s23], [sflag:$0x3], $0x80, $0x38;
	[tilespmem:$0x14800] =	vst v63  }
0x4c3: {  	s23 =	sadd.s32 $0x12930, s24;
	s25 =	sadd.s32 $0x60, s22;
	s24 =	sadd.s32 $0x129B8, s24  }
0x4c4: {  	[hbm4b:s25+s3] =	stream.linear.scatter [tilespmem:s23], [sflag:$0x3], $0x80, $0x38;
	[tilespmem:$0x14800] =	vst v63  }
0x4c5: {  	s25 =	sadd.s32 $0x70, s22;
	s22 =	sadd.s32 $0x1000, s22;
	s23 =	smov.u32 s26  }
0x4c6: {  	[hbm4b:s25+s3] =	stream.linear.scatter [tilespmem:s24], [sflag:$0x3], $0x80, $0x38;
	[tilespmem:$0x14800] =	vst v63  }
0x4c7: {  	s23 =	sadd.s32 $0x12600, s21  }
0x4c8: {  	[hbm4b:s22+s3] =	stream.linear.scatter [tilespmem:s23], [sflag:$0x3], $0x80, $0x38;
	[tilespmem:$0x14800] =	vst v63  }
0x4c9: {  	s30 =	sadd.s32 $0x12688, s21;
	s31 =	sadd.s32 $0x10, s22  }
0x4ca: {  	[hbm4b:s31+s3] =	stream.linear.scatter [tilespmem:s30], [sflag:$0x3], $0x80, $0x38;
	[tilespmem:$0x14800] =	vst v63  }
0x4cb: {  	s25 =	sadd.s32 $0x12710, s21;
	s26 =	sadd.s32 $0x20, s22  }
0x4cc: {  	[hbm4b:s26+s3] =	stream.linear.scatter [tilespmem:s25], [sflag:$0x3], $0x80, $0x38;
	[tilespmem:$0x14800] =	vst v63  }
0x4cd: {  	s28 =	sadd.s32 $0x12798, s21;
	s29 =	sadd.s32 $0x30, s22  }
0x4ce: {  	[hbm4b:s29+s3] =	stream.linear.scatter [tilespmem:s28], [sflag:$0x3], $0x80, $0x38;
	[tilespmem:$0x14800] =	vst v63  }
0x4cf: {  	s30 =	sadd.s32 $0x12820, s21;
	s31 =	sadd.s32 $0x40, s22  }
0x4d0: {  	[hbm4b:s31+s3] =	stream.linear.scatter [tilespmem:s30], [sflag:$0x3], $0x80, $0x38;
	[tilespmem:$0x14800] =	vst v63  }
0x4d1: {  	s24 =	sadd.s32 $0x128A8, s21;
	s25 =	sadd.s32 $0x50, s22  }
0x4d2: {  	[hbm4b:s25+s3] =	stream.linear.scatter [tilespmem:s24], [sflag:$0x3], $0x80, $0x38;
	[tilespmem:$0x14800] =	vst v63  }
0x4d3: {  	s26 =	sadd.s32 $0x12930, s21;
	s28 =	sadd.s32 $0x60, s22  }
0x4d4: {  	[hbm4b:s28+s3] =	stream.linear.scatter [tilespmem:s26], [sflag:$0x3], $0x80, $0x38;
	[tilespmem:$0x14800] =	vst v63  }
0x4d5: {  	s29 =	sadd.s32 $0x129B8, s21;
	s30 =	sadd.s32 $0x70, s22  }
0x4d6: {  	[hbm4b:s30+s3] =	stream.linear.scatter [tilespmem:s29], [sflag:$0x3], $0x80, $0x38;
	[tilespmem:$0x14800] =	vst v63  }
0x4d7: {  	_ =	swait.ge [sflag:s17], $0x2000  }
0x4d8: {  	v8 =	vld [tilespmem:$0x1FE20]  }
0x4d9: {  	v9 =	vld [tilespmem:$0x1FE30]  }
0x4da: {  	v10 =	vld [tilespmem:$0x1FE40]  }
0x4db: {  	v11 =	vld [tilespmem:$0x1FE50]  }
0x4dc: {  	v18 =	vld [tilespmem:$0x1FEC0]  }
0x4dd: {  	v12 =	vld [tilespmem:$0x1FE60]  }
0x4de: {  	v13 =	vld [tilespmem:$0x1FE70]  }
0x4df: {  	v14 =	vld [tilespmem:$0x1FE80]  }
0x4e0: {  	v15 =	vld [tilespmem:$0x1FE90]  }
0x4e1: {  	v16 =	vld [tilespmem:$0x1FEA0]  }
0x4e2: {  	v17 =	vld [tilespmem:$0x1FEB0]  }
0x4e3: {  	v19 =	vld [tilespmem:$0x1FE00]  }
0x4e4: {  	v20 =	vld [tilespmem:$0x1FED0]  }
0x4e5: {  	v21 =	vld [tilespmem:$0x1FEE0]  }
0x4e6: {  	v22 =	vld [tilespmem:$0x1FEF0]  }
0x4e7: {  	v23 =	vld [tilespmem:$0x1FF00]  }
0x4e8: {  	v24 =	vld [tilespmem:$0x1FF10]  }
0x4e9: {  	v25 =	vld [tilespmem:$0x1FF20]  }
0x4ea: {  	v26 =	vld [tilespmem:$0x1FF30]  }
0x4eb: {  	[sflag:s17] =	ssyncset.done $0x0;
	v27 =	vld [tilespmem:$0x1FF40]  }
0x4ec: {  	s31 =	simm.s32 $0x0;
	v28 =	vld [tilespmem:$0x1FF50];
	[sflag:s17] =	ssyncadd.s32 $0xFFFFE000  }
0x4ed: {  	v52 =	vld [tilespmem:s31+$0xC440]  }
0x4ee: {  	v47 =	vld [tilespmem:s31+$0xC470]  }
0x4ef: {  	v45 =	vld [tilespmem:s31+$0xC480]  }
0x4f0: {  	v32 =	vld [tilespmem:s31+$0xC5F0]  }
0x4f1: {  	v46 =	vld [tilespmem:s31+$0xC490]  }
0x4f2: {  	v33 =	vld [tilespmem:s31+$0xC5E0]  }
0x4f3: {  	v56 =	vld [tilespmem:s31+$0xC450]  }
0x4f4: {  	v34 =	vld [tilespmem:s31+$0xC5D0]  }
0x4f5: {  	v48 =	vld [tilespmem:s31+$0xC4A0]  }
0x4f6: {  	v35 =	vld [tilespmem:s31+$0xC5C0]  }
0x4f7: {  	v36 =	vld [tilespmem:s31+$0xC5B0]  }
0x4f8: {  	v37 =	vld [tilespmem:s31+$0xC5A0]  }
0x4f9: {  	v38 =	vld [tilespmem:s31+$0xC590]  }
0x4fa: {  	v49 =	vld [tilespmem:s31+$0xC4C0]  }
0x4fb: {  	v39 =	vld [tilespmem:s31+$0xC570]  }
0x4fc: {  	v41 =	vld [tilespmem:s31+$0xC560]  }
0x4fd: {  	v42 =	vld [tilespmem:s31+$0xC540]  }
0x4fe: {  	v43 =	vld [tilespmem:s31+$0xC530]  }
0x4ff: {  	v44 =	vld [tilespmem:s31+$0xC520]  }
0x500: {  	v55 =	vld [tilespmem:s31+$0xC4D0]  }
0x501: {  	v51 =	vld [tilespmem:s31+$0xC500]  }
0x502: {  	v53 =	vld [tilespmem:s31+$0xC4F0]  }
0x503: {  	v57 =	vld [tilespmem:s31+$0xC4E0]  }
0x504: {  	v59 =	vld [tilespmem:s31+$0xC460]  }
0x505: {  	v3 =	vld [tilespmem:s31+$0xC430]  }
0x506: {  	s21 =	simm.s32 $0x0;
	v1 =	vld [tilespmem:s31+$0xC420]  }
0x507: {  	v4 =	vld [tilespmem:s31+$0xC400];
	v2 =	vadd.s32 s21, v8  }
0x508: {  	v0 =	vld [tilespmem:s31+$0xC410];
	v5 =	vadd.s32 s21, v9  }
0x509: {  	v58 =	vld [tilespmem:s31+$0xC510];
	v6 =	vadd.s32 s21, v10  }
0x50a: {  	v54 =	vld [tilespmem:s31+$0xC550];
	v7 =	vadd.s32 s21, v11  }
0x50b: {  	v50 =	vld [tilespmem:s31+$0xC580]  }
0x50c: {  	v60 =	vld [tilespmem:s31+$0xC4B0];
	[tilespmem:v2+s15+$0x0] =	vst.idx.msk $0xffff, v4  }
0x50d: {  	v29 =	vld [tilespmem:$0x1FF60];
	v40 =	vadd.s32 s21, v18;
	[tilespmem:v5+s15+$0x0] =	vst.idx.msk $0xffff, v0  }
0x50e: {  	v30 =	vld [tilespmem:$0x1FF70];
	v61 =	vadd.s32 s21, v14;
	v62 =	vadd.s32 s21, v16;
	v2 =	vadd.s32 s21, v12;
	[tilespmem:v6+s15+$0x0] =	vst.idx.msk $0xffff, v1  }
0x50f: {  	s23 =	simm.s32 $0x8;
	s22 =	simm.s32 $0x800;
	v31 =	vld [tilespmem:$0x1FE10];
	v63 =	vadd.s32 s21, v17;
	v0 =	vadd.s32 s21, v13;
	v1 =	vadd.s32 s21, v15;
	[tilespmem:v7+s15+$0x0] =	vst.idx.msk $0xffff, v3  }
.LBB2_27:
0x510: {  	_ =	sdelay $0x2  }
0x511: {  	[tilespmem:v2+s15+$0x0] =	vst.idx.msk $0xffff, v52  }
0x512: {  	[tilespmem:v0+s15+$0x0] =	vst.idx.msk $0xffff, v56  }
0x513: {  	v0 =	vadd.s32 s21, v19;
	[tilespmem:v61+s15+$0x0] =	vst.idx.msk $0xffff, v59  }
0x514: {  	v2 =	vadd.s32 s21, v20;
	[tilespmem:v1+s15+$0x0] =	vst.idx.msk $0xffff, v47  }
0x515: {  	v1 =	vadd.s32 s21, v21;
	[tilespmem:v62+s15+$0x0] =	vst.idx.msk $0xffff, v45  }
0x516: {  	v4 =	vadd.s32 s21, v22;
	[tilespmem:v63+s15+$0x0] =	vst.idx.msk $0xffff, v46  }
0x517: {  	v5 =	vadd.s32 s21, v23;
	[tilespmem:v40+s15+$0x0] =	vst.idx.msk $0xffff, v48  }
0x518: {  	v6 =	vadd.s32 s21, v24;
	[tilespmem:v0+s15+$0x0] =	vst.idx.msk $0xffff, v60  }
0x519: {  	v0 =	vadd.s32 s21, v25;
	[tilespmem:v2+s15+$0x0] =	vst.idx.msk $0xffff, v49  }
0x51a: {  	v2 =	vadd.s32 s21, v26;
	[tilespmem:v1+s15+$0x0] =	vst.idx.msk $0xffff, v55  }
0x51b: {  	v1 =	vadd.s32 s21, v27;
	[tilespmem:v4+s15+$0x0] =	vst.idx.msk $0xffff, v57  }
0x51c: {  	[tilespmem:v5+s15+$0x0] =	vst.idx.msk $0xffff, v53  }
0x51d: {  	[tilespmem:v6+s15+$0x0] =	vst.idx.msk $0xffff, v51  }
0x51e: {  	[tilespmem:v0+s15+$0x0] =	vst.idx.msk $0xffff, v58  }
0x51f: {  	v3 =	vadd.s32 s23, v18;
	[tilespmem:v2+s15+$0x0] =	vst.idx.msk $0xffff, v44;
	v2 =	vld [tilespmem:$0x1FF80]  }
0x520: {  	v40 =	vmov v3;
	v3 =	vadd.s32 s21, v28;
	[tilespmem:v1+s15+$0x0] =	vst.idx.msk $0xffff, v43;
	v1 =	vld [tilespmem:$0x1FF90]  }
0x521: {  	v60 =	vadd.s32 s21, v29  }
0x522: {  	v61 =	vadd.s32 s21, v30  }
0x523: {  	v0 =	vadd.s32 s21, v31  }
0x524: {  	v2 =	vadd.s32 s21, v2  }
0x525: {  	[tilespmem:v3+s15+$0x0] =	vst.idx.msk $0xffff, v42;
	v3 =	vld [tilespmem:$0x1FFA0];
	v1 =	vadd.s32 s21, v1  }
0x526: {  	v62 =	vld [tilespmem:$0x1FFB0];
	[tilespmem:v60+s15+$0x0] =	vst.idx.msk $0xffff, v54  }
0x527: {  	v63 =	vld [tilespmem:$0x1FFC0];
	[tilespmem:v61+s15+$0x0] =	vst.idx.msk $0xffff, v41  }
0x528: {  	[tilespmem:v0+s15+$0x0] =	vst.idx.msk $0xffff, v39;
	v0 =	vld [tilespmem:$0x1FFD0]  }
0x529: {  	[tilespmem:v2+s15+$0x0] =	vst.idx.msk $0xffff, v50;
	v2 =	vld [tilespmem:$0x1FFE0]  }
0x52a: {  	v3 =	vadd.s32 s21, v3;
	[tilespmem:v1+s15+$0x0] =	vst.idx.msk $0xffff, v38;
	v1 =	vld [tilespmem:$0x1FFF0]  }
0x52b: {  	v4 =	vadd.s32 s21, v62  }
0x52c: {  	v5 =	vadd.s32 s21, v63  }
0x52d: {  	v0 =	vadd.s32 s21, v0  }
0x52e: {  	v2 =	vadd.s32 s21, v2  }
0x52f: {  	[tilespmem:v3+s15+$0x0] =	vst.idx.msk $0xffff, v37;
	v1 =	vadd.s32 s21, v1  }
0x530: {  	[tilespmem:v4+s15+$0x0] =	vst.idx.msk $0xffff, v36  }
0x531: {  	[tilespmem:v5+s15+$0x0] =	vst.idx.msk $0xffff, v35  }
0x532: {  	[tilespmem:v0+s15+$0x0] =	vst.idx.msk $0xffff, v34  }
0x533: {  	s24 =	smov.u32 s22;
	[tilespmem:v2+s15+$0x0] =	vst.idx.msk $0xffff, v33  }
0x534: {  	s24 =	sshra.s32 s24, $0x2;
	[tilespmem:v1+s15+$0x0] =	vst.idx.msk $0xffff, v32  }
0x535: {  	v52 =	vld [tilespmem:s24+$0xC440]  }
0x536: {  	v47 =	vld [tilespmem:s24+$0xC470]  }
0x537: {  	v45 =	vld [tilespmem:s24+$0xC480]  }
0x538: {  	v32 =	vld [tilespmem:s24+$0xC5F0]  }
0x539: {  	v46 =	vld [tilespmem:s24+$0xC490]  }
0x53a: {  	v33 =	vld [tilespmem:s24+$0xC5E0]  }
0x53b: {  	v56 =	vld [tilespmem:s24+$0xC450]  }
0x53c: {  	v34 =	vld [tilespmem:s24+$0xC5D0]  }
0x53d: {  	v48 =	vld [tilespmem:s24+$0xC4A0]  }
0x53e: {  	v35 =	vld [tilespmem:s24+$0xC5C0]  }
0x53f: {  	v36 =	vld [tilespmem:s24+$0xC5B0]  }
0x540: {  	v37 =	vld [tilespmem:s24+$0xC5A0]  }
0x541: {  	v38 =	vld [tilespmem:s24+$0xC590]  }
0x542: {  	v49 =	vld [tilespmem:s24+$0xC4C0]  }
0x543: {  	v39 =	vld [tilespmem:s24+$0xC570]  }
0x544: {  	v41 =	vld [tilespmem:s24+$0xC560]  }
0x545: {  	v42 =	vld [tilespmem:s24+$0xC540]  }
0x546: {  	v43 =	vld [tilespmem:s24+$0xC530]  }
0x547: {  	v44 =	vld [tilespmem:s24+$0xC520]  }
0x548: {  	v55 =	vld [tilespmem:s24+$0xC4D0]  }
0x549: {  	v51 =	vld [tilespmem:s24+$0xC500]  }
0x54a: {  	v53 =	vld [tilespmem:s24+$0xC4F0]  }
0x54b: {  	v57 =	vld [tilespmem:s24+$0xC4E0]  }
0x54c: {  	v59 =	vld [tilespmem:s24+$0xC460]  }
0x54d: {  	v3 =	vld [tilespmem:s24+$0xC430]  }
0x54e: {  	v4 =	vld [tilespmem:s24+$0xC420]  }
0x54f: {  	v5 =	vadd.s32 s23, v8;
	v6 =	vld [tilespmem:s24+$0xC400]  }
0x550: {  	v7 =	vadd.s32 s23, v9;
	v1 =	vld [tilespmem:s24+$0xC410]  }
0x551: {  	v62 =	vadd.s32 s23, v10;
	v58 =	vld [tilespmem:s24+$0xC510]  }
0x552: {  	p0 =	sne.s32 s22, $0x7800;
	v63 =	vadd.s32 s23, v11;
	v54 =	vld [tilespmem:s24+$0xC550]  }
.Ltmp12:
0x553: {  	v50 =	vld [tilespmem:s24+$0xC580];
	(pc) =	sbr.rel @p0 .LBB2_27-.Ltmp12, $4  }
0x554: {  	v60 =	vld [tilespmem:s24+$0xC4B0];
	[tilespmem:v5+s15+$0x0] =	vst.idx.msk $0xffff, v6  }
0x555: {  	[tilespmem:v7+s15+$0x0] =	vst.idx.msk $0xffff, v1  }
0x556: {  	v61 =	vadd.s32 s23, v14;
	v0 =	vadd.s32 s23, v13;
	s21 =	smov.u32 s23;
	v2 =	vadd.s32 s23, v12;
	[tilespmem:v62+s15+$0x0] =	vst.idx.msk $0xffff, v4  }
0x557: {  	s22 =	sadd.s32 $0x800, s22;
	v1 =	vadd.s32 s23, v15;
	v62 =	vadd.s32 s23, v16;
	s23 =	sadd.s32 $0x8, s23;
	[tilespmem:v63+s15+$0x0] =	vst.idx.msk $0xffff, v3;
	v63 =	vadd.s32 s21, v17  }
0x558: {  	_ =	sdelay $0x3  }
0x559: {  	[tilespmem:v2+s15+$0x0] =	vst.idx.msk $0xffff, v52  }
0x55a: {  	[tilespmem:v0+s15+$0x0] =	vst.idx.msk $0xffff, v56  }
0x55b: {  	v19 =	vadd.s32 s21, v19;
	[tilespmem:v61+s15+$0x0] =	vst.idx.msk $0xffff, v59  }
0x55c: {  	v20 =	vadd.s32 s21, v20;
	[tilespmem:v1+s15+$0x0] =	vst.idx.msk $0xffff, v47  }
0x55d: {  	v21 =	vadd.s32 s21, v21;
	[tilespmem:v62+s15+$0x0] =	vst.idx.msk $0xffff, v45  }
0x55e: {  	v3 =	vadd.s32 s21, v22;
	[tilespmem:v63+s15+$0x0] =	vst.idx.msk $0xffff, v46  }
0x55f: {  	v4 =	vadd.s32 s21, v23;
	[tilespmem:v40+s15+$0x0] =	vst.idx.msk $0xffff, v48  }
0x560: {  	v5 =	vadd.s32 s21, v24;
	[tilespmem:v19+s15+$0x0] =	vst.idx.msk $0xffff, v60  }
0x561: {  	v46 =	vadd.s32 s21, v25;
	[tilespmem:v20+s15+$0x0] =	vst.idx.msk $0xffff, v49  }
0x562: {  	[tilespmem:v21+s15+$0x0] =	vst.idx.msk $0xffff, v55  }
0x563: {  	v47 =	vadd.s32 s21, v26;
	[tilespmem:v3+s15+$0x0] =	vst.idx.msk $0xffff, v57  }
0x564: {  	v56 =	vld [tilespmem:$0x1FF80];
	v48 =	vadd.s32 s21, v27;
	[tilespmem:v4+s15+$0x0] =	vst.idx.msk $0xffff, v53  }
0x565: {  	v49 =	vadd.s32 s21, v28;
	v57 =	vld [tilespmem:$0x1FF90];
	[tilespmem:v5+s15+$0x0] =	vst.idx.msk $0xffff, v51  }
0x566: {  	v52 =	vadd.s32 s21, v29;
	[tilespmem:v46+s15+$0x0] =	vst.idx.msk $0xffff, v58;
	v58 =	vld [tilespmem:$0x1FFA0]  }
0x567: {  	v59 =	vld [tilespmem:$0x1FFB0];
	v53 =	vadd.s32 s21, v30  }
0x568: {  	v60 =	vld [tilespmem:$0x1FFC0];
	v55 =	vadd.s32 s21, v31;
	[tilespmem:v47+s15+$0x0] =	vst.idx.msk $0xffff, v44  }
0x569: {  	v61 =	vld [tilespmem:$0x1FFD0];
	v2 =	vadd.s32 s21, v56;
	[tilespmem:v48+s15+$0x0] =	vst.idx.msk $0xffff, v43  }
0x56a: {  	v62 =	vld [tilespmem:$0x1FFE0];
	v1 =	vadd.s32 s21, v57;
	[tilespmem:v49+s15+$0x0] =	vst.idx.msk $0xffff, v42  }
0x56b: {  	v63 =	vld [tilespmem:$0x1FFF0];
	[tilespmem:v52+s15+$0x0] =	vst.idx.msk $0xffff, v54;
	v3 =	vadd.s32 s21, v58  }
0x56c: {  	v4 =	vadd.s32 s21, v59;
	[tilespmem:v53+s15+$0x0] =	vst.idx.msk $0xffff, v41  }
0x56d: {  	v5 =	vadd.s32 s21, v60;
	[tilespmem:v55+s15+$0x0] =	vst.idx.msk $0xffff, v39  }
0x56e: {  	v0 =	vadd.s32 s21, v61;
	[tilespmem:v2+s15+$0x0] =	vst.idx.msk $0xffff, v50  }
0x56f: {  	v2 =	vadd.s32 s21, v62;
	[tilespmem:v1+s15+$0x0] =	vst.idx.msk $0xffff, v38  }
0x570: {  	v1 =	vadd.s32 s21, v63;
	[tilespmem:v3+s15+$0x0] =	vst.idx.msk $0xffff, v37  }
0x571: {  	[tilespmem:v4+s15+$0x0] =	vst.idx.msk $0xffff, v36  }
0x572: {  	[tilespmem:v5+s15+$0x0] =	vst.idx.msk $0xffff, v35  }
0x573: {  	[tilespmem:v0+s15+$0x0] =	vst.idx.msk $0xffff, v34  }
0x574: {  	[tilespmem:v2+s15+$0x0] =	vst.idx.msk $0xffff, v33  }
0x575: {  	s22 =	sadd.s32 $0x100, s20;
	s28 =	simm.s32 $0x10400;
	[tilespmem:v1+s15+$0x0] =	vst.idx.msk $0xffff, v32  }
0x576: {  	[hbm4b:s22+s3] =	stream.linear.scatter [tilespmem:s28], [sflag:$0x3], $0x80, $0x38;
	[tilespmem:$0x14800] =	vst v63  }
0x577: {  	s29 =	simm.s32 $0x10488;
	s23 =	sadd.s32 $0x10, s22  }
0x578: {  	[hbm4b:s23+s3] =	stream.linear.scatter [tilespmem:s29], [sflag:$0x3], $0x80, $0x38;
	[tilespmem:$0x14800] =	vst v63  }
0x579: {  	s30 =	simm.s32 $0x10510;
	s25 =	simm.s32 $0x10620;
	s31 =	sadd.s32 $0x20, s22  }
0x57a: {  	[hbm4b:s31+s3] =	stream.linear.scatter [tilespmem:s30], [sflag:$0x3], $0x80, $0x38;
	[tilespmem:$0x14800] =	vst v63  }
0x57b: {  	s24 =	sadd.s32 $0x30, s22;
	s26 =	sadd.s32 $0x40, s22;
	s23 =	simm.s32 $0x10598  }
0x57c: {  	[hbm4b:s24+s3] =	stream.linear.scatter [tilespmem:s23], [sflag:$0x3], $0x80, $0x38;
	[tilespmem:$0x14800] =	vst v63  }
0x57d: {  	s21 =	simm.s32 $0x440;
	s28 =	simm.s32 $0x106A8;
	s29 =	sadd.s32 $0x50, s22  }
0x57e: {  	[hbm4b:s26+s3] =	stream.linear.scatter [tilespmem:s25], [sflag:$0x3], $0x80, $0x38;
	[tilespmem:$0x14800] =	vst v63  }
0x57f: {  	s30 =	simm.s32 $0x10730;
	s31 =	sadd.s32 $0x60, s22;
	s23 =	simm.s32 $0x2200  }
0x580: {  	[hbm4b:s29+s3] =	stream.linear.scatter [tilespmem:s28], [sflag:$0x3], $0x80, $0x38;
	[tilespmem:$0x14800] =	vst v63  }
0x581: {  	s24 =	simm.s32 $0x107B8;
	s25 =	sadd.s32 $0x70, s22;
	s22 =	sadd.s32 $0x1000, s22  }
0x582: {  	[hbm4b:s31+s3] =	stream.linear.scatter [tilespmem:s30], [sflag:$0x3], $0x80, $0x38;
	[tilespmem:$0x14800] =	vst v63  }
.LBB2_29:
0x583: {  	[hbm4b:s25+s3] =	stream.linear.scatter [tilespmem:s24], [sflag:$0x3], $0x80, $0x38;
	[tilespmem:$0x14800] =	vst v63  }
0x584: {  	s24 =	smov.u32 s21;
	s21 =	smov.u32 s23  }
0x585: {  	s26 =	sadd.s32 $0x1100, s23;
	s21 =	sshra.s32 s21, $0x2;
	s25 =	sadd.s32 $0x10400, s24  }
0x586: {  	[hbm4b:s22+s3] =	stream.linear.scatter [tilespmem:s25], [sflag:$0x3], $0x80, $0x38;
	[tilespmem:$0x14800] =	vst v63  }
0x587: {  	p0 =	sne.s32 s23, $0x7700;
	s23 =	sadd.s32 $0x10488, s24;
	s25 =	sadd.s32 $0x10, s22  }
0x588: {  	[hbm4b:s25+s3] =	stream.linear.scatter [tilespmem:s23], [sflag:$0x3], $0x80, $0x38;
	[tilespmem:$0x14800] =	vst v63  }
0x589: {  	s23 =	sadd.s32 $0x10510, s24;
	s25 =	sadd.s32 $0x20, s22  }
0x58a: {  	[hbm4b:s25+s3] =	stream.linear.scatter [tilespmem:s23], [sflag:$0x3], $0x80, $0x38;
	[tilespmem:$0x14800] =	vst v63  }
0x58b: {  	s23 =	sadd.s32 $0x10598, s24;
	s25 =	sadd.s32 $0x30, s22  }
0x58c: {  	[hbm4b:s25+s3] =	stream.linear.scatter [tilespmem:s23], [sflag:$0x3], $0x80, $0x38;
	[tilespmem:$0x14800] =	vst v63  }
0x58d: {  	s23 =	sadd.s32 $0x10620, s24;
	s25 =	sadd.s32 $0x40, s22  }
0x58e: {  	[hbm4b:s25+s3] =	stream.linear.scatter [tilespmem:s23], [sflag:$0x3], $0x80, $0x38;
	[tilespmem:$0x14800] =	vst v63  }
.Ltmp13:
0x58f: {  	s23 =	sadd.s32 $0x106A8, s24;
	s25 =	sadd.s32 $0x50, s22;
	(pc) =	sbr.rel @p0 .LBB2_29-.Ltmp13, $4  }
0x590: {  	[hbm4b:s25+s3] =	stream.linear.scatter [tilespmem:s23], [sflag:$0x3], $0x80, $0x38;
	[tilespmem:$0x14800] =	vst v63  }
0x591: {  	s23 =	sadd.s32 $0x10730, s24;
	s25 =	sadd.s32 $0x60, s22;
	s24 =	sadd.s32 $0x107B8, s24  }
0x592: {  	[hbm4b:s25+s3] =	stream.linear.scatter [tilespmem:s23], [sflag:$0x3], $0x80, $0x38;
	[tilespmem:$0x14800] =	vst v63  }
0x593: {  	s25 =	sadd.s32 $0x70, s22;
	s22 =	sadd.s32 $0x1000, s22;
	s23 =	smov.u32 s26  }
0x594: {  	[hbm4b:s25+s3] =	stream.linear.scatter [tilespmem:s24], [sflag:$0x3], $0x80, $0x38;
	[tilespmem:$0x14800] =	vst v63  }
0x595: {  	s23 =	sadd.s32 $0x10400, s21  }
0x596: {  	[hbm4b:s22+s3] =	stream.linear.scatter [tilespmem:s23], [sflag:$0x3], $0x80, $0x38;
	[tilespmem:$0x14800] =	vst v63  }
0x597: {  	s30 =	sadd.s32 $0x10488, s21;
	s31 =	sadd.s32 $0x10, s22  }
0x598: {  	[hbm4b:s31+s3] =	stream.linear.scatter [tilespmem:s30], [sflag:$0x3], $0x80, $0x38;
	[tilespmem:$0x14800] =	vst v63  }
0x599: {  	s25 =	sadd.s32 $0x10510, s21;
	s26 =	sadd.s32 $0x20, s22  }
0x59a: {  	[hbm4b:s26+s3] =	stream.linear.scatter [tilespmem:s25], [sflag:$0x3], $0x80, $0x38;
	[tilespmem:$0x14800] =	vst v63  }
0x59b: {  	s28 =	sadd.s32 $0x10598, s21;
	s29 =	sadd.s32 $0x30, s22  }
0x59c: {  	[hbm4b:s29+s3] =	stream.linear.scatter [tilespmem:s28], [sflag:$0x3], $0x80, $0x38;
	[tilespmem:$0x14800] =	vst v63  }
0x59d: {  	s30 =	sadd.s32 $0x10620, s21;
	s31 =	sadd.s32 $0x40, s22  }
0x59e: {  	[hbm4b:s31+s3] =	stream.linear.scatter [tilespmem:s30], [sflag:$0x3], $0x80, $0x38;
	[tilespmem:$0x14800] =	vst v63  }
0x59f: {  	s24 =	sadd.s32 $0x106A8, s21;
	s25 =	sadd.s32 $0x50, s22  }
0x5a0: {  	[hbm4b:s25+s3] =	stream.linear.scatter [tilespmem:s24], [sflag:$0x3], $0x80, $0x38;
	[tilespmem:$0x14800] =	vst v63  }
0x5a1: {  	s26 =	sadd.s32 $0x10730, s21;
	s28 =	sadd.s32 $0x60, s22  }
0x5a2: {  	[hbm4b:s28+s3] =	stream.linear.scatter [tilespmem:s26], [sflag:$0x3], $0x80, $0x38;
	[tilespmem:$0x14800] =	vst v63  }
0x5a3: {  	s29 =	sadd.s32 $0x107B8, s21;
	s30 =	sadd.s32 $0x70, s22  }
0x5a4: {  	[hbm4b:s30+s3] =	stream.linear.scatter [tilespmem:s29], [sflag:$0x3], $0x80, $0x38;
	[tilespmem:$0x14800] =	vst v63  }
0x5a5: {  	_ =	swait.ge [sflag:s17], $0x2000  }
0x5a6: {  	v21 =	vld [tilespmem:$0x1FE20]  }
0x5a7: {  	v9 =	vld [tilespmem:$0x1FE30]  }
0x5a8: {  	v31 =	vld [tilespmem:$0x1FE40]  }
0x5a9: {  	v11 =	vld [tilespmem:$0x1FE50]  }
0x5aa: {  	v18 =	vld [tilespmem:$0x1FEC0]  }
0x5ab: {  	v12 =	vld [tilespmem:$0x1FE60]  }
0x5ac: {  	v13 =	vld [tilespmem:$0x1FE70]  }
0x5ad: {  	v14 =	vld [tilespmem:$0x1FE80]  }
0x5ae: {  	v15 =	vld [tilespmem:$0x1FE90]  }
0x5af: {  	v16 =	vld [tilespmem:$0x1FEA0]  }
0x5b0: {  	v17 =	vld [tilespmem:$0x1FEB0]  }
0x5b1: {  	v27 =	vld [tilespmem:$0x1FE00]  }
0x5b2: {  	v20 =	vld [tilespmem:$0x1FED0]  }
0x5b3: {  	v10 =	vld [tilespmem:$0x1FEE0]  }
0x5b4: {  	v22 =	vld [tilespmem:$0x1FEF0]  }
0x5b5: {  	v8 =	vld [tilespmem:$0x1FF00]  }
0x5b6: {  	v24 =	vld [tilespmem:$0x1FF10]  }
0x5b7: {  	v23 =	vld [tilespmem:$0x1FF20]  }
0x5b8: {  	v26 =	vld [tilespmem:$0x1FF30]  }
0x5b9: {  	[sflag:s17] =	ssyncset.done $0x0;
	v25 =	vld [tilespmem:$0x1FF40]  }
0x5ba: {  	s31 =	simm.s32 $0x0;
	v28 =	vld [tilespmem:$0x1FF50];
	[sflag:s17] =	ssyncadd.s32 $0xFFFFE000  }
0x5bb: {  	v52 =	vld [tilespmem:s31+$0xE440]  }
0x5bc: {  	v47 =	vld [tilespmem:s31+$0xE470]  }
0x5bd: {  	v45 =	vld [tilespmem:s31+$0xE480]  }
0x5be: {  	v32 =	vld [tilespmem:s31+$0xE5F0]  }
0x5bf: {  	v46 =	vld [tilespmem:s31+$0xE490]  }
0x5c0: {  	v33 =	vld [tilespmem:s31+$0xE5E0]  }
0x5c1: {  	v56 =	vld [tilespmem:s31+$0xE450]  }
0x5c2: {  	v34 =	vld [tilespmem:s31+$0xE5D0]  }
0x5c3: {  	v48 =	vld [tilespmem:s31+$0xE4A0]  }
0x5c4: {  	v35 =	vld [tilespmem:s31+$0xE5C0]  }
0x5c5: {  	v36 =	vld [tilespmem:s31+$0xE5B0]  }
0x5c6: {  	v37 =	vld [tilespmem:s31+$0xE5A0]  }
0x5c7: {  	v38 =	vld [tilespmem:s31+$0xE590]  }
0x5c8: {  	v49 =	vld [tilespmem:s31+$0xE4C0]  }
0x5c9: {  	v39 =	vld [tilespmem:s31+$0xE570]  }
0x5ca: {  	v41 =	vld [tilespmem:s31+$0xE560]  }
0x5cb: {  	v42 =	vld [tilespmem:s31+$0xE540]  }
0x5cc: {  	v43 =	vld [tilespmem:s31+$0xE530]  }
0x5cd: {  	v44 =	vld [tilespmem:s31+$0xE520]  }
0x5ce: {  	v55 =	vld [tilespmem:s31+$0xE4D0]  }
0x5cf: {  	v51 =	vld [tilespmem:s31+$0xE500]  }
0x5d0: {  	v53 =	vld [tilespmem:s31+$0xE4F0]  }
0x5d1: {  	v57 =	vld [tilespmem:s31+$0xE4E0]  }
0x5d2: {  	v59 =	vld [tilespmem:s31+$0xE460]  }
0x5d3: {  	v3 =	vld [tilespmem:s31+$0xE430]  }
0x5d4: {  	s21 =	simm.s32 $0x0;
	v1 =	vld [tilespmem:s31+$0xE420]  }
0x5d5: {  	v4 =	vld [tilespmem:s31+$0xE400];
	v2 =	vadd.s32 s21, v21  }
0x5d6: {  	v0 =	vld [tilespmem:s31+$0xE410];
	v5 =	vadd.s32 s21, v9  }
0x5d7: {  	v58 =	vld [tilespmem:s31+$0xE510];
	v6 =	vadd.s32 s21, v31  }
0x5d8: {  	v54 =	vld [tilespmem:s31+$0xE550];
	v7 =	vadd.s32 s21, v11  }
0x5d9: {  	v50 =	vld [tilespmem:s31+$0xE580]  }
0x5da: {  	v60 =	vld [tilespmem:s31+$0xE4B0];
	[tilespmem:v2+s16+$0x0] =	vst.idx.msk $0xffff, v4  }
0x5db: {  	v29 =	vld [tilespmem:$0x1FF60];
	v40 =	vadd.s32 s21, v18;
	[tilespmem:v5+s16+$0x0] =	vst.idx.msk $0xffff, v0  }
0x5dc: {  	v30 =	vld [tilespmem:$0x1FF70];
	v61 =	vadd.s32 s21, v14;
	v62 =	vadd.s32 s21, v16;
	v2 =	vadd.s32 s21, v12;
	[tilespmem:v6+s16+$0x0] =	vst.idx.msk $0xffff, v1  }
0x5dd: {  	s23 =	simm.s32 $0x8;
	s22 =	simm.s32 $0x800;
	v19 =	vld [tilespmem:$0x1FE10];
	v63 =	vadd.s32 s21, v17;
	v0 =	vadd.s32 s21, v13;
	v1 =	vadd.s32 s21, v15;
	[tilespmem:v7+s16+$0x0] =	vst.idx.msk $0xffff, v3  }
.LBB2_31:
0x5de: {  	_ =	sdelay $0x2  }
0x5df: {  	[tilespmem:v2+s16+$0x0] =	vst.idx.msk $0xffff, v52  }
0x5e0: {  	[tilespmem:v0+s16+$0x0] =	vst.idx.msk $0xffff, v56  }
0x5e1: {  	v0 =	vadd.s32 s21, v27;
	[tilespmem:v61+s16+$0x0] =	vst.idx.msk $0xffff, v59  }
0x5e2: {  	v2 =	vadd.s32 s21, v20;
	[tilespmem:v1+s16+$0x0] =	vst.idx.msk $0xffff, v47  }
0x5e3: {  	v1 =	vadd.s32 s21, v10;
	[tilespmem:v62+s16+$0x0] =	vst.idx.msk $0xffff, v45  }
0x5e4: {  	v4 =	vadd.s32 s21, v22;
	[tilespmem:v63+s16+$0x0] =	vst.idx.msk $0xffff, v46  }
0x5e5: {  	v5 =	vadd.s32 s21, v8;
	[tilespmem:v40+s16+$0x0] =	vst.idx.msk $0xffff, v48  }
0x5e6: {  	v6 =	vadd.s32 s21, v24;
	[tilespmem:v0+s16+$0x0] =	vst.idx.msk $0xffff, v60  }
0x5e7: {  	v0 =	vadd.s32 s21, v23;
	[tilespmem:v2+s16+$0x0] =	vst.idx.msk $0xffff, v49  }
0x5e8: {  	v2 =	vadd.s32 s21, v26;
	[tilespmem:v1+s16+$0x0] =	vst.idx.msk $0xffff, v55  }
0x5e9: {  	v1 =	vadd.s32 s21, v25;
	[tilespmem:v4+s16+$0x0] =	vst.idx.msk $0xffff, v57  }
0x5ea: {  	[tilespmem:v5+s16+$0x0] =	vst.idx.msk $0xffff, v53  }
0x5eb: {  	[tilespmem:v6+s16+$0x0] =	vst.idx.msk $0xffff, v51  }
0x5ec: {  	[tilespmem:v0+s16+$0x0] =	vst.idx.msk $0xffff, v58  }
0x5ed: {  	v3 =	vadd.s32 s23, v18;
	[tilespmem:v2+s16+$0x0] =	vst.idx.msk $0xffff, v44;
	v2 =	vld [tilespmem:$0x1FF80]  }
0x5ee: {  	v40 =	vmov v3;
	v3 =	vadd.s32 s21, v28;
	[tilespmem:v1+s16+$0x0] =	vst.idx.msk $0xffff, v43;
	v1 =	vld [tilespmem:$0x1FF90]  }
0x5ef: {  	v60 =	vadd.s32 s21, v29  }
0x5f0: {  	v61 =	vadd.s32 s21, v30  }
0x5f1: {  	v0 =	vadd.s32 s21, v19  }
0x5f2: {  	v2 =	vadd.s32 s21, v2  }
0x5f3: {  	[tilespmem:v3+s16+$0x0] =	vst.idx.msk $0xffff, v42;
	v3 =	vld [tilespmem:$0x1FFA0];
	v1 =	vadd.s32 s21, v1  }
0x5f4: {  	v62 =	vld [tilespmem:$0x1FFB0];
	[tilespmem:v60+s16+$0x0] =	vst.idx.msk $0xffff, v54  }
0x5f5: {  	v63 =	vld [tilespmem:$0x1FFC0];
	[tilespmem:v61+s16+$0x0] =	vst.idx.msk $0xffff, v41  }
0x5f6: {  	[tilespmem:v0+s16+$0x0] =	vst.idx.msk $0xffff, v39;
	v0 =	vld [tilespmem:$0x1FFD0]  }
0x5f7: {  	[tilespmem:v2+s16+$0x0] =	vst.idx.msk $0xffff, v50;
	v2 =	vld [tilespmem:$0x1FFE0]  }
0x5f8: {  	v3 =	vadd.s32 s21, v3;
	[tilespmem:v1+s16+$0x0] =	vst.idx.msk $0xffff, v38;
	v1 =	vld [tilespmem:$0x1FFF0]  }
0x5f9: {  	v4 =	vadd.s32 s21, v62  }
0x5fa: {  	v5 =	vadd.s32 s21, v63  }
0x5fb: {  	v0 =	vadd.s32 s21, v0  }
0x5fc: {  	v2 =	vadd.s32 s21, v2  }
0x5fd: {  	[tilespmem:v3+s16+$0x0] =	vst.idx.msk $0xffff, v37;
	v1 =	vadd.s32 s21, v1  }
0x5fe: {  	[tilespmem:v4+s16+$0x0] =	vst.idx.msk $0xffff, v36  }
0x5ff: {  	[tilespmem:v5+s16+$0x0] =	vst.idx.msk $0xffff, v35  }
0x600: {  	[tilespmem:v0+s16+$0x0] =	vst.idx.msk $0xffff, v34  }
0x601: {  	s24 =	smov.u32 s22;
	[tilespmem:v2+s16+$0x0] =	vst.idx.msk $0xffff, v33  }
0x602: {  	s24 =	sshra.s32 s24, $0x2;
	[tilespmem:v1+s16+$0x0] =	vst.idx.msk $0xffff, v32  }
0x603: {  	v52 =	vld [tilespmem:s24+$0xE440]  }
0x604: {  	v47 =	vld [tilespmem:s24+$0xE470]  }
0x605: {  	v45 =	vld [tilespmem:s24+$0xE480]  }
0x606: {  	v32 =	vld [tilespmem:s24+$0xE5F0]  }
0x607: {  	v46 =	vld [tilespmem:s24+$0xE490]  }
0x608: {  	v33 =	vld [tilespmem:s24+$0xE5E0]  }
0x609: {  	v56 =	vld [tilespmem:s24+$0xE450]  }
0x60a: {  	v34 =	vld [tilespmem:s24+$0xE5D0]  }
0x60b: {  	v48 =	vld [tilespmem:s24+$0xE4A0]  }
0x60c: {  	v35 =	vld [tilespmem:s24+$0xE5C0]  }
0x60d: {  	v36 =	vld [tilespmem:s24+$0xE5B0]  }
0x60e: {  	v37 =	vld [tilespmem:s24+$0xE5A0]  }
0x60f: {  	v38 =	vld [tilespmem:s24+$0xE590]  }
0x610: {  	v49 =	vld [tilespmem:s24+$0xE4C0]  }
0x611: {  	v39 =	vld [tilespmem:s24+$0xE570]  }
0x612: {  	v41 =	vld [tilespmem:s24+$0xE560]  }
0x613: {  	v42 =	vld [tilespmem:s24+$0xE540]  }
0x614: {  	v43 =	vld [tilespmem:s24+$0xE530]  }
0x615: {  	v44 =	vld [tilespmem:s24+$0xE520]  }
0x616: {  	v55 =	vld [tilespmem:s24+$0xE4D0]  }
0x617: {  	v51 =	vld [tilespmem:s24+$0xE500]  }
0x618: {  	v53 =	vld [tilespmem:s24+$0xE4F0]  }
0x619: {  	v57 =	vld [tilespmem:s24+$0xE4E0]  }
0x61a: {  	v59 =	vld [tilespmem:s24+$0xE460]  }
0x61b: {  	v3 =	vld [tilespmem:s24+$0xE430]  }
0x61c: {  	v4 =	vld [tilespmem:s24+$0xE420]  }
0x61d: {  	v5 =	vadd.s32 s23, v21;
	v6 =	vld [tilespmem:s24+$0xE400]  }
0x61e: {  	v7 =	vadd.s32 s23, v9;
	v1 =	vld [tilespmem:s24+$0xE410]  }
0x61f: {  	v62 =	vadd.s32 s23, v31;
	v58 =	vld [tilespmem:s24+$0xE510]  }
0x620: {  	p0 =	sne.s32 s22, $0x7800;
	v63 =	vadd.s32 s23, v11;
	v54 =	vld [tilespmem:s24+$0xE550]  }
.Ltmp14:
0x621: {  	v50 =	vld [tilespmem:s24+$0xE580];
	(pc) =	sbr.rel @p0 .LBB2_31-.Ltmp14, $4  }
0x622: {  	v60 =	vld [tilespmem:s24+$0xE4B0];
	[tilespmem:v5+s16+$0x0] =	vst.idx.msk $0xffff, v6  }
0x623: {  	[tilespmem:v7+s16+$0x0] =	vst.idx.msk $0xffff, v1  }
0x624: {  	v61 =	vadd.s32 s23, v14;
	v0 =	vadd.s32 s23, v13;
	s21 =	smov.u32 s23;
	v2 =	vadd.s32 s23, v12;
	[tilespmem:v62+s16+$0x0] =	vst.idx.msk $0xffff, v4  }
0x625: {  	s22 =	sadd.s32 $0x800, s22;
	v1 =	vadd.s32 s23, v15;
	v62 =	vadd.s32 s23, v16;
	s23 =	sadd.s32 $0x8, s23;
	[tilespmem:v63+s16+$0x0] =	vst.idx.msk $0xffff, v3;
	v63 =	vadd.s32 s21, v17  }
0x626: {  	_ =	sdelay $0x3  }
0x627: {  	[tilespmem:v2+s16+$0x0] =	vst.idx.msk $0xffff, v52  }
0x628: {  	[tilespmem:v0+s16+$0x0] =	vst.idx.msk $0xffff, v56  }
0x629: {  	v56 =	vadd.s32 s21, v27;
	[tilespmem:v61+s16+$0x0] =	vst.idx.msk $0xffff, v59  }
0x62a: {  	v61 =	vadd.s32 s21, v20;
	[tilespmem:v1+s16+$0x0] =	vst.idx.msk $0xffff, v47  }
0x62b: {  	v47 =	vadd.s32 s21, v10;
	[tilespmem:v62+s16+$0x0] =	vst.idx.msk $0xffff, v45  }
0x62c: {  	v3 =	vadd.s32 s21, v22;
	[tilespmem:v63+s16+$0x0] =	vst.idx.msk $0xffff, v46  }
0x62d: {  	v4 =	vadd.s32 s21, v8;
	[tilespmem:v40+s16+$0x0] =	vst.idx.msk $0xffff, v48  }
0x62e: {  	v5 =	vadd.s32 s21, v24;
	[tilespmem:v56+s16+$0x0] =	vst.idx.msk $0xffff, v60  }
0x62f: {  	v48 =	vadd.s32 s21, v23;
	[tilespmem:v61+s16+$0x0] =	vst.idx.msk $0xffff, v49  }
0x630: {  	[tilespmem:v47+s16+$0x0] =	vst.idx.msk $0xffff, v55  }
0x631: {  	[tilespmem:v3+s16+$0x0] =	vst.idx.msk $0xffff, v57  }
0x632: {  	[tilespmem:v4+s16+$0x0] =	vst.idx.msk $0xffff, v53  }
0x633: {  	v52 =	vadd.s32 s21, v26;
	[tilespmem:v5+s16+$0x0] =	vst.idx.msk $0xffff, v51  }
0x634: {  	v55 =	vadd.s32 s21, v25;
	[tilespmem:v48+s16+$0x0] =	vst.idx.msk $0xffff, v58;
	v58 =	vld [tilespmem:$0x1FF80]  }
0x635: {  	v6 =	vld [tilespmem:$0x1FF90];
	v56 =	vadd.s32 s21, v28  }
0x636: {  	v18 =	vld [tilespmem:$0x1FFA0];
	v4 =	vadd.s32 s21, v29  }
0x637: {  	v13 =	vld [tilespmem:$0x1FFB0];
	v5 =	vadd.s32 s21, v30  }
0x638: {  	v9 =	vld [tilespmem:$0x1FFC0];
	v57 =	vadd.s32 s21, v19;
	[tilespmem:v52+s16+$0x0] =	vst.idx.msk $0xffff, v44  }
0x639: {  	v17 =	vld [tilespmem:$0x1FFD0];
	[tilespmem:v55+s16+$0x0] =	vst.idx.msk $0xffff, v43;
	v2 =	vadd.s32 s21, v58  }
0x63a: {  	v31 =	vld [tilespmem:$0x1FFE0];
	v59 =	vadd.s32 s21, v6;
	[tilespmem:v56+s16+$0x0] =	vst.idx.msk $0xffff, v42  }
0x63b: {  	v11 =	vmov v29;
	v60 =	vadd.s32 s21, v18;
	v29 =	vld [tilespmem:$0x1FFF0];
	[tilespmem:v4+s16+$0x0] =	vst.idx.msk $0xffff, v54  }
0x63c: {  	v4 =	vadd.s32 s21, v13;
	[tilespmem:v5+s16+$0x0] =	vst.idx.msk $0xffff, v41  }
0x63d: {  	v5 =	vadd.s32 s21, v9;
	[tilespmem:v57+s16+$0x0] =	vst.idx.msk $0xffff, v39  }
0x63e: {  	v61 =	vadd.s32 s21, v17;
	[tilespmem:v2+s16+$0x0] =	vst.idx.msk $0xffff, v50  }
0x63f: {  	v62 =	vadd.s32 s21, v31;
	[tilespmem:v59+s16+$0x0] =	vst.idx.msk $0xffff, v38  }
0x640: {  	v63 =	vadd.s32 s21, v29;
	[tilespmem:v60+s16+$0x0] =	vst.idx.msk $0xffff, v37  }
0x641: {  	[tilespmem:v4+s16+$0x0] =	vst.idx.msk $0xffff, v36  }
0x642: {  	[tilespmem:v5+s16+$0x0] =	vst.idx.msk $0xffff, v35  }
0x643: {  	[tilespmem:v61+s16+$0x0] =	vst.idx.msk $0xffff, v34  }
0x644: {  	[tilespmem:v62+s16+$0x0] =	vst.idx.msk $0xffff, v33  }
0x645: {  	s28 =	simm.s32 $0x12600;
	s21 =	sadd.s32 $0x180, s20;
	[tilespmem:v63+s16+$0x0] =	vst.idx.msk $0xffff, v32  }
0x646: {  	[hbm4b:s21+s3] =	stream.linear.scatter [tilespmem:s28], [sflag:$0x3], $0x80, $0x38;
	[tilespmem:$0x14800] =	vst v63  }
0x647: {  	s29 =	simm.s32 $0x12688;
	s22 =	sadd.s32 $0x10, s21  }
0x648: {  	[hbm4b:s22+s3] =	stream.linear.scatter [tilespmem:s29], [sflag:$0x3], $0x80, $0x38;
	[tilespmem:$0x14800] =	vst v63  }
0x649: {  	s30 =	simm.s32 $0x12710;
	s23 =	simm.s32 $0x12798;
	s31 =	sadd.s32 $0x20, s21  }
0x64a: {  	[hbm4b:s31+s3] =	stream.linear.scatter [tilespmem:s30], [sflag:$0x3], $0x80, $0x38;
	[tilespmem:$0x14800] =	vst v63  }
0x64b: {  	s25 =	simm.s32 $0x12820;
	s20 =	simm.s32 $0x440;
	s24 =	sadd.s32 $0x30, s21  }
0x64c: {  	[hbm4b:s24+s3] =	stream.linear.scatter [tilespmem:s23], [sflag:$0x3], $0x80, $0x38;
	[tilespmem:$0x14800] =	vst v63  }
0x64d: {  	s26 =	sadd.s32 $0x40, s21;
	s28 =	simm.s32 $0x128A8;
	s29 =	sadd.s32 $0x50, s21  }
0x64e: {  	[hbm4b:s26+s3] =	stream.linear.scatter [tilespmem:s25], [sflag:$0x3], $0x80, $0x38;
	[tilespmem:$0x14800] =	vst v63  }
0x64f: {  	s22 =	simm.s32 $0x2200;
	s30 =	simm.s32 $0x12930;
	s31 =	sadd.s32 $0x60, s21  }
0x650: {  	[hbm4b:s29+s3] =	stream.linear.scatter [tilespmem:s28], [sflag:$0x3], $0x80, $0x38;
	[tilespmem:$0x14800] =	vst v63  }
0x651: {  	s23 =	simm.s32 $0x129B8;
	s24 =	sadd.s32 $0x70, s21;
	s21 =	sadd.s32 $0x1000, s21  }
0x652: {  	v22 =	vmov v23;
	v20 =	vmov v25;
	[hbm4b:s31+s3] =	stream.linear.scatter [tilespmem:s30], [sflag:$0x3], $0x80, $0x38;
	[tilespmem:$0x14800] =	vst v63  }
.LBB2_33:
0x653: {  	[hbm4b:s24+s3] =	stream.linear.scatter [tilespmem:s23], [sflag:$0x3], $0x80, $0x38;
	[tilespmem:$0x14800] =	vst v63  }
0x654: {  	s23 =	smov.u32 s20;
	s20 =	smov.u32 s22  }
0x655: {  	s25 =	sadd.s32 $0x1100, s22;
	s20 =	sshra.s32 s20, $0x2;
	s24 =	sadd.s32 $0x12600, s23  }
0x656: {  	[hbm4b:s21+s3] =	stream.linear.scatter [tilespmem:s24], [sflag:$0x3], $0x80, $0x38;
	[tilespmem:$0x14800] =	vst v63  }
0x657: {  	p0 =	sne.s32 s22, $0x7700;
	s22 =	sadd.s32 $0x12688, s23;
	s24 =	sadd.s32 $0x10, s21  }
0x658: {  	[hbm4b:s24+s3] =	stream.linear.scatter [tilespmem:s22], [sflag:$0x3], $0x80, $0x38;
	[tilespmem:$0x14800] =	vst v63  }
0x659: {  	s22 =	sadd.s32 $0x12710, s23;
	s24 =	sadd.s32 $0x20, s21  }
0x65a: {  	[hbm4b:s24+s3] =	stream.linear.scatter [tilespmem:s22], [sflag:$0x3], $0x80, $0x38;
	[tilespmem:$0x14800] =	vst v63  }
0x65b: {  	s22 =	sadd.s32 $0x12798, s23;
	s24 =	sadd.s32 $0x30, s21  }
0x65c: {  	[hbm4b:s24+s3] =	stream.linear.scatter [tilespmem:s22], [sflag:$0x3], $0x80, $0x38;
	[tilespmem:$0x14800] =	vst v63  }
0x65d: {  	s22 =	sadd.s32 $0x12820, s23;
	s24 =	sadd.s32 $0x40, s21  }
0x65e: {  	[hbm4b:s24+s3] =	stream.linear.scatter [tilespmem:s22], [sflag:$0x3], $0x80, $0x38;
	[tilespmem:$0x14800] =	vst v63  }
.Ltmp15:
0x65f: {  	s22 =	sadd.s32 $0x128A8, s23;
	s24 =	sadd.s32 $0x50, s21;
	(pc) =	sbr.rel @p0 .LBB2_33-.Ltmp15, $4  }
0x660: {  	[hbm4b:s24+s3] =	stream.linear.scatter [tilespmem:s22], [sflag:$0x3], $0x80, $0x38;
	[tilespmem:$0x14800] =	vst v63  }
0x661: {  	s22 =	sadd.s32 $0x12930, s23;
	s24 =	sadd.s32 $0x60, s21;
	s23 =	sadd.s32 $0x129B8, s23  }
0x662: {  	[hbm4b:s24+s3] =	stream.linear.scatter [tilespmem:s22], [sflag:$0x3], $0x80, $0x38;
	[tilespmem:$0x14800] =	vst v63  }
0x663: {  	s24 =	sadd.s32 $0x70, s21;
	s21 =	sadd.s32 $0x1000, s21;
	s22 =	smov.u32 s25  }
0x664: {  	[hbm4b:s24+s3] =	stream.linear.scatter [tilespmem:s23], [sflag:$0x3], $0x80, $0x38;
	v7 =	vld [tilespmem:$0x1FE20]  }
0x665: {  	s22 =	sadd.s32 $0x12600, s20;
	v21 =	vld [tilespmem:$0x1FE30]  }
0x666: {  	v23 =	vld [tilespmem:$0x1FE40];
	[hbm4b:s21+s3] =	stream.linear.scatter [tilespmem:s22], [sflag:$0x3], $0x80, $0x38  }
0x667: {  	s25 =	sadd.s32 $0x12688, s20;
	s26 =	sadd.s32 $0x10, s21;
	v25 =	vld [tilespmem:$0x1FE50]  }
0x668: {  	v27 =	vld [tilespmem:$0x1FE60];
	[hbm4b:s26+s3] =	stream.linear.scatter [tilespmem:s25], [sflag:$0x3], $0x80, $0x38  }
0x669: {  	s28 =	sadd.s32 $0x12710, s20;
	s29 =	sadd.s32 $0x20, s21;
	v3 =	vld [tilespmem:$0x1FE70]  }
0x66a: {  	v4 =	vld [tilespmem:$0x1FE80];
	[hbm4b:s29+s3] =	stream.linear.scatter [tilespmem:s28], [sflag:$0x3], $0x80, $0x38  }
0x66b: {  	s30 =	sadd.s32 $0x12798, s20;
	s31 =	sadd.s32 $0x30, s21;
	v26 =	vld [tilespmem:$0x1FE90]  }
0x66c: {  	v28 =	vld [tilespmem:$0x1FEA0];
	[hbm4b:s31+s3] =	stream.linear.scatter [tilespmem:s30], [sflag:$0x3], $0x80, $0x38  }
0x66d: {  	s23 =	sadd.s32 $0x12820, s20;
	s24 =	sadd.s32 $0x40, s21;
	s19 =	sadd.s32 $0x1, s19;
	v24 =	vld [tilespmem:$0x1FEB0]  }
0x66e: {  	v12 =	vld [tilespmem:$0x1FEC0];
	[hbm4b:s24+s3] =	stream.linear.scatter [tilespmem:s23], [sflag:$0x3], $0x80, $0x38  }
0x66f: {  	v1 =	vld [tilespmem:$0x1FED0];
	p0 =	sne.s32 s19, $0x19;
	s25 =	sadd.s32 $0x128A8, s20;
	s26 =	sadd.s32 $0x50, s21  }
0x670: {  	v5 =	vld [tilespmem:$0x1FEF0];
	[hbm4b:s26+s3] =	stream.linear.scatter [tilespmem:s25], [sflag:$0x3], $0x80, $0x38  }
.Ltmp16:
0x671: {  	v2 =	vld [tilespmem:$0x1FF10];
	(pc) =	sbr.rel @p0 .LBB2_2-.Ltmp16, $4  }
0x672: {  	v14 =	vld [tilespmem:$0x1FF30];
	s28 =	sadd.s32 $0x12930, s20;
	s29 =	sadd.s32 $0x60, s21  }
0x673: {  	v15 =	vld [tilespmem:$0x1FF50];
	[hbm4b:s29+s3] =	stream.linear.scatter [tilespmem:s28], [sflag:$0x3], $0x80, $0x38  }
0x674: {  	v16 =	vld [tilespmem:$0x1FF70];
	s30 =	sadd.s32 $0x129B8, s20;
	s31 =	sadd.s32 $0x70, s21  }
0x675: {  	v19 =	vld [tilespmem:$0x1FF80];
	[hbm4b:s31+s3] =	stream.linear.scatter [tilespmem:s30], [sflag:$0x3], $0x80, $0x38  }
0x676: {  	s18 =	sadd.s32 $0x1, s18  }
0x677: {  	_ =	swait.ge [sflag:s17], $0x2000;
	p0 =	sne.s32 s18, s9  }
.Ltmp17:
0x678: {  	[sflag:s17] =	ssyncset.done $0x0;
	(pc) =	sbr.rel @p0 .LBB2_1-.Ltmp17, $4  }
0x679: {  	[sflag:s17] =	ssyncadd.s32 $0xFFFFE000  }
0x67a: {  	_ =	swait.ge [sflag:s17], $0x2000  }
0x67b: {  	[sflag:s17] =	ssyncset.done $0x0  }
0x67c: {  	[sflag:s17] =	ssyncadd.s32 $0xFFFFE000  }
0x67d: {  	_ =	sfence.sel $0x180000  }
0x67e: {  	[bflag:$0x0] =	sbarrier.arrive $0xFFFF  }
0x67f: {  	p0 =	sne.s32 s0, $0x0;
	_ =	strace $0x90000047  }
0x680: {  	s0 =	sadd.s32 @!p0 $0x100000, s1;
	[bflag:$0x2] =	sbarrier.arrive $0xFFFF  }
0x681: {  	[sflag:s0] =	ssyncadd.tile.s32 @!p0 $0x1;
	_ =	shalt  }
.Lfunc_end2:
_tile_overlayer_lowered:
.L_overlay_start_2:
0x682: {  	(tag) =	ssettag $0x2  }
0x683: {  	s0 =	rddreg [dreg:$0x0];
	s2 =	stileid.u32  }
0x684: {  	s1 =	rddreg [dreg:$0x1];
	p0 =	sne.s32 s2, $0x0  }
0x685: {  	s3 =	rddreg [dreg:$0x2];
	[bflag:$0x3] =	sbarrier.arrive $0xFFFF;
	s2 =	simm.s32 @!p0 $0x1C04  }
0x686: {  	[timem:s3], [sflag:s2] =	dma.local @!p0 [hbm:s0], s1  }
0x687: {  	s0 =	simm.s32 @!p0 $0x4  }
0x688: {  	_ =	swait.ge @!p0 [sflag:s0], s1  }
0x689: {  	s1 =	ssub.s32 @!p0 $0x0, s1;
	[sflag:s0] =	ssyncset.done @!p0 $0x0  }
0x68a: {  	[sflag:s0] =	ssyncadd.s32 @!p0 s1  }
0x68b: {  	[bflag:$0x3] =	sbarrier.arrive $0xFFFF  }
0x68c: {  	_ =	shalt  }

</sc_bundles>
